<compile_context>
chip_gen: v7x
topology: tpu7x:2x2x1
jax: 0.10.2.dev20260603
libtpu: 0.0.44.dev20260713+nightly
codegen_flags: <defaults>
</compile_context>

<pallas_src>
import functools

import jax
import jax.numpy as jnp
from jax import lax
from jax.experimental import pallas as pl
from jax.experimental.pallas import tpu as pltpu
from jax.experimental.pallas import tpu_sc as plsc

N = 10000
E = 320000
DH = 128
DA = 128
DB = 16
L = 3
EPS = 1e-5

NC = 2
NS = 16
NW = NC * NS
PT = E // NW
CK = 125
CH = PT // CK
NP = 10240
RPS = NP // NS
ZR = 128

def _zero_vmem(ref, rows, cols):
    per_row = cols // 16

    def body(i, _):
        r = i // per_row
        c = (i % per_row) * 16
        ref[r, pl.ds(c, 16)] = jnp.zeros((16,), jnp.float32)
        return 0

    lax.fori_loop(0, rows * per_row, body, 0)


def _sc_scatter_body(d, rows_hbm, idx_hbm, dst_hbm, out_hbm,
                     idx_v, dst_v, rows_v, rows_b, acc, sem, *, gather):
    cid = lax.axis_index("c")
    sid = lax.axis_index("s")
    wid = cid * NS + sid

    _zero_vmem(rows_v, ZR, d)
    for z in range(RPS // ZR):
        pltpu.sync_copy(rows_v, acc.at[pl.ds(sid * RPS + z * ZR, ZR)])
    plsc.subcore_barrier()

    pltpu.sync_copy(dst_hbm.at[wid], dst_v)

    bufs = (rows_v.at[pl.ds(0, CK)], rows_b)
    s2 = (idx_v.at[0], idx_v.at[1])
    pltpu.sync_copy(idx_hbm.at[wid, 0], s2[0])
    pltpu.async_copy(rows_hbm.at[s2[0]], bufs[0], sem)
    pltpu.sync_copy(idx_hbm.at[wid, 1], s2[1])

    def pair(g, _):
        for b in range(2):
            j = 2 * g + b
            pltpu.make_async_copy(rows_hbm.at[s2[b]], bufs[b], sem).wait()

            @pl.when(j + 1 < CH)
            def _():
                pltpu.async_copy(rows_hbm.at[s2[1 - b]], bufs[1 - b], sem)

            @pl.when(j + 2 < CH)
            def _():
                pltpu.sync_copy(
                    idx_hbm.at[wid, jnp.minimum(j + 2, CH - 1)], s2[b])

            pltpu.sync_copy(bufs[b], acc.at[dst_v.at[j]], add=True)
        return 0

    lax.fori_loop(0, CH // 2, pair, 0)
    plsc.subcore_barrier()

    pltpu.sync_copy(acc.at[pl.ds(sid * RPS, RPS)],
                    out_hbm.at[cid, pl.ds(sid * RPS, RPS)])


def _make_sc_scatter(d, gather):
    @functools.partial(
        pl.kernel,
        out_type=jax.ShapeDtypeStruct((NC, NP, d), jnp.float32),
        mesh=plsc.VectorSubcoreMesh(core_axis_name="c", subcore_axis_name="s"),
        scratch_types=[
            pltpu.VMEM((2, CK), jnp.int32),
            pltpu.VMEM((CH, CK), jnp.int32),
            pltpu.VMEM((ZR, d), jnp.float32),
            pltpu.VMEM((CK, d), jnp.float32),
            pltpu.VMEM_SHARED((NP, d), jnp.float32),
            pltpu.SemaphoreType.DMA,
        ],
    )
    def k(rows_hbm, idx_hbm, dst_hbm, out_hbm,
          idx_v, dst_v, rows_v, rows_b, acc, sem):
        _sc_scatter_body(d, rows_hbm, idx_hbm, dst_hbm, out_hbm,
                         idx_v, dst_v, rows_v, rows_b, acc, sem,
                         gather=gather)

    return k


@functools.lru_cache(maxsize=None)
def _sc_kernels():
    return _make_sc_scatter(DH, gather=True)


def _bn(r, g, b):
    m = jnp.mean(r, axis=0, keepdims=True)
    v = jnp.mean(r * r, axis=0, keepdims=True) - m * m
    return (r - m) * lax.rsqrt(v + EPS) * g + b


def _tc0_body(p_ref, x_ref, aW_ref, ab_ref, bW_ref, bb_ref, g_ref, b_ref,
              h_ref, ac_ref):
    ac = p_ref[0, :N, :32] + p_ref[1, :N, :32]
    a = ac[:, :DB]
    cnt = ac[:, DB:DB + 1]
    pre = (jnp.dot(x_ref[...], aW_ref[...], preferred_element_type=jnp.float32)
           + ab_ref[...]
           + jnp.dot(a, bW_ref[...], preferred_element_type=jnp.float32)
           + cnt * bb_ref[...])
    r = jnp.maximum(pre, 0.0)
    h_ref[...] = _bn(r, g_ref[...], b_ref[...])
    ac_ref[...] = ac


_tc0 = pl.pallas_call(
    _tc0_body,
    out_shape=[jax.ShapeDtypeStruct((N, DH), jnp.float32),
               jax.ShapeDtypeStruct((N, 32), jnp.float32)],
)


def _tcl_body(p_ref, ac_ref, h_ref, bW_ref, bb_ref, W1_ref, b1_ref,
              W2_ref, b2_ref, g1_ref, n1_ref, g2_ref, n2_ref, out_ref):
    h1 = p_ref[0, :N] + p_ref[1, :N]
    h2 = (jnp.dot(ac_ref[:, :DB], bW_ref[...],
                  preferred_element_type=jnp.float32)
          + ac_ref[:, DB:DB + 1] * bb_ref[...])
    t = jnp.maximum(
        jnp.dot(h1, W1_ref[...], preferred_element_type=jnp.float32)
        + b1_ref[...] + h2, 0.0)
    t = _bn(t, g1_ref[...], n1_ref[...])
    hn = jnp.maximum(
        jnp.dot(t, W2_ref[...], preferred_element_type=jnp.float32)
        + b2_ref[...] + h_ref[...], 0.0)
    out_ref[...] = _bn(hn, g2_ref[...], n2_ref[...])


_tcl = pl.pallas_call(
    _tcl_body,
    out_shape=jax.ShapeDtypeStruct((N, DH), jnp.float32),
)


def _row(v):
    return v.reshape(1, -1)


def kernel(x, edge_index, edge_attr, params):
    src = edge_index[0].reshape(NW, CH, CK)
    dst = edge_index[1].reshape(NW, CH, CK)
    ea_pad = jnp.concatenate(
        [edge_attr,
         jnp.ones((E, 1), jnp.float32),
         jnp.zeros((E, DH - DB - 1), jnp.float32)], axis=1)
    eid = jnp.arange(E, dtype=jnp.int32).reshape(NW, CH, CK)

    sc_spmm = _sc_kernels()
    p_ea = sc_spmm(ea_pad, eid, dst)
    h, ac = _tc0(p_ea, x,
                 params['atom_W'], _row(params['atom_b']),
                 params['bond0_W'], _row(params['bond0_b']),
                 _row(params['bn0_g']), _row(params['bn0_b']))
    for lp in params['layers']:
        p = sc_spmm(h, src, dst)
        h = _tcl(p, ac, h,
                 lp['bond_W'], _row(lp['bond_b']),
                 lp['W1'], _row(lp['b1']),
                 lp['W2'], _row(lp['b2']),
                 lp['bn1_g'], _row(lp['bn1_b']),
                 lp['bn2_g'], _row(lp['bn2_b']))
    return h

# --- scband reference (transcript-rebuilt; emitter-appended) ---
"""Pipeline reference for scband-structure2-vec-41162966565590 (READ-ONLY COPY).

The authoritative reference and input builder live on the scoring server;
editing this copy changes nothing except your own understanding.
"""

import jax, jax.numpy as jnp
import numpy as np

N = 10000
E = 320000
DH = 128
DA = 128
DB = 16
L = 3
EPS = 1e-5


def _glorot(k, shape):
    return jax.random.normal(k, shape, jnp.float32) * (1.0 / np.sqrt(shape[0]))


def setup_inputs(seed: int = 0) -> dict:
    key = jax.random.key(seed)
    ks = jax.random.split(key, 8)
    x = jax.random.normal(ks[0], (N, DA), jnp.float32)
    edge_index = jax.random.randint(ks[1], (2, E), 0, N, jnp.int32)
    edge_attr = jax.random.normal(ks[2], (E, DB), jnp.float32)
    pk = jax.random.split(ks[3], 2 + 3 * L)
    params = {
        'atom_W': _glorot(pk[0], (DA, DH)),
        'atom_b': jnp.zeros((DH,), jnp.float32),
        'bond0_W': _glorot(pk[1], (DB, DH)),
        'bond0_b': jnp.zeros((DH,), jnp.float32),
        'bn0_g': jnp.ones((DH,), jnp.float32),
        'bn0_b': jnp.zeros((DH,), jnp.float32),
        'layers': [],
    }
    for l in range(L):
        params['layers'].append({
            'bond_W': _glorot(pk[2 + 3 * l], (DB, DH)),
            'bond_b': jnp.zeros((DH,), jnp.float32),
            'W1': _glorot(pk[3 + 3 * l], (DH, DH)),
            'b1': jnp.zeros((DH,), jnp.float32),
            'W2': _glorot(pk[4 + 3 * l], (DH, DH)),
            'b2': jnp.zeros((DH,), jnp.float32),
            'bn1_g': jnp.ones((DH,), jnp.float32),
            'bn1_b': jnp.zeros((DH,), jnp.float32),
            'bn2_g': jnp.ones((DH,), jnp.float32),
            'bn2_b': jnp.zeros((DH,), jnp.float32),
        })
    return {'x': x, 'edge_index': edge_index, 'edge_attr': edge_attr, 'params': params}


def _bn(h, g, b):
    m = h.mean(axis=0)
    v = h.var(axis=0)
    return (h - m) / jnp.sqrt(v + EPS) * g + b


def reference(x, edge_index, edge_attr, params):
    src = edge_index[0]
    dst = edge_index[1]
    # first layer: bond linear -> scatter-add to dst + atom linear
    eh = edge_attr @ params['bond0_W'] + params['bond0_b']
    agg = jax.ops.segment_sum(eh, dst, num_segments=N)
    h = agg + x @ params['atom_W'] + params['atom_b']
    h = _bn(jax.nn.relu(h), params['bn0_g'], params['bn0_b'])
    # stacked layers: gather src features + bond messages, scatter-add to dst
    for lp in params['layers']:
        eh = edge_attr @ lp['bond_W'] + lp['bond_b']
        h1 = jax.ops.segment_sum(h[src], dst, num_segments=N)
        h2 = jax.ops.segment_sum(eh, dst, num_segments=N)
        t = _bn(jax.nn.relu(h1 @ lp['W1'] + lp['b1'] + h2), lp['bn1_g'], lp['bn1_b'])
        h = _bn(jax.nn.relu(t @ lp['W2'] + lp['b2'] + h), lp['bn2_g'], lp['bn2_b'])
    return h

if __name__ == "__main__":
    import jax
    _d = setup_inputs()
    print(jax.jit(kernel)(*tuple(_d.values())))

</pallas_src>

<mosaic_0001>
#map = affine_map<(d0, d1) -> (0, 0)>
#map1 = affine_map<(d0, d1) -> (0, 0, 0)>
module attributes {stable_mosaic.version = 14 : i64} {
  func.func @k(%arg0: i32, %arg1: i32, %arg2: memref<10000x128xf32, #tpu.memory_space<hbm>>, %arg3: memref<32x80x125xi32, #tpu.memory_space<hbm>>, %arg4: memref<32x80x125xi32, #tpu.memory_space<hbm>>, %arg5: memref<2x10240x128xf32, #tpu.memory_space<hbm>>, %arg6: memref<2x125xi32, #tpu.memory_space<vmem>>, %arg7: memref<80x125xi32, #tpu.memory_space<vmem>>, %arg8: memref<128x128xf32, #tpu.memory_space<vmem>>, %arg9: memref<125x128xf32, #tpu.memory_space<vmem>>, %arg10: memref<10240x128xf32, #tpu.memory_space<vmem_shared>>, %arg11: memref<!tpu.dma_semaphore, #tpu.memory_space<semaphore_mem>>) attributes {dimension_semantics = [#tpu.dimension_semantics<core_parallel>, #tpu.dimension_semantics<subcore_parallel>], iteration_bounds = array<i64: 2, 16>, scalar_prefetch = 0 : i64, scratch_operands = 6 : i64, tpu.core_type = #tpu.core_type<sc_vector_subcore>, window_params = [{transform_indices = #map}, {transform_indices = #map1}, {transform_indices = #map1}, {transform_indices = #map1}]} {
    %mul3A = arith.constant 16 : i32
    %mul3A_0 = arith.muli %arg0, %mul3A : i32
    %add3A = arith.addi %mul3A_0, %arg1 : i32
    %scan3A = arith.constant 0 : i32
    %scan3A_1 = arith.constant 0 : i32
    %scan3A_2 = arith.constant 1024 : i32
    %scan3A_3 = arith.addi %scan3A_1, %scan3A_2 : i32
    %scan3A_4 = arith.constant 1 : i32
    %scan3A_5 = scf.for %scan3A_53 = %scan3A_1 to %scan3A_3 step %scan3A_4 iter_args(%scan3A_54 = %scan3A) -> (i32)  : i32 {
      %jit3A = arith.constant 8 : i32
      %div3A = arith.divsi %scan3A_53, %jit3A : i32
      %sign3A = arith.constant 0 : i32
      %sign3A_55 = arith.cmpi sgt, %scan3A_53, %sign3A : i32
      %sign3A_56 = arith.extui %sign3A_55 : i1 to i32
      %sign3A_57 = arith.constant 0 : i32
      %sign3A_58 = arith.cmpi slt, %scan3A_53, %sign3A_57 : i32
      %sign3A_59 = arith.extui %sign3A_58 : i1 to i32
      %sign3A_60 = arith.subi %sign3A_56, %sign3A_59 : i32
      %sign3A_61 = arith.constant 0 : i32
      %sign3A_62 = arith.cmpi sgt, %jit3A, %sign3A_61 : i32
      %sign3A_63 = arith.extui %sign3A_62 : i1 to i32
      %sign3A_64 = arith.constant 0 : i32
      %sign3A_65 = arith.cmpi slt, %jit3A, %sign3A_64 : i32
      %sign3A_66 = arith.extui %sign3A_65 : i1 to i32
      %sign3A_67 = arith.subi %sign3A_63, %sign3A_66 : i32
      %ne3A = arith.cmpi ne, %sign3A_60, %sign3A_67 : i32
      %rem3A = arith.remsi %scan3A_53, %jit3A : i32
      %ne3A_68 = arith.constant 0 : i32
      %ne3A_69 = arith.cmpi ne, %rem3A, %ne3A_68 : i32
      %and3A = arith.andi %ne3A, %ne3A_69 : i1
      %sub3A = arith.constant 1 : i32
      %sub3A_70 = arith.subi %div3A, %sub3A : i32
      %select_n3A = arith.select %and3A, %sub3A_70, %div3A : i32
      %jit3A_71 = arith.constant 8 : i32
      %eq3A = arith.constant 0 : i32
      %eq3A_72 = arith.cmpi eq, %jit3A_71, %eq3A : i32
      %jit3A_73 = arith.constant 1 : i32
      %select_n3A_74 = arith.select %eq3A_72, %jit3A_73, %jit3A_71 : i32
      %rem3A_75 = arith.remsi %scan3A_53, %select_n3A_74 : i32
      %ne3A_76 = arith.constant 0 : i32
      %ne3A_77 = arith.cmpi ne, %rem3A_75, %ne3A_76 : i32
      %lt3A = arith.constant 0 : i32
      %lt3A_78 = arith.cmpi slt, %rem3A_75, %lt3A : i32
      %lt3A_79 = arith.constant 0 : i32
      %lt3A_80 = arith.cmpi slt, %select_n3A_74, %lt3A_79 : i32
      %ne3A_81 = arith.xori %lt3A_78, %lt3A_80 : i1
      %and3A_82 = arith.andi %ne3A_81, %ne3A_77 : i1
      %add3A_83 = arith.addi %rem3A_75, %select_n3A_74 : i32
      %select_n3A_84 = arith.select %and3A_82, %add3A_83, %rem3A_75 : i32
      %mul3A_85 = arith.constant 16 : i32
      %mul3A_86 = arith.muli %select_n3A_84, %mul3A_85 : i32
      %broadcast_in_dim3A = arith.constant 0.000000e+00 : f32
      %broadcast_in_dim3A_87 = vector.broadcast %broadcast_in_dim3A : f32 to vector<16xf32>
      %swap3A = arith.index_cast %select_n3A : i32 to index
      %swap3A_88 = arith.index_cast %mul3A_86 : i32 to index
      %swap3A_89 = tpu.vector_load %arg8[%swap3A, %swap3A_88] {strides = array<i32>} : memref<128x128xf32, #tpu.memory_space<vmem>>, vector<1x16xf32>,
      %swap3A_90 = vector.shape_cast %swap3A_89 : vector<1x16xf32> to vector<16xf32>
      %swap3A_91 = vector.shape_cast %broadcast_in_dim3A_87 : vector<16xf32> to vector<1x16xf32>
      tpu.vector_store %arg8[%swap3A, %swap3A_88], %swap3A_91 {strides = array<i32>} : memref<128x128xf32, #tpu.memory_space<vmem>>, vector<1x16xf32>,
      %scan3A_92 = arith.constant 0 : i32
      scf.yield %scan3A_92 : i32
    }
    %scan3A_6 = arith.constant 1024 : i32
    %mul3A_7 = arith.constant 640 : i32
    %mul3A_8 = arith.muli %arg1, %mul3A_7 : i32
    %add3A_9 = arith.constant 0 : i32
    %add3A_10 = arith.addi %mul3A_8, %add3A_9 : i32
    "tpu.region"() ({
      %run_scoped3A_53 = tpu.sem_alloc : memref<!tpu.dma_semaphore, #tpu.memory_space<semaphore_mem>>
      %dma_start3A_54 = arith.constant 0 : i32
      %dma_start3A_55 = tpu.memref_slice %arg10[%add3A_10, %dma_start3A_54] : memref<10240x128xf32, #tpu.memory_space<vmem_shared>> -> memref<128x128xf32, #tpu.memory_space<vmem_shared>>
      %dma_start3A_56 = arith.constant 0 : i32
      %dma_start3A_57 = tpu.memref_slice %arg10[%add3A_10, %dma_start3A_56] : memref<10240x128xf32, #tpu.memory_space<vmem_shared>> -> memref<128x128xf32, #tpu.memory_space<vmem_shared>>
      tpu.enqueue_dma source(%arg8 : memref<128x128xf32, #tpu.memory_space<vmem>>) target(%dma_start3A_57 : memref<128x128xf32, #tpu.memory_space<vmem_shared>>) target_semaphore(%run_scoped3A_53 : memref<!tpu.dma_semaphore, #tpu.memory_space<semaphore_mem>>)
      %dma_wait3A = arith.constant 0 : i32
      %dma_wait3A_58 = tpu.memref_slice %arg10[%add3A_10, %dma_wait3A] : memref<10240x128xf32, #tpu.memory_space<vmem_shared>> -> memref<128x128xf32, #tpu.memory_space<vmem_shared>>
      %dma_wait3A_59 = arith.constant 0 : i32
      %dma_wait3A_60 = tpu.memref_slice %arg10[%add3A_10, %dma_wait3A_59] : memref<10240x128xf32, #tpu.memory_space<vmem_shared>> -> memref<128x128xf32, #tpu.memory_space<vmem_shared>>
      tpu.wait_dma2 semaphore(%run_scoped3A_53 : memref<!tpu.dma_semaphore, #tpu.memory_space<semaphore_mem>>) src(%arg8 : memref<128x128xf32, #tpu.memory_space<vmem>>) dst(%dma_wait3A_60 : memref<128x128xf32, #tpu.memory_space<vmem_shared>>)
      tpu.yield
    }) : () -> ()
    %mul3A_11 = arith.constant 640 : i32
    %mul3A_12 = arith.muli %arg1, %mul3A_11 : i32
    %add3A_13 = arith.constant 128 : i32
    %add3A_14 = arith.addi %mul3A_12, %add3A_13 : i32
    "tpu.region"() ({
      %run_scoped3A_53 = tpu.sem_alloc : memref<!tpu.dma_semaphore, #tpu.memory_space<semaphore_mem>>
      %dma_start3A_54 = arith.constant 0 : i32
      %dma_start3A_55 = tpu.memref_slice %arg10[%add3A_14, %dma_start3A_54] : memref<10240x128xf32, #tpu.memory_space<vmem_shared>> -> memref<128x128xf32, #tpu.memory_space<vmem_shared>>
      %dma_start3A_56 = arith.constant 0 : i32
      %dma_start3A_57 = tpu.memref_slice %arg10[%add3A_14, %dma_start3A_56] : memref<10240x128xf32, #tpu.memory_space<vmem_shared>> -> memref<128x128xf32, #tpu.memory_space<vmem_shared>>
      tpu.enqueue_dma source(%arg8 : memref<128x128xf32, #tpu.memory_space<vmem>>) target(%dma_start3A_57 : memref<128x128xf32, #tpu.memory_space<vmem_shared>>) target_semaphore(%run_scoped3A_53 : memref<!tpu.dma_semaphore, #tpu.memory_space<semaphore_mem>>)
      %dma_wait3A = arith.constant 0 : i32
      %dma_wait3A_58 = tpu.memref_slice %arg10[%add3A_14, %dma_wait3A] : memref<10240x128xf32, #tpu.memory_space<vmem_shared>> -> memref<128x128xf32, #tpu.memory_space<vmem_shared>>
      %dma_wait3A_59 = arith.constant 0 : i32
      %dma_wait3A_60 = tpu.memref_slice %arg10[%add3A_14, %dma_wait3A_59] : memref<10240x128xf32, #tpu.memory_space<vmem_shared>> -> memref<128x128xf32, #tpu.memory_space<vmem_shared>>
      tpu.wait_dma2 semaphore(%run_scoped3A_53 : memref<!tpu.dma_semaphore, #tpu.memory_space<semaphore_mem>>) src(%arg8 : memref<128x128xf32, #tpu.memory_space<vmem>>) dst(%dma_wait3A_60 : memref<128x128xf32, #tpu.memory_space<vmem_shared>>)
      tpu.yield
    }) : () -> ()
    %mul3A_15 = arith.constant 640 : i32
    %mul3A_16 = arith.muli %arg1, %mul3A_15 : i32
    %add3A_17 = arith.constant 256 : i32
    %add3A_18 = arith.addi %mul3A_16, %add3A_17 : i32
    "tpu.region"() ({
      %run_scoped3A_53 = tpu.sem_alloc : memref<!tpu.dma_semaphore, #tpu.memory_space<semaphore_mem>>
      %dma_start3A_54 = arith.constant 0 : i32
      %dma_start3A_55 = tpu.memref_slice %arg10[%add3A_18, %dma_start3A_54] : memref<10240x128xf32, #tpu.memory_space<vmem_shared>> -> memref<128x128xf32, #tpu.memory_space<vmem_shared>>
      %dma_start3A_56 = arith.constant 0 : i32
      %dma_start3A_57 = tpu.memref_slice %arg10[%add3A_18, %dma_start3A_56] : memref<10240x128xf32, #tpu.memory_space<vmem_shared>> -> memref<128x128xf32, #tpu.memory_space<vmem_shared>>
      tpu.enqueue_dma source(%arg8 : memref<128x128xf32, #tpu.memory_space<vmem>>) target(%dma_start3A_57 : memref<128x128xf32, #tpu.memory_space<vmem_shared>>) target_semaphore(%run_scoped3A_53 : memref<!tpu.dma_semaphore, #tpu.memory_space<semaphore_mem>>)
      %dma_wait3A = arith.constant 0 : i32
      %dma_wait3A_58 = tpu.memref_slice %arg10[%add3A_18, %dma_wait3A] : memref<10240x128xf32, #tpu.memory_space<vmem_shared>> -> memref<128x128xf32, #tpu.memory_space<vmem_shared>>
      %dma_wait3A_59 = arith.constant 0 : i32
      %dma_wait3A_60 = tpu.memref_slice %arg10[%add3A_18, %dma_wait3A_59] : memref<10240x128xf32, #tpu.memory_space<vmem_shared>> -> memref<128x128xf32, #tpu.memory_space<vmem_shared>>
      tpu.wait_dma2 semaphore(%run_scoped3A_53 : memref<!tpu.dma_semaphore, #tpu.memory_space<semaphore_mem>>) src(%arg8 : memref<128x128xf32, #tpu.memory_space<vmem>>) dst(%dma_wait3A_60 : memref<128x128xf32, #tpu.memory_space<vmem_shared>>)
      tpu.yield
    }) : () -> ()
    %mul3A_19 = arith.constant 640 : i32
    %mul3A_20 = arith.muli %arg1, %mul3A_19 : i32
    %add3A_21 = arith.constant 384 : i32
    %add3A_22 = arith.addi %mul3A_20, %add3A_21 : i32
    "tpu.region"() ({
      %run_scoped3A_53 = tpu.sem_alloc : memref<!tpu.dma_semaphore, #tpu.memory_space<semaphore_mem>>
      %dma_start3A_54 = arith.constant 0 : i32
      %dma_start3A_55 = tpu.memref_slice %arg10[%add3A_22, %dma_start3A_54] : memref<10240x128xf32, #tpu.memory_space<vmem_shared>> -> memref<128x128xf32, #tpu.memory_space<vmem_shared>>
      %dma_start3A_56 = arith.constant 0 : i32
      %dma_start3A_57 = tpu.memref_slice %arg10[%add3A_22, %dma_start3A_56] : memref<10240x128xf32, #tpu.memory_space<vmem_shared>> -> memref<128x128xf32, #tpu.memory_space<vmem_shared>>
      tpu.enqueue_dma source(%arg8 : memref<128x128xf32, #tpu.memory_space<vmem>>) target(%dma_start3A_57 : memref<128x128xf32, #tpu.memory_space<vmem_shared>>) target_semaphore(%run_scoped3A_53 : memref<!tpu.dma_semaphore, #tpu.memory_space<semaphore_mem>>)
      %dma_wait3A = arith.constant 0 : i32
      %dma_wait3A_58 = tpu.memref_slice %arg10[%add3A_22, %dma_wait3A] : memref<10240x128xf32, #tpu.memory_space<vmem_shared>> -> memref<128x128xf32, #tpu.memory_space<vmem_shared>>
      %dma_wait3A_59 = arith.constant 0 : i32
      %dma_wait3A_60 = tpu.memref_slice %arg10[%add3A_22, %dma_wait3A_59] : memref<10240x128xf32, #tpu.memory_space<vmem_shared>> -> memref<128x128xf32, #tpu.memory_space<vmem_shared>>
      tpu.wait_dma2 semaphore(%run_scoped3A_53 : memref<!tpu.dma_semaphore, #tpu.memory_space<semaphore_mem>>) src(%arg8 : memref<128x128xf32, #tpu.memory_space<vmem>>) dst(%dma_wait3A_60 : memref<128x128xf32, #tpu.memory_space<vmem_shared>>)
      tpu.yield
    }) : () -> ()
    %mul3A_23 = arith.constant 640 : i32
    %mul3A_24 = arith.muli %arg1, %mul3A_23 : i32
    %add3A_25 = arith.constant 512 : i32
    %add3A_26 = arith.addi %mul3A_24, %add3A_25 : i32
    "tpu.region"() ({
      %run_scoped3A_53 = tpu.sem_alloc : memref<!tpu.dma_semaphore, #tpu.memory_space<semaphore_mem>>
      %dma_start3A_54 = arith.constant 0 : i32
      %dma_start3A_55 = tpu.memref_slice %arg10[%add3A_26, %dma_start3A_54] : memref<10240x128xf32, #tpu.memory_space<vmem_shared>> -> memref<128x128xf32, #tpu.memory_space<vmem_shared>>
      %dma_start3A_56 = arith.constant 0 : i32
      %dma_start3A_57 = tpu.memref_slice %arg10[%add3A_26, %dma_start3A_56] : memref<10240x128xf32, #tpu.memory_space<vmem_shared>> -> memref<128x128xf32, #tpu.memory_space<vmem_shared>>
      tpu.enqueue_dma source(%arg8 : memref<128x128xf32, #tpu.memory_space<vmem>>) target(%dma_start3A_57 : memref<128x128xf32, #tpu.memory_space<vmem_shared>>) target_semaphore(%run_scoped3A_53 : memref<!tpu.dma_semaphore, #tpu.memory_space<semaphore_mem>>)
      %dma_wait3A = arith.constant 0 : i32
      %dma_wait3A_58 = tpu.memref_slice %arg10[%add3A_26, %dma_wait3A] : memref<10240x128xf32, #tpu.memory_space<vmem_shared>> -> memref<128x128xf32, #tpu.memory_space<vmem_shared>>
      %dma_wait3A_59 = arith.constant 0 : i32
      %dma_wait3A_60 = tpu.memref_slice %arg10[%add3A_26, %dma_wait3A_59] : memref<10240x128xf32, #tpu.memory_space<vmem_shared>> -> memref<128x128xf32, #tpu.memory_space<vmem_shared>>
      tpu.wait_dma2 semaphore(%run_scoped3A_53 : memref<!tpu.dma_semaphore, #tpu.memory_space<semaphore_mem>>) src(%arg8 : memref<128x128xf32, #tpu.memory_space<vmem>>) dst(%dma_wait3A_60 : memref<128x128xf32, #tpu.memory_space<vmem_shared>>)
      tpu.yield
    }) : () -> ()
    %barrier3A = arith.constant 0 : index
    tpu.barrier barrier_id(%barrier3A)
    "tpu.region"() ({
      %run_scoped3A_53 = tpu.sem_alloc : memref<!tpu.dma_semaphore, #tpu.memory_space<semaphore_mem>>
      %dma_start3A_54 = arith.constant 0 : i32
      %dma_start3A_55 = arith.constant 0 : i32
      %dma_start3A_56 = tpu.memref_slice %arg4[%add3A, %dma_start3A_54, %dma_start3A_55] : memref<32x80x125xi32, #tpu.memory_space<hbm>> -> memref<1x80x125xi32, #tpu.memory_space<hbm>>
      %dma_start3A_57 = tpu.memref_squeeze %dma_start3A_56 : memref<1x80x125xi32, #tpu.memory_space<hbm>> -> memref<80x125xi32, #tpu.memory_space<hbm>>
      %dma_start3A_58 = arith.constant 0 : i32
      %dma_start3A_59 = arith.constant 0 : i32
      %dma_start3A_60 = tpu.memref_slice %arg4[%add3A, %dma_start3A_58, %dma_start3A_59] : memref<32x80x125xi32, #tpu.memory_space<hbm>> -> memref<1x80x125xi32, #tpu.memory_space<hbm>>
      %dma_start3A_61 = tpu.memref_squeeze %dma_start3A_60 : memref<1x80x125xi32, #tpu.memory_space<hbm>> -> memref<80x125xi32, #tpu.memory_space<hbm>>
      tpu.enqueue_dma source(%dma_start3A_61 : memref<80x125xi32, #tpu.memory_space<hbm>>) target(%arg7 : memref<80x125xi32, #tpu.memory_space<vmem>>) target_semaphore(%run_scoped3A_53 : memref<!tpu.dma_semaphore, #tpu.memory_space<semaphore_mem>>)
      %dma_wait3A = arith.constant 0 : i32
      %dma_wait3A_62 = arith.constant 0 : i32
      %dma_wait3A_63 = tpu.memref_slice %arg4[%add3A, %dma_wait3A, %dma_wait3A_62] : memref<32x80x125xi32, #tpu.memory_space<hbm>> -> memref<1x80x125xi32, #tpu.memory_space<hbm>>
      %dma_wait3A_64 = tpu.memref_squeeze %dma_wait3A_63 : memref<1x80x125xi32, #tpu.memory_space<hbm>> -> memref<80x125xi32, #tpu.memory_space<hbm>>
      %dma_wait3A_65 = arith.constant 0 : i32
      %dma_wait3A_66 = arith.constant 0 : i32
      %dma_wait3A_67 = tpu.memref_slice %arg4[%add3A, %dma_wait3A_65, %dma_wait3A_66] : memref<32x80x125xi32, #tpu.memory_space<hbm>> -> memref<1x80x125xi32, #tpu.memory_space<hbm>>
      %dma_wait3A_68 = tpu.memref_squeeze %dma_wait3A_67 : memref<1x80x125xi32, #tpu.memory_space<hbm>> -> memref<80x125xi32, #tpu.memory_space<hbm>>
      tpu.wait_dma2 semaphore(%run_scoped3A_53 : memref<!tpu.dma_semaphore, #tpu.memory_space<semaphore_mem>>) src(%dma_wait3A_68 : memref<80x125xi32, #tpu.memory_space<hbm>>) dst(%arg7 : memref<80x125xi32, #tpu.memory_space<vmem>>)
      tpu.yield
    }) : () -> ()
    %run_scoped3A = arith.constant 0 : i32
    %run_scoped3A_27 = arith.constant 0 : i32
    "tpu.region"() ({
      %run_scoped3A_53 = tpu.sem_alloc : memref<!tpu.dma_semaphore, #tpu.memory_space<semaphore_mem>>
      %dma_start3A_54 = arith.constant 0 : i32
      %dma_start3A_55 = tpu.memref_slice %arg6[%run_scoped3A_27, %dma_start3A_54] : memref<2x125xi32, #tpu.memory_space<vmem>> -> memref<1x125xi32, #tpu.memory_space<vmem>>
      %dma_start3A_56 = tpu.memref_squeeze %dma_start3A_55 : memref<1x125xi32, #tpu.memory_space<vmem>> -> memref<125xi32, #tpu.memory_space<vmem>>
      %dma_start3A_57 = arith.constant 0 : i32
      %dma_start3A_58 = tpu.memref_slice %arg3[%add3A, %run_scoped3A, %dma_start3A_57] : memref<32x80x125xi32, #tpu.memory_space<hbm>> -> memref<1x1x125xi32, #tpu.memory_space<hbm>>
      %dma_start3A_59 = tpu.memref_squeeze %dma_start3A_58 : memref<1x1x125xi32, #tpu.memory_space<hbm>> -> memref<125xi32, #tpu.memory_space<hbm>>
      %dma_start3A_60 = arith.constant 0 : i32
      %dma_start3A_61 = tpu.memref_slice %arg6[%run_scoped3A_27, %dma_start3A_60] : memref<2x125xi32, #tpu.memory_space<vmem>> -> memref<1x125xi32, #tpu.memory_space<vmem>>
      %dma_start3A_62 = tpu.memref_squeeze %dma_start3A_61 : memref<1x125xi32, #tpu.memory_space<vmem>> -> memref<125xi32, #tpu.memory_space<vmem>>
      %dma_start3A_63 = arith.constant 0 : i32
      %dma_start3A_64 = tpu.memref_slice %arg3[%add3A, %run_scoped3A, %dma_start3A_63] : memref<32x80x125xi32, #tpu.memory_space<hbm>> -> memref<1x1x125xi32, #tpu.memory_space<hbm>>
      %dma_start3A_65 = tpu.memref_squeeze %dma_start3A_64 : memref<1x1x125xi32, #tpu.memory_space<hbm>> -> memref<125xi32, #tpu.memory_space<hbm>>
      tpu.enqueue_dma source(%dma_start3A_65 : memref<125xi32, #tpu.memory_space<hbm>>) target(%dma_start3A_62 : memref<125xi32, #tpu.memory_space<vmem>>) target_semaphore(%run_scoped3A_53 : memref<!tpu.dma_semaphore, #tpu.memory_space<semaphore_mem>>)
      %dma_wait3A = arith.constant 0 : i32
      %dma_wait3A_66 = tpu.memref_slice %arg6[%run_scoped3A_27, %dma_wait3A] : memref<2x125xi32, #tpu.memory_space<vmem>> -> memref<1x125xi32, #tpu.memory_space<vmem>>
      %dma_wait3A_67 = tpu.memref_squeeze %dma_wait3A_66 : memref<1x125xi32, #tpu.memory_space<vmem>> -> memref<125xi32, #tpu.memory_space<vmem>>
      %dma_wait3A_68 = arith.constant 0 : i32
      %dma_wait3A_69 = tpu.memref_slice %arg3[%add3A, %run_scoped3A, %dma_wait3A_68] : memref<32x80x125xi32, #tpu.memory_space<hbm>> -> memref<1x1x125xi32, #tpu.memory_space<hbm>>
      %dma_wait3A_70 = tpu.memref_squeeze %dma_wait3A_69 : memref<1x1x125xi32, #tpu.memory_space<hbm>> -> memref<125xi32, #tpu.memory_space<hbm>>
      %dma_wait3A_71 = arith.constant 0 : i32
      %dma_wait3A_72 = tpu.memref_slice %arg6[%run_scoped3A_27, %dma_wait3A_71] : memref<2x125xi32, #tpu.memory_space<vmem>> -> memref<1x125xi32, #tpu.memory_space<vmem>>
      %dma_wait3A_73 = tpu.memref_squeeze %dma_wait3A_72 : memref<1x125xi32, #tpu.memory_space<vmem>> -> memref<125xi32, #tpu.memory_space<vmem>>
      %dma_wait3A_74 = arith.constant 0 : i32
      %dma_wait3A_75 = tpu.memref_slice %arg3[%add3A, %run_scoped3A, %dma_wait3A_74] : memref<32x80x125xi32, #tpu.memory_space<hbm>> -> memref<1x1x125xi32, #tpu.memory_space<hbm>>
      %dma_wait3A_76 = tpu.memref_squeeze %dma_wait3A_75 : memref<1x1x125xi32, #tpu.memory_space<hbm>> -> memref<125xi32, #tpu.memory_space<hbm>>
      tpu.wait_dma2 semaphore(%run_scoped3A_53 : memref<!tpu.dma_semaphore, #tpu.memory_space<semaphore_mem>>) src(%dma_wait3A_76 : memref<125xi32, #tpu.memory_space<hbm>>) dst(%dma_wait3A_73 : memref<125xi32, #tpu.memory_space<vmem>>)
      tpu.yield
    }) : () -> ()
    %dma_start3A = arith.constant 0 : i32
    %dma_start3A_28 = arith.constant 0 : i32
    %dma_start3A_29 = arith.constant 0 : i32
    %dma_start3A_30 = tpu.memref_slice %arg8[%dma_start3A_28, %dma_start3A_29] : memref<128x128xf32, #tpu.memory_space<vmem>> -> memref<125x128xf32, #tpu.memory_space<vmem>>
    %dma_start3A_31 = arith.constant 0 : i32
    %dma_start3A_32 = tpu.memref_slice %arg6[%dma_start3A, %dma_start3A_31] : memref<2x125xi32, #tpu.memory_space<vmem>> -> memref<1x125xi32, #tpu.memory_space<vmem>>
    %dma_start3A_33 = tpu.memref_squeeze %dma_start3A_32 : memref<1x125xi32, #tpu.memory_space<vmem>> -> memref<125xi32, #tpu.memory_space<vmem>>
    %dma_start3A_34 = arith.constant 0 : i32
    %dma_start3A_35 = arith.constant 0 : i32
    %dma_start3A_36 = tpu.memref_slice %arg2[%dma_start3A_34, %dma_start3A_35] : memref<10000x128xf32, #tpu.memory_space<hbm>> -> memref<10000x128xf32, #tpu.memory_space<hbm>>
    tpu.enqueue_indirect_dma source(%dma_start3A_36 : memref<10000x128xf32, #tpu.memory_space<hbm>>) target(%dma_start3A_30 : memref<125x128xf32, #tpu.memory_space<vmem>>) offsets(%dma_start3A_33 : memref<125xi32, #tpu.memory_space<vmem>>) semaphore(%arg11 : memref<!tpu.dma_semaphore, #tpu.memory_space<semaphore_mem>>)
    %run_scoped3A_37 = arith.constant 1 : i32
    %run_scoped3A_38 = arith.constant 1 : i32
    "tpu.region"() ({
      %run_scoped3A_53 = tpu.sem_alloc : memref<!tpu.dma_semaphore, #tpu.memory_space<semaphore_mem>>
      %dma_start3A_54 = arith.constant 0 : i32
      %dma_start3A_55 = tpu.memref_slice %arg6[%run_scoped3A_38, %dma_start3A_54] : memref<2x125xi32, #tpu.memory_space<vmem>> -> memref<1x125xi32, #tpu.memory_space<vmem>>
      %dma_start3A_56 = tpu.memref_squeeze %dma_start3A_55 : memref<1x125xi32, #tpu.memory_space<vmem>> -> memref<125xi32, #tpu.memory_space<vmem>>
      %dma_start3A_57 = arith.constant 0 : i32
      %dma_start3A_58 = tpu.memref_slice %arg3[%add3A, %run_scoped3A_37, %dma_start3A_57] : memref<32x80x125xi32, #tpu.memory_space<hbm>> -> memref<1x1x125xi32, #tpu.memory_space<hbm>>
      %dma_start3A_59 = tpu.memref_squeeze %dma_start3A_58 : memref<1x1x125xi32, #tpu.memory_space<hbm>> -> memref<125xi32, #tpu.memory_space<hbm>>
      %dma_start3A_60 = arith.constant 0 : i32
      %dma_start3A_61 = tpu.memref_slice %arg6[%run_scoped3A_38, %dma_start3A_60] : memref<2x125xi32, #tpu.memory_space<vmem>> -> memref<1x125xi32, #tpu.memory_space<vmem>>
      %dma_start3A_62 = tpu.memref_squeeze %dma_start3A_61 : memref<1x125xi32, #tpu.memory_space<vmem>> -> memref<125xi32, #tpu.memory_space<vmem>>
      %dma_start3A_63 = arith.constant 0 : i32
      %dma_start3A_64 = tpu.memref_slice %arg3[%add3A, %run_scoped3A_37, %dma_start3A_63] : memref<32x80x125xi32, #tpu.memory_space<hbm>> -> memref<1x1x125xi32, #tpu.memory_space<hbm>>
      %dma_start3A_65 = tpu.memref_squeeze %dma_start3A_64 : memref<1x1x125xi32, #tpu.memory_space<hbm>> -> memref<125xi32, #tpu.memory_space<hbm>>
      tpu.enqueue_dma source(%dma_start3A_65 : memref<125xi32, #tpu.memory_space<hbm>>) target(%dma_start3A_62 : memref<125xi32, #tpu.memory_space<vmem>>) target_semaphore(%run_scoped3A_53 : memref<!tpu.dma_semaphore, #tpu.memory_space<semaphore_mem>>)
      %dma_wait3A = arith.constant 0 : i32
      %dma_wait3A_66 = tpu.memref_slice %arg6[%run_scoped3A_38, %dma_wait3A] : memref<2x125xi32, #tpu.memory_space<vmem>> -> memref<1x125xi32, #tpu.memory_space<vmem>>
      %dma_wait3A_67 = tpu.memref_squeeze %dma_wait3A_66 : memref<1x125xi32, #tpu.memory_space<vmem>> -> memref<125xi32, #tpu.memory_space<vmem>>
      %dma_wait3A_68 = arith.constant 0 : i32
      %dma_wait3A_69 = tpu.memref_slice %arg3[%add3A, %run_scoped3A_37, %dma_wait3A_68] : memref<32x80x125xi32, #tpu.memory_space<hbm>> -> memref<1x1x125xi32, #tpu.memory_space<hbm>>
      %dma_wait3A_70 = tpu.memref_squeeze %dma_wait3A_69 : memref<1x1x125xi32, #tpu.memory_space<hbm>> -> memref<125xi32, #tpu.memory_space<hbm>>
      %dma_wait3A_71 = arith.constant 0 : i32
      %dma_wait3A_72 = tpu.memref_slice %arg6[%run_scoped3A_38, %dma_wait3A_71] : memref<2x125xi32, #tpu.memory_space<vmem>> -> memref<1x125xi32, #tpu.memory_space<vmem>>
      %dma_wait3A_73 = tpu.memref_squeeze %dma_wait3A_72 : memref<1x125xi32, #tpu.memory_space<vmem>> -> memref<125xi32, #tpu.memory_space<vmem>>
      %dma_wait3A_74 = arith.constant 0 : i32
      %dma_wait3A_75 = tpu.memref_slice %arg3[%add3A, %run_scoped3A_37, %dma_wait3A_74] : memref<32x80x125xi32, #tpu.memory_space<hbm>> -> memref<1x1x125xi32, #tpu.memory_space<hbm>>
      %dma_wait3A_76 = tpu.memref_squeeze %dma_wait3A_75 : memref<1x1x125xi32, #tpu.memory_space<hbm>> -> memref<125xi32, #tpu.memory_space<hbm>>
      tpu.wait_dma2 semaphore(%run_scoped3A_53 : memref<!tpu.dma_semaphore, #tpu.memory_space<semaphore_mem>>) src(%dma_wait3A_76 : memref<125xi32, #tpu.memory_space<hbm>>) dst(%dma_wait3A_73 : memref<125xi32, #tpu.memory_space<vmem>>)
      tpu.yield
    }) : () -> ()
    %scan3A_39 = arith.constant 0 : i32
    %scan3A_40 = arith.constant 1 : i32
    %scan3A_41 = arith.constant 0 : i32
    %scan3A_42 = arith.constant 0 : i32
    %scan3A_43 = arith.constant 40 : i32
    %scan3A_44 = arith.addi %scan3A_42, %scan3A_43 : i32
    %scan3A_45 = arith.constant 1 : i32
    %scan3A_46 = scf.for %scan3A_53 = %scan3A_42 to %scan3A_44 step %scan3A_45 iter_args(%scan3A_54 = %scan3A_41) -> (i32)  : i32 {
      %mul3A_55 = arith.constant 2 : i32
      %mul3A_56 = arith.muli %mul3A_55, %scan3A_53 : i32
      %add3A_57 = arith.constant 0 : i32
      %add3A_58 = arith.addi %mul3A_56, %add3A_57 : i32
      %dma_wait3A = arith.constant 0 : i32
      %dma_wait3A_59 = arith.constant 0 : i32
      %dma_wait3A_60 = tpu.memref_slice %arg8[%dma_wait3A, %dma_wait3A_59] : memref<128x128xf32, #tpu.memory_space<vmem>> -> memref<125x128xf32, #tpu.memory_space<vmem>>
      %dma_wait3A_61 = arith.constant 0 : i32
      %dma_wait3A_62 = tpu.memref_slice %arg6[%scan3A_39, %dma_wait3A_61] : memref<2x125xi32, #tpu.memory_space<vmem>> -> memref<1x125xi32, #tpu.memory_space<vmem>>
      %dma_wait3A_63 = tpu.memref_squeeze %dma_wait3A_62 : memref<1x125xi32, #tpu.memory_space<vmem>> -> memref<125xi32, #tpu.memory_space<vmem>>
      %dma_wait3A_64 = arith.constant 0 : i32
      %dma_wait3A_65 = arith.constant 0 : i32
      %dma_wait3A_66 = tpu.memref_slice %arg2[%dma_wait3A_64, %dma_wait3A_65] : memref<10000x128xf32, #tpu.memory_space<hbm>> -> memref<10000x128xf32, #tpu.memory_space<hbm>>
      tpu.wait_indirect_dma semaphore(%arg11 : memref<!tpu.dma_semaphore, #tpu.memory_space<semaphore_mem>>) src(%dma_wait3A_66 : memref<10000x128xf32, #tpu.memory_space<hbm>>) dst(%dma_wait3A_60 : memref<125x128xf32, #tpu.memory_space<vmem>>)
      %add3A_67 = arith.constant 1 : i32
      %add3A_68 = arith.addi %add3A_58, %add3A_67 : i32
      %lt3A = arith.constant 80 : i32
      %lt3A_69 = arith.cmpi slt, %add3A_68, %lt3A : i32
      %convert_element_type3A = arith.extui %lt3A_69 : i1 to i32
      %cond3A = arith.constant 0 : i32
      %cond3A_70 = arith.cmpi ne, %convert_element_type3A, %cond3A : i32
      scf.if %cond3A_70 {
        %dma_start3A_103 = arith.constant 0 : i32
        %dma_start3A_104 = tpu.memref_slice %arg6[%scan3A_40, %dma_start3A_103] : memref<2x125xi32, #tpu.memory_space<vmem>> -> memref<1x125xi32, #tpu.memory_space<vmem>>
        %dma_start3A_105 = tpu.memref_squeeze %dma_start3A_104 : memref<1x125xi32, #tpu.memory_space<vmem>> -> memref<125xi32, #tpu.memory_space<vmem>>
        %dma_start3A_106 = arith.constant 0 : i32
        %dma_start3A_107 = arith.constant 0 : i32
        %dma_start3A_108 = tpu.memref_slice %arg2[%dma_start3A_106, %dma_start3A_107] : memref<10000x128xf32, #tpu.memory_space<hbm>> -> memref<10000x128xf32, #tpu.memory_space<hbm>>
        tpu.enqueue_indirect_dma source(%dma_start3A_108 : memref<10000x128xf32, #tpu.memory_space<hbm>>) target(%arg9 : memref<125x128xf32, #tpu.memory_space<vmem>>) offsets(%dma_start3A_105 : memref<125xi32, #tpu.memory_space<vmem>>) semaphore(%arg11 : memref<!tpu.dma_semaphore, #tpu.memory_space<semaphore_mem>>)
      } else {
      }
      %add3A_71 = arith.constant 2 : i32
      %add3A_72 = arith.addi %add3A_58, %add3A_71 : i32
      %lt3A_73 = arith.constant 80 : i32
      %lt3A_74 = arith.cmpi slt, %add3A_72, %lt3A_73 : i32
      %convert_element_type3A_75 = arith.extui %lt3A_74 : i1 to i32
      %cond3A_76 = arith.constant 0 : i32
      %cond3A_77 = arith.cmpi ne, %convert_element_type3A_75, %cond3A_76 : i32
      scf.if %cond3A_77 {
        %add3A_103 = arith.constant 2 : i32
        %add3A_104 = arith.addi %add3A_58, %add3A_103 : i32
        %min3A = arith.constant 79 : i32
        %min3A_105 = arith.minsi %add3A_104, %min3A : i32
        "tpu.region"() ({
          %run_scoped3A_106 = tpu.sem_alloc : memref<!tpu.dma_semaphore, #tpu.memory_space<semaphore_mem>>
          %dma_start3A_107 = arith.constant 0 : i32
          %dma_start3A_108 = tpu.memref_slice %arg6[%scan3A_39, %dma_start3A_107] : memref<2x125xi32, #tpu.memory_space<vmem>> -> memref<1x125xi32, #tpu.memory_space<vmem>>
          %dma_start3A_109 = tpu.memref_squeeze %dma_start3A_108 : memref<1x125xi32, #tpu.memory_space<vmem>> -> memref<125xi32, #tpu.memory_space<vmem>>
          %dma_start3A_110 = arith.constant 0 : i32
          %dma_start3A_111 = tpu.memref_slice %arg3[%add3A, %min3A_105, %dma_start3A_110] : memref<32x80x125xi32, #tpu.memory_space<hbm>> -> memref<1x1x125xi32, #tpu.memory_space<hbm>>
          %dma_start3A_112 = tpu.memref_squeeze %dma_start3A_111 : memref<1x1x125xi32, #tpu.memory_space<hbm>> -> memref<125xi32, #tpu.memory_space<hbm>>
          %dma_start3A_113 = arith.constant 0 : i32
          %dma_start3A_114 = tpu.memref_slice %arg6[%scan3A_39, %dma_start3A_113] : memref<2x125xi32, #tpu.memory_space<vmem>> -> memref<1x125xi32, #tpu.memory_space<vmem>>
          %dma_start3A_115 = tpu.memref_squeeze %dma_start3A_114 : memref<1x125xi32, #tpu.memory_space<vmem>> -> memref<125xi32, #tpu.memory_space<vmem>>
          %dma_start3A_116 = arith.constant 0 : i32
          %dma_start3A_117 = tpu.memref_slice %arg3[%add3A, %min3A_105, %dma_start3A_116] : memref<32x80x125xi32, #tpu.memory_space<hbm>> -> memref<1x1x125xi32, #tpu.memory_space<hbm>>
          %dma_start3A_118 = tpu.memref_squeeze %dma_start3A_117 : memref<1x1x125xi32, #tpu.memory_space<hbm>> -> memref<125xi32, #tpu.memory_space<hbm>>
          tpu.enqueue_dma source(%dma_start3A_118 : memref<125xi32, #tpu.memory_space<hbm>>) target(%dma_start3A_115 : memref<125xi32, #tpu.memory_space<vmem>>) target_semaphore(%run_scoped3A_106 : memref<!tpu.dma_semaphore, #tpu.memory_space<semaphore_mem>>)
          %dma_wait3A_119 = arith.constant 0 : i32
          %dma_wait3A_120 = tpu.memref_slice %arg6[%scan3A_39, %dma_wait3A_119] : memref<2x125xi32, #tpu.memory_space<vmem>> -> memref<1x125xi32, #tpu.memory_space<vmem>>
          %dma_wait3A_121 = tpu.memref_squeeze %dma_wait3A_120 : memref<1x125xi32, #tpu.memory_space<vmem>> -> memref<125xi32, #tpu.memory_space<vmem>>
          %dma_wait3A_122 = arith.constant 0 : i32
          %dma_wait3A_123 = tpu.memref_slice %arg3[%add3A, %min3A_105, %dma_wait3A_122] : memref<32x80x125xi32, #tpu.memory_space<hbm>> -> memref<1x1x125xi32, #tpu.memory_space<hbm>>
          %dma_wait3A_124 = tpu.memref_squeeze %dma_wait3A_123 : memref<1x1x125xi32, #tpu.memory_space<hbm>> -> memref<125xi32, #tpu.memory_space<hbm>>
          %dma_wait3A_125 = arith.constant 0 : i32
          %dma_wait3A_126 = tpu.memref_slice %arg6[%scan3A_39, %dma_wait3A_125] : memref<2x125xi32, #tpu.memory_space<vmem>> -> memref<1x125xi32, #tpu.memory_space<vmem>>
          %dma_wait3A_127 = tpu.memref_squeeze %dma_wait3A_126 : memref<1x125xi32, #tpu.memory_space<vmem>> -> memref<125xi32, #tpu.memory_space<vmem>>
          %dma_wait3A_128 = arith.constant 0 : i32
          %dma_wait3A_129 = tpu.memref_slice %arg3[%add3A, %min3A_105, %dma_wait3A_128] : memref<32x80x125xi32, #tpu.memory_space<hbm>> -> memref<1x1x125xi32, #tpu.memory_space<hbm>>
          %dma_wait3A_130 = tpu.memref_squeeze %dma_wait3A_129 : memref<1x1x125xi32, #tpu.memory_space<hbm>> -> memref<125xi32, #tpu.memory_space<hbm>>
          tpu.wait_dma2 semaphore(%run_scoped3A_106 : memref<!tpu.dma_semaphore, #tpu.memory_space<semaphore_mem>>) src(%dma_wait3A_130 : memref<125xi32, #tpu.memory_space<hbm>>) dst(%dma_wait3A_127 : memref<125xi32, #tpu.memory_space<vmem>>)
          tpu.yield
        }) : () -> ()
      } else {
      }
      "tpu.region"() ({
        %run_scoped3A_103 = tpu.sem_alloc : memref<!tpu.dma_semaphore, #tpu.memory_space<semaphore_mem>>
        %dma_start3A_104 = arith.constant 0 : i32
        %dma_start3A_105 = arith.constant 0 : i32
        %dma_start3A_106 = tpu.memref_slice %arg8[%dma_start3A_104, %dma_start3A_105] : memref<128x128xf32, #tpu.memory_space<vmem>> -> memref<125x128xf32, #tpu.memory_space<vmem>>
        %dma_start3A_107 = arith.constant 0 : i32
        %dma_start3A_108 = tpu.memref_slice %arg7[%add3A_58, %dma_start3A_107] : memref<80x125xi32, #tpu.memory_space<vmem>> -> memref<1x125xi32, #tpu.memory_space<vmem>>
        %dma_start3A_109 = tpu.memref_squeeze %dma_start3A_108 : memref<1x125xi32, #tpu.memory_space<vmem>> -> memref<125xi32, #tpu.memory_space<vmem>>
        %dma_start3A_110 = arith.constant 0 : i32
        %dma_start3A_111 = arith.constant 0 : i32
        %dma_start3A_112 = tpu.memref_slice %arg10[%dma_start3A_110, %dma_start3A_111] : memref<10240x128xf32, #tpu.memory_space<vmem_shared>> -> memref<10240x128xf32, #tpu.memory_space<vmem_shared>>
        tpu.enqueue_indirect_dma source(%dma_start3A_106 : memref<125x128xf32, #tpu.memory_space<vmem>>) target(%dma_start3A_112 : memref<10240x128xf32, #tpu.memory_space<vmem_shared>>) offsets(%dma_start3A_109 : memref<125xi32, #tpu.memory_space<vmem>>) semaphore(%run_scoped3A_103 : memref<!tpu.dma_semaphore, #tpu.memory_space<semaphore_mem>>) {add = true}
        %dma_wait3A_113 = arith.constant 0 : i32
        %dma_wait3A_114 = arith.constant 0 : i32
        %dma_wait3A_115 = tpu.memref_slice %arg8[%dma_wait3A_113, %dma_wait3A_114] : memref<128x128xf32, #tpu.memory_space<vmem>> -> memref<125x128xf32, #tpu.memory_space<vmem>>
        %dma_wait3A_116 = arith.constant 0 : i32
        %dma_wait3A_117 = tpu.memref_slice %arg7[%add3A_58, %dma_wait3A_116] : memref<80x125xi32, #tpu.memory_space<vmem>> -> memref<1x125xi32, #tpu.memory_space<vmem>>
        %dma_wait3A_118 = tpu.memref_squeeze %dma_wait3A_117 : memref<1x125xi32, #tpu.memory_space<vmem>> -> memref<125xi32, #tpu.memory_space<vmem>>
        %dma_wait3A_119 = arith.constant 0 : i32
        %dma_wait3A_120 = arith.constant 0 : i32
        %dma_wait3A_121 = tpu.memref_slice %arg10[%dma_wait3A_119, %dma_wait3A_120] : memref<10240x128xf32, #tpu.memory_space<vmem_shared>> -> memref<10240x128xf32, #tpu.memory_space<vmem_shared>>
        tpu.wait_indirect_dma semaphore(%run_scoped3A_103 : memref<!tpu.dma_semaphore, #tpu.memory_space<semaphore_mem>>) src(%dma_wait3A_115 : memref<125x128xf32, #tpu.memory_space<vmem>>) dst(%dma_wait3A_121 : memref<10240x128xf32, #tpu.memory_space<vmem_shared>>)
        tpu.yield
      }) : () -> ()
      %mul3A_78 = arith.constant 2 : i32
      %mul3A_79 = arith.muli %mul3A_78, %scan3A_53 : i32
      %add3A_80 = arith.constant 1 : i32
      %add3A_81 = arith.addi %mul3A_79, %add3A_80 : i32
      %dma_wait3A_82 = arith.constant 0 : i32
      %dma_wait3A_83 = tpu.memref_slice %arg6[%scan3A_40, %dma_wait3A_82] : memref<2x125xi32, #tpu.memory_space<vmem>> -> memref<1x125xi32, #tpu.memory_space<vmem>>
      %dma_wait3A_84 = tpu.memref_squeeze %dma_wait3A_83 : memref<1x125xi32, #tpu.memory_space<vmem>> -> memref<125xi32, #tpu.memory_space<vmem>>
      %dma_wait3A_85 = arith.constant 0 : i32
      %dma_wait3A_86 = arith.constant 0 : i32
      %dma_wait3A_87 = tpu.memref_slice %arg2[%dma_wait3A_85, %dma_wait3A_86] : memref<10000x128xf32, #tpu.memory_space<hbm>> -> memref<10000x128xf32, #tpu.memory_space<hbm>>
      tpu.wait_indirect_dma semaphore(%arg11 : memref<!tpu.dma_semaphore, #tpu.memory_space<semaphore_mem>>) src(%dma_wait3A_87 : memref<10000x128xf32, #tpu.memory_space<hbm>>) dst(%arg9 : memref<125x128xf32, #tpu.memory_space<vmem>>)
      %add3A_88 = arith.constant 1 : i32
      %add3A_89 = arith.addi %add3A_81, %add3A_88 : i32
      %lt3A_90 = arith.constant 80 : i32
      %lt3A_91 = arith.cmpi slt, %add3A_89, %lt3A_90 : i32
      %convert_element_type3A_92 = arith.extui %lt3A_91 : i1 to i32
      %cond3A_93 = arith.constant 0 : i32
      %cond3A_94 = arith.cmpi ne, %convert_element_type3A_92, %cond3A_93 : i32
      scf.if %cond3A_94 {
        %dma_start3A_103 = arith.constant 0 : i32
        %dma_start3A_104 = arith.constant 0 : i32
        %dma_start3A_105 = tpu.memref_slice %arg8[%dma_start3A_103, %dma_start3A_104] : memref<128x128xf32, #tpu.memory_space<vmem>> -> memref<125x128xf32, #tpu.memory_space<vmem>>
        %dma_start3A_106 = arith.constant 0 : i32
        %dma_start3A_107 = tpu.memref_slice %arg6[%scan3A_39, %dma_start3A_106] : memref<2x125xi32, #tpu.memory_space<vmem>> -> memref<1x125xi32, #tpu.memory_space<vmem>>
        %dma_start3A_108 = tpu.memref_squeeze %dma_start3A_107 : memref<1x125xi32, #tpu.memory_space<vmem>> -> memref<125xi32, #tpu.memory_space<vmem>>
        %dma_start3A_109 = arith.constant 0 : i32
        %dma_start3A_110 = arith.constant 0 : i32
        %dma_start3A_111 = tpu.memref_slice %arg2[%dma_start3A_109, %dma_start3A_110] : memref<10000x128xf32, #tpu.memory_space<hbm>> -> memref<10000x128xf32, #tpu.memory_space<hbm>>
        tpu.enqueue_indirect_dma source(%dma_start3A_111 : memref<10000x128xf32, #tpu.memory_space<hbm>>) target(%dma_start3A_105 : memref<125x128xf32, #tpu.memory_space<vmem>>) offsets(%dma_start3A_108 : memref<125xi32, #tpu.memory_space<vmem>>) semaphore(%arg11 : memref<!tpu.dma_semaphore, #tpu.memory_space<semaphore_mem>>)
      } else {
      }
      %add3A_95 = arith.constant 2 : i32
      %add3A_96 = arith.addi %add3A_81, %add3A_95 : i32
      %lt3A_97 = arith.constant 80 : i32
      %lt3A_98 = arith.cmpi slt, %add3A_96, %lt3A_97 : i32
      %convert_element_type3A_99 = arith.extui %lt3A_98 : i1 to i32
      %cond3A_100 = arith.constant 0 : i32
      %cond3A_101 = arith.cmpi ne, %convert_element_type3A_99, %cond3A_100 : i32
      scf.if %cond3A_101 {
        %add3A_103 = arith.constant 2 : i32
        %add3A_104 = arith.addi %add3A_81, %add3A_103 : i32
        %min3A = arith.constant 79 : i32
        %min3A_105 = arith.minsi %add3A_104, %min3A : i32
        "tpu.region"() ({
          %run_scoped3A_106 = tpu.sem_alloc : memref<!tpu.dma_semaphore, #tpu.memory_space<semaphore_mem>>
          %dma_start3A_107 = arith.constant 0 : i32
          %dma_start3A_108 = tpu.memref_slice %arg6[%scan3A_40, %dma_start3A_107] : memref<2x125xi32, #tpu.memory_space<vmem>> -> memref<1x125xi32, #tpu.memory_space<vmem>>
          %dma_start3A_109 = tpu.memref_squeeze %dma_start3A_108 : memref<1x125xi32, #tpu.memory_space<vmem>> -> memref<125xi32, #tpu.memory_space<vmem>>
          %dma_start3A_110 = arith.constant 0 : i32
          %dma_start3A_111 = tpu.memref_slice %arg3[%add3A, %min3A_105, %dma_start3A_110] : memref<32x80x125xi32, #tpu.memory_space<hbm>> -> memref<1x1x125xi32, #tpu.memory_space<hbm>>
          %dma_start3A_112 = tpu.memref_squeeze %dma_start3A_111 : memref<1x1x125xi32, #tpu.memory_space<hbm>> -> memref<125xi32, #tpu.memory_space<hbm>>
          %dma_start3A_113 = arith.constant 0 : i32
          %dma_start3A_114 = tpu.memref_slice %arg6[%scan3A_40, %dma_start3A_113] : memref<2x125xi32, #tpu.memory_space<vmem>> -> memref<1x125xi32, #tpu.memory_space<vmem>>
          %dma_start3A_115 = tpu.memref_squeeze %dma_start3A_114 : memref<1x125xi32, #tpu.memory_space<vmem>> -> memref<125xi32, #tpu.memory_space<vmem>>
          %dma_start3A_116 = arith.constant 0 : i32
          %dma_start3A_117 = tpu.memref_slice %arg3[%add3A, %min3A_105, %dma_start3A_116] : memref<32x80x125xi32, #tpu.memory_space<hbm>> -> memref<1x1x125xi32, #tpu.memory_space<hbm>>
          %dma_start3A_118 = tpu.memref_squeeze %dma_start3A_117 : memref<1x1x125xi32, #tpu.memory_space<hbm>> -> memref<125xi32, #tpu.memory_space<hbm>>
          tpu.enqueue_dma source(%dma_start3A_118 : memref<125xi32, #tpu.memory_space<hbm>>) target(%dma_start3A_115 : memref<125xi32, #tpu.memory_space<vmem>>) target_semaphore(%run_scoped3A_106 : memref<!tpu.dma_semaphore, #tpu.memory_space<semaphore_mem>>)
          %dma_wait3A_119 = arith.constant 0 : i32
          %dma_wait3A_120 = tpu.memref_slice %arg6[%scan3A_40, %dma_wait3A_119] : memref<2x125xi32, #tpu.memory_space<vmem>> -> memref<1x125xi32, #tpu.memory_space<vmem>>
          %dma_wait3A_121 = tpu.memref_squeeze %dma_wait3A_120 : memref<1x125xi32, #tpu.memory_space<vmem>> -> memref<125xi32, #tpu.memory_space<vmem>>
          %dma_wait3A_122 = arith.constant 0 : i32
          %dma_wait3A_123 = tpu.memref_slice %arg3[%add3A, %min3A_105, %dma_wait3A_122] : memref<32x80x125xi32, #tpu.memory_space<hbm>> -> memref<1x1x125xi32, #tpu.memory_space<hbm>>
          %dma_wait3A_124 = tpu.memref_squeeze %dma_wait3A_123 : memref<1x1x125xi32, #tpu.memory_space<hbm>> -> memref<125xi32, #tpu.memory_space<hbm>>
          %dma_wait3A_125 = arith.constant 0 : i32
          %dma_wait3A_126 = tpu.memref_slice %arg6[%scan3A_40, %dma_wait3A_125] : memref<2x125xi32, #tpu.memory_space<vmem>> -> memref<1x125xi32, #tpu.memory_space<vmem>>
          %dma_wait3A_127 = tpu.memref_squeeze %dma_wait3A_126 : memref<1x125xi32, #tpu.memory_space<vmem>> -> memref<125xi32, #tpu.memory_space<vmem>>
          %dma_wait3A_128 = arith.constant 0 : i32
          %dma_wait3A_129 = tpu.memref_slice %arg3[%add3A, %min3A_105, %dma_wait3A_128] : memref<32x80x125xi32, #tpu.memory_space<hbm>> -> memref<1x1x125xi32, #tpu.memory_space<hbm>>
          %dma_wait3A_130 = tpu.memref_squeeze %dma_wait3A_129 : memref<1x1x125xi32, #tpu.memory_space<hbm>> -> memref<125xi32, #tpu.memory_space<hbm>>
          tpu.wait_dma2 semaphore(%run_scoped3A_106 : memref<!tpu.dma_semaphore, #tpu.memory_space<semaphore_mem>>) src(%dma_wait3A_130 : memref<125xi32, #tpu.memory_space<hbm>>) dst(%dma_wait3A_127 : memref<125xi32, #tpu.memory_space<vmem>>)
          tpu.yield
        }) : () -> ()
      } else {
      }
      "tpu.region"() ({
        %run_scoped3A_103 = tpu.sem_alloc : memref<!tpu.dma_semaphore, #tpu.memory_space<semaphore_mem>>
        %dma_start3A_104 = arith.constant 0 : i32
        %dma_start3A_105 = tpu.memref_slice %arg7[%add3A_81, %dma_start3A_104] : memref<80x125xi32, #tpu.memory_space<vmem>> -> memref<1x125xi32, #tpu.memory_space<vmem>>
        %dma_start3A_106 = tpu.memref_squeeze %dma_start3A_105 : memref<1x125xi32, #tpu.memory_space<vmem>> -> memref<125xi32, #tpu.memory_space<vmem>>
        %dma_start3A_107 = arith.constant 0 : i32
        %dma_start3A_108 = arith.constant 0 : i32
        %dma_start3A_109 = tpu.memref_slice %arg10[%dma_start3A_107, %dma_start3A_108] : memref<10240x128xf32, #tpu.memory_space<vmem_shared>> -> memref<10240x128xf32, #tpu.memory_space<vmem_shared>>
        tpu.enqueue_indirect_dma source(%arg9 : memref<125x128xf32, #tpu.memory_space<vmem>>) target(%dma_start3A_109 : memref<10240x128xf32, #tpu.memory_space<vmem_shared>>) offsets(%dma_start3A_106 : memref<125xi32, #tpu.memory_space<vmem>>) semaphore(%run_scoped3A_103 : memref<!tpu.dma_semaphore, #tpu.memory_space<semaphore_mem>>) {add = true}
        %dma_wait3A_110 = arith.constant 0 : i32
        %dma_wait3A_111 = tpu.memref_slice %arg7[%add3A_81, %dma_wait3A_110] : memref<80x125xi32, #tpu.memory_space<vmem>> -> memref<1x125xi32, #tpu.memory_space<vmem>>
        %dma_wait3A_112 = tpu.memref_squeeze %dma_wait3A_111 : memref<1x125xi32, #tpu.memory_space<vmem>> -> memref<125xi32, #tpu.memory_space<vmem>>
        %dma_wait3A_113 = arith.constant 0 : i32
        %dma_wait3A_114 = arith.constant 0 : i32
        %dma_wait3A_115 = tpu.memref_slice %arg10[%dma_wait3A_113, %dma_wait3A_114] : memref<10240x128xf32, #tpu.memory_space<vmem_shared>> -> memref<10240x128xf32, #tpu.memory_space<vmem_shared>>
        tpu.wait_indirect_dma semaphore(%run_scoped3A_103 : memref<!tpu.dma_semaphore, #tpu.memory_space<semaphore_mem>>) src(%arg9 : memref<125x128xf32, #tpu.memory_space<vmem>>) dst(%dma_wait3A_115 : memref<10240x128xf32, #tpu.memory_space<vmem_shared>>)
        tpu.yield
      }) : () -> ()
      %scan3A_102 = arith.constant 0 : i32
      scf.yield %scan3A_102 : i32
    }
    %scan3A_47 = arith.constant 40 : i32
    %barrier3A_48 = arith.constant 0 : index
    tpu.barrier barrier_id(%barrier3A_48)
    %mul3A_49 = arith.constant 640 : i32
    %mul3A_50 = arith.muli %arg1, %mul3A_49 : i32
    %mul3A_51 = arith.constant 640 : i32
    %mul3A_52 = arith.muli %arg1, %mul3A_51 : i32
    "tpu.region"() ({
      %run_scoped3A_53 = tpu.sem_alloc : memref<!tpu.dma_semaphore, #tpu.memory_space<semaphore_mem>>
      %dma_start3A_54 = arith.constant 0 : i32
      %dma_start3A_55 = tpu.memref_slice %arg5[%arg0, %mul3A_52, %dma_start3A_54] : memref<2x10240x128xf32, #tpu.memory_space<hbm>> -> memref<1x640x128xf32, #tpu.memory_space<hbm>>
      %dma_start3A_56 = tpu.memref_squeeze %dma_start3A_55 : memref<1x640x128xf32, #tpu.memory_space<hbm>> -> memref<640x128xf32, #tpu.memory_space<hbm>>
      %dma_start3A_57 = arith.constant 0 : i32
      %dma_start3A_58 = tpu.memref_slice %arg10[%mul3A_50, %dma_start3A_57] : memref<10240x128xf32, #tpu.memory_space<vmem_shared>> -> memref<640x128xf32, #tpu.memory_space<vmem_shared>>
      tpu.enqueue_dma source(%dma_start3A_58 : memref<640x128xf32, #tpu.memory_space<vmem_shared>>) target(%dma_start3A_56 : memref<640x128xf32, #tpu.memory_space<hbm>>) target_semaphore(%run_scoped3A_53 : memref<!tpu.dma_semaphore, #tpu.memory_space<semaphore_mem>>)
      %dma_wait3A = arith.constant 0 : i32
      %dma_wait3A_59 = tpu.memref_slice %arg5[%arg0, %mul3A_52, %dma_wait3A] : memref<2x10240x128xf32, #tpu.memory_space<hbm>> -> memref<1x640x128xf32, #tpu.memory_space<hbm>>
      %dma_wait3A_60 = tpu.memref_squeeze %dma_wait3A_59 : memref<1x640x128xf32, #tpu.memory_space<hbm>> -> memref<640x128xf32, #tpu.memory_space<hbm>>
      %dma_wait3A_61 = arith.constant 0 : i32
      %dma_wait3A_62 = tpu.memref_slice %arg10[%mul3A_50, %dma_wait3A_61] : memref<10240x128xf32, #tpu.memory_space<vmem_shared>> -> memref<640x128xf32, #tpu.memory_space<vmem_shared>>
      tpu.wait_dma2 semaphore(%run_scoped3A_53 : memref<!tpu.dma_semaphore, #tpu.memory_space<semaphore_mem>>) src(%dma_wait3A_62 : memref<640x128xf32, #tpu.memory_space<vmem_shared>>) dst(%dma_wait3A_60 : memref<640x128xf32, #tpu.memory_space<hbm>>)
      tpu.yield
    }) : () -> ()
    return
  }
}

#map = affine_map<(d0, d1) -> (0, 0)>
#map1 = affine_map<(d0, d1) -> (0, 0, 0)>
module attributes {stable_mosaic.version = 14 : i64} {
  func.func @k(%arg0: i32, %arg1: i32, %arg2: memref<10000x128xf32, #tpu.memory_space<hbm>>, %arg3: memref<32x80x125xi32, #tpu.memory_space<hbm>>, %arg4: memref<32x80x125xi32, #tpu.memory_space<hbm>>, %arg5: memref<2x10240x128xf32, #tpu.memory_space<hbm>>, %arg6: memref<2x125xi32, #tpu.memory_space<vmem>>, %arg7: memref<80x125xi32, #tpu.memory_space<vmem>>, %arg8: memref<128x128xf32, #tpu.memory_space<vmem>>, %arg9: memref<125x128xf32, #tpu.memory_space<vmem>>, %arg10: memref<10240x128xf32, #tpu.memory_space<vmem_shared>>, %arg11: memref<!tpu.dma_semaphore, #tpu.memory_space<semaphore_mem>>) attributes {dimension_semantics = [#tpu.dimension_semantics<core_parallel>, #tpu.dimension_semantics<subcore_parallel>], iteration_bounds = array<i64: 2, 16>, scalar_prefetch = 0 : i64, scratch_operands = 6 : i64, tpu.core_type = #tpu.core_type<sc_vector_subcore>, window_params = [{transform_indices = #map}, {transform_indices = #map1}, {transform_indices = #map1}, {transform_indices = #map1}]} {
    %mul3A = arith.constant 16 : i32
    %mul3A_0 = arith.muli %arg0, %mul3A : i32
    %add3A = arith.addi %mul3A_0, %arg1 : i32
    %scan3A = arith.constant 0 : i32
    %scan3A_1 = arith.constant 0 : i32
    %scan3A_2 = arith.constant 1024 : i32
    %scan3A_3 = arith.addi %scan3A_1, %scan3A_2 : i32
    %scan3A_4 = arith.constant 1 : i32
    %scan3A_5 = scf.for %scan3A_53 = %scan3A_1 to %scan3A_3 step %scan3A_4 iter_args(%scan3A_54 = %scan3A) -> (i32)  : i32 {
      %jit3A = arith.constant 8 : i32
      %div3A = arith.divsi %scan3A_53, %jit3A : i32
      %sign3A = arith.constant 0 : i32
      %sign3A_55 = arith.cmpi sgt, %scan3A_53, %sign3A : i32
      %sign3A_56 = arith.extui %sign3A_55 : i1 to i32
      %sign3A_57 = arith.constant 0 : i32
      %sign3A_58 = arith.cmpi slt, %scan3A_53, %sign3A_57 : i32
      %sign3A_59 = arith.extui %sign3A_58 : i1 to i32
      %sign3A_60 = arith.subi %sign3A_56, %sign3A_59 : i32
      %sign3A_61 = arith.constant 0 : i32
      %sign3A_62 = arith.cmpi sgt, %jit3A, %sign3A_61 : i32
      %sign3A_63 = arith.extui %sign3A_62 : i1 to i32
      %sign3A_64 = arith.constant 0 : i32
      %sign3A_65 = arith.cmpi slt, %jit3A, %sign3A_64 : i32
      %sign3A_66 = arith.extui %sign3A_65 : i1 to i32
      %sign3A_67 = arith.subi %sign3A_63, %sign3A_66 : i32
      %ne3A = arith.cmpi ne, %sign3A_60, %sign3A_67 : i32
      %rem3A = arith.remsi %scan3A_53, %jit3A : i32
      %ne3A_68 = arith.constant 0 : i32
      %ne3A_69 = arith.cmpi ne, %rem3A, %ne3A_68 : i32
      %and3A = arith.andi %ne3A, %ne3A_69 : i1
      %sub3A = arith.constant 1 : i32
      %sub3A_70 = arith.subi %div3A, %sub3A : i32
      %select_n3A = arith.select %and3A, %sub3A_70, %div3A : i32
      %jit3A_71 = arith.constant 8 : i32
      %eq3A = arith.constant 0 : i32
      %eq3A_72 = arith.cmpi eq, %jit3A_71, %eq3A : i32
      %jit3A_73 = arith.constant 1 : i32
      %select_n3A_74 = arith.select %eq3A_72, %jit3A_73, %jit3A_71 : i32
      %rem3A_75 = arith.remsi %scan3A_53, %select_n3A_74 : i32
      %ne3A_76 = arith.constant 0 : i32
      %ne3A_77 = arith.cmpi ne, %rem3A_75, %ne3A_76 : i32
      %lt3A = arith.constant 0 : i32
      %lt3A_78 = arith.cmpi slt, %rem3A_75, %lt3A : i32
      %lt3A_79 = arith.constant 0 : i32
      %lt3A_80 = arith.cmpi slt, %select_n3A_74, %lt3A_79 : i32
      %ne3A_81 = arith.xori %lt3A_78, %lt3A_80 : i1
      %and3A_82 = arith.andi %ne3A_81, %ne3A_77 : i1
      %add3A_83 = arith.addi %rem3A_75, %select_n3A_74 : i32
      %select_n3A_84 = arith.select %and3A_82, %add3A_83, %rem3A_75 : i32
      %mul3A_85 = arith.constant 16 : i32
      %mul3A_86 = arith.muli %select_n3A_84, %mul3A_85 : i32
      %broadcast_in_dim3A = arith.constant 0.000000e+00 : f32
      %broadcast_in_dim3A_87 = vector.broadcast %broadcast_in_dim3A : f32 to vector<16xf32>
      %swap3A = arith.index_cast %select_n3A : i32 to index
      %swap3A_88 = arith.index_cast %mul3A_86 : i32 to index
      %swap3A_89 = tpu.vector_load %arg8[%swap3A, %swap3A_88] {strides = array<i32>} : memref<128x128xf32, #tpu.memory_space<vmem>>, vector<1x16xf32>,
      %swap3A_90 = vector.shape_cast %swap3A_89 : vector<1x16xf32> to vector<16xf32>
      %swap3A_91 = vector.shape_cast %broadcast_in_dim3A_87 : vector<16xf32> to vector<1x16xf32>
      tpu.vector_store %arg8[%swap3A, %swap3A_88], %swap3A_91 {strides = array<i32>} : memref<128x128xf32, #tpu.memory_space<vmem>>, vector<1x16xf32>,
      %scan3A_92 = arith.constant 0 : i32
      scf.yield %scan3A_92 : i32
    }
    %scan3A_6 = arith.constant 1024 : i32
    %mul3A_7 = arith.constant 640 : i32
    %mul3A_8 = arith.muli %arg1, %mul3A_7 : i32
    %add3A_9 = arith.constant 0 : i32
    %add3A_10 = arith.addi %mul3A_8, %add3A_9 : i32
    "tpu.region"() ({
      %run_scoped3A_53 = tpu.sem_alloc : memref<!tpu.dma_semaphore, #tpu.memory_space<semaphore_mem>>
      %dma_start3A_54 = arith.constant 0 : i32
      %dma_start3A_55 = tpu.memref_slice %arg10[%add3A_10, %dma_start3A_54] : memref<10240x128xf32, #tpu.memory_space<vmem_shared>> -> memref<128x128xf32, #tpu.memory_space<vmem_shared>>
      %dma_start3A_56 = arith.constant 0 : i32
      %dma_start3A_57 = tpu.memref_slice %arg10[%add3A_10, %dma_start3A_56] : memref<10240x128xf32, #tpu.memory_space<vmem_shared>> -> memref<128x128xf32, #tpu.memory_space<vmem_shared>>
      tpu.enqueue_dma source(%arg8 : memref<128x128xf32, #tpu.memory_space<vmem>>) target(%dma_start3A_57 : memref<128x128xf32, #tpu.memory_space<vmem_shared>>) target_semaphore(%run_scoped3A_53 : memref<!tpu.dma_semaphore, #tpu.memory_space<semaphore_mem>>)
      %dma_wait3A = arith.constant 0 : i32
      %dma_wait3A_58 = tpu.memref_slice %arg10[%add3A_10, %dma_wait3A] : memref<10240x128xf32, #tpu.memory_space<vmem_shared>> -> memref<128x128xf32, #tpu.memory_space<vmem_shared>>
      %dma_wait3A_59 = arith.constant 0 : i32
      %dma_wait3A_60 = tpu.memref_slice %arg10[%add3A_10, %dma_wait3A_59] : memref<10240x128xf32, #tpu.memory_space<vmem_shared>> -> memref<128x128xf32, #tpu.memory_space<vmem_shared>>
      tpu.wait_dma2 semaphore(%run_scoped3A_53 : memref<!tpu.dma_semaphore, #tpu.memory_space<semaphore_mem>>) src(%arg8 : memref<128x128xf32, #tpu.memory_space<vmem>>) dst(%dma_wait3A_60 : memref<128x128xf32, #tpu.memory_space<vmem_shared>>)
      tpu.yield
    }) : () -> ()
    %mul3A_11 = arith.constant 640 : i32
    %mul3A_12 = arith.muli %arg1, %mul3A_11 : i32
    %add3A_13 = arith.constant 128 : i32
    %add3A_14 = arith.addi %mul3A_12, %add3A_13 : i32
    "tpu.region"() ({
      %run_scoped3A_53 = tpu.sem_alloc : memref<!tpu.dma_semaphore, #tpu.memory_space<semaphore_mem>>
      %dma_start3A_54 = arith.constant 0 : i32
      %dma_start3A_55 = tpu.memref_slice %arg10[%add3A_14, %dma_start3A_54] : memref<10240x128xf32, #tpu.memory_space<vmem_shared>> -> memref<128x128xf32, #tpu.memory_space<vmem_shared>>
      %dma_start3A_56 = arith.constant 0 : i32
      %dma_start3A_57 = tpu.memref_slice %arg10[%add3A_14, %dma_start3A_56] : memref<10240x128xf32, #tpu.memory_space<vmem_shared>> -> memref<128x128xf32, #tpu.memory_space<vmem_shared>>
      tpu.enqueue_dma source(%arg8 : memref<128x128xf32, #tpu.memory_space<vmem>>) target(%dma_start3A_57 : memref<128x128xf32, #tpu.memory_space<vmem_shared>>) target_semaphore(%run_scoped3A_53 : memref<!tpu.dma_semaphore, #tpu.memory_space<semaphore_mem>>)
      %dma_wait3A = arith.constant 0 : i32
      %dma_wait3A_58 = tpu.memref_slice %arg10[%add3A_14, %dma_wait3A] : memref<10240x128xf32, #tpu.memory_space<vmem_shared>> -> memref<128x128xf32, #tpu.memory_space<vmem_shared>>
      %dma_wait3A_59 = arith.constant 0 : i32
      %dma_wait3A_60 = tpu.memref_slice %arg10[%add3A_14, %dma_wait3A_59] : memref<10240x128xf32, #tpu.memory_space<vmem_shared>> -> memref<128x128xf32, #tpu.memory_space<vmem_shared>>
      tpu.wait_dma2 semaphore(%run_scoped3A_53 : memref<!tpu.dma_semaphore, #tpu.memory_space<semaphore_mem>>) src(%arg8 : memref<128x128xf32, #tpu.memory_space<vmem>>) dst(%dma_wait3A_60 : memref<128x128xf32, #tpu.memory_space<vmem_shared>>)
      tpu.yield
    }) : () -> ()
    %mul3A_15 = arith.constant 640 : i32
    %mul3A_16 = arith.muli %arg1, %mul3A_15 : i32
    %add3A_17 = arith.constant 256 : i32
    %add3A_18 = arith.addi %mul3A_16, %add3A_17 : i32
    "tpu.region"() ({
      %run_scoped3A_53 = tpu.sem_alloc : memref<!tpu.dma_semaphore, #tpu.memory_space<semaphore_mem>>
      %dma_start3A_54 = arith.constant 0 : i32
      %dma_start3A_55 = tpu.memref_slice %arg10[%add3A_18, %dma_start3A_54] : memref<10240x128xf32, #tpu.memory_space<vmem_shared>> -> memref<128x128xf32, #tpu.memory_space<vmem_shared>>
      %dma_start3A_56 = arith.constant 0 : i32
      %dma_start3A_57 = tpu.memref_slice %arg10[%add3A_18, %dma_start3A_56] : memref<10240x128xf32, #tpu.memory_space<vmem_shared>> -> memref<128x128xf32, #tpu.memory_space<vmem_shared>>
      tpu.enqueue_dma source(%arg8 : memref<128x128xf32, #tpu.memory_space<vmem>>) target(%dma_start3A_57 : memref<128x128xf32, #tpu.memory_space<vmem_shared>>) target_semaphore(%run_scoped3A_53 : memref<!tpu.dma_semaphore, #tpu.memory_space<semaphore_mem>>)
      %dma_wait3A = arith.constant 0 : i32
      %dma_wait3A_58 = tpu.memref_slice %arg10[%add3A_18, %dma_wait3A] : memref<10240x128xf32, #tpu.memory_space<vmem_shared>> -> memref<128x128xf32, #tpu.memory_space<vmem_shared>>
      %dma_wait3A_59 = arith.constant 0 : i32
      %dma_wait3A_60 = tpu.memref_slice %arg10[%add3A_18, %dma_wait3A_59] : memref<10240x128xf32, #tpu.memory_space<vmem_shared>> -> memref<128x128xf32, #tpu.memory_space<vmem_shared>>
      tpu.wait_dma2 semaphore(%run_scoped3A_53 : memref<!tpu.dma_semaphore, #tpu.memory_space<semaphore_mem>>) src(%arg8 : memref<128x128xf32, #tpu.memory_space<vmem>>) dst(%dma_wait3A_60 : memref<128x128xf32, #tpu.memory_space<vmem_shared>>)
      tpu.yield
    }) : () -> ()
    %mul3A_19 = arith.constant 640 : i32
    %mul3A_20 = arith.muli %arg1, %mul3A_19 : i32
    %add3A_21 = arith.constant 384 : i32
    %add3A_22 = arith.addi %mul3A_20, %add3A_21 : i32
    "tpu.region"() ({
      %run_scoped3A_53 = tpu.sem_alloc : memref<!tpu.dma_semaphore, #tpu.memory_space<semaphore_mem>>
      %dma_start3A_54 = arith.constant 0 : i32
      %dma_start3A_55 = tpu.memref_slice %arg10[%add3A_22, %dma_start3A_54] : memref<10240x128xf32, #tpu.memory_space<vmem_shared>> -> memref<128x128xf32, #tpu.memory_space<vmem_shared>>
      %dma_start3A_56 = arith.constant 0 : i32
      %dma_start3A_57 = tpu.memref_slice %arg10[%add3A_22, %dma_start3A_56] : memref<10240x128xf32, #tpu.memory_space<vmem_shared>> -> memref<128x128xf32, #tpu.memory_space<vmem_shared>>
      tpu.enqueue_dma source(%arg8 : memref<128x128xf32, #tpu.memory_space<vmem>>) target(%dma_start3A_57 : memref<128x128xf32, #tpu.memory_space<vmem_shared>>) target_semaphore(%run_scoped3A_53 : memref<!tpu.dma_semaphore, #tpu.memory_space<semaphore_mem>>)
      %dma_wait3A = arith.constant 0 : i32
      %dma_wait3A_58 = tpu.memref_slice %arg10[%add3A_22, %dma_wait3A] : memref<10240x128xf32, #tpu.memory_space<vmem_shared>> -> memref<128x128xf32, #tpu.memory_space<vmem_shared>>
      %dma_wait3A_59 = arith.constant 0 : i32
      %dma_wait3A_60 = tpu.memref_slice %arg10[%add3A_22, %dma_wait3A_59] : memref<10240x128xf32, #tpu.memory_space<vmem_shared>> -> memref<128x128xf32, #tpu.memory_space<vmem_shared>>
      tpu.wait_dma2 semaphore(%run_scoped3A_53 : memref<!tpu.dma_semaphore, #tpu.memory_space<semaphore_mem>>) src(%arg8 : memref<128x128xf32, #tpu.memory_space<vmem>>) dst(%dma_wait3A_60 : memref<128x128xf32, #tpu.memory_space<vmem_shared>>)
      tpu.yield
    }) : () -> ()
    %mul3A_23 = arith.constant 640 : i32
    %mul3A_24 = arith.muli %arg1, %mul3A_23 : i32
    %add3A_25 = arith.constant 512 : i32
    %add3A_26 = arith.addi %mul3A_24, %add3A_25 : i32
    "tpu.region"() ({
      %run_scoped3A_53 = tpu.sem_alloc : memref<!tpu.dma_semaphore, #tpu.memory_space<semaphore_mem>>
      %dma_start3A_54 = arith.constant 0 : i32
      %dma_start3A_55 = tpu.memref_slice %arg10[%add3A_26, %dma_start3A_54] : memref<10240x128xf32, #tpu.memory_space<vmem_shared>> -> memref<128x128xf32, #tpu.memory_space<vmem_shared>>
      %dma_start3A_56 = arith.constant 0 : i32
      %dma_start3A_57 = tpu.memref_slice %arg10[%add3A_26, %dma_start3A_56] : memref<10240x128xf32, #tpu.memory_space<vmem_shared>> -> memref<128x128xf32, #tpu.memory_space<vmem_shared>>
      tpu.enqueue_dma source(%arg8 : memref<128x128xf32, #tpu.memory_space<vmem>>) target(%dma_start3A_57 : memref<128x128xf32, #tpu.memory_space<vmem_shared>>) target_semaphore(%run_scoped3A_53 : memref<!tpu.dma_semaphore, #tpu.memory_space<semaphore_mem>>)
      %dma_wait3A = arith.constant 0 : i32
      %dma_wait3A_58 = tpu.memref_slice %arg10[%add3A_26, %dma_wait3A] : memref<10240x128xf32, #tpu.memory_space<vmem_shared>> -> memref<128x128xf32, #tpu.memory_space<vmem_shared>>
      %dma_wait3A_59 = arith.constant 0 : i32
      %dma_wait3A_60 = tpu.memref_slice %arg10[%add3A_26, %dma_wait3A_59] : memref<10240x128xf32, #tpu.memory_space<vmem_shared>> -> memref<128x128xf32, #tpu.memory_space<vmem_shared>>
      tpu.wait_dma2 semaphore(%run_scoped3A_53 : memref<!tpu.dma_semaphore, #tpu.memory_space<semaphore_mem>>) src(%arg8 : memref<128x128xf32, #tpu.memory_space<vmem>>) dst(%dma_wait3A_60 : memref<128x128xf32, #tpu.memory_space<vmem_shared>>)
      tpu.yield
    }) : () -> ()
    %barrier3A = arith.constant 0 : index
    tpu.barrier barrier_id(%barrier3A)
    "tpu.region"() ({
      %run_scoped3A_53 = tpu.sem_alloc : memref<!tpu.dma_semaphore, #tpu.memory_space<semaphore_mem>>
      %dma_start3A_54 = arith.constant 0 : i32
      %dma_start3A_55 = arith.constant 0 : i32
      %dma_start3A_56 = tpu.memref_slice %arg4[%add3A, %dma_start3A_54, %dma_start3A_55] : memref<32x80x125xi32, #tpu.memory_space<hbm>> -> memref<1x80x125xi32, #tpu.memory_space<hbm>>
      %dma_start3A_57 = tpu.memref_squeeze %dma_start3A_56 : memref<1x80x125xi32, #tpu.memory_space<hbm>> -> memref<80x125xi32, #tpu.memory_space<hbm>>
      %dma_start3A_58 = arith.constant 0 : i32
      %dma_start3A_59 = arith.constant 0 : i32
      %dma_start3A_60 = tpu.memref_slice %arg4[%add3A, %dma_start3A_58, %dma_start3A_59] : memref<32x80x125xi32, #tpu.memory_space<hbm>> -> memref<1x80x125xi32, #tpu.memory_space<hbm>>
      %dma_start3A_61 = tpu.memref_squeeze %dma_start3A_60 : memref<1x80x125xi32, #tpu.memory_space<hbm>> -> memref<80x125xi32, #tpu.memory_space<hbm>>
      tpu.enqueue_dma source(%dma_start3A_61 : memref<80x125xi32, #tpu.memory_space<hbm>>) target(%arg7 : memref<80x125xi32, #tpu.memory_space<vmem>>) target_semaphore(%run_scoped3A_53 : memref<!tpu.dma_semaphore, #tpu.memory_space<semaphore_mem>>)
      %dma_wait3A = arith.constant 0 : i32
      %dma_wait3A_62 = arith.constant 0 : i32
      %dma_wait3A_63 = tpu.memref_slice %arg4[%add3A, %dma_wait3A, %dma_wait3A_62] : memref<32x80x125xi32, #tpu.memory_space<hbm>> -> memref<1x80x125xi32, #tpu.memory_space<hbm>>
      %dma_wait3A_64 = tpu.memref_squeeze %dma_wait3A_63 : memref<1x80x125xi32, #tpu.memory_space<hbm>> -> memref<80x125xi32, #tpu.memory_space<hbm>>
      %dma_wait3A_65 = arith.constant 0 : i32
      %dma_wait3A_66 = arith.constant 0 : i32
      %dma_wait3A_67 = tpu.memref_slice %arg4[%add3A, %dma_wait3A_65, %dma_wait3A_66] : memref<32x80x125xi32, #tpu.memory_space<hbm>> -> memref<1x80x125xi32, #tpu.memory_space<hbm>>
      %dma_wait3A_68 = tpu.memref_squeeze %dma_wait3A_67 : memref<1x80x125xi32, #tpu.memory_space<hbm>> -> memref<80x125xi32, #tpu.memory_space<hbm>>
      tpu.wait_dma2 semaphore(%run_scoped3A_53 : memref<!tpu.dma_semaphore, #tpu.memory_space<semaphore_mem>>) src(%dma_wait3A_68 : memref<80x125xi32, #tpu.memory_space<hbm>>) dst(%arg7 : memref<80x125xi32, #tpu.memory_space<vmem>>)
      tpu.yield
    }) : () -> ()
    %run_scoped3A = arith.constant 0 : i32
    %run_scoped3A_27 = arith.constant 0 : i32
    "tpu.region"() ({
      %run_scoped3A_53 = tpu.sem_alloc : memref<!tpu.dma_semaphore, #tpu.memory_space<semaphore_mem>>
      %dma_start3A_54 = arith.constant 0 : i32
      %dma_start3A_55 = tpu.memref_slice %arg6[%run_scoped3A_27, %dma_start3A_54] : memref<2x125xi32, #tpu.memory_space<vmem>> -> memref<1x125xi32, #tpu.memory_space<vmem>>
      %dma_start3A_56 = tpu.memref_squeeze %dma_start3A_55 : memref<1x125xi32, #tpu.memory_space<vmem>> -> memref<125xi32, #tpu.memory_space<vmem>>
      %dma_start3A_57 = arith.constant 0 : i32
      %dma_start3A_58 = tpu.memref_slice %arg3[%add3A, %run_scoped3A, %dma_start3A_57] : memref<32x80x125xi32, #tpu.memory_space<hbm>> -> memref<1x1x125xi32, #tpu.memory_space<hbm>>
      %dma_start3A_59 = tpu.memref_squeeze %dma_start3A_58 : memref<1x1x125xi32, #tpu.memory_space<hbm>> -> memref<125xi32, #tpu.memory_space<hbm>>
      %dma_start3A_60 = arith.constant 0 : i32
      %dma_start3A_61 = tpu.memref_slice %arg6[%run_scoped3A_27, %dma_start3A_60] : memref<2x125xi32, #tpu.memory_space<vmem>> -> memref<1x125xi32, #tpu.memory_space<vmem>>
      %dma_start3A_62 = tpu.memref_squeeze %dma_start3A_61 : memref<1x125xi32, #tpu.memory_space<vmem>> -> memref<125xi32, #tpu.memory_space<vmem>>
      %dma_start3A_63 = arith.constant 0 : i32
      %dma_start3A_64 = tpu.memref_slice %arg3[%add3A, %run_scoped3A, %dma_start3A_63] : memref<32x80x125xi32, #tpu.memory_space<hbm>> -> memref<1x1x125xi32, #tpu.memory_space<hbm>>
      %dma_start3A_65 = tpu.memref_squeeze %dma_start3A_64 : memref<1x1x125xi32, #tpu.memory_space<hbm>> -> memref<125xi32, #tpu.memory_space<hbm>>
      tpu.enqueue_dma source(%dma_start3A_65 : memref<125xi32, #tpu.memory_space<hbm>>) target(%dma_start3A_62 : memref<125xi32, #tpu.memory_space<vmem>>) target_semaphore(%run_scoped3A_53 : memref<!tpu.dma_semaphore, #tpu.memory_space<semaphore_mem>>)
      %dma_wait3A = arith.constant 0 : i32
      %dma_wait3A_66 = tpu.memref_slice %arg6[%run_scoped3A_27, %dma_wait3A] : memref<2x125xi32, #tpu.memory_space<vmem>> -> memref<1x125xi32, #tpu.memory_space<vmem>>
      %dma_wait3A_67 = tpu.memref_squeeze %dma_wait3A_66 : memref<1x125xi32, #tpu.memory_space<vmem>> -> memref<125xi32, #tpu.memory_space<vmem>>
      %dma_wait3A_68 = arith.constant 0 : i32
      %dma_wait3A_69 = tpu.memref_slice %arg3[%add3A, %run_scoped3A, %dma_wait3A_68] : memref<32x80x125xi32, #tpu.memory_space<hbm>> -> memref<1x1x125xi32, #tpu.memory_space<hbm>>
      %dma_wait3A_70 = tpu.memref_squeeze %dma_wait3A_69 : memref<1x1x125xi32, #tpu.memory_space<hbm>> -> memref<125xi32, #tpu.memory_space<hbm>>
      %dma_wait3A_71 = arith.constant 0 : i32
      %dma_wait3A_72 = tpu.memref_slice %arg6[%run_scoped3A_27, %dma_wait3A_71] : memref<2x125xi32, #tpu.memory_space<vmem>> -> memref<1x125xi32, #tpu.memory_space<vmem>>
      %dma_wait3A_73 = tpu.memref_squeeze %dma_wait3A_72 : memref<1x125xi32, #tpu.memory_space<vmem>> -> memref<125xi32, #tpu.memory_space<vmem>>
      %dma_wait3A_74 = arith.constant 0 : i32
      %dma_wait3A_75 = tpu.memref_slice %arg3[%add3A, %run_scoped3A, %dma_wait3A_74] : memref<32x80x125xi32, #tpu.memory_space<hbm>> -> memref<1x1x125xi32, #tpu.memory_space<hbm>>
      %dma_wait3A_76 = tpu.memref_squeeze %dma_wait3A_75 : memref<1x1x125xi32, #tpu.memory_space<hbm>> -> memref<125xi32, #tpu.memory_space<hbm>>
      tpu.wait_dma2 semaphore(%run_scoped3A_53 : memref<!tpu.dma_semaphore, #tpu.memory_space<semaphore_mem>>) src(%dma_wait3A_76 : memref<125xi32, #tpu.memory_space<hbm>>) dst(%dma_wait3A_73 : memref<125xi32, #tpu.memory_space<vmem>>)
      tpu.yield
    }) : () -> ()
    %dma_start3A = arith.constant 0 : i32
    %dma_start3A_28 = arith.constant 0 : i32
    %dma_start3A_29 = arith.constant 0 : i32
    %dma_start3A_30 = tpu.memref_slice %arg8[%dma_start3A_28, %dma_start3A_29] : memref<128x128xf32, #tpu.memory_space<vmem>> -> memref<125x128xf32, #tpu.memory_space<vmem>>
    %dma_start3A_31 = arith.constant 0 : i32
    %dma_start3A_32 = tpu.memref_slice %arg6[%dma_start3A, %dma_start3A_31] : memref<2x125xi32, #tpu.memory_space<vmem>> -> memref<1x125xi32, #tpu.memory_space<vmem>>
    %dma_start3A_33 = tpu.memref_squeeze %dma_start3A_32 : memref<1x125xi32, #tpu.memory_space<vmem>> -> memref<125xi32, #tpu.memory_space<vmem>>
    %dma_start3A_34 = arith.constant 0 : i32
    %dma_start3A_35 = arith.constant 0 : i32
    %dma_start3A_36 = tpu.memref_slice %arg2[%dma_start3A_34, %dma_start3A_35] : memref<10000x128xf32, #tpu.memory_space<hbm>> -> memref<10000x128xf32, #tpu.memory_space<hbm>>
    tpu.enqueue_indirect_dma source(%dma_start3A_36 : memref<10000x128xf32, #tpu.memory_space<hbm>>) target(%dma_start3A_30 : memref<125x128xf32, #tpu.memory_space<vmem>>) offsets(%dma_start3A_33 : memref<125xi32, #tpu.memory_space<vmem>>) semaphore(%arg11 : memref<!tpu.dma_semaphore, #tpu.memory_space<semaphore_mem>>)
    %run_scoped3A_37 = arith.constant 1 : i32
    %run_scoped3A_38 = arith.constant 1 : i32
    "tpu.region"() ({
      %run_scoped3A_53 = tpu.sem_alloc : memref<!tpu.dma_semaphore, #tpu.memory_space<semaphore_mem>>
      %dma_start3A_54 = arith.constant 0 : i32
      %dma_start3A_55 = tpu.memref_slice %arg6[%run_scoped3A_38, %dma_start3A_54] : memref<2x125xi32, #tpu.memory_space<vmem>> -> memref<1x125xi32, #tpu.memory_space<vmem>>
      %dma_start3A_56 = tpu.memref_squeeze %dma_start3A_55 : memref<1x125xi32, #tpu.memory_space<vmem>> -> memref<125xi32, #tpu.memory_space<vmem>>
      %dma_start3A_57 = arith.constant 0 : i32
      %dma_start3A_58 = tpu.memref_slice %arg3[%add3A, %run_scoped3A_37, %dma_start3A_57] : memref<32x80x125xi32, #tpu.memory_space<hbm>> -> memref<1x1x125xi32, #tpu.memory_space<hbm>>
      %dma_start3A_59 = tpu.memref_squeeze %dma_start3A_58 : memref<1x1x125xi32, #tpu.memory_space<hbm>> -> memref<125xi32, #tpu.memory_space<hbm>>
      %dma_start3A_60 = arith.constant 0 : i32
      %dma_start3A_61 = tpu.memref_slice %arg6[%run_scoped3A_38, %dma_start3A_60] : memref<2x125xi32, #tpu.memory_space<vmem>> -> memref<1x125xi32, #tpu.memory_space<vmem>>
      %dma_start3A_62 = tpu.memref_squeeze %dma_start3A_61 : memref<1x125xi32, #tpu.memory_space<vmem>> -> memref<125xi32, #tpu.memory_space<vmem>>
      %dma_start3A_63 = arith.constant 0 : i32
      %dma_start3A_64 = tpu.memref_slice %arg3[%add3A, %run_scoped3A_37, %dma_start3A_63] : memref<32x80x125xi32, #tpu.memory_space<hbm>> -> memref<1x1x125xi32, #tpu.memory_space<hbm>>
      %dma_start3A_65 = tpu.memref_squeeze %dma_start3A_64 : memref<1x1x125xi32, #tpu.memory_space<hbm>> -> memref<125xi32, #tpu.memory_space<hbm>>
      tpu.enqueue_dma source(%dma_start3A_65 : memref<125xi32, #tpu.memory_space<hbm>>) target(%dma_start3A_62 : memref<125xi32, #tpu.memory_space<vmem>>) target_semaphore(%run_scoped3A_53 : memref<!tpu.dma_semaphore, #tpu.memory_space<semaphore_mem>>)
      %dma_wait3A = arith.constant 0 : i32
      %dma_wait3A_66 = tpu.memref_slice %arg6[%run_scoped3A_38, %dma_wait3A] : memref<2x125xi32, #tpu.memory_space<vmem>> -> memref<1x125xi32, #tpu.memory_space<vmem>>
      %dma_wait3A_67 = tpu.memref_squeeze %dma_wait3A_66 : memref<1x125xi32, #tpu.memory_space<vmem>> -> memref<125xi32, #tpu.memory_space<vmem>>
      %dma_wait3A_68 = arith.constant 0 : i32
      %dma_wait3A_69 = tpu.memref_slice %arg3[%add3A, %run_scoped3A_37, %dma_wait3A_68] : memref<32x80x125xi32, #tpu.memory_space<hbm>> -> memref<1x1x125xi32, #tpu.memory_space<hbm>>
      %dma_wait3A_70 = tpu.memref_squeeze %dma_wait3A_69 : memref<1x1x125xi32, #tpu.memory_space<hbm>> -> memref<125xi32, #tpu.memory_space<hbm>>
      %dma_wait3A_71 = arith.constant 0 : i32
      %dma_wait3A_72 = tpu.memref_slice %arg6[%run_scoped3A_38, %dma_wait3A_71] : memref<2x125xi32, #tpu.memory_space<vmem>> -> memref<1x125xi32, #tpu.memory_space<vmem>>
      %dma_wait3A_73 = tpu.memref_squeeze %dma_wait3A_72 : memref<1x125xi32, #tpu.memory_space<vmem>> -> memref<125xi32, #tpu.memory_space<vmem>>
      %dma_wait3A_74 = arith.constant 0 : i32
      %dma_wait3A_75 = tpu.memref_slice %arg3[%add3A, %run_scoped3A_37, %dma_wait3A_74] : memref<32x80x125xi32, #tpu.memory_space<hbm>> -> memref<1x1x125xi32, #tpu.memory_space<hbm>>
      %dma_wait3A_76 = tpu.memref_squeeze %dma_wait3A_75 : memref<1x1x125xi32, #tpu.memory_space<hbm>> -> memref<125xi32, #tpu.memory_space<hbm>>
      tpu.wait_dma2 semaphore(%run_scoped3A_53 : memref<!tpu.dma_semaphore, #tpu.memory_space<semaphore_mem>>) src(%dma_wait3A_76 : memref<125xi32, #tpu.memory_space<hbm>>) dst(%dma_wait3A_73 : memref<125xi32, #tpu.memory_space<vmem>>)
      tpu.yield
    }) : () -> ()
    %scan3A_39 = arith.constant 0 : i32
    %scan3A_40 = arith.constant 1 : i32
    %scan3A_41 = arith.constant 0 : i32
    %scan3A_42 = arith.constant 0 : i32
    %scan3A_43 = arith.constant 40 : i32
    %scan3A_44 = arith.addi %scan3A_42, %scan3A_43 : i32
    %scan3A_45 = arith.constant 1 : i32
    %scan3A_46 = scf.for %scan3A_53 = %scan3A_42 to %scan3A_44 step %scan3A_45 iter_args(%scan3A_54 = %scan3A_41) -> (i32)  : i32 {
      %mul3A_55 = arith.constant 2 : i32
      %mul3A_56 = arith.muli %mul3A_55, %scan3A_53 : i32
      %add3A_57 = arith.constant 0 : i32
      %add3A_58 = arith.addi %mul3A_56, %add3A_57 : i32
      %dma_wait3A = arith.constant 0 : i32
      %dma_wait3A_59 = arith.constant 0 : i32
      %dma_wait3A_60 = tpu.memref_slice %arg8[%dma_wait3A, %dma_wait3A_59] : memref<128x128xf32, #tpu.memory_space<vmem>> -> memref<125x128xf32, #tpu.memory_space<vmem>>
      %dma_wait3A_61 = arith.constant 0 : i32
      %dma_wait3A_62 = tpu.memref_slice %arg6[%scan3A_39, %dma_wait3A_61] : memref<2x125xi32, #tpu.memory_space<vmem>> -> memref<1x125xi32, #tpu.memory_space<vmem>>
      %dma_wait3A_63 = tpu.memref_squeeze %dma_wait3A_62 : memref<1x125xi32, #tpu.memory_space<vmem>> -> memref<125xi32, #tpu.memory_space<vmem>>
      %dma_wait3A_64 = arith.constant 0 : i32
      %dma_wait3A_65 = arith.constant 0 : i32
      %dma_wait3A_66 = tpu.memref_slice %arg2[%dma_wait3A_64, %dma_wait3A_65] : memref<10000x128xf32, #tpu.memory_space<hbm>> -> memref<10000x128xf32, #tpu.memory_space<hbm>>
      tpu.wait_indirect_dma semaphore(%arg11 : memref<!tpu.dma_semaphore, #tpu.memory_space<semaphore_mem>>) src(%dma_wait3A_66 : memref<10000x128xf32, #tpu.memory_space<hbm>>) dst(%dma_wait3A_60 : memref<125x128xf32, #tpu.memory_space<vmem>>)
      %add3A_67 = arith.constant 1 : i32
      %add3A_68 = arith.addi %add3A_58, %add3A_67 : i32
      %lt3A = arith.constant 80 : i32
      %lt3A_69 = arith.cmpi slt, %add3A_68, %lt3A : i32
      %convert_element_type3A = arith.extui %lt3A_69 : i1 to i32
      %cond3A = arith.constant 0 : i32
      %cond3A_70 = arith.cmpi ne, %convert_element_type3A, %cond3A : i32
      scf.if %cond3A_70 {
        %dma_start3A_103 = arith.constant 0 : i32
        %dma_start3A_104 = tpu.memref_slice %arg6[%scan3A_40, %dma_start3A_103] : memref<2x125xi32, #tpu.memory_space<vmem>> -> memref<1x125xi32, #tpu.memory_space<vmem>>
        %dma_start3A_105 = tpu.memref_squeeze %dma_start3A_104 : memref<1x125xi32, #tpu.memory_space<vmem>> -> memref<125xi32, #tpu.memory_space<vmem>>
        %dma_start3A_106 = arith.constant 0 : i32
        %dma_start3A_107 = arith.constant 0 : i32
        %dma_start3A_108 = tpu.memref_slice %arg2[%dma_start3A_106, %dma_start3A_107] : memref<10000x128xf32, #tpu.memory_space<hbm>> -> memref<10000x128xf32, #tpu.memory_space<hbm>>
        tpu.enqueue_indirect_dma source(%dma_start3A_108 : memref<10000x128xf32, #tpu.memory_space<hbm>>) target(%arg9 : memref<125x128xf32, #tpu.memory_space<vmem>>) offsets(%dma_start3A_105 : memref<125xi32, #tpu.memory_space<vmem>>) semaphore(%arg11 : memref<!tpu.dma_semaphore, #tpu.memory_space<semaphore_mem>>)
      } else {
      }
      %add3A_71 = arith.constant 2 : i32
      %add3A_72 = arith.addi %add3A_58, %add3A_71 : i32
      %lt3A_73 = arith.constant 80 : i32
      %lt3A_74 = arith.cmpi slt, %add3A_72, %lt3A_73 : i32
      %convert_element_type3A_75 = arith.extui %lt3A_74 : i1 to i32
      %cond3A_76 = arith.constant 0 : i32
      %cond3A_77 = arith.cmpi ne, %convert_element_type3A_75, %cond3A_76 : i32
      scf.if %cond3A_77 {
        %add3A_103 = arith.constant 2 : i32
        %add3A_104 = arith.addi %add3A_58, %add3A_103 : i32
        %min3A = arith.constant 79 : i32
        %min3A_105 = arith.minsi %add3A_104, %min3A : i32
        "tpu.region"() ({
          %run_scoped3A_106 = tpu.sem_alloc : memref<!tpu.dma_semaphore, #tpu.memory_space<semaphore_mem>>
          %dma_start3A_107 = arith.constant 0 : i32
          %dma_start3A_108 = tpu.memref_slice %arg6[%scan3A_39, %dma_start3A_107] : memref<2x125xi32, #tpu.memory_space<vmem>> -> memref<1x125xi32, #tpu.memory_space<vmem>>
          %dma_start3A_109 = tpu.memref_squeeze %dma_start3A_108 : memref<1x125xi32, #tpu.memory_space<vmem>> -> memref<125xi32, #tpu.memory_space<vmem>>
          %dma_start3A_110 = arith.constant 0 : i32
          %dma_start3A_111 = tpu.memref_slice %arg3[%add3A, %min3A_105, %dma_start3A_110] : memref<32x80x125xi32, #tpu.memory_space<hbm>> -> memref<1x1x125xi32, #tpu.memory_space<hbm>>
          %dma_start3A_112 = tpu.memref_squeeze %dma_start3A_111 : memref<1x1x125xi32, #tpu.memory_space<hbm>> -> memref<125xi32, #tpu.memory_space<hbm>>
          %dma_start3A_113 = arith.constant 0 : i32
          %dma_start3A_114 = tpu.memref_slice %arg6[%scan3A_39, %dma_start3A_113] : memref<2x125xi32, #tpu.memory_space<vmem>> -> memref<1x125xi32, #tpu.memory_space<vmem>>
          %dma_start3A_115 = tpu.memref_squeeze %dma_start3A_114 : memref<1x125xi32, #tpu.memory_space<vmem>> -> memref<125xi32, #tpu.memory_space<vmem>>
          %dma_start3A_116 = arith.constant 0 : i32
          %dma_start3A_117 = tpu.memref_slice %arg3[%add3A, %min3A_105, %dma_start3A_116] : memref<32x80x125xi32, #tpu.memory_space<hbm>> -> memref<1x1x125xi32, #tpu.memory_space<hbm>>
          %dma_start3A_118 = tpu.memref_squeeze %dma_start3A_117 : memref<1x1x125xi32, #tpu.memory_space<hbm>> -> memref<125xi32, #tpu.memory_space<hbm>>
          tpu.enqueue_dma source(%dma_start3A_118 : memref<125xi32, #tpu.memory_space<hbm>>) target(%dma_start3A_115 : memref<125xi32, #tpu.memory_space<vmem>>) target_semaphore(%run_scoped3A_106 : memref<!tpu.dma_semaphore, #tpu.memory_space<semaphore_mem>>)
          %dma_wait3A_119 = arith.constant 0 : i32
          %dma_wait3A_120 = tpu.memref_slice %arg6[%scan3A_39, %dma_wait3A_119] : memref<2x125xi32, #tpu.memory_space<vmem>> -> memref<1x125xi32, #tpu.memory_space<vmem>>
          %dma_wait3A_121 = tpu.memref_squeeze %dma_wait3A_120 : memref<1x125xi32, #tpu.memory_space<vmem>> -> memref<125xi32, #tpu.memory_space<vmem>>
          %dma_wait3A_122 = arith.constant 0 : i32
          %dma_wait3A_123 = tpu.memref_slice %arg3[%add3A, %min3A_105, %dma_wait3A_122] : memref<32x80x125xi32, #tpu.memory_space<hbm>> -> memref<1x1x125xi32, #tpu.memory_space<hbm>>
          %dma_wait3A_124 = tpu.memref_squeeze %dma_wait3A_123 : memref<1x1x125xi32, #tpu.memory_space<hbm>> -> memref<125xi32, #tpu.memory_space<hbm>>
          %dma_wait3A_125 = arith.constant 0 : i32
          %dma_wait3A_126 = tpu.memref_slice %arg6[%scan3A_39, %dma_wait3A_125] : memref<2x125xi32, #tpu.memory_space<vmem>> -> memref<1x125xi32, #tpu.memory_space<vmem>>
          %dma_wait3A_127 = tpu.memref_squeeze %dma_wait3A_126 : memref<1x125xi32, #tpu.memory_space<vmem>> -> memref<125xi32, #tpu.memory_space<vmem>>
          %dma_wait3A_128 = arith.constant 0 : i32
          %dma_wait3A_129 = tpu.memref_slice %arg3[%add3A, %min3A_105, %dma_wait3A_128] : memref<32x80x125xi32, #tpu.memory_space<hbm>> -> memref<1x1x125xi32, #tpu.memory_space<hbm>>
          %dma_wait3A_130 = tpu.memref_squeeze %dma_wait3A_129 : memref<1x1x125xi32, #tpu.memory_space<hbm>> -> memref<125xi32, #tpu.memory_space<hbm>>
          tpu.wait_dma2 semaphore(%run_scoped3A_106 : memref<!tpu.dma_semaphore, #tpu.memory_space<semaphore_mem>>) src(%dma_wait3A_130 : memref<125xi32, #tpu.memory_space<hbm>>) dst(%dma_wait3A_127 : memref<125xi32, #tpu.memory_space<vmem>>)
          tpu.yield
        }) : () -> ()
      } else {
      }
      "tpu.region"() ({
        %run_scoped3A_103 = tpu.sem_alloc : memref<!tpu.dma_semaphore, #tpu.memory_space<semaphore_mem>>
        %dma_start3A_104 = arith.constant 0 : i32
        %dma_start3A_105 = arith.constant 0 : i32
        %dma_start3A_106 = tpu.memref_slice %arg8[%dma_start3A_104, %dma_start3A_105] : memref<128x128xf32, #tpu.memory_space<vmem>> -> memref<125x128xf32, #tpu.memory_space<vmem>>
        %dma_start3A_107 = arith.constant 0 : i32
        %dma_start3A_108 = tpu.memref_slice %arg7[%add3A_58, %dma_start3A_107] : memref<80x125xi32, #tpu.memory_space<vmem>> -> memref<1x125xi32, #tpu.memory_space<vmem>>
        %dma_start3A_109 = tpu.memref_squeeze %dma_start3A_108 : memref<1x125xi32, #tpu.memory_space<vmem>> -> memref<125xi32, #tpu.memory_space<vmem>>
        %dma_start3A_110 = arith.constant 0 : i32
        %dma_start3A_111 = arith.constant 0 : i32
        %dma_start3A_112 = tpu.memref_slice %arg10[%dma_start3A_110, %dma_start3A_111] : memref<10240x128xf32, #tpu.memory_space<vmem_shared>> -> memref<10240x128xf32, #tpu.memory_space<vmem_shared>>
        tpu.enqueue_indirect_dma source(%dma_start3A_106 : memref<125x128xf32, #tpu.memory_space<vmem>>) target(%dma_start3A_112 : memref<10240x128xf32, #tpu.memory_space<vmem_shared>>) offsets(%dma_start3A_109 : memref<125xi32, #tpu.memory_space<vmem>>) semaphore(%run_scoped3A_103 : memref<!tpu.dma_semaphore, #tpu.memory_space<semaphore_mem>>) {add = true}
        %dma_wait3A_113 = arith.constant 0 : i32
        %dma_wait3A_114 = arith.constant 0 : i32
        %dma_wait3A_115 = tpu.memref_slice %arg8[%dma_wait3A_113, %dma_wait3A_114] : memref<128x128xf32, #tpu.memory_space<vmem>> -> memref<125x128xf32, #tpu.memory_space<vmem>>
        %dma_wait3A_116 = arith.constant 0 : i32
        %dma_wait3A_117 = tpu.memref_slice %arg7[%add3A_58, %dma_wait3A_116] : memref<80x125xi32, #tpu.memory_space<vmem>> -> memref<1x125xi32, #tpu.memory_space<vmem>>
        %dma_wait3A_118 = tpu.memref_squeeze %dma_wait3A_117 : memref<1x125xi32, #tpu.memory_space<vmem>> -> memref<125xi32, #tpu.memory_space<vmem>>
        %dma_wait3A_119 = arith.constant 0 : i32
        %dma_wait3A_120 = arith.constant 0 : i32
        %dma_wait3A_121 = tpu.memref_slice %arg10[%dma_wait3A_119, %dma_wait3A_120] : memref<10240x128xf32, #tpu.memory_space<vmem_shared>> -> memref<10240x128xf32, #tpu.memory_space<vmem_shared>>
        tpu.wait_indirect_dma semaphore(%run_scoped3A_103 : memref<!tpu.dma_semaphore, #tpu.memory_space<semaphore_mem>>) src(%dma_wait3A_115 : memref<125x128xf32, #tpu.memory_space<vmem>>) dst(%dma_wait3A_121 : memref<10240x128xf32, #tpu.memory_space<vmem_shared>>)
        tpu.yield
      }) : () -> ()
      %mul3A_78 = arith.constant 2 : i32
      %mul3A_79 = arith.muli %mul3A_78, %scan3A_53 : i32
      %add3A_80 = arith.constant 1 : i32
      %add3A_81 = arith.addi %mul3A_79, %add3A_80 : i32
      %dma_wait3A_82 = arith.constant 0 : i32
      %dma_wait3A_83 = tpu.memref_slice %arg6[%scan3A_40, %dma_wait3A_82] : memref<2x125xi32, #tpu.memory_space<vmem>> -> memref<1x125xi32, #tpu.memory_space<vmem>>
      %dma_wait3A_84 = tpu.memref_squeeze %dma_wait3A_83 : memref<1x125xi32, #tpu.memory_space<vmem>> -> memref<125xi32, #tpu.memory_space<vmem>>
      %dma_wait3A_85 = arith.constant 0 : i32
      %dma_wait3A_86 = arith.constant 0 : i32
      %dma_wait3A_87 = tpu.memref_slice %arg2[%dma_wait3A_85, %dma_wait3A_86] : memref<10000x128xf32, #tpu.memory_space<hbm>> -> memref<10000x128xf32, #tpu.memory_space<hbm>>
      tpu.wait_indirect_dma semaphore(%arg11 : memref<!tpu.dma_semaphore, #tpu.memory_space<semaphore_mem>>) src(%dma_wait3A_87 : memref<10000x128xf32, #tpu.memory_space<hbm>>) dst(%arg9 : memref<125x128xf32, #tpu.memory_space<vmem>>)
      %add3A_88 = arith.constant 1 : i32
      %add3A_89 = arith.addi %add3A_81, %add3A_88 : i32
      %lt3A_90 = arith.constant 80 : i32
      %lt3A_91 = arith.cmpi slt, %add3A_89, %lt3A_90 : i32
      %convert_element_type3A_92 = arith.extui %lt3A_91 : i1 to i32
      %cond3A_93 = arith.constant 0 : i32
      %cond3A_94 = arith.cmpi ne, %convert_element_type3A_92, %cond3A_93 : i32
      scf.if %cond3A_94 {
        %dma_start3A_103 = arith.constant 0 : i32
        %dma_start3A_104 = arith.constant 0 : i32
        %dma_start3A_105 = tpu.memref_slice %arg8[%dma_start3A_103, %dma_start3A_104] : memref<128x128xf32, #tpu.memory_space<vmem>> -> memref<125x128xf32, #tpu.memory_space<vmem>>
        %dma_start3A_106 = arith.constant 0 : i32
        %dma_start3A_107 = tpu.memref_slice %arg6[%scan3A_39, %dma_start3A_106] : memref<2x125xi32, #tpu.memory_space<vmem>> -> memref<1x125xi32, #tpu.memory_space<vmem>>
        %dma_start3A_108 = tpu.memref_squeeze %dma_start3A_107 : memref<1x125xi32, #tpu.memory_space<vmem>> -> memref<125xi32, #tpu.memory_space<vmem>>
        %dma_start3A_109 = arith.constant 0 : i32
        %dma_start3A_110 = arith.constant 0 : i32
        %dma_start3A_111 = tpu.memref_slice %arg2[%dma_start3A_109, %dma_start3A_110] : memref<10000x128xf32, #tpu.memory_space<hbm>> -> memref<10000x128xf32, #tpu.memory_space<hbm>>
        tpu.enqueue_indirect_dma source(%dma_start3A_111 : memref<10000x128xf32, #tpu.memory_space<hbm>>) target(%dma_start3A_105 : memref<125x128xf32, #tpu.memory_space<vmem>>) offsets(%dma_start3A_108 : memref<125xi32, #tpu.memory_space<vmem>>) semaphore(%arg11 : memref<!tpu.dma_semaphore, #tpu.memory_space<semaphore_mem>>)
      } else {
      }
      %add3A_95 = arith.constant 2 : i32
      %add3A_96 = arith.addi %add3A_81, %add3A_95 : i32
      %lt3A_97 = arith.constant 80 : i32
      %lt3A_98 = arith.cmpi slt, %add3A_96, %lt3A_97 : i32
      %convert_element_type3A_99 = arith.extui %lt3A_98 : i1 to i32
      %cond3A_100 = arith.constant 0 : i32
      %cond3A_101 = arith.cmpi ne, %convert_element_type3A_99, %cond3A_100 : i32
      scf.if %cond3A_101 {
        %add3A_103 = arith.constant 2 : i32
        %add3A_104 = arith.addi %add3A_81, %add3A_103 : i32
        %min3A = arith.constant 79 : i32
        %min3A_105 = arith.minsi %add3A_104, %min3A : i32
        "tpu.region"() ({
          %run_scoped3A_106 = tpu.sem_alloc : memref<!tpu.dma_semaphore, #tpu.memory_space<semaphore_mem>>
          %dma_start3A_107 = arith.constant 0 : i32
          %dma_start3A_108 = tpu.memref_slice %arg6[%scan3A_40, %dma_start3A_107] : memref<2x125xi32, #tpu.memory_space<vmem>> -> memref<1x125xi32, #tpu.memory_space<vmem>>
          %dma_start3A_109 = tpu.memref_squeeze %dma_start3A_108 : memref<1x125xi32, #tpu.memory_space<vmem>> -> memref<125xi32, #tpu.memory_space<vmem>>
          %dma_start3A_110 = arith.constant 0 : i32
          %dma_start3A_111 = tpu.memref_slice %arg3[%add3A, %min3A_105, %dma_start3A_110] : memref<32x80x125xi32, #tpu.memory_space<hbm>> -> memref<1x1x125xi32, #tpu.memory_space<hbm>>
          %dma_start3A_112 = tpu.memref_squeeze %dma_start3A_111 : memref<1x1x125xi32, #tpu.memory_space<hbm>> -> memref<125xi32, #tpu.memory_space<hbm>>
          %dma_start3A_113 = arith.constant 0 : i32
          %dma_start3A_114 = tpu.memref_slice %arg6[%scan3A_40, %dma_start3A_113] : memref<2x125xi32, #tpu.memory_space<vmem>> -> memref<1x125xi32, #tpu.memory_space<vmem>>
          %dma_start3A_115 = tpu.memref_squeeze %dma_start3A_114 : memref<1x125xi32, #tpu.memory_space<vmem>> -> memref<125xi32, #tpu.memory_space<vmem>>
          %dma_start3A_116 = arith.constant 0 : i32
          %dma_start3A_117 = tpu.memref_slice %arg3[%add3A, %min3A_105, %dma_start3A_116] : memref<32x80x125xi32, #tpu.memory_space<hbm>> -> memref<1x1x125xi32, #tpu.memory_space<hbm>>
          %dma_start3A_118 = tpu.memref_squeeze %dma_start3A_117 : memref<1x1x125xi32, #tpu.memory_space<hbm>> -> memref<125xi32, #tpu.memory_space<hbm>>
          tpu.enqueue_dma source(%dma_start3A_118 : memref<125xi32, #tpu.memory_space<hbm>>) target(%dma_start3A_115 : memref<125xi32, #tpu.memory_space<vmem>>) target_semaphore(%run_scoped3A_106 : memref<!tpu.dma_semaphore, #tpu.memory_space<semaphore_mem>>)
          %dma_wait3A_119 = arith.constant 0 : i32
          %dma_wait3A_120 = tpu.memref_slice %arg6[%scan3A_40, %dma_wait3A_119] : memref<2x125xi32, #tpu.memory_space<vmem>> -> memref<1x125xi32, #tpu.memory_space<vmem>>
          %dma_wait3A_121 = tpu.memref_squeeze %dma_wait3A_120 : memref<1x125xi32, #tpu.memory_space<vmem>> -> memref<125xi32, #tpu.memory_space<vmem>>
          %dma_wait3A_122 = arith.constant 0 : i32
          %dma_wait3A_123 = tpu.memref_slice %arg3[%add3A, %min3A_105, %dma_wait3A_122] : memref<32x80x125xi32, #tpu.memory_space<hbm>> -> memref<1x1x125xi32, #tpu.memory_space<hbm>>
          %dma_wait3A_124 = tpu.memref_squeeze %dma_wait3A_123 : memref<1x1x125xi32, #tpu.memory_space<hbm>> -> memref<125xi32, #tpu.memory_space<hbm>>
          %dma_wait3A_125 = arith.constant 0 : i32
          %dma_wait3A_126 = tpu.memref_slice %arg6[%scan3A_40, %dma_wait3A_125] : memref<2x125xi32, #tpu.memory_space<vmem>> -> memref<1x125xi32, #tpu.memory_space<vmem>>
          %dma_wait3A_127 = tpu.memref_squeeze %dma_wait3A_126 : memref<1x125xi32, #tpu.memory_space<vmem>> -> memref<125xi32, #tpu.memory_space<vmem>>
          %dma_wait3A_128 = arith.constant 0 : i32
          %dma_wait3A_129 = tpu.memref_slice %arg3[%add3A, %min3A_105, %dma_wait3A_128] : memref<32x80x125xi32, #tpu.memory_space<hbm>> -> memref<1x1x125xi32, #tpu.memory_space<hbm>>
          %dma_wait3A_130 = tpu.memref_squeeze %dma_wait3A_129 : memref<1x1x125xi32, #tpu.memory_space<hbm>> -> memref<125xi32, #tpu.memory_space<hbm>>
          tpu.wait_dma2 semaphore(%run_scoped3A_106 : memref<!tpu.dma_semaphore, #tpu.memory_space<semaphore_mem>>) src(%dma_wait3A_130 : memref<125xi32, #tpu.memory_space<hbm>>) dst(%dma_wait3A_127 : memref<125xi32, #tpu.memory_space<vmem>>)
          tpu.yield
        }) : () -> ()
      } else {
      }
      "tpu.region"() ({
        %run_scoped3A_103 = tpu.sem_alloc : memref<!tpu.dma_semaphore, #tpu.memory_space<semaphore_mem>>
        %dma_start3A_104 = arith.constant 0 : i32
        %dma_start3A_105 = tpu.memref_slice %arg7[%add3A_81, %dma_start3A_104] : memref<80x125xi32, #tpu.memory_space<vmem>> -> memref<1x125xi32, #tpu.memory_space<vmem>>
        %dma_start3A_106 = tpu.memref_squeeze %dma_start3A_105 : memref<1x125xi32, #tpu.memory_space<vmem>> -> memref<125xi32, #tpu.memory_space<vmem>>
        %dma_start3A_107 = arith.constant 0 : i32
        %dma_start3A_108 = arith.constant 0 : i32
        %dma_start3A_109 = tpu.memref_slice %arg10[%dma_start3A_107, %dma_start3A_108] : memref<10240x128xf32, #tpu.memory_space<vmem_shared>> -> memref<10240x128xf32, #tpu.memory_space<vmem_shared>>
        tpu.enqueue_indirect_dma source(%arg9 : memref<125x128xf32, #tpu.memory_space<vmem>>) target(%dma_start3A_109 : memref<10240x128xf32, #tpu.memory_space<vmem_shared>>) offsets(%dma_start3A_106 : memref<125xi32, #tpu.memory_space<vmem>>) semaphore(%run_scoped3A_103 : memref<!tpu.dma_semaphore, #tpu.memory_space<semaphore_mem>>) {add = true}
        %dma_wait3A_110 = arith.constant 0 : i32
        %dma_wait3A_111 = tpu.memref_slice %arg7[%add3A_81, %dma_wait3A_110] : memref<80x125xi32, #tpu.memory_space<vmem>> -> memref<1x125xi32, #tpu.memory_space<vmem>>
        %dma_wait3A_112 = tpu.memref_squeeze %dma_wait3A_111 : memref<1x125xi32, #tpu.memory_space<vmem>> -> memref<125xi32, #tpu.memory_space<vmem>>
        %dma_wait3A_113 = arith.constant 0 : i32
        %dma_wait3A_114 = arith.constant 0 : i32
        %dma_wait3A_115 = tpu.memref_slice %arg10[%dma_wait3A_113, %dma_wait3A_114] : memref<10240x128xf32, #tpu.memory_space<vmem_shared>> -> memref<10240x128xf32, #tpu.memory_space<vmem_shared>>
        tpu.wait_indirect_dma semaphore(%run_scoped3A_103 : memref<!tpu.dma_semaphore, #tpu.memory_space<semaphore_mem>>) src(%arg9 : memref<125x128xf32, #tpu.memory_space<vmem>>) dst(%dma_wait3A_115 : memref<10240x128xf32, #tpu.memory_space<vmem_shared>>)
        tpu.yield
      }) : () -> ()
      %scan3A_102 = arith.constant 0 : i32
      scf.yield %scan3A_102 : i32
    }
    %scan3A_47 = arith.constant 40 : i32
    %barrier3A_48 = arith.constant 0 : index
    tpu.barrier barrier_id(%barrier3A_48)
    %mul3A_49 = arith.constant 640 : i32
    %mul3A_50 = arith.muli %arg1, %mul3A_49 : i32
    %mul3A_51 = arith.constant 640 : i32
    %mul3A_52 = arith.muli %arg1, %mul3A_51 : i32
    "tpu.region"() ({
      %run_scoped3A_53 = tpu.sem_alloc : memref<!tpu.dma_semaphore, #tpu.memory_space<semaphore_mem>>
      %dma_start3A_54 = arith.constant 0 : i32
      %dma_start3A_55 = tpu.memref_slice %arg5[%arg0, %mul3A_52, %dma_start3A_54] : memref<2x10240x128xf32, #tpu.memory_space<hbm>> -> memref<1x640x128xf32, #tpu.memory_space<hbm>>
      %dma_start3A_56 = tpu.memref_squeeze %dma_start3A_55 : memref<1x640x128xf32, #tpu.memory_space<hbm>> -> memref<640x128xf32, #tpu.memory_space<hbm>>
      %dma_start3A_57 = arith.constant 0 : i32
      %dma_start3A_58 = tpu.memref_slice %arg10[%mul3A_50, %dma_start3A_57] : memref<10240x128xf32, #tpu.memory_space<vmem_shared>> -> memref<640x128xf32, #tpu.memory_space<vmem_shared>>
      tpu.enqueue_dma source(%dma_start3A_58 : memref<640x128xf32, #tpu.memory_space<vmem_shared>>) target(%dma_start3A_56 : memref<640x128xf32, #tpu.memory_space<hbm>>) target_semaphore(%run_scoped3A_53 : memref<!tpu.dma_semaphore, #tpu.memory_space<semaphore_mem>>)
      %dma_wait3A = arith.constant 0 : i32
      %dma_wait3A_59 = tpu.memref_slice %arg5[%arg0, %mul3A_52, %dma_wait3A] : memref<2x10240x128xf32, #tpu.memory_space<hbm>> -> memref<1x640x128xf32, #tpu.memory_space<hbm>>
      %dma_wait3A_60 = tpu.memref_squeeze %dma_wait3A_59 : memref<1x640x128xf32, #tpu.memory_space<hbm>> -> memref<640x128xf32, #tpu.memory_space<hbm>>
      %dma_wait3A_61 = arith.constant 0 : i32
      %dma_wait3A_62 = tpu.memref_slice %arg10[%mul3A_50, %dma_wait3A_61] : memref<10240x128xf32, #tpu.memory_space<vmem_shared>> -> memref<640x128xf32, #tpu.memory_space<vmem_shared>>
      tpu.wait_dma2 semaphore(%run_scoped3A_53 : memref<!tpu.dma_semaphore, #tpu.memory_space<semaphore_mem>>) src(%dma_wait3A_62 : memref<640x128xf32, #tpu.memory_space<vmem_shared>>) dst(%dma_wait3A_60 : memref<640x128xf32, #tpu.memory_space<hbm>>)
      tpu.yield
    }) : () -> ()
    return
  }
}

#map = affine_map<(d0, d1) -> (0, 0)>
#map1 = affine_map<(d0, d1) -> (0, 0, 0)>
module attributes {stable_mosaic.version = 14 : i64} {
  func.func @k(%arg0: i32, %arg1: i32, %arg2: memref<320000x128xf32, #tpu.memory_space<hbm>>, %arg3: memref<32x80x125xi32, #tpu.memory_space<hbm>>, %arg4: memref<32x80x125xi32, #tpu.memory_space<hbm>>, %arg5: memref<2x10240x128xf32, #tpu.memory_space<hbm>>, %arg6: memref<2x125xi32, #tpu.memory_space<vmem>>, %arg7: memref<80x125xi32, #tpu.memory_space<vmem>>, %arg8: memref<128x128xf32, #tpu.memory_space<vmem>>, %arg9: memref<125x128xf32, #tpu.memory_space<vmem>>, %arg10: memref<10240x128xf32, #tpu.memory_space<vmem_shared>>, %arg11: memref<!tpu.dma_semaphore, #tpu.memory_space<semaphore_mem>>) attributes {dimension_semantics = [#tpu.dimension_semantics<core_parallel>, #tpu.dimension_semantics<subcore_parallel>], iteration_bounds = array<i64: 2, 16>, scalar_prefetch = 0 : i64, scratch_operands = 6 : i64, tpu.core_type = #tpu.core_type<sc_vector_subcore>, window_params = [{transform_indices = #map}, {transform_indices = #map1}, {transform_indices = #map1}, {transform_indices = #map1}]} {
    %mul3A = arith.constant 16 : i32
    %mul3A_0 = arith.muli %arg0, %mul3A : i32
    %add3A = arith.addi %mul3A_0, %arg1 : i32
    %scan3A = arith.constant 0 : i32
    %scan3A_1 = arith.constant 0 : i32
    %scan3A_2 = arith.constant 1024 : i32
    %scan3A_3 = arith.addi %scan3A_1, %scan3A_2 : i32
    %scan3A_4 = arith.constant 1 : i32
    %scan3A_5 = scf.for %scan3A_53 = %scan3A_1 to %scan3A_3 step %scan3A_4 iter_args(%scan3A_54 = %scan3A) -> (i32)  : i32 {
      %jit3A = arith.constant 8 : i32
      %div3A = arith.divsi %scan3A_53, %jit3A : i32
      %sign3A = arith.constant 0 : i32
      %sign3A_55 = arith.cmpi sgt, %scan3A_53, %sign3A : i32
      %sign3A_56 = arith.extui %sign3A_55 : i1 to i32
      %sign3A_57 = arith.constant 0 : i32
      %sign3A_58 = arith.cmpi slt, %scan3A_53, %sign3A_57 : i32
      %sign3A_59 = arith.extui %sign3A_58 : i1 to i32
      %sign3A_60 = arith.subi %sign3A_56, %sign3A_59 : i32
      %sign3A_61 = arith.constant 0 : i32
      %sign3A_62 = arith.cmpi sgt, %jit3A, %sign3A_61 : i32
      %sign3A_63 = arith.extui %sign3A_62 : i1 to i32
      %sign3A_64 = arith.constant 0 : i32
      %sign3A_65 = arith.cmpi slt, %jit3A, %sign3A_64 : i32
      %sign3A_66 = arith.extui %sign3A_65 : i1 to i32
      %sign3A_67 = arith.subi %sign3A_63, %sign3A_66 : i32
      %ne3A = arith.cmpi ne, %sign3A_60, %sign3A_67 : i32
      %rem3A = arith.remsi %scan3A_53, %jit3A : i32
      %ne3A_68 = arith.constant 0 : i32
      %ne3A_69 = arith.cmpi ne, %rem3A, %ne3A_68 : i32
      %and3A = arith.andi %ne3A, %ne3A_69 : i1
      %sub3A = arith.constant 1 : i32
      %sub3A_70 = arith.subi %div3A, %sub3A : i32
      %select_n3A = arith.select %and3A, %sub3A_70, %div3A : i32
      %jit3A_71 = arith.constant 8 : i32
      %eq3A = arith.constant 0 : i32
      %eq3A_72 = arith.cmpi eq, %jit3A_71, %eq3A : i32
      %jit3A_73 = arith.constant 1 : i32
      %select_n3A_74 = arith.select %eq3A_72, %jit3A_73, %jit3A_71 : i32
      %rem3A_75 = arith.remsi %scan3A_53, %select_n3A_74 : i32
      %ne3A_76 = arith.constant 0 : i32
      %ne3A_77 = arith.cmpi ne, %rem3A_75, %ne3A_76 : i32
      %lt3A = arith.constant 0 : i32
      %lt3A_78 = arith.cmpi slt, %rem3A_75, %lt3A : i32
      %lt3A_79 = arith.constant 0 : i32
      %lt3A_80 = arith.cmpi slt, %select_n3A_74, %lt3A_79 : i32
      %ne3A_81 = arith.xori %lt3A_78, %lt3A_80 : i1
      %and3A_82 = arith.andi %ne3A_81, %ne3A_77 : i1
      %add3A_83 = arith.addi %rem3A_75, %select_n3A_74 : i32
      %select_n3A_84 = arith.select %and3A_82, %add3A_83, %rem3A_75 : i32
      %mul3A_85 = arith.constant 16 : i32
      %mul3A_86 = arith.muli %select_n3A_84, %mul3A_85 : i32
      %broadcast_in_dim3A = arith.constant 0.000000e+00 : f32
      %broadcast_in_dim3A_87 = vector.broadcast %broadcast_in_dim3A : f32 to vector<16xf32>
      %swap3A = arith.index_cast %select_n3A : i32 to index
      %swap3A_88 = arith.index_cast %mul3A_86 : i32 to index
      %swap3A_89 = tpu.vector_load %arg8[%swap3A, %swap3A_88] {strides = array<i32>} : memref<128x128xf32, #tpu.memory_space<vmem>>, vector<1x16xf32>,
      %swap3A_90 = vector.shape_cast %swap3A_89 : vector<1x16xf32> to vector<16xf32>
      %swap3A_91 = vector.shape_cast %broadcast_in_dim3A_87 : vector<16xf32> to vector<1x16xf32>
      tpu.vector_store %arg8[%swap3A, %swap3A_88], %swap3A_91 {strides = array<i32>} : memref<128x128xf32, #tpu.memory_space<vmem>>, vector<1x16xf32>,
      %scan3A_92 = arith.constant 0 : i32
      scf.yield %scan3A_92 : i32
    }
    %scan3A_6 = arith.constant 1024 : i32
    %mul3A_7 = arith.constant 640 : i32
    %mul3A_8 = arith.muli %arg1, %mul3A_7 : i32
    %add3A_9 = arith.constant 0 : i32
    %add3A_10 = arith.addi %mul3A_8, %add3A_9 : i32
    "tpu.region"() ({
      %run_scoped3A_53 = tpu.sem_alloc : memref<!tpu.dma_semaphore, #tpu.memory_space<semaphore_mem>>
      %dma_start3A_54 = arith.constant 0 : i32
      %dma_start3A_55 = tpu.memref_slice %arg10[%add3A_10, %dma_start3A_54] : memref<10240x128xf32, #tpu.memory_space<vmem_shared>> -> memref<128x128xf32, #tpu.memory_space<vmem_shared>>
      %dma_start3A_56 = arith.constant 0 : i32
      %dma_start3A_57 = tpu.memref_slice %arg10[%add3A_10, %dma_start3A_56] : memref<10240x128xf32, #tpu.memory_space<vmem_shared>> -> memref<128x128xf32, #tpu.memory_space<vmem_shared>>
      tpu.enqueue_dma source(%arg8 : memref<128x128xf32, #tpu.memory_space<vmem>>) target(%dma_start3A_57 : memref<128x128xf32, #tpu.memory_space<vmem_shared>>) target_semaphore(%run_scoped3A_53 : memref<!tpu.dma_semaphore, #tpu.memory_space<semaphore_mem>>)
      %dma_wait3A = arith.constant 0 : i32
      %dma_wait3A_58 = tpu.memref_slice %arg10[%add3A_10, %dma_wait3A] : memref<10240x128xf32, #tpu.memory_space<vmem_shared>> -> memref<128x128xf32, #tpu.memory_space<vmem_shared>>
      %dma_wait3A_59 = arith.constant 0 : i32
      %dma_wait3A_60 = tpu.memref_slice %arg10[%add3A_10, %dma_wait3A_59] : memref<10240x128xf32, #tpu.memory_space<vmem_shared>> -> memref<128x128xf32, #tpu.memory_space<vmem_shared>>
      tpu.wait_dma2 semaphore(%run_scoped3A_53 : memref<!tpu.dma_semaphore, #tpu.memory_space<semaphore_mem>>) src(%arg8 : memref<128x128xf32, #tpu.memory_space<vmem>>) dst(%dma_wait3A_60 : memref<128x128xf32, #tpu.memory_space<vmem_shared>>)
      tpu.yield
    }) : () -> ()
    %mul3A_11 = arith.constant 640 : i32
    %mul3A_12 = arith.muli %arg1, %mul3A_11 : i32
    %add3A_13 = arith.constant 128 : i32
    %add3A_14 = arith.addi %mul3A_12, %add3A_13 : i32
    "tpu.region"() ({
      %run_scoped3A_53 = tpu.sem_alloc : memref<!tpu.dma_semaphore, #tpu.memory_space<semaphore_mem>>
      %dma_start3A_54 = arith.constant 0 : i32
      %dma_start3A_55 = tpu.memref_slice %arg10[%add3A_14, %dma_start3A_54] : memref<10240x128xf32, #tpu.memory_space<vmem_shared>> -> memref<128x128xf32, #tpu.memory_space<vmem_shared>>
      %dma_start3A_56 = arith.constant 0 : i32
      %dma_start3A_57 = tpu.memref_slice %arg10[%add3A_14, %dma_start3A_56] : memref<10240x128xf32, #tpu.memory_space<vmem_shared>> -> memref<128x128xf32, #tpu.memory_space<vmem_shared>>
      tpu.enqueue_dma source(%arg8 : memref<128x128xf32, #tpu.memory_space<vmem>>) target(%dma_start3A_57 : memref<128x128xf32, #tpu.memory_space<vmem_shared>>) target_semaphore(%run_scoped3A_53 : memref<!tpu.dma_semaphore, #tpu.memory_space<semaphore_mem>>)
      %dma_wait3A = arith.constant 0 : i32
      %dma_wait3A_58 = tpu.memref_slice %arg10[%add3A_14, %dma_wait3A] : memref<10240x128xf32, #tpu.memory_space<vmem_shared>> -> memref<128x128xf32, #tpu.memory_space<vmem_shared>>
      %dma_wait3A_59 = arith.constant 0 : i32
      %dma_wait3A_60 = tpu.memref_slice %arg10[%add3A_14, %dma_wait3A_59] : memref<10240x128xf32, #tpu.memory_space<vmem_shared>> -> memref<128x128xf32, #tpu.memory_space<vmem_shared>>
      tpu.wait_dma2 semaphore(%run_scoped3A_53 : memref<!tpu.dma_semaphore, #tpu.memory_space<semaphore_mem>>) src(%arg8 : memref<128x128xf32, #tpu.memory_space<vmem>>) dst(%dma_wait3A_60 : memref<128x128xf32, #tpu.memory_space<vmem_shared>>)
      tpu.yield
    }) : () -> ()
    %mul3A_15 = arith.constant 640 : i32
    %mul3A_16 = arith.muli %arg1, %mul3A_15 : i32
    %add3A_17 = arith.constant 256 : i32
    %add3A_18 = arith.addi %mul3A_16, %add3A_17 : i32
    "tpu.region"() ({
      %run_scoped3A_53 = tpu.sem_alloc : memref<!tpu.dma_semaphore, #tpu.memory_space<semaphore_mem>>
      %dma_start3A_54 = arith.constant 0 : i32
      %dma_start3A_55 = tpu.memref_slice %arg10[%add3A_18, %dma_start3A_54] : memref<10240x128xf32, #tpu.memory_space<vmem_shared>> -> memref<128x128xf32, #tpu.memory_space<vmem_shared>>
      %dma_start3A_56 = arith.constant 0 : i32
      %dma_start3A_57 = tpu.memref_slice %arg10[%add3A_18, %dma_start3A_56] : memref<10240x128xf32, #tpu.memory_space<vmem_shared>> -> memref<128x128xf32, #tpu.memory_space<vmem_shared>>
      tpu.enqueue_dma source(%arg8 : memref<128x128xf32, #tpu.memory_space<vmem>>) target(%dma_start3A_57 : memref<128x128xf32, #tpu.memory_space<vmem_shared>>) target_semaphore(%run_scoped3A_53 : memref<!tpu.dma_semaphore, #tpu.memory_space<semaphore_mem>>)
      %dma_wait3A = arith.constant 0 : i32
      %dma_wait3A_58 = tpu.memref_slice %arg10[%add3A_18, %dma_wait3A] : memref<10240x128xf32, #tpu.memory_space<vmem_shared>> -> memref<128x128xf32, #tpu.memory_space<vmem_shared>>
      %dma_wait3A_59 = arith.constant 0 : i32
      %dma_wait3A_60 = tpu.memref_slice %arg10[%add3A_18, %dma_wait3A_59] : memref<10240x128xf32, #tpu.memory_space<vmem_shared>> -> memref<128x128xf32, #tpu.memory_space<vmem_shared>>
      tpu.wait_dma2 semaphore(%run_scoped3A_53 : memref<!tpu.dma_semaphore, #tpu.memory_space<semaphore_mem>>) src(%arg8 : memref<128x128xf32, #tpu.memory_space<vmem>>) dst(%dma_wait3A_60 : memref<128x128xf32, #tpu.memory_space<vmem_shared>>)
      tpu.yield
    }) : () -> ()
    %mul3A_19 = arith.constant 640 : i32
    %mul3A_20 = arith.muli %arg1, %mul3A_19 : i32
    %add3A_21 = arith.constant 384 : i32
    %add3A_22 = arith.addi %mul3A_20, %add3A_21 : i32
    "tpu.region"() ({
      %run_scoped3A_53 = tpu.sem_alloc : memref<!tpu.dma_semaphore, #tpu.memory_space<semaphore_mem>>
      %dma_start3A_54 = arith.constant 0 : i32
      %dma_start3A_55 = tpu.memref_slice %arg10[%add3A_22, %dma_start3A_54] : memref<10240x128xf32, #tpu.memory_space<vmem_shared>> -> memref<128x128xf32, #tpu.memory_space<vmem_shared>>
      %dma_start3A_56 = arith.constant 0 : i32
      %dma_start3A_57 = tpu.memref_slice %arg10[%add3A_22, %dma_start3A_56] : memref<10240x128xf32, #tpu.memory_space<vmem_shared>> -> memref<128x128xf32, #tpu.memory_space<vmem_shared>>
      tpu.enqueue_dma source(%arg8 : memref<128x128xf32, #tpu.memory_space<vmem>>) target(%dma_start3A_57 : memref<128x128xf32, #tpu.memory_space<vmem_shared>>) target_semaphore(%run_scoped3A_53 : memref<!tpu.dma_semaphore, #tpu.memory_space<semaphore_mem>>)
      %dma_wait3A = arith.constant 0 : i32
      %dma_wait3A_58 = tpu.memref_slice %arg10[%add3A_22, %dma_wait3A] : memref<10240x128xf32, #tpu.memory_space<vmem_shared>> -> memref<128x128xf32, #tpu.memory_space<vmem_shared>>
      %dma_wait3A_59 = arith.constant 0 : i32
      %dma_wait3A_60 = tpu.memref_slice %arg10[%add3A_22, %dma_wait3A_59] : memref<10240x128xf32, #tpu.memory_space<vmem_shared>> -> memref<128x128xf32, #tpu.memory_space<vmem_shared>>
      tpu.wait_dma2 semaphore(%run_scoped3A_53 : memref<!tpu.dma_semaphore, #tpu.memory_space<semaphore_mem>>) src(%arg8 : memref<128x128xf32, #tpu.memory_space<vmem>>) dst(%dma_wait3A_60 : memref<128x128xf32, #tpu.memory_space<vmem_shared>>)
      tpu.yield
    }) : () -> ()
    %mul3A_23 = arith.constant 640 : i32
    %mul3A_24 = arith.muli %arg1, %mul3A_23 : i32
    %add3A_25 = arith.constant 512 : i32
    %add3A_26 = arith.addi %mul3A_24, %add3A_25 : i32
    "tpu.region"() ({
      %run_scoped3A_53 = tpu.sem_alloc : memref<!tpu.dma_semaphore, #tpu.memory_space<semaphore_mem>>
      %dma_start3A_54 = arith.constant 0 : i32
      %dma_start3A_55 = tpu.memref_slice %arg10[%add3A_26, %dma_start3A_54] : memref<10240x128xf32, #tpu.memory_space<vmem_shared>> -> memref<128x128xf32, #tpu.memory_space<vmem_shared>>
      %dma_start3A_56 = arith.constant 0 : i32
      %dma_start3A_57 = tpu.memref_slice %arg10[%add3A_26, %dma_start3A_56] : memref<10240x128xf32, #tpu.memory_space<vmem_shared>> -> memref<128x128xf32, #tpu.memory_space<vmem_shared>>
      tpu.enqueue_dma source(%arg8 : memref<128x128xf32, #tpu.memory_space<vmem>>) target(%dma_start3A_57 : memref<128x128xf32, #tpu.memory_space<vmem_shared>>) target_semaphore(%run_scoped3A_53 : memref<!tpu.dma_semaphore, #tpu.memory_space<semaphore_mem>>)
      %dma_wait3A = arith.constant 0 : i32
      %dma_wait3A_58 = tpu.memref_slice %arg10[%add3A_26, %dma_wait3A] : memref<10240x128xf32, #tpu.memory_space<vmem_shared>> -> memref<128x128xf32, #tpu.memory_space<vmem_shared>>
      %dma_wait3A_59 = arith.constant 0 : i32
      %dma_wait3A_60 = tpu.memref_slice %arg10[%add3A_26, %dma_wait3A_59] : memref<10240x128xf32, #tpu.memory_space<vmem_shared>> -> memref<128x128xf32, #tpu.memory_space<vmem_shared>>
      tpu.wait_dma2 semaphore(%run_scoped3A_53 : memref<!tpu.dma_semaphore, #tpu.memory_space<semaphore_mem>>) src(%arg8 : memref<128x128xf32, #tpu.memory_space<vmem>>) dst(%dma_wait3A_60 : memref<128x128xf32, #tpu.memory_space<vmem_shared>>)
      tpu.yield
    }) : () -> ()
    %barrier3A = arith.constant 0 : index
    tpu.barrier barrier_id(%barrier3A)
    "tpu.region"() ({
      %run_scoped3A_53 = tpu.sem_alloc : memref<!tpu.dma_semaphore, #tpu.memory_space<semaphore_mem>>
      %dma_start3A_54 = arith.constant 0 : i32
      %dma_start3A_55 = arith.constant 0 : i32
      %dma_start3A_56 = tpu.memref_slice %arg4[%add3A, %dma_start3A_54, %dma_start3A_55] : memref<32x80x125xi32, #tpu.memory_space<hbm>> -> memref<1x80x125xi32, #tpu.memory_space<hbm>>
      %dma_start3A_57 = tpu.memref_squeeze %dma_start3A_56 : memref<1x80x125xi32, #tpu.memory_space<hbm>> -> memref<80x125xi32, #tpu.memory_space<hbm>>
      %dma_start3A_58 = arith.constant 0 : i32
      %dma_start3A_59 = arith.constant 0 : i32
      %dma_start3A_60 = tpu.memref_slice %arg4[%add3A, %dma_start3A_58, %dma_start3A_59] : memref<32x80x125xi32, #tpu.memory_space<hbm>> -> memref<1x80x125xi32, #tpu.memory_space<hbm>>
      %dma_start3A_61 = tpu.memref_squeeze %dma_start3A_60 : memref<1x80x125xi32, #tpu.memory_space<hbm>> -> memref<80x125xi32, #tpu.memory_space<hbm>>
      tpu.enqueue_dma source(%dma_start3A_61 : memref<80x125xi32, #tpu.memory_space<hbm>>) target(%arg7 : memref<80x125xi32, #tpu.memory_space<vmem>>) target_semaphore(%run_scoped3A_53 : memref<!tpu.dma_semaphore, #tpu.memory_space<semaphore_mem>>)
      %dma_wait3A = arith.constant 0 : i32
      %dma_wait3A_62 = arith.constant 0 : i32
      %dma_wait3A_63 = tpu.memref_slice %arg4[%add3A, %dma_wait3A, %dma_wait3A_62] : memref<32x80x125xi32, #tpu.memory_space<hbm>> -> memref<1x80x125xi32, #tpu.memory_space<hbm>>
      %dma_wait3A_64 = tpu.memref_squeeze %dma_wait3A_63 : memref<1x80x125xi32, #tpu.memory_space<hbm>> -> memref<80x125xi32, #tpu.memory_space<hbm>>
      %dma_wait3A_65 = arith.constant 0 : i32
      %dma_wait3A_66 = arith.constant 0 : i32
      %dma_wait3A_67 = tpu.memref_slice %arg4[%add3A, %dma_wait3A_65, %dma_wait3A_66] : memref<32x80x125xi32, #tpu.memory_space<hbm>> -> memref<1x80x125xi32, #tpu.memory_space<hbm>>
      %dma_wait3A_68 = tpu.memref_squeeze %dma_wait3A_67 : memref<1x80x125xi32, #tpu.memory_space<hbm>> -> memref<80x125xi32, #tpu.memory_space<hbm>>
      tpu.wait_dma2 semaphore(%run_scoped3A_53 : memref<!tpu.dma_semaphore, #tpu.memory_space<semaphore_mem>>) src(%dma_wait3A_68 : memref<80x125xi32, #tpu.memory_space<hbm>>) dst(%arg7 : memref<80x125xi32, #tpu.memory_space<vmem>>)
      tpu.yield
    }) : () -> ()
    %run_scoped3A = arith.constant 0 : i32
    %run_scoped3A_27 = arith.constant 0 : i32
    "tpu.region"() ({
      %run_scoped3A_53 = tpu.sem_alloc : memref<!tpu.dma_semaphore, #tpu.memory_space<semaphore_mem>>
      %dma_start3A_54 = arith.constant 0 : i32
      %dma_start3A_55 = tpu.memref_slice %arg6[%run_scoped3A_27, %dma_start3A_54] : memref<2x125xi32, #tpu.memory_space<vmem>> -> memref<1x125xi32, #tpu.memory_space<vmem>>
      %dma_start3A_56 = tpu.memref_squeeze %dma_start3A_55 : memref<1x125xi32, #tpu.memory_space<vmem>> -> memref<125xi32, #tpu.memory_space<vmem>>
      %dma_start3A_57 = arith.constant 0 : i32
      %dma_start3A_58 = tpu.memref_slice %arg3[%add3A, %run_scoped3A, %dma_start3A_57] : memref<32x80x125xi32, #tpu.memory_space<hbm>> -> memref<1x1x125xi32, #tpu.memory_space<hbm>>
      %dma_start3A_59 = tpu.memref_squeeze %dma_start3A_58 : memref<1x1x125xi32, #tpu.memory_space<hbm>> -> memref<125xi32, #tpu.memory_space<hbm>>
      %dma_start3A_60 = arith.constant 0 : i32
      %dma_start3A_61 = tpu.memref_slice %arg6[%run_scoped3A_27, %dma_start3A_60] : memref<2x125xi32, #tpu.memory_space<vmem>> -> memref<1x125xi32, #tpu.memory_space<vmem>>
      %dma_start3A_62 = tpu.memref_squeeze %dma_start3A_61 : memref<1x125xi32, #tpu.memory_space<vmem>> -> memref<125xi32, #tpu.memory_space<vmem>>
      %dma_start3A_63 = arith.constant 0 : i32
      %dma_start3A_64 = tpu.memref_slice %arg3[%add3A, %run_scoped3A, %dma_start3A_63] : memref<32x80x125xi32, #tpu.memory_space<hbm>> -> memref<1x1x125xi32, #tpu.memory_space<hbm>>
      %dma_start3A_65 = tpu.memref_squeeze %dma_start3A_64 : memref<1x1x125xi32, #tpu.memory_space<hbm>> -> memref<125xi32, #tpu.memory_space<hbm>>
      tpu.enqueue_dma source(%dma_start3A_65 : memref<125xi32, #tpu.memory_space<hbm>>) target(%dma_start3A_62 : memref<125xi32, #tpu.memory_space<vmem>>) target_semaphore(%run_scoped3A_53 : memref<!tpu.dma_semaphore, #tpu.memory_space<semaphore_mem>>)
      %dma_wait3A = arith.constant 0 : i32
      %dma_wait3A_66 = tpu.memref_slice %arg6[%run_scoped3A_27, %dma_wait3A] : memref<2x125xi32, #tpu.memory_space<vmem>> -> memref<1x125xi32, #tpu.memory_space<vmem>>
      %dma_wait3A_67 = tpu.memref_squeeze %dma_wait3A_66 : memref<1x125xi32, #tpu.memory_space<vmem>> -> memref<125xi32, #tpu.memory_space<vmem>>
      %dma_wait3A_68 = arith.constant 0 : i32
      %dma_wait3A_69 = tpu.memref_slice %arg3[%add3A, %run_scoped3A, %dma_wait3A_68] : memref<32x80x125xi32, #tpu.memory_space<hbm>> -> memref<1x1x125xi32, #tpu.memory_space<hbm>>
      %dma_wait3A_70 = tpu.memref_squeeze %dma_wait3A_69 : memref<1x1x125xi32, #tpu.memory_space<hbm>> -> memref<125xi32, #tpu.memory_space<hbm>>
      %dma_wait3A_71 = arith.constant 0 : i32
      %dma_wait3A_72 = tpu.memref_slice %arg6[%run_scoped3A_27, %dma_wait3A_71] : memref<2x125xi32, #tpu.memory_space<vmem>> -> memref<1x125xi32, #tpu.memory_space<vmem>>
      %dma_wait3A_73 = tpu.memref_squeeze %dma_wait3A_72 : memref<1x125xi32, #tpu.memory_space<vmem>> -> memref<125xi32, #tpu.memory_space<vmem>>
      %dma_wait3A_74 = arith.constant 0 : i32
      %dma_wait3A_75 = tpu.memref_slice %arg3[%add3A, %run_scoped3A, %dma_wait3A_74] : memref<32x80x125xi32, #tpu.memory_space<hbm>> -> memref<1x1x125xi32, #tpu.memory_space<hbm>>
      %dma_wait3A_76 = tpu.memref_squeeze %dma_wait3A_75 : memref<1x1x125xi32, #tpu.memory_space<hbm>> -> memref<125xi32, #tpu.memory_space<hbm>>
      tpu.wait_dma2 semaphore(%run_scoped3A_53 : memref<!tpu.dma_semaphore, #tpu.memory_space<semaphore_mem>>) src(%dma_wait3A_76 : memref<125xi32, #tpu.memory_space<hbm>>) dst(%dma_wait3A_73 : memref<125xi32, #tpu.memory_space<vmem>>)
      tpu.yield
    }) : () -> ()
    %dma_start3A = arith.constant 0 : i32
    %dma_start3A_28 = arith.constant 0 : i32
    %dma_start3A_29 = arith.constant 0 : i32
    %dma_start3A_30 = tpu.memref_slice %arg8[%dma_start3A_28, %dma_start3A_29] : memref<128x128xf32, #tpu.memory_space<vmem>> -> memref<125x128xf32, #tpu.memory_space<vmem>>
    %dma_start3A_31 = arith.constant 0 : i32
    %dma_start3A_32 = tpu.memref_slice %arg6[%dma_start3A, %dma_start3A_31] : memref<2x125xi32, #tpu.memory_space<vmem>> -> memref<1x125xi32, #tpu.memory_space<vmem>>
    %dma_start3A_33 = tpu.memref_squeeze %dma_start3A_32 : memref<1x125xi32, #tpu.memory_space<vmem>> -> memref<125xi32, #tpu.memory_space<vmem>>
    %dma_start3A_34 = arith.constant 0 : i32
    %dma_start3A_35 = arith.constant 0 : i32
    %dma_start3A_36 = tpu.memref_slice %arg2[%dma_start3A_34, %dma_start3A_35] : memref<320000x128xf32, #tpu.memory_space<hbm>> -> memref<320000x128xf32, #tpu.memory_space<hbm>>
    tpu.enqueue_indirect_dma source(%dma_start3A_36 : memref<320000x128xf32, #tpu.memory_space<hbm>>) target(%dma_start3A_30 : memref<125x128xf32, #tpu.memory_space<vmem>>) offsets(%dma_start3A_33 : memref<125xi32, #tpu.memory_space<vmem>>) semaphore(%arg11 : memref<!tpu.dma_semaphore, #tpu.memory_space<semaphore_mem>>)
    %run_scoped3A_37 = arith.constant 1 : i32
    %run_scoped3A_38 = arith.constant 1 : i32
    "tpu.region"() ({
      %run_scoped3A_53 = tpu.sem_alloc : memref<!tpu.dma_semaphore, #tpu.memory_space<semaphore_mem>>
      %dma_start3A_54 = arith.constant 0 : i32
      %dma_start3A_55 = tpu.memref_slice %arg6[%run_scoped3A_38, %dma_start3A_54] : memref<2x125xi32, #tpu.memory_space<vmem>> -> memref<1x125xi32, #tpu.memory_space<vmem>>
      %dma_start3A_56 = tpu.memref_squeeze %dma_start3A_55 : memref<1x125xi32, #tpu.memory_space<vmem>> -> memref<125xi32, #tpu.memory_space<vmem>>
      %dma_start3A_57 = arith.constant 0 : i32
      %dma_start3A_58 = tpu.memref_slice %arg3[%add3A, %run_scoped3A_37, %dma_start3A_57] : memref<32x80x125xi32, #tpu.memory_space<hbm>> -> memref<1x1x125xi32, #tpu.memory_space<hbm>>
      %dma_start3A_59 = tpu.memref_squeeze %dma_start3A_58 : memref<1x1x125xi32, #tpu.memory_space<hbm>> -> memref<125xi32, #tpu.memory_space<hbm>>
      %dma_start3A_60 = arith.constant 0 : i32
      %dma_start3A_61 = tpu.memref_slice %arg6[%run_scoped3A_38, %dma_start3A_60] : memref<2x125xi32, #tpu.memory_space<vmem>> -> memref<1x125xi32, #tpu.memory_space<vmem>>
      %dma_start3A_62 = tpu.memref_squeeze %dma_start3A_61 : memref<1x125xi32, #tpu.memory_space<vmem>> -> memref<125xi32, #tpu.memory_space<vmem>>
      %dma_start3A_63 = arith.constant 0 : i32
      %dma_start3A_64 = tpu.memref_slice %arg3[%add3A, %run_scoped3A_37, %dma_start3A_63] : memref<32x80x125xi32, #tpu.memory_space<hbm>> -> memref<1x1x125xi32, #tpu.memory_space<hbm>>
      %dma_start3A_65 = tpu.memref_squeeze %dma_start3A_64 : memref<1x1x125xi32, #tpu.memory_space<hbm>> -> memref<125xi32, #tpu.memory_space<hbm>>
      tpu.enqueue_dma source(%dma_start3A_65 : memref<125xi32, #tpu.memory_space<hbm>>) target(%dma_start3A_62 : memref<125xi32, #tpu.memory_space<vmem>>) target_semaphore(%run_scoped3A_53 : memref<!tpu.dma_semaphore, #tpu.memory_space<semaphore_mem>>)
      %dma_wait3A = arith.constant 0 : i32
      %dma_wait3A_66 = tpu.memref_slice %arg6[%run_scoped3A_38, %dma_wait3A] : memref<2x125xi32, #tpu.memory_space<vmem>> -> memref<1x125xi32, #tpu.memory_space<vmem>>
      %dma_wait3A_67 = tpu.memref_squeeze %dma_wait3A_66 : memref<1x125xi32, #tpu.memory_space<vmem>> -> memref<125xi32, #tpu.memory_space<vmem>>
      %dma_wait3A_68 = arith.constant 0 : i32
      %dma_wait3A_69 = tpu.memref_slice %arg3[%add3A, %run_scoped3A_37, %dma_wait3A_68] : memref<32x80x125xi32, #tpu.memory_space<hbm>> -> memref<1x1x125xi32, #tpu.memory_space<hbm>>
      %dma_wait3A_70 = tpu.memref_squeeze %dma_wait3A_69 : memref<1x1x125xi32, #tpu.memory_space<hbm>> -> memref<125xi32, #tpu.memory_space<hbm>>
      %dma_wait3A_71 = arith.constant 0 : i32
      %dma_wait3A_72 = tpu.memref_slice %arg6[%run_scoped3A_38, %dma_wait3A_71] : memref<2x125xi32, #tpu.memory_space<vmem>> -> memref<1x125xi32, #tpu.memory_space<vmem>>
      %dma_wait3A_73 = tpu.memref_squeeze %dma_wait3A_72 : memref<1x125xi32, #tpu.memory_space<vmem>> -> memref<125xi32, #tpu.memory_space<vmem>>
      %dma_wait3A_74 = arith.constant 0 : i32
      %dma_wait3A_75 = tpu.memref_slice %arg3[%add3A, %run_scoped3A_37, %dma_wait3A_74] : memref<32x80x125xi32, #tpu.memory_space<hbm>> -> memref<1x1x125xi32, #tpu.memory_space<hbm>>
      %dma_wait3A_76 = tpu.memref_squeeze %dma_wait3A_75 : memref<1x1x125xi32, #tpu.memory_space<hbm>> -> memref<125xi32, #tpu.memory_space<hbm>>
      tpu.wait_dma2 semaphore(%run_scoped3A_53 : memref<!tpu.dma_semaphore, #tpu.memory_space<semaphore_mem>>) src(%dma_wait3A_76 : memref<125xi32, #tpu.memory_space<hbm>>) dst(%dma_wait3A_73 : memref<125xi32, #tpu.memory_space<vmem>>)
      tpu.yield
    }) : () -> ()
    %scan3A_39 = arith.constant 0 : i32
    %scan3A_40 = arith.constant 1 : i32
    %scan3A_41 = arith.constant 0 : i32
    %scan3A_42 = arith.constant 0 : i32
    %scan3A_43 = arith.constant 40 : i32
    %scan3A_44 = arith.addi %scan3A_42, %scan3A_43 : i32
    %scan3A_45 = arith.constant 1 : i32
    %scan3A_46 = scf.for %scan3A_53 = %scan3A_42 to %scan3A_44 step %scan3A_45 iter_args(%scan3A_54 = %scan3A_41) -> (i32)  : i32 {
      %mul3A_55 = arith.constant 2 : i32
      %mul3A_56 = arith.muli %mul3A_55, %scan3A_53 : i32
      %add3A_57 = arith.constant 0 : i32
      %add3A_58 = arith.addi %mul3A_56, %add3A_57 : i32
      %dma_wait3A = arith.constant 0 : i32
      %dma_wait3A_59 = arith.constant 0 : i32
      %dma_wait3A_60 = tpu.memref_slice %arg8[%dma_wait3A, %dma_wait3A_59] : memref<128x128xf32, #tpu.memory_space<vmem>> -> memref<125x128xf32, #tpu.memory_space<vmem>>
      %dma_wait3A_61 = arith.constant 0 : i32
      %dma_wait3A_62 = tpu.memref_slice %arg6[%scan3A_39, %dma_wait3A_61] : memref<2x125xi32, #tpu.memory_space<vmem>> -> memref<1x125xi32, #tpu.memory_space<vmem>>
      %dma_wait3A_63 = tpu.memref_squeeze %dma_wait3A_62 : memref<1x125xi32, #tpu.memory_space<vmem>> -> memref<125xi32, #tpu.memory_space<vmem>>
      %dma_wait3A_64 = arith.constant 0 : i32
      %dma_wait3A_65 = arith.constant 0 : i32
      %dma_wait3A_66 = tpu.memref_slice %arg2[%dma_wait3A_64, %dma_wait3A_65] : memref<320000x128xf32, #tpu.memory_space<hbm>> -> memref<320000x128xf32, #tpu.memory_space<hbm>>
      tpu.wait_indirect_dma semaphore(%arg11 : memref<!tpu.dma_semaphore, #tpu.memory_space<semaphore_mem>>) src(%dma_wait3A_66 : memref<320000x128xf32, #tpu.memory_space<hbm>>) dst(%dma_wait3A_60 : memref<125x128xf32, #tpu.memory_space<vmem>>)
      %add3A_67 = arith.constant 1 : i32
      %add3A_68 = arith.addi %add3A_58, %add3A_67 : i32
      %lt3A = arith.constant 80 : i32
      %lt3A_69 = arith.cmpi slt, %add3A_68, %lt3A : i32
      %convert_element_type3A = arith.extui %lt3A_69 : i1 to i32
      %cond3A = arith.constant 0 : i32
      %cond3A_70 = arith.cmpi ne, %convert_element_type3A, %cond3A : i32
      scf.if %cond3A_70 {
        %dma_start3A_103 = arith.constant 0 : i32
        %dma_start3A_104 = tpu.memref_slice %arg6[%scan3A_40, %dma_start3A_103] : memref<2x125xi32, #tpu.memory_space<vmem>> -> memref<1x125xi32, #tpu.memory_space<vmem>>
        %dma_start3A_105 = tpu.memref_squeeze %dma_start3A_104 : memref<1x125xi32, #tpu.memory_space<vmem>> -> memref<125xi32, #tpu.memory_space<vmem>>
        %dma_start3A_106 = arith.constant 0 : i32
        %dma_start3A_107 = arith.constant 0 : i32
        %dma_start3A_108 = tpu.memref_slice %arg2[%dma_start3A_106, %dma_start3A_107] : memref<320000x128xf32, #tpu.memory_space<hbm>> -> memref<320000x128xf32, #tpu.memory_space<hbm>>
        tpu.enqueue_indirect_dma source(%dma_start3A_108 : memref<320000x128xf32, #tpu.memory_space<hbm>>) target(%arg9 : memref<125x128xf32, #tpu.memory_space<vmem>>) offsets(%dma_start3A_105 : memref<125xi32, #tpu.memory_space<vmem>>) semaphore(%arg11 : memref<!tpu.dma_semaphore, #tpu.memory_space<semaphore_mem>>)
      } else {
      }
      %add3A_71 = arith.constant 2 : i32
      %add3A_72 = arith.addi %add3A_58, %add3A_71 : i32
      %lt3A_73 = arith.constant 80 : i32
      %lt3A_74 = arith.cmpi slt, %add3A_72, %lt3A_73 : i32
      %convert_element_type3A_75 = arith.extui %lt3A_74 : i1 to i32
      %cond3A_76 = arith.constant 0 : i32
      %cond3A_77 = arith.cmpi ne, %convert_element_type3A_75, %cond3A_76 : i32
      scf.if %cond3A_77 {
        %add3A_103 = arith.constant 2 : i32
        %add3A_104 = arith.addi %add3A_58, %add3A_103 : i32
        %min3A = arith.constant 79 : i32
        %min3A_105 = arith.minsi %add3A_104, %min3A : i32
        "tpu.region"() ({
          %run_scoped3A_106 = tpu.sem_alloc : memref<!tpu.dma_semaphore, #tpu.memory_space<semaphore_mem>>
          %dma_start3A_107 = arith.constant 0 : i32
          %dma_start3A_108 = tpu.memref_slice %arg6[%scan3A_39, %dma_start3A_107] : memref<2x125xi32, #tpu.memory_space<vmem>> -> memref<1x125xi32, #tpu.memory_space<vmem>>
          %dma_start3A_109 = tpu.memref_squeeze %dma_start3A_108 : memref<1x125xi32, #tpu.memory_space<vmem>> -> memref<125xi32, #tpu.memory_space<vmem>>
          %dma_start3A_110 = arith.constant 0 : i32
          %dma_start3A_111 = tpu.memref_slice %arg3[%add3A, %min3A_105, %dma_start3A_110] : memref<32x80x125xi32, #tpu.memory_space<hbm>> -> memref<1x1x125xi32, #tpu.memory_space<hbm>>
          %dma_start3A_112 = tpu.memref_squeeze %dma_start3A_111 : memref<1x1x125xi32, #tpu.memory_space<hbm>> -> memref<125xi32, #tpu.memory_space<hbm>>
          %dma_start3A_113 = arith.constant 0 : i32
          %dma_start3A_114 = tpu.memref_slice %arg6[%scan3A_39, %dma_start3A_113] : memref<2x125xi32, #tpu.memory_space<vmem>> -> memref<1x125xi32, #tpu.memory_space<vmem>>
          %dma_start3A_115 = tpu.memref_squeeze %dma_start3A_114 : memref<1x125xi32, #tpu.memory_space<vmem>> -> memref<125xi32, #tpu.memory_space<vmem>>
          %dma_start3A_116 = arith.constant 0 : i32
          %dma_start3A_117 = tpu.memref_slice %arg3[%add3A, %min3A_105, %dma_start3A_116] : memref<32x80x125xi32, #tpu.memory_space<hbm>> -> memref<1x1x125xi32, #tpu.memory_space<hbm>>
          %dma_start3A_118 = tpu.memref_squeeze %dma_start3A_117 : memref<1x1x125xi32, #tpu.memory_space<hbm>> -> memref<125xi32, #tpu.memory_space<hbm>>
          tpu.enqueue_dma source(%dma_start3A_118 : memref<125xi32, #tpu.memory_space<hbm>>) target(%dma_start3A_115 : memref<125xi32, #tpu.memory_space<vmem>>) target_semaphore(%run_scoped3A_106 : memref<!tpu.dma_semaphore, #tpu.memory_space<semaphore_mem>>)
          %dma_wait3A_119 = arith.constant 0 : i32
          %dma_wait3A_120 = tpu.memref_slice %arg6[%scan3A_39, %dma_wait3A_119] : memref<2x125xi32, #tpu.memory_space<vmem>> -> memref<1x125xi32, #tpu.memory_space<vmem>>
          %dma_wait3A_121 = tpu.memref_squeeze %dma_wait3A_120 : memref<1x125xi32, #tpu.memory_space<vmem>> -> memref<125xi32, #tpu.memory_space<vmem>>
          %dma_wait3A_122 = arith.constant 0 : i32
          %dma_wait3A_123 = tpu.memref_slice %arg3[%add3A, %min3A_105, %dma_wait3A_122] : memref<32x80x125xi32, #tpu.memory_space<hbm>> -> memref<1x1x125xi32, #tpu.memory_space<hbm>>
          %dma_wait3A_124 = tpu.memref_squeeze %dma_wait3A_123 : memref<1x1x125xi32, #tpu.memory_space<hbm>> -> memref<125xi32, #tpu.memory_space<hbm>>
          %dma_wait3A_125 = arith.constant 0 : i32
          %dma_wait3A_126 = tpu.memref_slice %arg6[%scan3A_39, %dma_wait3A_125] : memref<2x125xi32, #tpu.memory_space<vmem>> -> memref<1x125xi32, #tpu.memory_space<vmem>>
          %dma_wait3A_127 = tpu.memref_squeeze %dma_wait3A_126 : memref<1x125xi32, #tpu.memory_space<vmem>> -> memref<125xi32, #tpu.memory_space<vmem>>
          %dma_wait3A_128 = arith.constant 0 : i32
          %dma_wait3A_129 = tpu.memref_slice %arg3[%add3A, %min3A_105, %dma_wait3A_128] : memref<32x80x125xi32, #tpu.memory_space<hbm>> -> memref<1x1x125xi32, #tpu.memory_space<hbm>>
          %dma_wait3A_130 = tpu.memref_squeeze %dma_wait3A_129 : memref<1x1x125xi32, #tpu.memory_space<hbm>> -> memref<125xi32, #tpu.memory_space<hbm>>
          tpu.wait_dma2 semaphore(%run_scoped3A_106 : memref<!tpu.dma_semaphore, #tpu.memory_space<semaphore_mem>>) src(%dma_wait3A_130 : memref<125xi32, #tpu.memory_space<hbm>>) dst(%dma_wait3A_127 : memref<125xi32, #tpu.memory_space<vmem>>)
          tpu.yield
        }) : () -> ()
      } else {
      }
      "tpu.region"() ({
        %run_scoped3A_103 = tpu.sem_alloc : memref<!tpu.dma_semaphore, #tpu.memory_space<semaphore_mem>>
        %dma_start3A_104 = arith.constant 0 : i32
        %dma_start3A_105 = arith.constant 0 : i32
        %dma_start3A_106 = tpu.memref_slice %arg8[%dma_start3A_104, %dma_start3A_105] : memref<128x128xf32, #tpu.memory_space<vmem>> -> memref<125x128xf32, #tpu.memory_space<vmem>>
        %dma_start3A_107 = arith.constant 0 : i32
        %dma_start3A_108 = tpu.memref_slice %arg7[%add3A_58, %dma_start3A_107] : memref<80x125xi32, #tpu.memory_space<vmem>> -> memref<1x125xi32, #tpu.memory_space<vmem>>
        %dma_start3A_109 = tpu.memref_squeeze %dma_start3A_108 : memref<1x125xi32, #tpu.memory_space<vmem>> -> memref<125xi32, #tpu.memory_space<vmem>>
        %dma_start3A_110 = arith.constant 0 : i32
        %dma_start3A_111 = arith.constant 0 : i32
        %dma_start3A_112 = tpu.memref_slice %arg10[%dma_start3A_110, %dma_start3A_111] : memref<10240x128xf32, #tpu.memory_space<vmem_shared>> -> memref<10240x128xf32, #tpu.memory_space<vmem_shared>>
        tpu.enqueue_indirect_dma source(%dma_start3A_106 : memref<125x128xf32, #tpu.memory_space<vmem>>) target(%dma_start3A_112 : memref<10240x128xf32, #tpu.memory_space<vmem_shared>>) offsets(%dma_start3A_109 : memref<125xi32, #tpu.memory_space<vmem>>) semaphore(%run_scoped3A_103 : memref<!tpu.dma_semaphore, #tpu.memory_space<semaphore_mem>>) {add = true}
        %dma_wait3A_113 = arith.constant 0 : i32
        %dma_wait3A_114 = arith.constant 0 : i32
        %dma_wait3A_115 = tpu.memref_slice %arg8[%dma_wait3A_113, %dma_wait3A_114] : memref<128x128xf32, #tpu.memory_space<vmem>> -> memref<125x128xf32, #tpu.memory_space<vmem>>
        %dma_wait3A_116 = arith.constant 0 : i32
        %dma_wait3A_117 = tpu.memref_slice %arg7[%add3A_58, %dma_wait3A_116] : memref<80x125xi32, #tpu.memory_space<vmem>> -> memref<1x125xi32, #tpu.memory_space<vmem>>
        %dma_wait3A_118 = tpu.memref_squeeze %dma_wait3A_117 : memref<1x125xi32, #tpu.memory_space<vmem>> -> memref<125xi32, #tpu.memory_space<vmem>>
        %dma_wait3A_119 = arith.constant 0 : i32
        %dma_wait3A_120 = arith.constant 0 : i32
        %dma_wait3A_121 = tpu.memref_slice %arg10[%dma_wait3A_119, %dma_wait3A_120] : memref<10240x128xf32, #tpu.memory_space<vmem_shared>> -> memref<10240x128xf32, #tpu.memory_space<vmem_shared>>
        tpu.wait_indirect_dma semaphore(%run_scoped3A_103 : memref<!tpu.dma_semaphore, #tpu.memory_space<semaphore_mem>>) src(%dma_wait3A_115 : memref<125x128xf32, #tpu.memory_space<vmem>>) dst(%dma_wait3A_121 : memref<10240x128xf32, #tpu.memory_space<vmem_shared>>)
        tpu.yield
      }) : () -> ()
      %mul3A_78 = arith.constant 2 : i32
      %mul3A_79 = arith.muli %mul3A_78, %scan3A_53 : i32
      %add3A_80 = arith.constant 1 : i32
      %add3A_81 = arith.addi %mul3A_79, %add3A_80 : i32
      %dma_wait3A_82 = arith.constant 0 : i32
      %dma_wait3A_83 = tpu.memref_slice %arg6[%scan3A_40, %dma_wait3A_82] : memref<2x125xi32, #tpu.memory_space<vmem>> -> memref<1x125xi32, #tpu.memory_space<vmem>>
      %dma_wait3A_84 = tpu.memref_squeeze %dma_wait3A_83 : memref<1x125xi32, #tpu.memory_space<vmem>> -> memref<125xi32, #tpu.memory_space<vmem>>
      %dma_wait3A_85 = arith.constant 0 : i32
      %dma_wait3A_86 = arith.constant 0 : i32
      %dma_wait3A_87 = tpu.memref_slice %arg2[%dma_wait3A_85, %dma_wait3A_86] : memref<320000x128xf32, #tpu.memory_space<hbm>> -> memref<320000x128xf32, #tpu.memory_space<hbm>>
      tpu.wait_indirect_dma semaphore(%arg11 : memref<!tpu.dma_semaphore, #tpu.memory_space<semaphore_mem>>) src(%dma_wait3A_87 : memref<320000x128xf32, #tpu.memory_space<hbm>>) dst(%arg9 : memref<125x128xf32, #tpu.memory_space<vmem>>)
      %add3A_88 = arith.constant 1 : i32
      %add3A_89 = arith.addi %add3A_81, %add3A_88 : i32
      %lt3A_90 = arith.constant 80 : i32
      %lt3A_91 = arith.cmpi slt, %add3A_89, %lt3A_90 : i32
      %convert_element_type3A_92 = arith.extui %lt3A_91 : i1 to i32
      %cond3A_93 = arith.constant 0 : i32
      %cond3A_94 = arith.cmpi ne, %convert_element_type3A_92, %cond3A_93 : i32
      scf.if %cond3A_94 {
        %dma_start3A_103 = arith.constant 0 : i32
        %dma_start3A_104 = arith.constant 0 : i32
        %dma_start3A_105 = tpu.memref_slice %arg8[%dma_start3A_103, %dma_start3A_104] : memref<128x128xf32, #tpu.memory_space<vmem>> -> memref<125x128xf32, #tpu.memory_space<vmem>>
        %dma_start3A_106 = arith.constant 0 : i32
        %dma_start3A_107 = tpu.memref_slice %arg6[%scan3A_39, %dma_start3A_106] : memref<2x125xi32, #tpu.memory_space<vmem>> -> memref<1x125xi32, #tpu.memory_space<vmem>>
        %dma_start3A_108 = tpu.memref_squeeze %dma_start3A_107 : memref<1x125xi32, #tpu.memory_space<vmem>> -> memref<125xi32, #tpu.memory_space<vmem>>
        %dma_start3A_109 = arith.constant 0 : i32
        %dma_start3A_110 = arith.constant 0 : i32
        %dma_start3A_111 = tpu.memref_slice %arg2[%dma_start3A_109, %dma_start3A_110] : memref<320000x128xf32, #tpu.memory_space<hbm>> -> memref<320000x128xf32, #tpu.memory_space<hbm>>
        tpu.enqueue_indirect_dma source(%dma_start3A_111 : memref<320000x128xf32, #tpu.memory_space<hbm>>) target(%dma_start3A_105 : memref<125x128xf32, #tpu.memory_space<vmem>>) offsets(%dma_start3A_108 : memref<125xi32, #tpu.memory_space<vmem>>) semaphore(%arg11 : memref<!tpu.dma_semaphore, #tpu.memory_space<semaphore_mem>>)
      } else {
      }
      %add3A_95 = arith.constant 2 : i32
      %add3A_96 = arith.addi %add3A_81, %add3A_95 : i32
      %lt3A_97 = arith.constant 80 : i32
      %lt3A_98 = arith.cmpi slt, %add3A_96, %lt3A_97 : i32
      %convert_element_type3A_99 = arith.extui %lt3A_98 : i1 to i32
      %cond3A_100 = arith.constant 0 : i32
      %cond3A_101 = arith.cmpi ne, %convert_element_type3A_99, %cond3A_100 : i32
      scf.if %cond3A_101 {
        %add3A_103 = arith.constant 2 : i32
        %add3A_104 = arith.addi %add3A_81, %add3A_103 : i32
        %min3A = arith.constant 79 : i32
        %min3A_105 = arith.minsi %add3A_104, %min3A : i32
        "tpu.region"() ({
          %run_scoped3A_106 = tpu.sem_alloc : memref<!tpu.dma_semaphore, #tpu.memory_space<semaphore_mem>>
          %dma_start3A_107 = arith.constant 0 : i32
          %dma_start3A_108 = tpu.memref_slice %arg6[%scan3A_40, %dma_start3A_107] : memref<2x125xi32, #tpu.memory_space<vmem>> -> memref<1x125xi32, #tpu.memory_space<vmem>>
          %dma_start3A_109 = tpu.memref_squeeze %dma_start3A_108 : memref<1x125xi32, #tpu.memory_space<vmem>> -> memref<125xi32, #tpu.memory_space<vmem>>
          %dma_start3A_110 = arith.constant 0 : i32
          %dma_start3A_111 = tpu.memref_slice %arg3[%add3A, %min3A_105, %dma_start3A_110] : memref<32x80x125xi32, #tpu.memory_space<hbm>> -> memref<1x1x125xi32, #tpu.memory_space<hbm>>
          %dma_start3A_112 = tpu.memref_squeeze %dma_start3A_111 : memref<1x1x125xi32, #tpu.memory_space<hbm>> -> memref<125xi32, #tpu.memory_space<hbm>>
          %dma_start3A_113 = arith.constant 0 : i32
          %dma_start3A_114 = tpu.memref_slice %arg6[%scan3A_40, %dma_start3A_113] : memref<2x125xi32, #tpu.memory_space<vmem>> -> memref<1x125xi32, #tpu.memory_space<vmem>>
          %dma_start3A_115 = tpu.memref_squeeze %dma_start3A_114 : memref<1x125xi32, #tpu.memory_space<vmem>> -> memref<125xi32, #tpu.memory_space<vmem>>
          %dma_start3A_116 = arith.constant 0 : i32
          %dma_start3A_117 = tpu.memref_slice %arg3[%add3A, %min3A_105, %dma_start3A_116] : memref<32x80x125xi32, #tpu.memory_space<hbm>> -> memref<1x1x125xi32, #tpu.memory_space<hbm>>
          %dma_start3A_118 = tpu.memref_squeeze %dma_start3A_117 : memref<1x1x125xi32, #tpu.memory_space<hbm>> -> memref<125xi32, #tpu.memory_space<hbm>>
          tpu.enqueue_dma source(%dma_start3A_118 : memref<125xi32, #tpu.memory_space<hbm>>) target(%dma_start3A_115 : memref<125xi32, #tpu.memory_space<vmem>>) target_semaphore(%run_scoped3A_106 : memref<!tpu.dma_semaphore, #tpu.memory_space<semaphore_mem>>)
          %dma_wait3A_119 = arith.constant 0 : i32
          %dma_wait3A_120 = tpu.memref_slice %arg6[%scan3A_40, %dma_wait3A_119] : memref<2x125xi32, #tpu.memory_space<vmem>> -> memref<1x125xi32, #tpu.memory_space<vmem>>
          %dma_wait3A_121 = tpu.memref_squeeze %dma_wait3A_120 : memref<1x125xi32, #tpu.memory_space<vmem>> -> memref<125xi32, #tpu.memory_space<vmem>>
          %dma_wait3A_122 = arith.constant 0 : i32
          %dma_wait3A_123 = tpu.memref_slice %arg3[%add3A, %min3A_105, %dma_wait3A_122] : memref<32x80x125xi32, #tpu.memory_space<hbm>> -> memref<1x1x125xi32, #tpu.memory_space<hbm>>
          %dma_wait3A_124 = tpu.memref_squeeze %dma_wait3A_123 : memref<1x1x125xi32, #tpu.memory_space<hbm>> -> memref<125xi32, #tpu.memory_space<hbm>>
          %dma_wait3A_125 = arith.constant 0 : i32
          %dma_wait3A_126 = tpu.memref_slice %arg6[%scan3A_40, %dma_wait3A_125] : memref<2x125xi32, #tpu.memory_space<vmem>> -> memref<1x125xi32, #tpu.memory_space<vmem>>
          %dma_wait3A_127 = tpu.memref_squeeze %dma_wait3A_126 : memref<1x125xi32, #tpu.memory_space<vmem>> -> memref<125xi32, #tpu.memory_space<vmem>>
          %dma_wait3A_128 = arith.constant 0 : i32
          %dma_wait3A_129 = tpu.memref_slice %arg3[%add3A, %min3A_105, %dma_wait3A_128] : memref<32x80x125xi32, #tpu.memory_space<hbm>> -> memref<1x1x125xi32, #tpu.memory_space<hbm>>
          %dma_wait3A_130 = tpu.memref_squeeze %dma_wait3A_129 : memref<1x1x125xi32, #tpu.memory_space<hbm>> -> memref<125xi32, #tpu.memory_space<hbm>>
          tpu.wait_dma2 semaphore(%run_scoped3A_106 : memref<!tpu.dma_semaphore, #tpu.memory_space<semaphore_mem>>) src(%dma_wait3A_130 : memref<125xi32, #tpu.memory_space<hbm>>) dst(%dma_wait3A_127 : memref<125xi32, #tpu.memory_space<vmem>>)
          tpu.yield
        }) : () -> ()
      } else {
      }
      "tpu.region"() ({
        %run_scoped3A_103 = tpu.sem_alloc : memref<!tpu.dma_semaphore, #tpu.memory_space<semaphore_mem>>
        %dma_start3A_104 = arith.constant 0 : i32
        %dma_start3A_105 = tpu.memref_slice %arg7[%add3A_81, %dma_start3A_104] : memref<80x125xi32, #tpu.memory_space<vmem>> -> memref<1x125xi32, #tpu.memory_space<vmem>>
        %dma_start3A_106 = tpu.memref_squeeze %dma_start3A_105 : memref<1x125xi32, #tpu.memory_space<vmem>> -> memref<125xi32, #tpu.memory_space<vmem>>
        %dma_start3A_107 = arith.constant 0 : i32
        %dma_start3A_108 = arith.constant 0 : i32
        %dma_start3A_109 = tpu.memref_slice %arg10[%dma_start3A_107, %dma_start3A_108] : memref<10240x128xf32, #tpu.memory_space<vmem_shared>> -> memref<10240x128xf32, #tpu.memory_space<vmem_shared>>
        tpu.enqueue_indirect_dma source(%arg9 : memref<125x128xf32, #tpu.memory_space<vmem>>) target(%dma_start3A_109 : memref<10240x128xf32, #tpu.memory_space<vmem_shared>>) offsets(%dma_start3A_106 : memref<125xi32, #tpu.memory_space<vmem>>) semaphore(%run_scoped3A_103 : memref<!tpu.dma_semaphore, #tpu.memory_space<semaphore_mem>>) {add = true}
        %dma_wait3A_110 = arith.constant 0 : i32
        %dma_wait3A_111 = tpu.memref_slice %arg7[%add3A_81, %dma_wait3A_110] : memref<80x125xi32, #tpu.memory_space<vmem>> -> memref<1x125xi32, #tpu.memory_space<vmem>>
        %dma_wait3A_112 = tpu.memref_squeeze %dma_wait3A_111 : memref<1x125xi32, #tpu.memory_space<vmem>> -> memref<125xi32, #tpu.memory_space<vmem>>
        %dma_wait3A_113 = arith.constant 0 : i32
        %dma_wait3A_114 = arith.constant 0 : i32
        %dma_wait3A_115 = tpu.memref_slice %arg10[%dma_wait3A_113, %dma_wait3A_114] : memref<10240x128xf32, #tpu.memory_space<vmem_shared>> -> memref<10240x128xf32, #tpu.memory_space<vmem_shared>>
        tpu.wait_indirect_dma semaphore(%run_scoped3A_103 : memref<!tpu.dma_semaphore, #tpu.memory_space<semaphore_mem>>) src(%arg9 : memref<125x128xf32, #tpu.memory_space<vmem>>) dst(%dma_wait3A_115 : memref<10240x128xf32, #tpu.memory_space<vmem_shared>>)
        tpu.yield
      }) : () -> ()
      %scan3A_102 = arith.constant 0 : i32
      scf.yield %scan3A_102 : i32
    }
    %scan3A_47 = arith.constant 40 : i32
    %barrier3A_48 = arith.constant 0 : index
    tpu.barrier barrier_id(%barrier3A_48)
    %mul3A_49 = arith.constant 640 : i32
    %mul3A_50 = arith.muli %arg1, %mul3A_49 : i32
    %mul3A_51 = arith.constant 640 : i32
    %mul3A_52 = arith.muli %arg1, %mul3A_51 : i32
    "tpu.region"() ({
      %run_scoped3A_53 = tpu.sem_alloc : memref<!tpu.dma_semaphore, #tpu.memory_space<semaphore_mem>>
      %dma_start3A_54 = arith.constant 0 : i32
      %dma_start3A_55 = tpu.memref_slice %arg5[%arg0, %mul3A_52, %dma_start3A_54] : memref<2x10240x128xf32, #tpu.memory_space<hbm>> -> memref<1x640x128xf32, #tpu.memory_space<hbm>>
      %dma_start3A_56 = tpu.memref_squeeze %dma_start3A_55 : memref<1x640x128xf32, #tpu.memory_space<hbm>> -> memref<640x128xf32, #tpu.memory_space<hbm>>
      %dma_start3A_57 = arith.constant 0 : i32
      %dma_start3A_58 = tpu.memref_slice %arg10[%mul3A_50, %dma_start3A_57] : memref<10240x128xf32, #tpu.memory_space<vmem_shared>> -> memref<640x128xf32, #tpu.memory_space<vmem_shared>>
      tpu.enqueue_dma source(%dma_start3A_58 : memref<640x128xf32, #tpu.memory_space<vmem_shared>>) target(%dma_start3A_56 : memref<640x128xf32, #tpu.memory_space<hbm>>) target_semaphore(%run_scoped3A_53 : memref<!tpu.dma_semaphore, #tpu.memory_space<semaphore_mem>>)
      %dma_wait3A = arith.constant 0 : i32
      %dma_wait3A_59 = tpu.memref_slice %arg5[%arg0, %mul3A_52, %dma_wait3A] : memref<2x10240x128xf32, #tpu.memory_space<hbm>> -> memref<1x640x128xf32, #tpu.memory_space<hbm>>
      %dma_wait3A_60 = tpu.memref_squeeze %dma_wait3A_59 : memref<1x640x128xf32, #tpu.memory_space<hbm>> -> memref<640x128xf32, #tpu.memory_space<hbm>>
      %dma_wait3A_61 = arith.constant 0 : i32
      %dma_wait3A_62 = tpu.memref_slice %arg10[%mul3A_50, %dma_wait3A_61] : memref<10240x128xf32, #tpu.memory_space<vmem_shared>> -> memref<640x128xf32, #tpu.memory_space<vmem_shared>>
      tpu.wait_dma2 semaphore(%run_scoped3A_53 : memref<!tpu.dma_semaphore, #tpu.memory_space<semaphore_mem>>) src(%dma_wait3A_62 : memref<640x128xf32, #tpu.memory_space<vmem_shared>>) dst(%dma_wait3A_60 : memref<640x128xf32, #tpu.memory_space<hbm>>)
      tpu.yield
    }) : () -> ()
    return
  }
}

#map = affine_map<(d0, d1) -> (0, 0)>
#map1 = affine_map<(d0, d1) -> (0, 0, 0)>
module attributes {stable_mosaic.version = 14 : i64} {
  func.func @k(%arg0: i32, %arg1: i32, %arg2: memref<10000x128xf32, #tpu.memory_space<hbm>>, %arg3: memref<32x80x125xi32, #tpu.memory_space<hbm>>, %arg4: memref<32x80x125xi32, #tpu.memory_space<hbm>>, %arg5: memref<2x10240x128xf32, #tpu.memory_space<hbm>>, %arg6: memref<2x125xi32, #tpu.memory_space<vmem>>, %arg7: memref<80x125xi32, #tpu.memory_space<vmem>>, %arg8: memref<128x128xf32, #tpu.memory_space<vmem>>, %arg9: memref<125x128xf32, #tpu.memory_space<vmem>>, %arg10: memref<10240x128xf32, #tpu.memory_space<vmem_shared>>, %arg11: memref<!tpu.dma_semaphore, #tpu.memory_space<semaphore_mem>>) attributes {dimension_semantics = [#tpu.dimension_semantics<core_parallel>, #tpu.dimension_semantics<subcore_parallel>], iteration_bounds = array<i64: 2, 16>, scalar_prefetch = 0 : i64, scratch_operands = 6 : i64, tpu.core_type = #tpu.core_type<sc_vector_subcore>, window_params = [{transform_indices = #map}, {transform_indices = #map1}, {transform_indices = #map1}, {transform_indices = #map1}]} {
    %mul3A = arith.constant 16 : i32
    %mul3A_0 = arith.muli %arg0, %mul3A : i32
    %add3A = arith.addi %mul3A_0, %arg1 : i32
    %scan3A = arith.constant 0 : i32
    %scan3A_1 = arith.constant 0 : i32
    %scan3A_2 = arith.constant 1024 : i32
    %scan3A_3 = arith.addi %scan3A_1, %scan3A_2 : i32
    %scan3A_4 = arith.constant 1 : i32
    %scan3A_5 = scf.for %scan3A_53 = %scan3A_1 to %scan3A_3 step %scan3A_4 iter_args(%scan3A_54 = %scan3A) -> (i32)  : i32 {
      %jit3A = arith.constant 8 : i32
      %div3A = arith.divsi %scan3A_53, %jit3A : i32
      %sign3A = arith.constant 0 : i32
      %sign3A_55 = arith.cmpi sgt, %scan3A_53, %sign3A : i32
      %sign3A_56 = arith.extui %sign3A_55 : i1 to i32
      %sign3A_57 = arith.constant 0 : i32
      %sign3A_58 = arith.cmpi slt, %scan3A_53, %sign3A_57 : i32
      %sign3A_59 = arith.extui %sign3A_58 : i1 to i32
      %sign3A_60 = arith.subi %sign3A_56, %sign3A_59 : i32
      %sign3A_61 = arith.constant 0 : i32
      %sign3A_62 = arith.cmpi sgt, %jit3A, %sign3A_61 : i32
      %sign3A_63 = arith.extui %sign3A_62 : i1 to i32
      %sign3A_64 = arith.constant 0 : i32
      %sign3A_65 = arith.cmpi slt, %jit3A, %sign3A_64 : i32
      %sign3A_66 = arith.extui %sign3A_65 : i1 to i32
      %sign3A_67 = arith.subi %sign3A_63, %sign3A_66 : i32
      %ne3A = arith.cmpi ne, %sign3A_60, %sign3A_67 : i32
      %rem3A = arith.remsi %scan3A_53, %jit3A : i32
      %ne3A_68 = arith.constant 0 : i32
      %ne3A_69 = arith.cmpi ne, %rem3A, %ne3A_68 : i32
      %and3A = arith.andi %ne3A, %ne3A_69 : i1
      %sub3A = arith.constant 1 : i32
      %sub3A_70 = arith.subi %div3A, %sub3A : i32
      %select_n3A = arith.select %and3A, %sub3A_70, %div3A : i32
      %jit3A_71 = arith.constant 8 : i32
      %eq3A = arith.constant 0 : i32
      %eq3A_72 = arith.cmpi eq, %jit3A_71, %eq3A : i32
      %jit3A_73 = arith.constant 1 : i32
      %select_n3A_74 = arith.select %eq3A_72, %jit3A_73, %jit3A_71 : i32
      %rem3A_75 = arith.remsi %scan3A_53, %select_n3A_74 : i32
      %ne3A_76 = arith.constant 0 : i32
      %ne3A_77 = arith.cmpi ne, %rem3A_75, %ne3A_76 : i32
      %lt3A = arith.constant 0 : i32
      %lt3A_78 = arith.cmpi slt, %rem3A_75, %lt3A : i32
      %lt3A_79 = arith.constant 0 : i32
      %lt3A_80 = arith.cmpi slt, %select_n3A_74, %lt3A_79 : i32
      %ne3A_81 = arith.xori %lt3A_78, %lt3A_80 : i1
      %and3A_82 = arith.andi %ne3A_81, %ne3A_77 : i1
      %add3A_83 = arith.addi %rem3A_75, %select_n3A_74 : i32
      %select_n3A_84 = arith.select %and3A_82, %add3A_83, %rem3A_75 : i32
      %mul3A_85 = arith.constant 16 : i32
      %mul3A_86 = arith.muli %select_n3A_84, %mul3A_85 : i32
      %broadcast_in_dim3A = arith.constant 0.000000e+00 : f32
      %broadcast_in_dim3A_87 = vector.broadcast %broadcast_in_dim3A : f32 to vector<16xf32>
      %swap3A = arith.index_cast %select_n3A : i32 to index
      %swap3A_88 = arith.index_cast %mul3A_86 : i32 to index
      %swap3A_89 = tpu.vector_load %arg8[%swap3A, %swap3A_88] {strides = array<i32>} : memref<128x128xf32, #tpu.memory_space<vmem>>, vector<1x16xf32>,
      %swap3A_90 = vector.shape_cast %swap3A_89 : vector<1x16xf32> to vector<16xf32>
      %swap3A_91 = vector.shape_cast %broadcast_in_dim3A_87 : vector<16xf32> to vector<1x16xf32>
      tpu.vector_store %arg8[%swap3A, %swap3A_88], %swap3A_91 {strides = array<i32>} : memref<128x128xf32, #tpu.memory_space<vmem>>, vector<1x16xf32>,
      %scan3A_92 = arith.constant 0 : i32
      scf.yield %scan3A_92 : i32
    }
    %scan3A_6 = arith.constant 1024 : i32
    %mul3A_7 = arith.constant 640 : i32
    %mul3A_8 = arith.muli %arg1, %mul3A_7 : i32
    %add3A_9 = arith.constant 0 : i32
    %add3A_10 = arith.addi %mul3A_8, %add3A_9 : i32
    "tpu.region"() ({
      %run_scoped3A_53 = tpu.sem_alloc : memref<!tpu.dma_semaphore, #tpu.memory_space<semaphore_mem>>
      %dma_start3A_54 = arith.constant 0 : i32
      %dma_start3A_55 = tpu.memref_slice %arg10[%add3A_10, %dma_start3A_54] : memref<10240x128xf32, #tpu.memory_space<vmem_shared>> -> memref<128x128xf32, #tpu.memory_space<vmem_shared>>
      %dma_start3A_56 = arith.constant 0 : i32
      %dma_start3A_57 = tpu.memref_slice %arg10[%add3A_10, %dma_start3A_56] : memref<10240x128xf32, #tpu.memory_space<vmem_shared>> -> memref<128x128xf32, #tpu.memory_space<vmem_shared>>
      tpu.enqueue_dma source(%arg8 : memref<128x128xf32, #tpu.memory_space<vmem>>) target(%dma_start3A_57 : memref<128x128xf32, #tpu.memory_space<vmem_shared>>) target_semaphore(%run_scoped3A_53 : memref<!tpu.dma_semaphore, #tpu.memory_space<semaphore_mem>>)
      %dma_wait3A = arith.constant 0 : i32
      %dma_wait3A_58 = tpu.memref_slice %arg10[%add3A_10, %dma_wait3A] : memref<10240x128xf32, #tpu.memory_space<vmem_shared>> -> memref<128x128xf32, #tpu.memory_space<vmem_shared>>
      %dma_wait3A_59 = arith.constant 0 : i32
      %dma_wait3A_60 = tpu.memref_slice %arg10[%add3A_10, %dma_wait3A_59] : memref<10240x128xf32, #tpu.memory_space<vmem_shared>> -> memref<128x128xf32, #tpu.memory_space<vmem_shared>>
      tpu.wait_dma2 semaphore(%run_scoped3A_53 : memref<!tpu.dma_semaphore, #tpu.memory_space<semaphore_mem>>) src(%arg8 : memref<128x128xf32, #tpu.memory_space<vmem>>) dst(%dma_wait3A_60 : memref<128x128xf32, #tpu.memory_space<vmem_shared>>)
      tpu.yield
    }) : () -> ()
    %mul3A_11 = arith.constant 640 : i32
    %mul3A_12 = arith.muli %arg1, %mul3A_11 : i32
    %add3A_13 = arith.constant 128 : i32
    %add3A_14 = arith.addi %mul3A_12, %add3A_13 : i32
    "tpu.region"() ({
      %run_scoped3A_53 = tpu.sem_alloc : memref<!tpu.dma_semaphore, #tpu.memory_space<semaphore_mem>>
      %dma_start3A_54 = arith.constant 0 : i32
      %dma_start3A_55 = tpu.memref_slice %arg10[%add3A_14, %dma_start3A_54] : memref<10240x128xf32, #tpu.memory_space<vmem_shared>> -> memref<128x128xf32, #tpu.memory_space<vmem_shared>>
      %dma_start3A_56 = arith.constant 0 : i32
      %dma_start3A_57 = tpu.memref_slice %arg10[%add3A_14, %dma_start3A_56] : memref<10240x128xf32, #tpu.memory_space<vmem_shared>> -> memref<128x128xf32, #tpu.memory_space<vmem_shared>>
      tpu.enqueue_dma source(%arg8 : memref<128x128xf32, #tpu.memory_space<vmem>>) target(%dma_start3A_57 : memref<128x128xf32, #tpu.memory_space<vmem_shared>>) target_semaphore(%run_scoped3A_53 : memref<!tpu.dma_semaphore, #tpu.memory_space<semaphore_mem>>)
      %dma_wait3A = arith.constant 0 : i32
      %dma_wait3A_58 = tpu.memref_slice %arg10[%add3A_14, %dma_wait3A] : memref<10240x128xf32, #tpu.memory_space<vmem_shared>> -> memref<128x128xf32, #tpu.memory_space<vmem_shared>>
      %dma_wait3A_59 = arith.constant 0 : i32
      %dma_wait3A_60 = tpu.memref_slice %arg10[%add3A_14, %dma_wait3A_59] : memref<10240x128xf32, #tpu.memory_space<vmem_shared>> -> memref<128x128xf32, #tpu.memory_space<vmem_shared>>
      tpu.wait_dma2 semaphore(%run_scoped3A_53 : memref<!tpu.dma_semaphore, #tpu.memory_space<semaphore_mem>>) src(%arg8 : memref<128x128xf32, #tpu.memory_space<vmem>>) dst(%dma_wait3A_60 : memref<128x128xf32, #tpu.memory_space<vmem_shared>>)
      tpu.yield
    }) : () -> ()
    %mul3A_15 = arith.constant 640 : i32
    %mul3A_16 = arith.muli %arg1, %mul3A_15 : i32
    %add3A_17 = arith.constant 256 : i32
    %add3A_18 = arith.addi %mul3A_16, %add3A_17 : i32
    "tpu.region"() ({
      %run_scoped3A_53 = tpu.sem_alloc : memref<!tpu.dma_semaphore, #tpu.memory_space<semaphore_mem>>
      %dma_start3A_54 = arith.constant 0 : i32
      %dma_start3A_55 = tpu.memref_slice %arg10[%add3A_18, %dma_start3A_54] : memref<10240x128xf32, #tpu.memory_space<vmem_shared>> -> memref<128x128xf32, #tpu.memory_space<vmem_shared>>
      %dma_start3A_56 = arith.constant 0 : i32
      %dma_start3A_57 = tpu.memref_slice %arg10[%add3A_18, %dma_start3A_56] : memref<10240x128xf32, #tpu.memory_space<vmem_shared>> -> memref<128x128xf32, #tpu.memory_space<vmem_shared>>
      tpu.enqueue_dma source(%arg8 : memref<128x128xf32, #tpu.memory_space<vmem>>) target(%dma_start3A_57 : memref<128x128xf32, #tpu.memory_space<vmem_shared>>) target_semaphore(%run_scoped3A_53 : memref<!tpu.dma_semaphore, #tpu.memory_space<semaphore_mem>>)
      %dma_wait3A = arith.constant 0 : i32
      %dma_wait3A_58 = tpu.memref_slice %arg10[%add3A_18, %dma_wait3A] : memref<10240x128xf32, #tpu.memory_space<vmem_shared>> -> memref<128x128xf32, #tpu.memory_space<vmem_shared>>
      %dma_wait3A_59 = arith.constant 0 : i32
      %dma_wait3A_60 = tpu.memref_slice %arg10[%add3A_18, %dma_wait3A_59] : memref<10240x128xf32, #tpu.memory_space<vmem_shared>> -> memref<128x128xf32, #tpu.memory_space<vmem_shared>>
      tpu.wait_dma2 semaphore(%run_scoped3A_53 : memref<!tpu.dma_semaphore, #tpu.memory_space<semaphore_mem>>) src(%arg8 : memref<128x128xf32, #tpu.memory_space<vmem>>) dst(%dma_wait3A_60 : memref<128x128xf32, #tpu.memory_space<vmem_shared>>)
      tpu.yield
    }) : () -> ()
    %mul3A_19 = arith.constant 640 : i32
    %mul3A_20 = arith.muli %arg1, %mul3A_19 : i32
    %add3A_21 = arith.constant 384 : i32
    %add3A_22 = arith.addi %mul3A_20, %add3A_21 : i32
    "tpu.region"() ({
      %run_scoped3A_53 = tpu.sem_alloc : memref<!tpu.dma_semaphore, #tpu.memory_space<semaphore_mem>>
      %dma_start3A_54 = arith.constant 0 : i32
      %dma_start3A_55 = tpu.memref_slice %arg10[%add3A_22, %dma_start3A_54] : memref<10240x128xf32, #tpu.memory_space<vmem_shared>> -> memref<128x128xf32, #tpu.memory_space<vmem_shared>>
      %dma_start3A_56 = arith.constant 0 : i32
      %dma_start3A_57 = tpu.memref_slice %arg10[%add3A_22, %dma_start3A_56] : memref<10240x128xf32, #tpu.memory_space<vmem_shared>> -> memref<128x128xf32, #tpu.memory_space<vmem_shared>>
      tpu.enqueue_dma source(%arg8 : memref<128x128xf32, #tpu.memory_space<vmem>>) target(%dma_start3A_57 : memref<128x128xf32, #tpu.memory_space<vmem_shared>>) target_semaphore(%run_scoped3A_53 : memref<!tpu.dma_semaphore, #tpu.memory_space<semaphore_mem>>)
      %dma_wait3A = arith.constant 0 : i32
      %dma_wait3A_58 = tpu.memref_slice %arg10[%add3A_22, %dma_wait3A] : memref<10240x128xf32, #tpu.memory_space<vmem_shared>> -> memref<128x128xf32, #tpu.memory_space<vmem_shared>>
      %dma_wait3A_59 = arith.constant 0 : i32
      %dma_wait3A_60 = tpu.memref_slice %arg10[%add3A_22, %dma_wait3A_59] : memref<10240x128xf32, #tpu.memory_space<vmem_shared>> -> memref<128x128xf32, #tpu.memory_space<vmem_shared>>
      tpu.wait_dma2 semaphore(%run_scoped3A_53 : memref<!tpu.dma_semaphore, #tpu.memory_space<semaphore_mem>>) src(%arg8 : memref<128x128xf32, #tpu.memory_space<vmem>>) dst(%dma_wait3A_60 : memref<128x128xf32, #tpu.memory_space<vmem_shared>>)
      tpu.yield
    }) : () -> ()
    %mul3A_23 = arith.constant 640 : i32
    %mul3A_24 = arith.muli %arg1, %mul3A_23 : i32
    %add3A_25 = arith.constant 512 : i32
    %add3A_26 = arith.addi %mul3A_24, %add3A_25 : i32
    "tpu.region"() ({
      %run_scoped3A_53 = tpu.sem_alloc : memref<!tpu.dma_semaphore, #tpu.memory_space<semaphore_mem>>
      %dma_start3A_54 = arith.constant 0 : i32
      %dma_start3A_55 = tpu.memref_slice %arg10[%add3A_26, %dma_start3A_54] : memref<10240x128xf32, #tpu.memory_space<vmem_shared>> -> memref<128x128xf32, #tpu.memory_space<vmem_shared>>
      %dma_start3A_56 = arith.constant 0 : i32
      %dma_start3A_57 = tpu.memref_slice %arg10[%add3A_26, %dma_start3A_56] : memref<10240x128xf32, #tpu.memory_space<vmem_shared>> -> memref<128x128xf32, #tpu.memory_space<vmem_shared>>
      tpu.enqueue_dma source(%arg8 : memref<128x128xf32, #tpu.memory_space<vmem>>) target(%dma_start3A_57 : memref<128x128xf32, #tpu.memory_space<vmem_shared>>) target_semaphore(%run_scoped3A_53 : memref<!tpu.dma_semaphore, #tpu.memory_space<semaphore_mem>>)
      %dma_wait3A = arith.constant 0 : i32
      %dma_wait3A_58 = tpu.memref_slice %arg10[%add3A_26, %dma_wait3A] : memref<10240x128xf32, #tpu.memory_space<vmem_shared>> -> memref<128x128xf32, #tpu.memory_space<vmem_shared>>
      %dma_wait3A_59 = arith.constant 0 : i32
      %dma_wait3A_60 = tpu.memref_slice %arg10[%add3A_26, %dma_wait3A_59] : memref<10240x128xf32, #tpu.memory_space<vmem_shared>> -> memref<128x128xf32, #tpu.memory_space<vmem_shared>>
      tpu.wait_dma2 semaphore(%run_scoped3A_53 : memref<!tpu.dma_semaphore, #tpu.memory_space<semaphore_mem>>) src(%arg8 : memref<128x128xf32, #tpu.memory_space<vmem>>) dst(%dma_wait3A_60 : memref<128x128xf32, #tpu.memory_space<vmem_shared>>)
      tpu.yield
    }) : () -> ()
    %barrier3A = arith.constant 0 : index
    tpu.barrier barrier_id(%barrier3A)
    "tpu.region"() ({
      %run_scoped3A_53 = tpu.sem_alloc : memref<!tpu.dma_semaphore, #tpu.memory_space<semaphore_mem>>
      %dma_start3A_54 = arith.constant 0 : i32
      %dma_start3A_55 = arith.constant 0 : i32
      %dma_start3A_56 = tpu.memref_slice %arg4[%add3A, %dma_start3A_54, %dma_start3A_55] : memref<32x80x125xi32, #tpu.memory_space<hbm>> -> memref<1x80x125xi32, #tpu.memory_space<hbm>>
      %dma_start3A_57 = tpu.memref_squeeze %dma_start3A_56 : memref<1x80x125xi32, #tpu.memory_space<hbm>> -> memref<80x125xi32, #tpu.memory_space<hbm>>
      %dma_start3A_58 = arith.constant 0 : i32
      %dma_start3A_59 = arith.constant 0 : i32
      %dma_start3A_60 = tpu.memref_slice %arg4[%add3A, %dma_start3A_58, %dma_start3A_59] : memref<32x80x125xi32, #tpu.memory_space<hbm>> -> memref<1x80x125xi32, #tpu.memory_space<hbm>>
      %dma_start3A_61 = tpu.memref_squeeze %dma_start3A_60 : memref<1x80x125xi32, #tpu.memory_space<hbm>> -> memref<80x125xi32, #tpu.memory_space<hbm>>
      tpu.enqueue_dma source(%dma_start3A_61 : memref<80x125xi32, #tpu.memory_space<hbm>>) target(%arg7 : memref<80x125xi32, #tpu.memory_space<vmem>>) target_semaphore(%run_scoped3A_53 : memref<!tpu.dma_semaphore, #tpu.memory_space<semaphore_mem>>)
      %dma_wait3A = arith.constant 0 : i32
      %dma_wait3A_62 = arith.constant 0 : i32
      %dma_wait3A_63 = tpu.memref_slice %arg4[%add3A, %dma_wait3A, %dma_wait3A_62] : memref<32x80x125xi32, #tpu.memory_space<hbm>> -> memref<1x80x125xi32, #tpu.memory_space<hbm>>
      %dma_wait3A_64 = tpu.memref_squeeze %dma_wait3A_63 : memref<1x80x125xi32, #tpu.memory_space<hbm>> -> memref<80x125xi32, #tpu.memory_space<hbm>>
      %dma_wait3A_65 = arith.constant 0 : i32
      %dma_wait3A_66 = arith.constant 0 : i32
      %dma_wait3A_67 = tpu.memref_slice %arg4[%add3A, %dma_wait3A_65, %dma_wait3A_66] : memref<32x80x125xi32, #tpu.memory_space<hbm>> -> memref<1x80x125xi32, #tpu.memory_space<hbm>>
      %dma_wait3A_68 = tpu.memref_squeeze %dma_wait3A_67 : memref<1x80x125xi32, #tpu.memory_space<hbm>> -> memref<80x125xi32, #tpu.memory_space<hbm>>
      tpu.wait_dma2 semaphore(%run_scoped3A_53 : memref<!tpu.dma_semaphore, #tpu.memory_space<semaphore_mem>>) src(%dma_wait3A_68 : memref<80x125xi32, #tpu.memory_space<hbm>>) dst(%arg7 : memref<80x125xi32, #tpu.memory_space<vmem>>)
      tpu.yield
    }) : () -> ()
    %run_scoped3A = arith.constant 0 : i32
    %run_scoped3A_27 = arith.constant 0 : i32
    "tpu.region"() ({
      %run_scoped3A_53 = tpu.sem_alloc : memref<!tpu.dma_semaphore, #tpu.memory_space<semaphore_mem>>
      %dma_start3A_54 = arith.constant 0 : i32
      %dma_start3A_55 = tpu.memref_slice %arg6[%run_scoped3A_27, %dma_start3A_54] : memref<2x125xi32, #tpu.memory_space<vmem>> -> memref<1x125xi32, #tpu.memory_space<vmem>>
      %dma_start3A_56 = tpu.memref_squeeze %dma_start3A_55 : memref<1x125xi32, #tpu.memory_space<vmem>> -> memref<125xi32, #tpu.memory_space<vmem>>
      %dma_start3A_57 = arith.constant 0 : i32
      %dma_start3A_58 = tpu.memref_slice %arg3[%add3A, %run_scoped3A, %dma_start3A_57] : memref<32x80x125xi32, #tpu.memory_space<hbm>> -> memref<1x1x125xi32, #tpu.memory_space<hbm>>
      %dma_start3A_59 = tpu.memref_squeeze %dma_start3A_58 : memref<1x1x125xi32, #tpu.memory_space<hbm>> -> memref<125xi32, #tpu.memory_space<hbm>>
      %dma_start3A_60 = arith.constant 0 : i32
      %dma_start3A_61 = tpu.memref_slice %arg6[%run_scoped3A_27, %dma_start3A_60] : memref<2x125xi32, #tpu.memory_space<vmem>> -> memref<1x125xi32, #tpu.memory_space<vmem>>
      %dma_start3A_62 = tpu.memref_squeeze %dma_start3A_61 : memref<1x125xi32, #tpu.memory_space<vmem>> -> memref<125xi32, #tpu.memory_space<vmem>>
      %dma_start3A_63 = arith.constant 0 : i32
      %dma_start3A_64 = tpu.memref_slice %arg3[%add3A, %run_scoped3A, %dma_start3A_63] : memref<32x80x125xi32, #tpu.memory_space<hbm>> -> memref<1x1x125xi32, #tpu.memory_space<hbm>>
      %dma_start3A_65 = tpu.memref_squeeze %dma_start3A_64 : memref<1x1x125xi32, #tpu.memory_space<hbm>> -> memref<125xi32, #tpu.memory_space<hbm>>
      tpu.enqueue_dma source(%dma_start3A_65 : memref<125xi32, #tpu.memory_space<hbm>>) target(%dma_start3A_62 : memref<125xi32, #tpu.memory_space<vmem>>) target_semaphore(%run_scoped3A_53 : memref<!tpu.dma_semaphore, #tpu.memory_space<semaphore_mem>>)
      %dma_wait3A = arith.constant 0 : i32
      %dma_wait3A_66 = tpu.memref_slice %arg6[%run_scoped3A_27, %dma_wait3A] : memref<2x125xi32, #tpu.memory_space<vmem>> -> memref<1x125xi32, #tpu.memory_space<vmem>>
      %dma_wait3A_67 = tpu.memref_squeeze %dma_wait3A_66 : memref<1x125xi32, #tpu.memory_space<vmem>> -> memref<125xi32, #tpu.memory_space<vmem>>
      %dma_wait3A_68 = arith.constant 0 : i32
      %dma_wait3A_69 = tpu.memref_slice %arg3[%add3A, %run_scoped3A, %dma_wait3A_68] : memref<32x80x125xi32, #tpu.memory_space<hbm>> -> memref<1x1x125xi32, #tpu.memory_space<hbm>>
      %dma_wait3A_70 = tpu.memref_squeeze %dma_wait3A_69 : memref<1x1x125xi32, #tpu.memory_space<hbm>> -> memref<125xi32, #tpu.memory_space<hbm>>
      %dma_wait3A_71 = arith.constant 0 : i32
      %dma_wait3A_72 = tpu.memref_slice %arg6[%run_scoped3A_27, %dma_wait3A_71] : memref<2x125xi32, #tpu.memory_space<vmem>> -> memref<1x125xi32, #tpu.memory_space<vmem>>
      %dma_wait3A_73 = tpu.memref_squeeze %dma_wait3A_72 : memref<1x125xi32, #tpu.memory_space<vmem>> -> memref<125xi32, #tpu.memory_space<vmem>>
      %dma_wait3A_74 = arith.constant 0 : i32
      %dma_wait3A_75 = tpu.memref_slice %arg3[%add3A, %run_scoped3A, %dma_wait3A_74] : memref<32x80x125xi32, #tpu.memory_space<hbm>> -> memref<1x1x125xi32, #tpu.memory_space<hbm>>
      %dma_wait3A_76 = tpu.memref_squeeze %dma_wait3A_75 : memref<1x1x125xi32, #tpu.memory_space<hbm>> -> memref<125xi32, #tpu.memory_space<hbm>>
      tpu.wait_dma2 semaphore(%run_scoped3A_53 : memref<!tpu.dma_semaphore, #tpu.memory_space<semaphore_mem>>) src(%dma_wait3A_76 : memref<125xi32, #tpu.memory_space<hbm>>) dst(%dma_wait3A_73 : memref<125xi32, #tpu.memory_space<vmem>>)
      tpu.yield
    }) : () -> ()
    %dma_start3A = arith.constant 0 : i32
    %dma_start3A_28 = arith.constant 0 : i32
    %dma_start3A_29 = arith.constant 0 : i32
    %dma_start3A_30 = tpu.memref_slice %arg8[%dma_start3A_28, %dma_start3A_29] : memref<128x128xf32, #tpu.memory_space<vmem>> -> memref<125x128xf32, #tpu.memory_space<vmem>>
    %dma_start3A_31 = arith.constant 0 : i32
    %dma_start3A_32 = tpu.memref_slice %arg6[%dma_start3A, %dma_start3A_31] : memref<2x125xi32, #tpu.memory_space<vmem>> -> memref<1x125xi32, #tpu.memory_space<vmem>>
    %dma_start3A_33 = tpu.memref_squeeze %dma_start3A_32 : memref<1x125xi32, #tpu.memory_space<vmem>> -> memref<125xi32, #tpu.memory_space<vmem>>
    %dma_start3A_34 = arith.constant 0 : i32
    %dma_start3A_35 = arith.constant 0 : i32
    %dma_start3A_36 = tpu.memref_slice %arg2[%dma_start3A_34, %dma_start3A_35] : memref<10000x128xf32, #tpu.memory_space<hbm>> -> memref<10000x128xf32, #tpu.memory_space<hbm>>
    tpu.enqueue_indirect_dma source(%dma_start3A_36 : memref<10000x128xf32, #tpu.memory_space<hbm>>) target(%dma_start3A_30 : memref<125x128xf32, #tpu.memory_space<vmem>>) offsets(%dma_start3A_33 : memref<125xi32, #tpu.memory_space<vmem>>) semaphore(%arg11 : memref<!tpu.dma_semaphore, #tpu.memory_space<semaphore_mem>>)
    %run_scoped3A_37 = arith.constant 1 : i32
    %run_scoped3A_38 = arith.constant 1 : i32
    "tpu.region"() ({
      %run_scoped3A_53 = tpu.sem_alloc : memref<!tpu.dma_semaphore, #tpu.memory_space<semaphore_mem>>
      %dma_start3A_54 = arith.constant 0 : i32
      %dma_start3A_55 = tpu.memref_slice %arg6[%run_scoped3A_38, %dma_start3A_54] : memref<2x125xi32, #tpu.memory_space<vmem>> -> memref<1x125xi32, #tpu.memory_space<vmem>>
      %dma_start3A_56 = tpu.memref_squeeze %dma_start3A_55 : memref<1x125xi32, #tpu.memory_space<vmem>> -> memref<125xi32, #tpu.memory_space<vmem>>
      %dma_start3A_57 = arith.constant 0 : i32
      %dma_start3A_58 = tpu.memref_slice %arg3[%add3A, %run_scoped3A_37, %dma_start3A_57] : memref<32x80x125xi32, #tpu.memory_space<hbm>> -> memref<1x1x125xi32, #tpu.memory_space<hbm>>
      %dma_start3A_59 = tpu.memref_squeeze %dma_start3A_58 : memref<1x1x125xi32, #tpu.memory_space<hbm>> -> memref<125xi32, #tpu.memory_space<hbm>>
      %dma_start3A_60 = arith.constant 0 : i32
      %dma_start3A_61 = tpu.memref_slice %arg6[%run_scoped3A_38, %dma_start3A_60] : memref<2x125xi32, #tpu.memory_space<vmem>> -> memref<1x125xi32, #tpu.memory_space<vmem>>
      %dma_start3A_62 = tpu.memref_squeeze %dma_start3A_61 : memref<1x125xi32, #tpu.memory_space<vmem>> -> memref<125xi32, #tpu.memory_space<vmem>>
      %dma_start3A_63 = arith.constant 0 : i32
      %dma_start3A_64 = tpu.memref_slice %arg3[%add3A, %run_scoped3A_37, %dma_start3A_63] : memref<32x80x125xi32, #tpu.memory_space<hbm>> -> memref<1x1x125xi32, #tpu.memory_space<hbm>>
      %dma_start3A_65 = tpu.memref_squeeze %dma_start3A_64 : memref<1x1x125xi32, #tpu.memory_space<hbm>> -> memref<125xi32, #tpu.memory_space<hbm>>
      tpu.enqueue_dma source(%dma_start3A_65 : memref<125xi32, #tpu.memory_space<hbm>>) target(%dma_start3A_62 : memref<125xi32, #tpu.memory_space<vmem>>) target_semaphore(%run_scoped3A_53 : memref<!tpu.dma_semaphore, #tpu.memory_space<semaphore_mem>>)
      %dma_wait3A = arith.constant 0 : i32
      %dma_wait3A_66 = tpu.memref_slice %arg6[%run_scoped3A_38, %dma_wait3A] : memref<2x125xi32, #tpu.memory_space<vmem>> -> memref<1x125xi32, #tpu.memory_space<vmem>>
      %dma_wait3A_67 = tpu.memref_squeeze %dma_wait3A_66 : memref<1x125xi32, #tpu.memory_space<vmem>> -> memref<125xi32, #tpu.memory_space<vmem>>
      %dma_wait3A_68 = arith.constant 0 : i32
      %dma_wait3A_69 = tpu.memref_slice %arg3[%add3A, %run_scoped3A_37, %dma_wait3A_68] : memref<32x80x125xi32, #tpu.memory_space<hbm>> -> memref<1x1x125xi32, #tpu.memory_space<hbm>>
      %dma_wait3A_70 = tpu.memref_squeeze %dma_wait3A_69 : memref<1x1x125xi32, #tpu.memory_space<hbm>> -> memref<125xi32, #tpu.memory_space<hbm>>
      %dma_wait3A_71 = arith.constant 0 : i32
      %dma_wait3A_72 = tpu.memref_slice %arg6[%run_scoped3A_38, %dma_wait3A_71] : memref<2x125xi32, #tpu.memory_space<vmem>> -> memref<1x125xi32, #tpu.memory_space<vmem>>
      %dma_wait3A_73 = tpu.memref_squeeze %dma_wait3A_72 : memref<1x125xi32, #tpu.memory_space<vmem>> -> memref<125xi32, #tpu.memory_space<vmem>>
      %dma_wait3A_74 = arith.constant 0 : i32
      %dma_wait3A_75 = tpu.memref_slice %arg3[%add3A, %run_scoped3A_37, %dma_wait3A_74] : memref<32x80x125xi32, #tpu.memory_space<hbm>> -> memref<1x1x125xi32, #tpu.memory_space<hbm>>
      %dma_wait3A_76 = tpu.memref_squeeze %dma_wait3A_75 : memref<1x1x125xi32, #tpu.memory_space<hbm>> -> memref<125xi32, #tpu.memory_space<hbm>>
      tpu.wait_dma2 semaphore(%run_scoped3A_53 : memref<!tpu.dma_semaphore, #tpu.memory_space<semaphore_mem>>) src(%dma_wait3A_76 : memref<125xi32, #tpu.memory_space<hbm>>) dst(%dma_wait3A_73 : memref<125xi32, #tpu.memory_space<vmem>>)
      tpu.yield
    }) : () -> ()
    %scan3A_39 = arith.constant 0 : i32
    %scan3A_40 = arith.constant 1 : i32
    %scan3A_41 = arith.constant 0 : i32
    %scan3A_42 = arith.constant 0 : i32
    %scan3A_43 = arith.constant 40 : i32
    %scan3A_44 = arith.addi %scan3A_42, %scan3A_43 : i32
    %scan3A_45 = arith.constant 1 : i32
    %scan3A_46 = scf.for %scan3A_53 = %scan3A_42 to %scan3A_44 step %scan3A_45 iter_args(%scan3A_54 = %scan3A_41) -> (i32)  : i32 {
      %mul3A_55 = arith.constant 2 : i32
      %mul3A_56 = arith.muli %mul3A_55, %scan3A_53 : i32
      %add3A_57 = arith.constant 0 : i32
      %add3A_58 = arith.addi %mul3A_56, %add3A_57 : i32
      %dma_wait3A = arith.constant 0 : i32
      %dma_wait3A_59 = arith.constant 0 : i32
      %dma_wait3A_60 = tpu.memref_slice %arg8[%dma_wait3A, %dma_wait3A_59] : memref<128x128xf32, #tpu.memory_space<vmem>> -> memref<125x128xf32, #tpu.memory_space<vmem>>
      %dma_wait3A_61 = arith.constant 0 : i32
      %dma_wait3A_62 = tpu.memref_slice %arg6[%scan3A_39, %dma_wait3A_61] : memref<2x125xi32, #tpu.memory_space<vmem>> -> memref<1x125xi32, #tpu.memory_space<vmem>>
      %dma_wait3A_63 = tpu.memref_squeeze %dma_wait3A_62 : memref<1x125xi32, #tpu.memory_space<vmem>> -> memref<125xi32, #tpu.memory_space<vmem>>
      %dma_wait3A_64 = arith.constant 0 : i32
      %dma_wait3A_65 = arith.constant 0 : i32
      %dma_wait3A_66 = tpu.memref_slice %arg2[%dma_wait3A_64, %dma_wait3A_65] : memref<10000x128xf32, #tpu.memory_space<hbm>> -> memref<10000x128xf32, #tpu.memory_space<hbm>>
      tpu.wait_indirect_dma semaphore(%arg11 : memref<!tpu.dma_semaphore, #tpu.memory_space<semaphore_mem>>) src(%dma_wait3A_66 : memref<10000x128xf32, #tpu.memory_space<hbm>>) dst(%dma_wait3A_60 : memref<125x128xf32, #tpu.memory_space<vmem>>)
      %add3A_67 = arith.constant 1 : i32
      %add3A_68 = arith.addi %add3A_58, %add3A_67 : i32
      %lt3A = arith.constant 80 : i32
      %lt3A_69 = arith.cmpi slt, %add3A_68, %lt3A : i32
      %convert_element_type3A = arith.extui %lt3A_69 : i1 to i32
      %cond3A = arith.constant 0 : i32
      %cond3A_70 = arith.cmpi ne, %convert_element_type3A, %cond3A : i32
      scf.if %cond3A_70 {
        %dma_start3A_103 = arith.constant 0 : i32
        %dma_start3A_104 = tpu.memref_slice %arg6[%scan3A_40, %dma_start3A_103] : memref<2x125xi32, #tpu.memory_space<vmem>> -> memref<1x125xi32, #tpu.memory_space<vmem>>
        %dma_start3A_105 = tpu.memref_squeeze %dma_start3A_104 : memref<1x125xi32, #tpu.memory_space<vmem>> -> memref<125xi32, #tpu.memory_space<vmem>>
        %dma_start3A_106 = arith.constant 0 : i32
        %dma_start3A_107 = arith.constant 0 : i32
        %dma_start3A_108 = tpu.memref_slice %arg2[%dma_start3A_106, %dma_start3A_107] : memref<10000x128xf32, #tpu.memory_space<hbm>> -> memref<10000x128xf32, #tpu.memory_space<hbm>>
        tpu.enqueue_indirect_dma source(%dma_start3A_108 : memref<10000x128xf32, #tpu.memory_space<hbm>>) target(%arg9 : memref<125x128xf32, #tpu.memory_space<vmem>>) offsets(%dma_start3A_105 : memref<125xi32, #tpu.memory_space<vmem>>) semaphore(%arg11 : memref<!tpu.dma_semaphore, #tpu.memory_space<semaphore_mem>>)
      } else {
      }
      %add3A_71 = arith.constant 2 : i32
      %add3A_72 = arith.addi %add3A_58, %add3A_71 : i32
      %lt3A_73 = arith.constant 80 : i32
      %lt3A_74 = arith.cmpi slt, %add3A_72, %lt3A_73 : i32
      %convert_element_type3A_75 = arith.extui %lt3A_74 : i1 to i32
      %cond3A_76 = arith.constant 0 : i32
      %cond3A_77 = arith.cmpi ne, %convert_element_type3A_75, %cond3A_76 : i32
      scf.if %cond3A_77 {
        %add3A_103 = arith.constant 2 : i32
        %add3A_104 = arith.addi %add3A_58, %add3A_103 : i32
        %min3A = arith.constant 79 : i32
        %min3A_105 = arith.minsi %add3A_104, %min3A : i32
        "tpu.region"() ({
          %run_scoped3A_106 = tpu.sem_alloc : memref<!tpu.dma_semaphore, #tpu.memory_space<semaphore_mem>>
          %dma_start3A_107 = arith.constant 0 : i32
          %dma_start3A_108 = tpu.memref_slice %arg6[%scan3A_39, %dma_start3A_107] : memref<2x125xi32, #tpu.memory_space<vmem>> -> memref<1x125xi32, #tpu.memory_space<vmem>>
          %dma_start3A_109 = tpu.memref_squeeze %dma_start3A_108 : memref<1x125xi32, #tpu.memory_space<vmem>> -> memref<125xi32, #tpu.memory_space<vmem>>
          %dma_start3A_110 = arith.constant 0 : i32
          %dma_start3A_111 = tpu.memref_slice %arg3[%add3A, %min3A_105, %dma_start3A_110] : memref<32x80x125xi32, #tpu.memory_space<hbm>> -> memref<1x1x125xi32, #tpu.memory_space<hbm>>
          %dma_start3A_112 = tpu.memref_squeeze %dma_start3A_111 : memref<1x1x125xi32, #tpu.memory_space<hbm>> -> memref<125xi32, #tpu.memory_space<hbm>>
          %dma_start3A_113 = arith.constant 0 : i32
          %dma_start3A_114 = tpu.memref_slice %arg6[%scan3A_39, %dma_start3A_113] : memref<2x125xi32, #tpu.memory_space<vmem>> -> memref<1x125xi32, #tpu.memory_space<vmem>>
          %dma_start3A_115 = tpu.memref_squeeze %dma_start3A_114 : memref<1x125xi32, #tpu.memory_space<vmem>> -> memref<125xi32, #tpu.memory_space<vmem>>
          %dma_start3A_116 = arith.constant 0 : i32
          %dma_start3A_117 = tpu.memref_slice %arg3[%add3A, %min3A_105, %dma_start3A_116] : memref<32x80x125xi32, #tpu.memory_space<hbm>> -> memref<1x1x125xi32, #tpu.memory_space<hbm>>
          %dma_start3A_118 = tpu.memref_squeeze %dma_start3A_117 : memref<1x1x125xi32, #tpu.memory_space<hbm>> -> memref<125xi32, #tpu.memory_space<hbm>>
          tpu.enqueue_dma source(%dma_start3A_118 : memref<125xi32, #tpu.memory_space<hbm>>) target(%dma_start3A_115 : memref<125xi32, #tpu.memory_space<vmem>>) target_semaphore(%run_scoped3A_106 : memref<!tpu.dma_semaphore, #tpu.memory_space<semaphore_mem>>)
          %dma_wait3A_119 = arith.constant 0 : i32
          %dma_wait3A_120 = tpu.memref_slice %arg6[%scan3A_39, %dma_wait3A_119] : memref<2x125xi32, #tpu.memory_space<vmem>> -> memref<1x125xi32, #tpu.memory_space<vmem>>
          %dma_wait3A_121 = tpu.memref_squeeze %dma_wait3A_120 : memref<1x125xi32, #tpu.memory_space<vmem>> -> memref<125xi32, #tpu.memory_space<vmem>>
          %dma_wait3A_122 = arith.constant 0 : i32
          %dma_wait3A_123 = tpu.memref_slice %arg3[%add3A, %min3A_105, %dma_wait3A_122] : memref<32x80x125xi32, #tpu.memory_space<hbm>> -> memref<1x1x125xi32, #tpu.memory_space<hbm>>
          %dma_wait3A_124 = tpu.memref_squeeze %dma_wait3A_123 : memref<1x1x125xi32, #tpu.memory_space<hbm>> -> memref<125xi32, #tpu.memory_space<hbm>>
          %dma_wait3A_125 = arith.constant 0 : i32
          %dma_wait3A_126 = tpu.memref_slice %arg6[%scan3A_39, %dma_wait3A_125] : memref<2x125xi32, #tpu.memory_space<vmem>> -> memref<1x125xi32, #tpu.memory_space<vmem>>
          %dma_wait3A_127 = tpu.memref_squeeze %dma_wait3A_126 : memref<1x125xi32, #tpu.memory_space<vmem>> -> memref<125xi32, #tpu.memory_space<vmem>>
          %dma_wait3A_128 = arith.constant 0 : i32
          %dma_wait3A_129 = tpu.memref_slice %arg3[%add3A, %min3A_105, %dma_wait3A_128] : memref<32x80x125xi32, #tpu.memory_space<hbm>> -> memref<1x1x125xi32, #tpu.memory_space<hbm>>
          %dma_wait3A_130 = tpu.memref_squeeze %dma_wait3A_129 : memref<1x1x125xi32, #tpu.memory_space<hbm>> -> memref<125xi32, #tpu.memory_space<hbm>>
          tpu.wait_dma2 semaphore(%run_scoped3A_106 : memref<!tpu.dma_semaphore, #tpu.memory_space<semaphore_mem>>) src(%dma_wait3A_130 : memref<125xi32, #tpu.memory_space<hbm>>) dst(%dma_wait3A_127 : memref<125xi32, #tpu.memory_space<vmem>>)
          tpu.yield
        }) : () -> ()
      } else {
      }
      "tpu.region"() ({
        %run_scoped3A_103 = tpu.sem_alloc : memref<!tpu.dma_semaphore, #tpu.memory_space<semaphore_mem>>
        %dma_start3A_104 = arith.constant 0 : i32
        %dma_start3A_105 = arith.constant 0 : i32
        %dma_start3A_106 = tpu.memref_slice %arg8[%dma_start3A_104, %dma_start3A_105] : memref<128x128xf32, #tpu.memory_space<vmem>> -> memref<125x128xf32, #tpu.memory_space<vmem>>
        %dma_start3A_107 = arith.constant 0 : i32
        %dma_start3A_108 = tpu.memref_slice %arg7[%add3A_58, %dma_start3A_107] : memref<80x125xi32, #tpu.memory_space<vmem>> -> memref<1x125xi32, #tpu.memory_space<vmem>>
        %dma_start3A_109 = tpu.memref_squeeze %dma_start3A_108 : memref<1x125xi32, #tpu.memory_space<vmem>> -> memref<125xi32, #tpu.memory_space<vmem>>
        %dma_start3A_110 = arith.constant 0 : i32
        %dma_start3A_111 = arith.constant 0 : i32
        %dma_start3A_112 = tpu.memref_slice %arg10[%dma_start3A_110, %dma_start3A_111] : memref<10240x128xf32, #tpu.memory_space<vmem_shared>> -> memref<10240x128xf32, #tpu.memory_space<vmem_shared>>
        tpu.enqueue_indirect_dma source(%dma_start3A_106 : memref<125x128xf32, #tpu.memory_space<vmem>>) target(%dma_start3A_112 : memref<10240x128xf32, #tpu.memory_space<vmem_shared>>) offsets(%dma_start3A_109 : memref<125xi32, #tpu.memory_space<vmem>>) semaphore(%run_scoped3A_103 : memref<!tpu.dma_semaphore, #tpu.memory_space<semaphore_mem>>) {add = true}
        %dma_wait3A_113 = arith.constant 0 : i32
        %dma_wait3A_114 = arith.constant 0 : i32
        %dma_wait3A_115 = tpu.memref_slice %arg8[%dma_wait3A_113, %dma_wait3A_114] : memref<128x128xf32, #tpu.memory_space<vmem>> -> memref<125x128xf32, #tpu.memory_space<vmem>>
        %dma_wait3A_116 = arith.constant 0 : i32
        %dma_wait3A_117 = tpu.memref_slice %arg7[%add3A_58, %dma_wait3A_116] : memref<80x125xi32, #tpu.memory_space<vmem>> -> memref<1x125xi32, #tpu.memory_space<vmem>>
        %dma_wait3A_118 = tpu.memref_squeeze %dma_wait3A_117 : memref<1x125xi32, #tpu.memory_space<vmem>> -> memref<125xi32, #tpu.memory_space<vmem>>
        %dma_wait3A_119 = arith.constant 0 : i32
        %dma_wait3A_120 = arith.constant 0 : i32
        %dma_wait3A_121 = tpu.memref_slice %arg10[%dma_wait3A_119, %dma_wait3A_120] : memref<10240x128xf32, #tpu.memory_space<vmem_shared>> -> memref<10240x128xf32, #tpu.memory_space<vmem_shared>>
        tpu.wait_indirect_dma semaphore(%run_scoped3A_103 : memref<!tpu.dma_semaphore, #tpu.memory_space<semaphore_mem>>) src(%dma_wait3A_115 : memref<125x128xf32, #tpu.memory_space<vmem>>) dst(%dma_wait3A_121 : memref<10240x128xf32, #tpu.memory_space<vmem_shared>>)
        tpu.yield
      }) : () -> ()
      %mul3A_78 = arith.constant 2 : i32
      %mul3A_79 = arith.muli %mul3A_78, %scan3A_53 : i32
      %add3A_80 = arith.constant 1 : i32
      %add3A_81 = arith.addi %mul3A_79, %add3A_80 : i32
      %dma_wait3A_82 = arith.constant 0 : i32
      %dma_wait3A_83 = tpu.memref_slice %arg6[%scan3A_40, %dma_wait3A_82] : memref<2x125xi32, #tpu.memory_space<vmem>> -> memref<1x125xi32, #tpu.memory_space<vmem>>
      %dma_wait3A_84 = tpu.memref_squeeze %dma_wait3A_83 : memref<1x125xi32, #tpu.memory_space<vmem>> -> memref<125xi32, #tpu.memory_space<vmem>>
      %dma_wait3A_85 = arith.constant 0 : i32
      %dma_wait3A_86 = arith.constant 0 : i32
      %dma_wait3A_87 = tpu.memref_slice %arg2[%dma_wait3A_85, %dma_wait3A_86] : memref<10000x128xf32, #tpu.memory_space<hbm>> -> memref<10000x128xf32, #tpu.memory_space<hbm>>
      tpu.wait_indirect_dma semaphore(%arg11 : memref<!tpu.dma_semaphore, #tpu.memory_space<semaphore_mem>>) src(%dma_wait3A_87 : memref<10000x128xf32, #tpu.memory_space<hbm>>) dst(%arg9 : memref<125x128xf32, #tpu.memory_space<vmem>>)
      %add3A_88 = arith.constant 1 : i32
      %add3A_89 = arith.addi %add3A_81, %add3A_88 : i32
      %lt3A_90 = arith.constant 80 : i32
      %lt3A_91 = arith.cmpi slt, %add3A_89, %lt3A_90 : i32
      %convert_element_type3A_92 = arith.extui %lt3A_91 : i1 to i32
      %cond3A_93 = arith.constant 0 : i32
      %cond3A_94 = arith.cmpi ne, %convert_element_type3A_92, %cond3A_93 : i32
      scf.if %cond3A_94 {
        %dma_start3A_103 = arith.constant 0 : i32
        %dma_start3A_104 = arith.constant 0 : i32
        %dma_start3A_105 = tpu.memref_slice %arg8[%dma_start3A_103, %dma_start3A_104] : memref<128x128xf32, #tpu.memory_space<vmem>> -> memref<125x128xf32, #tpu.memory_space<vmem>>
        %dma_start3A_106 = arith.constant 0 : i32
        %dma_start3A_107 = tpu.memref_slice %arg6[%scan3A_39, %dma_start3A_106] : memref<2x125xi32, #tpu.memory_space<vmem>> -> memref<1x125xi32, #tpu.memory_space<vmem>>
        %dma_start3A_108 = tpu.memref_squeeze %dma_start3A_107 : memref<1x125xi32, #tpu.memory_space<vmem>> -> memref<125xi32, #tpu.memory_space<vmem>>
        %dma_start3A_109 = arith.constant 0 : i32
        %dma_start3A_110 = arith.constant 0 : i32
        %dma_start3A_111 = tpu.memref_slice %arg2[%dma_start3A_109, %dma_start3A_110] : memref<10000x128xf32, #tpu.memory_space<hbm>> -> memref<10000x128xf32, #tpu.memory_space<hbm>>
        tpu.enqueue_indirect_dma source(%dma_start3A_111 : memref<10000x128xf32, #tpu.memory_space<hbm>>) target(%dma_start3A_105 : memref<125x128xf32, #tpu.memory_space<vmem>>) offsets(%dma_start3A_108 : memref<125xi32, #tpu.memory_space<vmem>>) semaphore(%arg11 : memref<!tpu.dma_semaphore, #tpu.memory_space<semaphore_mem>>)
      } else {
      }
      %add3A_95 = arith.constant 2 : i32
      %add3A_96 = arith.addi %add3A_81, %add3A_95 : i32
      %lt3A_97 = arith.constant 80 : i32
      %lt3A_98 = arith.cmpi slt, %add3A_96, %lt3A_97 : i32
      %convert_element_type3A_99 = arith.extui %lt3A_98 : i1 to i32
      %cond3A_100 = arith.constant 0 : i32
      %cond3A_101 = arith.cmpi ne, %convert_element_type3A_99, %cond3A_100 : i32
      scf.if %cond3A_101 {
        %add3A_103 = arith.constant 2 : i32
        %add3A_104 = arith.addi %add3A_81, %add3A_103 : i32
        %min3A = arith.constant 79 : i32
        %min3A_105 = arith.minsi %add3A_104, %min3A : i32
        "tpu.region"() ({
          %run_scoped3A_106 = tpu.sem_alloc : memref<!tpu.dma_semaphore, #tpu.memory_space<semaphore_mem>>
          %dma_start3A_107 = arith.constant 0 : i32
          %dma_start3A_108 = tpu.memref_slice %arg6[%scan3A_40, %dma_start3A_107] : memref<2x125xi32, #tpu.memory_space<vmem>> -> memref<1x125xi32, #tpu.memory_space<vmem>>
          %dma_start3A_109 = tpu.memref_squeeze %dma_start3A_108 : memref<1x125xi32, #tpu.memory_space<vmem>> -> memref<125xi32, #tpu.memory_space<vmem>>
          %dma_start3A_110 = arith.constant 0 : i32
          %dma_start3A_111 = tpu.memref_slice %arg3[%add3A, %min3A_105, %dma_start3A_110] : memref<32x80x125xi32, #tpu.memory_space<hbm>> -> memref<1x1x125xi32, #tpu.memory_space<hbm>>
          %dma_start3A_112 = tpu.memref_squeeze %dma_start3A_111 : memref<1x1x125xi32, #tpu.memory_space<hbm>> -> memref<125xi32, #tpu.memory_space<hbm>>
          %dma_start3A_113 = arith.constant 0 : i32
          %dma_start3A_114 = tpu.memref_slice %arg6[%scan3A_40, %dma_start3A_113] : memref<2x125xi32, #tpu.memory_space<vmem>> -> memref<1x125xi32, #tpu.memory_space<vmem>>
          %dma_start3A_115 = tpu.memref_squeeze %dma_start3A_114 : memref<1x125xi32, #tpu.memory_space<vmem>> -> memref<125xi32, #tpu.memory_space<vmem>>
          %dma_start3A_116 = arith.constant 0 : i32
          %dma_start3A_117 = tpu.memref_slice %arg3[%add3A, %min3A_105, %dma_start3A_116] : memref<32x80x125xi32, #tpu.memory_space<hbm>> -> memref<1x1x125xi32, #tpu.memory_space<hbm>>
          %dma_start3A_118 = tpu.memref_squeeze %dma_start3A_117 : memref<1x1x125xi32, #tpu.memory_space<hbm>> -> memref<125xi32, #tpu.memory_space<hbm>>
          tpu.enqueue_dma source(%dma_start3A_118 : memref<125xi32, #tpu.memory_space<hbm>>) target(%dma_start3A_115 : memref<125xi32, #tpu.memory_space<vmem>>) target_semaphore(%run_scoped3A_106 : memref<!tpu.dma_semaphore, #tpu.memory_space<semaphore_mem>>)
          %dma_wait3A_119 = arith.constant 0 : i32
          %dma_wait3A_120 = tpu.memref_slice %arg6[%scan3A_40, %dma_wait3A_119] : memref<2x125xi32, #tpu.memory_space<vmem>> -> memref<1x125xi32, #tpu.memory_space<vmem>>
          %dma_wait3A_121 = tpu.memref_squeeze %dma_wait3A_120 : memref<1x125xi32, #tpu.memory_space<vmem>> -> memref<125xi32, #tpu.memory_space<vmem>>
          %dma_wait3A_122 = arith.constant 0 : i32
          %dma_wait3A_123 = tpu.memref_slice %arg3[%add3A, %min3A_105, %dma_wait3A_122] : memref<32x80x125xi32, #tpu.memory_space<hbm>> -> memref<1x1x125xi32, #tpu.memory_space<hbm>>
          %dma_wait3A_124 = tpu.memref_squeeze %dma_wait3A_123 : memref<1x1x125xi32, #tpu.memory_space<hbm>> -> memref<125xi32, #tpu.memory_space<hbm>>
          %dma_wait3A_125 = arith.constant 0 : i32
          %dma_wait3A_126 = tpu.memref_slice %arg6[%scan3A_40, %dma_wait3A_125] : memref<2x125xi32, #tpu.memory_space<vmem>> -> memref<1x125xi32, #tpu.memory_space<vmem>>
          %dma_wait3A_127 = tpu.memref_squeeze %dma_wait3A_126 : memref<1x125xi32, #tpu.memory_space<vmem>> -> memref<125xi32, #tpu.memory_space<vmem>>
          %dma_wait3A_128 = arith.constant 0 : i32
          %dma_wait3A_129 = tpu.memref_slice %arg3[%add3A, %min3A_105, %dma_wait3A_128] : memref<32x80x125xi32, #tpu.memory_space<hbm>> -> memref<1x1x125xi32, #tpu.memory_space<hbm>>
          %dma_wait3A_130 = tpu.memref_squeeze %dma_wait3A_129 : memref<1x1x125xi32, #tpu.memory_space<hbm>> -> memref<125xi32, #tpu.memory_space<hbm>>
          tpu.wait_dma2 semaphore(%run_scoped3A_106 : memref<!tpu.dma_semaphore, #tpu.memory_space<semaphore_mem>>) src(%dma_wait3A_130 : memref<125xi32, #tpu.memory_space<hbm>>) dst(%dma_wait3A_127 : memref<125xi32, #tpu.memory_space<vmem>>)
          tpu.yield
        }) : () -> ()
      } else {
      }
      "tpu.region"() ({
        %run_scoped3A_103 = tpu.sem_alloc : memref<!tpu.dma_semaphore, #tpu.memory_space<semaphore_mem>>
        %dma_start3A_104 = arith.constant 0 : i32
        %dma_start3A_105 = tpu.memref_slice %arg7[%add3A_81, %dma_start3A_104] : memref<80x125xi32, #tpu.memory_space<vmem>> -> memref<1x125xi32, #tpu.memory_space<vmem>>
        %dma_start3A_106 = tpu.memref_squeeze %dma_start3A_105 : memref<1x125xi32, #tpu.memory_space<vmem>> -> memref<125xi32, #tpu.memory_space<vmem>>
        %dma_start3A_107 = arith.constant 0 : i32
        %dma_start3A_108 = arith.constant 0 : i32
        %dma_start3A_109 = tpu.memref_slice %arg10[%dma_start3A_107, %dma_start3A_108] : memref<10240x128xf32, #tpu.memory_space<vmem_shared>> -> memref<10240x128xf32, #tpu.memory_space<vmem_shared>>
        tpu.enqueue_indirect_dma source(%arg9 : memref<125x128xf32, #tpu.memory_space<vmem>>) target(%dma_start3A_109 : memref<10240x128xf32, #tpu.memory_space<vmem_shared>>) offsets(%dma_start3A_106 : memref<125xi32, #tpu.memory_space<vmem>>) semaphore(%run_scoped3A_103 : memref<!tpu.dma_semaphore, #tpu.memory_space<semaphore_mem>>) {add = true}
        %dma_wait3A_110 = arith.constant 0 : i32
        %dma_wait3A_111 = tpu.memref_slice %arg7[%add3A_81, %dma_wait3A_110] : memref<80x125xi32, #tpu.memory_space<vmem>> -> memref<1x125xi32, #tpu.memory_space<vmem>>
        %dma_wait3A_112 = tpu.memref_squeeze %dma_wait3A_111 : memref<1x125xi32, #tpu.memory_space<vmem>> -> memref<125xi32, #tpu.memory_space<vmem>>
        %dma_wait3A_113 = arith.constant 0 : i32
        %dma_wait3A_114 = arith.constant 0 : i32
        %dma_wait3A_115 = tpu.memref_slice %arg10[%dma_wait3A_113, %dma_wait3A_114] : memref<10240x128xf32, #tpu.memory_space<vmem_shared>> -> memref<10240x128xf32, #tpu.memory_space<vmem_shared>>
        tpu.wait_indirect_dma semaphore(%run_scoped3A_103 : memref<!tpu.dma_semaphore, #tpu.memory_space<semaphore_mem>>) src(%arg9 : memref<125x128xf32, #tpu.memory_space<vmem>>) dst(%dma_wait3A_115 : memref<10240x128xf32, #tpu.memory_space<vmem_shared>>)
        tpu.yield
      }) : () -> ()
      %scan3A_102 = arith.constant 0 : i32
      scf.yield %scan3A_102 : i32
    }
    %scan3A_47 = arith.constant 40 : i32
    %barrier3A_48 = arith.constant 0 : index
    tpu.barrier barrier_id(%barrier3A_48)
    %mul3A_49 = arith.constant 640 : i32
    %mul3A_50 = arith.muli %arg1, %mul3A_49 : i32
    %mul3A_51 = arith.constant 640 : i32
    %mul3A_52 = arith.muli %arg1, %mul3A_51 : i32
    "tpu.region"() ({
      %run_scoped3A_53 = tpu.sem_alloc : memref<!tpu.dma_semaphore, #tpu.memory_space<semaphore_mem>>
      %dma_start3A_54 = arith.constant 0 : i32
      %dma_start3A_55 = tpu.memref_slice %arg5[%arg0, %mul3A_52, %dma_start3A_54] : memref<2x10240x128xf32, #tpu.memory_space<hbm>> -> memref<1x640x128xf32, #tpu.memory_space<hbm>>
      %dma_start3A_56 = tpu.memref_squeeze %dma_start3A_55 : memref<1x640x128xf32, #tpu.memory_space<hbm>> -> memref<640x128xf32, #tpu.memory_space<hbm>>
      %dma_start3A_57 = arith.constant 0 : i32
      %dma_start3A_58 = tpu.memref_slice %arg10[%mul3A_50, %dma_start3A_57] : memref<10240x128xf32, #tpu.memory_space<vmem_shared>> -> memref<640x128xf32, #tpu.memory_space<vmem_shared>>
      tpu.enqueue_dma source(%dma_start3A_58 : memref<640x128xf32, #tpu.memory_space<vmem_shared>>) target(%dma_start3A_56 : memref<640x128xf32, #tpu.memory_space<hbm>>) target_semaphore(%run_scoped3A_53 : memref<!tpu.dma_semaphore, #tpu.memory_space<semaphore_mem>>)
      %dma_wait3A = arith.constant 0 : i32
      %dma_wait3A_59 = tpu.memref_slice %arg5[%arg0, %mul3A_52, %dma_wait3A] : memref<2x10240x128xf32, #tpu.memory_space<hbm>> -> memref<1x640x128xf32, #tpu.memory_space<hbm>>
      %dma_wait3A_60 = tpu.memref_squeeze %dma_wait3A_59 : memref<1x640x128xf32, #tpu.memory_space<hbm>> -> memref<640x128xf32, #tpu.memory_space<hbm>>
      %dma_wait3A_61 = arith.constant 0 : i32
      %dma_wait3A_62 = tpu.memref_slice %arg10[%mul3A_50, %dma_wait3A_61] : memref<10240x128xf32, #tpu.memory_space<vmem_shared>> -> memref<640x128xf32, #tpu.memory_space<vmem_shared>>
      tpu.wait_dma2 semaphore(%run_scoped3A_53 : memref<!tpu.dma_semaphore, #tpu.memory_space<semaphore_mem>>) src(%dma_wait3A_62 : memref<640x128xf32, #tpu.memory_space<vmem_shared>>) dst(%dma_wait3A_60 : memref<640x128xf32, #tpu.memory_space<hbm>>)
      tpu.yield
    }) : () -> ()
    return
  }
}

module attributes {stable_mosaic.version = 14 : i64} {
  func.func @_tc0_body(%arg0: memref<2x10240x128xf32, #tpu.memory_space<vmem>>, %arg1: memref<10000x128xf32, #tpu.memory_space<vmem>>, %arg2: memref<128x128xf32, #tpu.memory_space<vmem>>, %arg3: memref<1x128xf32, #tpu.memory_space<vmem>>, %arg4: memref<16x128xf32, #tpu.memory_space<vmem>>, %arg5: memref<1x128xf32, #tpu.memory_space<vmem>>, %arg6: memref<1x128xf32, #tpu.memory_space<vmem>>, %arg7: memref<1x128xf32, #tpu.memory_space<vmem>>, %arg8: memref<10000x128xf32, #tpu.memory_space<vmem>>, %arg9: memref<10000x32xf32, #tpu.memory_space<vmem>>) attributes {dimension_semantics = [], scalar_prefetch = 0 : i64, scratch_operands = 0 : i64, tpu.core_type = #tpu.core_type<tc>} {
    %get3A = arith.constant 0 : index
    %get3A_0 = arith.constant 0 : index
    %get3A_1 = arith.constant 0 : index
    %get3A_2 = vector.load %arg0[%get3A, %get3A_0, %get3A_1] : memref<2x10240x128xf32, #tpu.memory_space<vmem>>, vector<1x10000x32xf32>
    %get3A_3 = vector.shape_cast %get3A_2 : vector<1x10000x32xf32> to vector<10000x32xf32>
    %get3A_4 = arith.constant 1 : index
    %get3A_5 = arith.constant 0 : index
    %get3A_6 = arith.constant 0 : index
    %get3A_7 = vector.load %arg0[%get3A_4, %get3A_5, %get3A_6] : memref<2x10240x128xf32, #tpu.memory_space<vmem>>, vector<1x10000x32xf32>
    %get3A_8 = vector.shape_cast %get3A_7 : vector<1x10000x32xf32> to vector<10000x32xf32>
    %add3A = arith.addf %get3A_3, %get3A_8 : vector<10000x32xf32>
    %slice3A = vector.extract_strided_slice %add3A {offsets = [0, 0], sizes = [10000, 16], strides = [1, 1]} : vector<10000x32xf32> to vector<10000x16xf32>
    %slice3A_9 = vector.extract_strided_slice %add3A {offsets = [0, 16], sizes = [10000, 1], strides = [1, 1]} : vector<10000x32xf32> to vector<10000x1xf32>
    %get3A_10 = arith.constant 0 : index
    %get3A_11 = arith.constant 0 : index
    %get3A_12 = vector.load %arg1[%get3A_10, %get3A_11] : memref<10000x128xf32, #tpu.memory_space<vmem>>, vector<10000x128xf32>
    %get3A_13 = arith.constant 0 : index
    %get3A_14 = arith.constant 0 : index
    %get3A_15 = vector.load %arg2[%get3A_13, %get3A_14] : memref<128x128xf32, #tpu.memory_space<vmem>>, vector<128x128xf32>
    %dot_general3A = arith.constant dense<0.000000e+00> : vector<10000x128xf32>
    %dot_general3A_16 = tpu.matmul %get3A_12, %get3A_15, %dot_general3A {dimension_numbers = #tpu.dot_dimension_numbers<[1], [0], [0], [1], [0, 0, 1, 1], [], []>, transpose_lhs_hint = false} : vector<10000x128xf32>, vector<128x128xf32>, vector<10000x128xf32> -> vector<10000x128xf32>
    %get3A_17 = arith.constant 0 : index
    %get3A_18 = arith.constant 0 : index
    %get3A_19 = vector.load %arg3[%get3A_17, %get3A_18] : memref<1x128xf32, #tpu.memory_space<vmem>>, vector<1x128xf32>
    %add3A_20 = vector.broadcast %get3A_19 : vector<1x128xf32> to vector<10000x128xf32>
    %add3A_21 = arith.addf %dot_general3A_16, %add3A_20 : vector<10000x128xf32>
    %get3A_22 = arith.constant 0 : index
    %get3A_23 = arith.constant 0 : index
    %get3A_24 = vector.load %arg4[%get3A_22, %get3A_23] : memref<16x128xf32, #tpu.memory_space<vmem>>, vector<16x128xf32>
    %dot_general3A_25 = arith.constant dense<0.000000e+00> : vector<10000x128xf32>
    %dot_general3A_26 = tpu.matmul %slice3A, %get3A_24, %dot_general3A_25 {dimension_numbers = #tpu.dot_dimension_numbers<[1], [0], [0], [1], [0, 0, 1, 1], [], []>, transpose_lhs_hint = false} : vector<10000x16xf32>, vector<16x128xf32>, vector<10000x128xf32> -> vector<10000x128xf32>
    %add3A_27 = arith.addf %add3A_21, %dot_general3A_26 : vector<10000x128xf32>
    %get3A_28 = arith.constant 0 : index
    %get3A_29 = arith.constant 0 : index
    %get3A_30 = vector.load %arg5[%get3A_28, %get3A_29] : memref<1x128xf32, #tpu.memory_space<vmem>>, vector<1x128xf32>
    %mul3A = vector.broadcast %slice3A_9 : vector<10000x1xf32> to vector<10000x128xf32>
    %mul3A_31 = vector.broadcast %get3A_30 : vector<1x128xf32> to vector<10000x128xf32>
    %mul3A_32 = arith.mulf %mul3A, %mul3A_31 : vector<10000x128xf32>
    %add3A_33 = arith.addf %add3A_27, %mul3A_32 : vector<10000x128xf32>
    %max3A = arith.constant 0.000000e+00 : f32
    %max3A_34 = vector.broadcast %max3A : f32 to vector<10000x128xf32>
    %max3A_35 = arith.maximumf %add3A_33, %max3A_34 : vector<10000x128xf32>
    %get3A_36 = arith.constant 0 : index
    %get3A_37 = arith.constant 0 : index
    %get3A_38 = vector.load %arg6[%get3A_36, %get3A_37] : memref<1x128xf32, #tpu.memory_space<vmem>>, vector<1x128xf32>
    %get3A_39 = arith.constant 0 : index
    %get3A_40 = arith.constant 0 : index
    %get3A_41 = vector.load %arg7[%get3A_39, %get3A_40] : memref<1x128xf32, #tpu.memory_space<vmem>>, vector<1x128xf32>
    %reduce_sum3A = arith.constant dense<0.000000e+00> : vector<128xf32>
    %reduce_sum3A_42 = vector.multi_reduction <add>, %max3A_35, %reduce_sum3A [0] : vector<10000x128xf32> to vector<128xf32>
    %div3A = arith.constant 1.000000e+04 : f32
    %div3A_43 = vector.broadcast %div3A : f32 to vector<128xf32>
    %div3A_44 = arith.divf %reduce_sum3A_42, %div3A_43 : vector<128xf32>
    %jit3A = arith.constant 0 : i32
    %reduce_sum3A_45 = arith.constant dense<0.000000e+00> : vector<128xf32>
    %reduce_sum3A_46 = vector.multi_reduction <add>, %max3A_35, %reduce_sum3A_45 [0] : vector<10000x128xf32> to vector<128xf32>
    %broadcast_in_dim3A = vector.shape_cast %reduce_sum3A_46 : vector<128xf32> to vector<1x128xf32>
    %div3A_47 = arith.constant 1.000000e+04 : f32
    %div3A_48 = vector.broadcast %div3A_47 : f32 to vector<1x128xf32>
    %div3A_49 = arith.divf %broadcast_in_dim3A, %div3A_48 : vector<1x128xf32>
    %sub3A = vector.broadcast %div3A_49 : vector<1x128xf32> to vector<10000x128xf32>
    %sub3A_50 = arith.subf %max3A_35, %sub3A : vector<10000x128xf32>
    %square3A = arith.mulf %sub3A_50, %sub3A_50 : vector<10000x128xf32>
    %convert_element_type3A = arith.sitofp %jit3A : i32 to f32
    %sub3A_51 = arith.constant 1.000000e+04 : f32
    %sub3A_52 = arith.subf %sub3A_51, %convert_element_type3A : f32
    %reduce_sum3A_53 = arith.constant dense<0.000000e+00> : vector<128xf32>
    %reduce_sum3A_54 = vector.multi_reduction <add>, %square3A, %reduce_sum3A_53 [0] : vector<10000x128xf32> to vector<128xf32>
    %div3A_55 = vector.broadcast %sub3A_52 : f32 to vector<128xf32>
    %div3A_56 = arith.divf %reduce_sum3A_54, %div3A_55 : vector<128xf32>
    %gt3A = arith.constant 0.000000e+00 : f32
    %gt3A_57 = arith.cmpf ogt, %sub3A_52, %gt3A : f32
    %jit3A_58 = arith.constant 0x7FC00000 : f32
    %broadcast_in_dim3A_59 = vector.broadcast %jit3A_58 : f32 to vector<128xf32>
    %select_n3A = arith.select %gt3A_57, %div3A_56, %broadcast_in_dim3A_59 : vector<128xf32>
    %broadcast_in_dim3A_60 = vector.shape_cast %div3A_44 : vector<128xf32> to vector<1x128xf32>
    %sub3A_61 = vector.broadcast %broadcast_in_dim3A_60 : vector<1x128xf32> to vector<10000x128xf32>
    %sub3A_62 = arith.subf %max3A_35, %sub3A_61 : vector<10000x128xf32>
    %add3A_63 = arith.constant 9.99999974E-6 : f32
    %add3A_64 = vector.broadcast %add3A_63 : f32 to vector<128xf32>
    %add3A_65 = arith.addf %select_n3A, %add3A_64 : vector<128xf32>
    %sqrt3A = math.sqrt %add3A_65 : vector<128xf32>
    %broadcast_in_dim3A_66 = vector.shape_cast %sqrt3A : vector<128xf32> to vector<1x128xf32>
    %div3A_67 = vector.broadcast %broadcast_in_dim3A_66 : vector<1x128xf32> to vector<10000x128xf32>
    %div3A_68 = arith.divf %sub3A_62, %div3A_67 : vector<10000x128xf32>
    %mul3A_69 = vector.broadcast %get3A_38 : vector<1x128xf32> to vector<10000x128xf32>
    %mul3A_70 = arith.mulf %div3A_68, %mul3A_69 : vector<10000x128xf32>
    %add3A_71 = vector.broadcast %get3A_41 : vector<1x128xf32> to vector<10000x128xf32>
    %add3A_72 = arith.addf %mul3A_70, %add3A_71 : vector<10000x128xf32>
    %swap3A = arith.constant 0 : index
    %swap3A_73 = arith.constant 0 : index
    %swap3A_74 = vector.load %arg8[%swap3A, %swap3A_73] : memref<10000x128xf32, #tpu.memory_space<vmem>>, vector<10000x128xf32>
    tpu.vector_store %arg8[%swap3A, %swap3A_73], %add3A_72 {strides = array<i32>} : memref<10000x128xf32, #tpu.memory_space<vmem>>, vector<10000x128xf32>,
    %swap3A_75 = arith.constant 0 : index
    %swap3A_76 = arith.constant 0 : index
    %swap3A_77 = vector.load %arg9[%swap3A_75, %swap3A_76] : memref<10000x32xf32, #tpu.memory_space<vmem>>, vector<10000x32xf32>
    tpu.vector_store %arg9[%swap3A_75, %swap3A_76], %add3A {strides = array<i32>} : memref<10000x32xf32, #tpu.memory_space<vmem>>, vector<10000x32xf32>,
    return
  }
}

module attributes {stable_mosaic.version = 14 : i64} {
  func.func @_tcl_body(%arg0: memref<2x10240x128xf32, #tpu.memory_space<vmem>>, %arg1: memref<10000x32xf32, #tpu.memory_space<vmem>>, %arg2: memref<10000x128xf32, #tpu.memory_space<vmem>>, %arg3: memref<16x128xf32, #tpu.memory_space<vmem>>, %arg4: memref<1x128xf32, #tpu.memory_space<vmem>>, %arg5: memref<128x128xf32, #tpu.memory_space<vmem>>, %arg6: memref<1x128xf32, #tpu.memory_space<vmem>>, %arg7: memref<128x128xf32, #tpu.memory_space<vmem>>, %arg8: memref<1x128xf32, #tpu.memory_space<vmem>>, %arg9: memref<128xf32, #tpu.memory_space<vmem>>, %arg10: memref<1x128xf32, #tpu.memory_space<vmem>>, %arg11: memref<128xf32, #tpu.memory_space<vmem>>, %arg12: memref<1x128xf32, #tpu.memory_space<vmem>>, %arg13: memref<10000x128xf32, #tpu.memory_space<vmem>>) attributes {dimension_semantics = [], scalar_prefetch = 0 : i64, scratch_operands = 0 : i64, tpu.core_type = #tpu.core_type<tc>} {
    %get3A = arith.constant 0 : index
    %get3A_0 = arith.constant 0 : index
    %get3A_1 = arith.constant 0 : index
    %get3A_2 = vector.load %arg0[%get3A, %get3A_0, %get3A_1] : memref<2x10240x128xf32, #tpu.memory_space<vmem>>, vector<1x10000x128xf32>
    %get3A_3 = vector.shape_cast %get3A_2 : vector<1x10000x128xf32> to vector<10000x128xf32>
    %get3A_4 = arith.constant 1 : index
    %get3A_5 = arith.constant 0 : index
    %get3A_6 = arith.constant 0 : index
    %get3A_7 = vector.load %arg0[%get3A_4, %get3A_5, %get3A_6] : memref<2x10240x128xf32, #tpu.memory_space<vmem>>, vector<1x10000x128xf32>
    %get3A_8 = vector.shape_cast %get3A_7 : vector<1x10000x128xf32> to vector<10000x128xf32>
    %add3A = arith.addf %get3A_3, %get3A_8 : vector<10000x128xf32>
    %get3A_9 = arith.constant 0 : index
    %get3A_10 = arith.constant 0 : index
    %get3A_11 = vector.load %arg1[%get3A_9, %get3A_10] : memref<10000x32xf32, #tpu.memory_space<vmem>>, vector<10000x16xf32>
    %get3A_12 = arith.constant 0 : index
    %get3A_13 = arith.constant 0 : index
    %get3A_14 = vector.load %arg3[%get3A_12, %get3A_13] : memref<16x128xf32, #tpu.memory_space<vmem>>, vector<16x128xf32>
    %dot_general3A = arith.constant dense<0.000000e+00> : vector<10000x128xf32>
    %dot_general3A_15 = tpu.matmul %get3A_11, %get3A_14, %dot_general3A {dimension_numbers = #tpu.dot_dimension_numbers<[1], [0], [0], [1], [0, 0, 1, 1], [], []>, transpose_lhs_hint = false} : vector<10000x16xf32>, vector<16x128xf32>, vector<10000x128xf32> -> vector<10000x128xf32>
    %get3A_16 = arith.constant 0 : index
    %get3A_17 = arith.constant 16 : index
    %get3A_18 = vector.load %arg1[%get3A_16, %get3A_17] : memref<10000x32xf32, #tpu.memory_space<vmem>>, vector<10000x1xf32>
    %get3A_19 = arith.constant 0 : index
    %get3A_20 = arith.constant 0 : index
    %get3A_21 = vector.load %arg4[%get3A_19, %get3A_20] : memref<1x128xf32, #tpu.memory_space<vmem>>, vector<1x128xf32>
    %mul3A = vector.broadcast %get3A_18 : vector<10000x1xf32> to vector<10000x128xf32>
    %mul3A_22 = vector.broadcast %get3A_21 : vector<1x128xf32> to vector<10000x128xf32>
    %mul3A_23 = arith.mulf %mul3A, %mul3A_22 : vector<10000x128xf32>
    %add3A_24 = arith.addf %dot_general3A_15, %mul3A_23 : vector<10000x128xf32>
    %get3A_25 = arith.constant 0 : index
    %get3A_26 = arith.constant 0 : index
    %get3A_27 = vector.load %arg5[%get3A_25, %get3A_26] : memref<128x128xf32, #tpu.memory_space<vmem>>, vector<128x128xf32>
    %dot_general3A_28 = arith.constant dense<0.000000e+00> : vector<10000x128xf32>
    %dot_general3A_29 = tpu.matmul %add3A, %get3A_27, %dot_general3A_28 {dimension_numbers = #tpu.dot_dimension_numbers<[1], [0], [0], [1], [0, 0, 1, 1], [], []>, transpose_lhs_hint = false} : vector<10000x128xf32>, vector<128x128xf32>, vector<10000x128xf32> -> vector<10000x128xf32>
    %get3A_30 = arith.constant 0 : index
    %get3A_31 = arith.constant 0 : index
    %get3A_32 = vector.load %arg6[%get3A_30, %get3A_31] : memref<1x128xf32, #tpu.memory_space<vmem>>, vector<1x128xf32>
    %add3A_33 = vector.broadcast %get3A_32 : vector<1x128xf32> to vector<10000x128xf32>
    %add3A_34 = arith.addf %dot_general3A_29, %add3A_33 : vector<10000x128xf32>
    %add3A_35 = arith.addf %add3A_34, %add3A_24 : vector<10000x128xf32>
    %max3A = arith.constant 0.000000e+00 : f32
    %max3A_36 = vector.broadcast %max3A : f32 to vector<10000x128xf32>
    %max3A_37 = arith.maximumf %add3A_35, %max3A_36 : vector<10000x128xf32>
    %get3A_38 = arith.constant 0 : index
    %get3A_39 = vector.load %arg9[%get3A_38] : memref<128xf32, #tpu.memory_space<vmem>>, vector<128xf32>
    %get3A_40 = arith.constant 0 : index
    %get3A_41 = arith.constant 0 : index
    %get3A_42 = vector.load %arg10[%get3A_40, %get3A_41] : memref<1x128xf32, #tpu.memory_space<vmem>>, vector<1x128xf32>
    %reduce_sum3A = arith.constant dense<0.000000e+00> : vector<128xf32>
    %reduce_sum3A_43 = vector.multi_reduction <add>, %max3A_37, %reduce_sum3A [0] : vector<10000x128xf32> to vector<128xf32>
    %div3A = arith.constant 1.000000e+04 : f32
    %div3A_44 = vector.broadcast %div3A : f32 to vector<128xf32>
    %div3A_45 = arith.divf %reduce_sum3A_43, %div3A_44 : vector<128xf32>
    %jit3A = arith.constant 0 : i32
    %reduce_sum3A_46 = arith.constant dense<0.000000e+00> : vector<128xf32>
    %reduce_sum3A_47 = vector.multi_reduction <add>, %max3A_37, %reduce_sum3A_46 [0] : vector<10000x128xf32> to vector<128xf32>
    %broadcast_in_dim3A = vector.shape_cast %reduce_sum3A_47 : vector<128xf32> to vector<1x128xf32>
    %div3A_48 = arith.constant 1.000000e+04 : f32
    %div3A_49 = vector.broadcast %div3A_48 : f32 to vector<1x128xf32>
    %div3A_50 = arith.divf %broadcast_in_dim3A, %div3A_49 : vector<1x128xf32>
    %sub3A = vector.broadcast %div3A_50 : vector<1x128xf32> to vector<10000x128xf32>
    %sub3A_51 = arith.subf %max3A_37, %sub3A : vector<10000x128xf32>
    %square3A = arith.mulf %sub3A_51, %sub3A_51 : vector<10000x128xf32>
    %convert_element_type3A = arith.sitofp %jit3A : i32 to f32
    %sub3A_52 = arith.constant 1.000000e+04 : f32
    %sub3A_53 = arith.subf %sub3A_52, %convert_element_type3A : f32
    %reduce_sum3A_54 = arith.constant dense<0.000000e+00> : vector<128xf32>
    %reduce_sum3A_55 = vector.multi_reduction <add>, %square3A, %reduce_sum3A_54 [0] : vector<10000x128xf32> to vector<128xf32>
    %div3A_56 = vector.broadcast %sub3A_53 : f32 to vector<128xf32>
    %div3A_57 = arith.divf %reduce_sum3A_55, %div3A_56 : vector<128xf32>
    %gt3A = arith.constant 0.000000e+00 : f32
    %gt3A_58 = arith.cmpf ogt, %sub3A_53, %gt3A : f32
    %jit3A_59 = arith.constant 0x7FC00000 : f32
    %broadcast_in_dim3A_60 = vector.broadcast %jit3A_59 : f32 to vector<128xf32>
    %select_n3A = arith.select %gt3A_58, %div3A_57, %broadcast_in_dim3A_60 : vector<128xf32>
    %broadcast_in_dim3A_61 = vector.shape_cast %div3A_45 : vector<128xf32> to vector<1x128xf32>
    %sub3A_62 = vector.broadcast %broadcast_in_dim3A_61 : vector<1x128xf32> to vector<10000x128xf32>
    %sub3A_63 = arith.subf %max3A_37, %sub3A_62 : vector<10000x128xf32>
    %add3A_64 = arith.constant 9.99999974E-6 : f32
    %add3A_65 = vector.broadcast %add3A_64 : f32 to vector<128xf32>
    %add3A_66 = arith.addf %select_n3A, %add3A_65 : vector<128xf32>
    %sqrt3A = math.sqrt %add3A_66 : vector<128xf32>
    %broadcast_in_dim3A_67 = vector.shape_cast %sqrt3A : vector<128xf32> to vector<1x128xf32>
    %div3A_68 = vector.broadcast %broadcast_in_dim3A_67 : vector<1x128xf32> to vector<10000x128xf32>
    %div3A_69 = arith.divf %sub3A_63, %div3A_68 : vector<10000x128xf32>
    %broadcast_in_dim3A_70 = vector.shape_cast %get3A_39 : vector<128xf32> to vector<1x128xf32>
    %mul3A_71 = vector.broadcast %broadcast_in_dim3A_70 : vector<1x128xf32> to vector<10000x128xf32>
    %mul3A_72 = arith.mulf %div3A_69, %mul3A_71 : vector<10000x128xf32>
    %add3A_73 = vector.broadcast %get3A_42 : vector<1x128xf32> to vector<10000x128xf32>
    %add3A_74 = arith.addf %mul3A_72, %add3A_73 : vector<10000x128xf32>
    %get3A_75 = arith.constant 0 : index
    %get3A_76 = arith.constant 0 : index
    %get3A_77 = vector.load %arg7[%get3A_75, %get3A_76] : memref<128x128xf32, #tpu.memory_space<vmem>>, vector<128x128xf32>
    %dot_general3A_78 = arith.constant dense<0.000000e+00> : vector<10000x128xf32>
    %dot_general3A_79 = tpu.matmul %add3A_74, %get3A_77, %dot_general3A_78 {dimension_numbers = #tpu.dot_dimension_numbers<[1], [0], [0], [1], [0, 0, 1, 1], [], []>, transpose_lhs_hint = false} : vector<10000x128xf32>, vector<128x128xf32>, vector<10000x128xf32> -> vector<10000x128xf32>
    %get3A_80 = arith.constant 0 : index
    %get3A_81 = arith.constant 0 : index
    %get3A_82 = vector.load %arg8[%get3A_80, %get3A_81] : memref<1x128xf32, #tpu.memory_space<vmem>>, vector<1x128xf32>
    %add3A_83 = vector.broadcast %get3A_82 : vector<1x128xf32> to vector<10000x128xf32>
    %add3A_84 = arith.addf %dot_general3A_79, %add3A_83 : vector<10000x128xf32>
    %get3A_85 = arith.constant 0 : index
    %get3A_86 = arith.constant 0 : index
    %get3A_87 = vector.load %arg2[%get3A_85, %get3A_86] : memref<10000x128xf32, #tpu.memory_space<vmem>>, vector<10000x128xf32>
    %add3A_88 = arith.addf %add3A_84, %get3A_87 : vector<10000x128xf32>
    %max3A_89 = arith.constant 0.000000e+00 : f32
    %max3A_90 = vector.broadcast %max3A_89 : f32 to vector<10000x128xf32>
    %max3A_91 = arith.maximumf %add3A_88, %max3A_90 : vector<10000x128xf32>
    %get3A_92 = arith.constant 0 : index
    %get3A_93 = vector.load %arg11[%get3A_92] : memref<128xf32, #tpu.memory_space<vmem>>, vector<128xf32>
    %get3A_94 = arith.constant 0 : index
    %get3A_95 = arith.constant 0 : index
    %get3A_96 = vector.load %arg12[%get3A_94, %get3A_95] : memref<1x128xf32, #tpu.memory_space<vmem>>, vector<1x128xf32>
    %reduce_sum3A_97 = arith.constant dense<0.000000e+00> : vector<128xf32>
    %reduce_sum3A_98 = vector.multi_reduction <add>, %max3A_91, %reduce_sum3A_97 [0] : vector<10000x128xf32> to vector<128xf32>
    %div3A_99 = arith.constant 1.000000e+04 : f32
    %div3A_100 = vector.broadcast %div3A_99 : f32 to vector<128xf32>
    %div3A_101 = arith.divf %reduce_sum3A_98, %div3A_100 : vector<128xf32>
    %jit3A_102 = arith.constant 0 : i32
    %reduce_sum3A_103 = arith.constant dense<0.000000e+00> : vector<128xf32>
    %reduce_sum3A_104 = vector.multi_reduction <add>, %max3A_91, %reduce_sum3A_103 [0] : vector<10000x128xf32> to vector<128xf32>
    %broadcast_in_dim3A_105 = vector.shape_cast %reduce_sum3A_104 : vector<128xf32> to vector<1x128xf32>
    %div3A_106 = arith.constant 1.000000e+04 : f32
    %div3A_107 = vector.broadcast %div3A_106 : f32 to vector<1x128xf32>
    %div3A_108 = arith.divf %broadcast_in_dim3A_105, %div3A_107 : vector<1x128xf32>
    %sub3A_109 = vector.broadcast %div3A_108 : vector<1x128xf32> to vector<10000x128xf32>
    %sub3A_110 = arith.subf %max3A_91, %sub3A_109 : vector<10000x128xf32>
    %square3A_111 = arith.mulf %sub3A_110, %sub3A_110 : vector<10000x128xf32>
    %convert_element_type3A_112 = arith.sitofp %jit3A_102 : i32 to f32
    %sub3A_113 = arith.constant 1.000000e+04 : f32
    %sub3A_114 = arith.subf %sub3A_113, %convert_element_type3A_112 : f32
    %reduce_sum3A_115 = arith.constant dense<0.000000e+00> : vector<128xf32>
    %reduce_sum3A_116 = vector.multi_reduction <add>, %square3A_111, %reduce_sum3A_115 [0] : vector<10000x128xf32> to vector<128xf32>
    %div3A_117 = vector.broadcast %sub3A_114 : f32 to vector<128xf32>
    %div3A_118 = arith.divf %reduce_sum3A_116, %div3A_117 : vector<128xf32>
    %gt3A_119 = arith.constant 0.000000e+00 : f32
    %gt3A_120 = arith.cmpf ogt, %sub3A_114, %gt3A_119 : f32
    %jit3A_121 = arith.constant 0x7FC00000 : f32
    %broadcast_in_dim3A_122 = vector.broadcast %jit3A_121 : f32 to vector<128xf32>
    %select_n3A_123 = arith.select %gt3A_120, %div3A_118, %broadcast_in_dim3A_122 : vector<128xf32>
    %broadcast_in_dim3A_124 = vector.shape_cast %div3A_101 : vector<128xf32> to vector<1x128xf32>
    %sub3A_125 = vector.broadcast %broadcast_in_dim3A_124 : vector<1x128xf32> to vector<10000x128xf32>
    %sub3A_126 = arith.subf %max3A_91, %sub3A_125 : vector<10000x128xf32>
    %add3A_127 = arith.constant 9.99999974E-6 : f32
    %add3A_128 = vector.broadcast %add3A_127 : f32 to vector<128xf32>
    %add3A_129 = arith.addf %select_n3A_123, %add3A_128 : vector<128xf32>
    %sqrt3A_130 = math.sqrt %add3A_129 : vector<128xf32>
    %broadcast_in_dim3A_131 = vector.shape_cast %sqrt3A_130 : vector<128xf32> to vector<1x128xf32>
    %div3A_132 = vector.broadcast %broadcast_in_dim3A_131 : vector<1x128xf32> to vector<10000x128xf32>
    %div3A_133 = arith.divf %sub3A_126, %div3A_132 : vector<10000x128xf32>
    %broadcast_in_dim3A_134 = vector.shape_cast %get3A_93 : vector<128xf32> to vector<1x128xf32>
    %mul3A_135 = vector.broadcast %broadcast_in_dim3A_134 : vector<1x128xf32> to vector<10000x128xf32>
    %mul3A_136 = arith.mulf %div3A_133, %mul3A_135 : vector<10000x128xf32>
    %add3A_137 = vector.broadcast %get3A_96 : vector<1x128xf32> to vector<10000x128xf32>
    %add3A_138 = arith.addf %mul3A_136, %add3A_137 : vector<10000x128xf32>
    %swap3A = arith.constant 0 : index
    %swap3A_139 = arith.constant 0 : index
    %swap3A_140 = vector.load %arg13[%swap3A, %swap3A_139] : memref<10000x128xf32, #tpu.memory_space<vmem>>, vector<10000x128xf32>
    tpu.vector_store %arg13[%swap3A, %swap3A_139], %add3A_138 {strides = array<i32>} : memref<10000x128xf32, #tpu.memory_space<vmem>>, vector<10000x128xf32>,
    return
  }
}

module attributes {stable_mosaic.version = 14 : i64} {
  func.func @_tcl_body(%arg0: memref<2x10240x128xf32, #tpu.memory_space<vmem>>, %arg1: memref<10000x32xf32, #tpu.memory_space<vmem>>, %arg2: memref<10000x128xf32, #tpu.memory_space<vmem>>, %arg3: memref<16x128xf32, #tpu.memory_space<vmem>>, %arg4: memref<1x128xf32, #tpu.memory_space<vmem>>, %arg5: memref<128x128xf32, #tpu.memory_space<vmem>>, %arg6: memref<1x128xf32, #tpu.memory_space<vmem>>, %arg7: memref<128x128xf32, #tpu.memory_space<vmem>>, %arg8: memref<1x128xf32, #tpu.memory_space<vmem>>, %arg9: memref<128xf32, #tpu.memory_space<vmem>>, %arg10: memref<1x128xf32, #tpu.memory_space<vmem>>, %arg11: memref<128xf32, #tpu.memory_space<vmem>>, %arg12: memref<1x128xf32, #tpu.memory_space<vmem>>, %arg13: memref<10000x128xf32, #tpu.memory_space<vmem>>) attributes {dimension_semantics = [], scalar_prefetch = 0 : i64, scratch_operands = 0 : i64, tpu.core_type = #tpu.core_type<tc>} {
    %get3A = arith.constant 0 : index
    %get3A_0 = arith.constant 0 : index
    %get3A_1 = arith.constant 0 : index
    %get3A_2 = vector.load %arg0[%get3A, %get3A_0, %get3A_1] : memref<2x10240x128xf32, #tpu.memory_space<vmem>>, vector<1x10000x128xf32>
    %get3A_3 = vector.shape_cast %get3A_2 : vector<1x10000x128xf32> to vector<10000x128xf32>
    %get3A_4 = arith.constant 1 : index
    %get3A_5 = arith.constant 0 : index
    %get3A_6 = arith.constant 0 : index
    %get3A_7 = vector.load %arg0[%get3A_4, %get3A_5, %get3A_6] : memref<2x10240x128xf32, #tpu.memory_space<vmem>>, vector<1x10000x128xf32>
    %get3A_8 = vector.shape_cast %get3A_7 : vector<1x10000x128xf32> to vector<10000x128xf32>
    %add3A = arith.addf %get3A_3, %get3A_8 : vector<10000x128xf32>
    %get3A_9 = arith.constant 0 : index
    %get3A_10 = arith.constant 0 : index
    %get3A_11 = vector.load %arg1[%get3A_9, %get3A_10] : memref<10000x32xf32, #tpu.memory_space<vmem>>, vector<10000x16xf32>
    %get3A_12 = arith.constant 0 : index
    %get3A_13 = arith.constant 0 : index
    %get3A_14 = vector.load %arg3[%get3A_12, %get3A_13] : memref<16x128xf32, #tpu.memory_space<vmem>>, vector<16x128xf32>
    %dot_general3A = arith.constant dense<0.000000e+00> : vector<10000x128xf32>
    %dot_general3A_15 = tpu.matmul %get3A_11, %get3A_14, %dot_general3A {dimension_numbers = #tpu.dot_dimension_numbers<[1], [0], [0], [1], [0, 0, 1, 1], [], []>, transpose_lhs_hint = false} : vector<10000x16xf32>, vector<16x128xf32>, vector<10000x128xf32> -> vector<10000x128xf32>
    %get3A_16 = arith.constant 0 : index
    %get3A_17 = arith.constant 16 : index
    %get3A_18 = vector.load %arg1[%get3A_16, %get3A_17] : memref<10000x32xf32, #tpu.memory_space<vmem>>, vector<10000x1xf32>
    %get3A_19 = arith.constant 0 : index
    %get3A_20 = arith.constant 0 : index
    %get3A_21 = vector.load %arg4[%get3A_19, %get3A_20] : memref<1x128xf32, #tpu.memory_space<vmem>>, vector<1x128xf32>
    %mul3A = vector.broadcast %get3A_18 : vector<10000x1xf32> to vector<10000x128xf32>
    %mul3A_22 = vector.broadcast %get3A_21 : vector<1x128xf32> to vector<10000x128xf32>
    %mul3A_23 = arith.mulf %mul3A, %mul3A_22 : vector<10000x128xf32>
    %add3A_24 = arith.addf %dot_general3A_15, %mul3A_23 : vector<10000x128xf32>
    %get3A_25 = arith.constant 0 : index
    %get3A_26 = arith.constant 0 : index
    %get3A_27 = vector.load %arg5[%get3A_25, %get3A_26] : memref<128x128xf32, #tpu.memory_space<vmem>>, vector<128x128xf32>
    %dot_general3A_28 = arith.constant dense<0.000000e+00> : vector<10000x128xf32>
    %dot_general3A_29 = tpu.matmul %add3A, %get3A_27, %dot_general3A_28 {dimension_numbers = #tpu.dot_dimension_numbers<[1], [0], [0], [1], [0, 0, 1, 1], [], []>, transpose_lhs_hint = false} : vector<10000x128xf32>, vector<128x128xf32>, vector<10000x128xf32> -> vector<10000x128xf32>
    %get3A_30 = arith.constant 0 : index
    %get3A_31 = arith.constant 0 : index
    %get3A_32 = vector.load %arg6[%get3A_30, %get3A_31] : memref<1x128xf32, #tpu.memory_space<vmem>>, vector<1x128xf32>
    %add3A_33 = vector.broadcast %get3A_32 : vector<1x128xf32> to vector<10000x128xf32>
    %add3A_34 = arith.addf %dot_general3A_29, %add3A_33 : vector<10000x128xf32>
    %add3A_35 = arith.addf %add3A_34, %add3A_24 : vector<10000x128xf32>
    %max3A = arith.constant 0.000000e+00 : f32
    %max3A_36 = vector.broadcast %max3A : f32 to vector<10000x128xf32>
    %max3A_37 = arith.maximumf %add3A_35, %max3A_36 : vector<10000x128xf32>
    %get3A_38 = arith.constant 0 : index
    %get3A_39 = vector.load %arg9[%get3A_38] : memref<128xf32, #tpu.memory_space<vmem>>, vector<128xf32>
    %get3A_40 = arith.constant 0 : index
    %get3A_41 = arith.constant 0 : index
    %get3A_42 = vector.load %arg10[%get3A_40, %get3A_41] : memref<1x128xf32, #tpu.memory_space<vmem>>, vector<1x128xf32>
    %reduce_sum3A = arith.constant dense<0.000000e+00> : vector<128xf32>
    %reduce_sum3A_43 = vector.multi_reduction <add>, %max3A_37, %reduce_sum3A [0] : vector<10000x128xf32> to vector<128xf32>
    %div3A = arith.constant 1.000000e+04 : f32
    %div3A_44 = vector.broadcast %div3A : f32 to vector<128xf32>
    %div3A_45 = arith.divf %reduce_sum3A_43, %div3A_44 : vector<128xf32>
    %jit3A = arith.constant 0 : i32
    %reduce_sum3A_46 = arith.constant dense<0.000000e+00> : vector<128xf32>
    %reduce_sum3A_47 = vector.multi_reduction <add>, %max3A_37, %reduce_sum3A_46 [0] : vector<10000x128xf32> to vector<128xf32>
    %broadcast_in_dim3A = vector.shape_cast %reduce_sum3A_47 : vector<128xf32> to vector<1x128xf32>
    %div3A_48 = arith.constant 1.000000e+04 : f32
    %div3A_49 = vector.broadcast %div3A_48 : f32 to vector<1x128xf32>
    %div3A_50 = arith.divf %broadcast_in_dim3A, %div3A_49 : vector<1x128xf32>
    %sub3A = vector.broadcast %div3A_50 : vector<1x128xf32> to vector<10000x128xf32>
    %sub3A_51 = arith.subf %max3A_37, %sub3A : vector<10000x128xf32>
    %square3A = arith.mulf %sub3A_51, %sub3A_51 : vector<10000x128xf32>
    %convert_element_type3A = arith.sitofp %jit3A : i32 to f32
    %sub3A_52 = arith.constant 1.000000e+04 : f32
    %sub3A_53 = arith.subf %sub3A_52, %convert_element_type3A : f32
    %reduce_sum3A_54 = arith.constant dense<0.000000e+00> : vector<128xf32>
    %reduce_sum3A_55 = vector.multi_reduction <add>, %square3A, %reduce_sum3A_54 [0] : vector<10000x128xf32> to vector<128xf32>
    %div3A_56 = vector.broadcast %sub3A_53 : f32 to vector<128xf32>
    %div3A_57 = arith.divf %reduce_sum3A_55, %div3A_56 : vector<128xf32>
    %gt3A = arith.constant 0.000000e+00 : f32
    %gt3A_58 = arith.cmpf ogt, %sub3A_53, %gt3A : f32
    %jit3A_59 = arith.constant 0x7FC00000 : f32
    %broadcast_in_dim3A_60 = vector.broadcast %jit3A_59 : f32 to vector<128xf32>
    %select_n3A = arith.select %gt3A_58, %div3A_57, %broadcast_in_dim3A_60 : vector<128xf32>
    %broadcast_in_dim3A_61 = vector.shape_cast %div3A_45 : vector<128xf32> to vector<1x128xf32>
    %sub3A_62 = vector.broadcast %broadcast_in_dim3A_61 : vector<1x128xf32> to vector<10000x128xf32>
    %sub3A_63 = arith.subf %max3A_37, %sub3A_62 : vector<10000x128xf32>
    %add3A_64 = arith.constant 9.99999974E-6 : f32
    %add3A_65 = vector.broadcast %add3A_64 : f32 to vector<128xf32>
    %add3A_66 = arith.addf %select_n3A, %add3A_65 : vector<128xf32>
    %sqrt3A = math.sqrt %add3A_66 : vector<128xf32>
    %broadcast_in_dim3A_67 = vector.shape_cast %sqrt3A : vector<128xf32> to vector<1x128xf32>
    %div3A_68 = vector.broadcast %broadcast_in_dim3A_67 : vector<1x128xf32> to vector<10000x128xf32>
    %div3A_69 = arith.divf %sub3A_63, %div3A_68 : vector<10000x128xf32>
    %broadcast_in_dim3A_70 = vector.shape_cast %get3A_39 : vector<128xf32> to vector<1x128xf32>
    %mul3A_71 = vector.broadcast %broadcast_in_dim3A_70 : vector<1x128xf32> to vector<10000x128xf32>
    %mul3A_72 = arith.mulf %div3A_69, %mul3A_71 : vector<10000x128xf32>
    %add3A_73 = vector.broadcast %get3A_42 : vector<1x128xf32> to vector<10000x128xf32>
    %add3A_74 = arith.addf %mul3A_72, %add3A_73 : vector<10000x128xf32>
    %get3A_75 = arith.constant 0 : index
    %get3A_76 = arith.constant 0 : index
    %get3A_77 = vector.load %arg7[%get3A_75, %get3A_76] : memref<128x128xf32, #tpu.memory_space<vmem>>, vector<128x128xf32>
    %dot_general3A_78 = arith.constant dense<0.000000e+00> : vector<10000x128xf32>
    %dot_general3A_79 = tpu.matmul %add3A_74, %get3A_77, %dot_general3A_78 {dimension_numbers = #tpu.dot_dimension_numbers<[1], [0], [0], [1], [0, 0, 1, 1], [], []>, transpose_lhs_hint = false} : vector<10000x128xf32>, vector<128x128xf32>, vector<10000x128xf32> -> vector<10000x128xf32>
    %get3A_80 = arith.constant 0 : index
    %get3A_81 = arith.constant 0 : index
    %get3A_82 = vector.load %arg8[%get3A_80, %get3A_81] : memref<1x128xf32, #tpu.memory_space<vmem>>, vector<1x128xf32>
    %add3A_83 = vector.broadcast %get3A_82 : vector<1x128xf32> to vector<10000x128xf32>
    %add3A_84 = arith.addf %dot_general3A_79, %add3A_83 : vector<10000x128xf32>
    %get3A_85 = arith.constant 0 : index
    %get3A_86 = arith.constant 0 : index
    %get3A_87 = vector.load %arg2[%get3A_85, %get3A_86] : memref<10000x128xf32, #tpu.memory_space<vmem>>, vector<10000x128xf32>
    %add3A_88 = arith.addf %add3A_84, %get3A_87 : vector<10000x128xf32>
    %max3A_89 = arith.constant 0.000000e+00 : f32
    %max3A_90 = vector.broadcast %max3A_89 : f32 to vector<10000x128xf32>
    %max3A_91 = arith.maximumf %add3A_88, %max3A_90 : vector<10000x128xf32>
    %get3A_92 = arith.constant 0 : index
    %get3A_93 = vector.load %arg11[%get3A_92] : memref<128xf32, #tpu.memory_space<vmem>>, vector<128xf32>
    %get3A_94 = arith.constant 0 : index
    %get3A_95 = arith.constant 0 : index
    %get3A_96 = vector.load %arg12[%get3A_94, %get3A_95] : memref<1x128xf32, #tpu.memory_space<vmem>>, vector<1x128xf32>
    %reduce_sum3A_97 = arith.constant dense<0.000000e+00> : vector<128xf32>
    %reduce_sum3A_98 = vector.multi_reduction <add>, %max3A_91, %reduce_sum3A_97 [0] : vector<10000x128xf32> to vector<128xf32>
    %div3A_99 = arith.constant 1.000000e+04 : f32
    %div3A_100 = vector.broadcast %div3A_99 : f32 to vector<128xf32>
    %div3A_101 = arith.divf %reduce_sum3A_98, %div3A_100 : vector<128xf32>
    %jit3A_102 = arith.constant 0 : i32
    %reduce_sum3A_103 = arith.constant dense<0.000000e+00> : vector<128xf32>
    %reduce_sum3A_104 = vector.multi_reduction <add>, %max3A_91, %reduce_sum3A_103 [0] : vector<10000x128xf32> to vector<128xf32>
    %broadcast_in_dim3A_105 = vector.shape_cast %reduce_sum3A_104 : vector<128xf32> to vector<1x128xf32>
    %div3A_106 = arith.constant 1.000000e+04 : f32
    %div3A_107 = vector.broadcast %div3A_106 : f32 to vector<1x128xf32>
    %div3A_108 = arith.divf %broadcast_in_dim3A_105, %div3A_107 : vector<1x128xf32>
    %sub3A_109 = vector.broadcast %div3A_108 : vector<1x128xf32> to vector<10000x128xf32>
    %sub3A_110 = arith.subf %max3A_91, %sub3A_109 : vector<10000x128xf32>
    %square3A_111 = arith.mulf %sub3A_110, %sub3A_110 : vector<10000x128xf32>
    %convert_element_type3A_112 = arith.sitofp %jit3A_102 : i32 to f32
    %sub3A_113 = arith.constant 1.000000e+04 : f32
    %sub3A_114 = arith.subf %sub3A_113, %convert_element_type3A_112 : f32
    %reduce_sum3A_115 = arith.constant dense<0.000000e+00> : vector<128xf32>
    %reduce_sum3A_116 = vector.multi_reduction <add>, %square3A_111, %reduce_sum3A_115 [0] : vector<10000x128xf32> to vector<128xf32>
    %div3A_117 = vector.broadcast %sub3A_114 : f32 to vector<128xf32>
    %div3A_118 = arith.divf %reduce_sum3A_116, %div3A_117 : vector<128xf32>
    %gt3A_119 = arith.constant 0.000000e+00 : f32
    %gt3A_120 = arith.cmpf ogt, %sub3A_114, %gt3A_119 : f32
    %jit3A_121 = arith.constant 0x7FC00000 : f32
    %broadcast_in_dim3A_122 = vector.broadcast %jit3A_121 : f32 to vector<128xf32>
    %select_n3A_123 = arith.select %gt3A_120, %div3A_118, %broadcast_in_dim3A_122 : vector<128xf32>
    %broadcast_in_dim3A_124 = vector.shape_cast %div3A_101 : vector<128xf32> to vector<1x128xf32>
    %sub3A_125 = vector.broadcast %broadcast_in_dim3A_124 : vector<1x128xf32> to vector<10000x128xf32>
    %sub3A_126 = arith.subf %max3A_91, %sub3A_125 : vector<10000x128xf32>
    %add3A_127 = arith.constant 9.99999974E-6 : f32
    %add3A_128 = vector.broadcast %add3A_127 : f32 to vector<128xf32>
    %add3A_129 = arith.addf %select_n3A_123, %add3A_128 : vector<128xf32>
    %sqrt3A_130 = math.sqrt %add3A_129 : vector<128xf32>
    %broadcast_in_dim3A_131 = vector.shape_cast %sqrt3A_130 : vector<128xf32> to vector<1x128xf32>
    %div3A_132 = vector.broadcast %broadcast_in_dim3A_131 : vector<1x128xf32> to vector<10000x128xf32>
    %div3A_133 = arith.divf %sub3A_126, %div3A_132 : vector<10000x128xf32>
    %broadcast_in_dim3A_134 = vector.shape_cast %get3A_93 : vector<128xf32> to vector<1x128xf32>
    %mul3A_135 = vector.broadcast %broadcast_in_dim3A_134 : vector<1x128xf32> to vector<10000x128xf32>
    %mul3A_136 = arith.mulf %div3A_133, %mul3A_135 : vector<10000x128xf32>
    %add3A_137 = vector.broadcast %get3A_96 : vector<1x128xf32> to vector<10000x128xf32>
    %add3A_138 = arith.addf %mul3A_136, %add3A_137 : vector<10000x128xf32>
    %swap3A = arith.constant 0 : index
    %swap3A_139 = arith.constant 0 : index
    %swap3A_140 = vector.load %arg13[%swap3A, %swap3A_139] : memref<10000x128xf32, #tpu.memory_space<vmem>>, vector<10000x128xf32>
    tpu.vector_store %arg13[%swap3A, %swap3A_139], %add3A_138 {strides = array<i32>} : memref<10000x128xf32, #tpu.memory_space<vmem>>, vector<10000x128xf32>,
    return
  }
}

</mosaic_0001>

<sc_bundles>
// kernel: kernel.10.cloned.1.call-start
scs
__scs_entry_jumppad:
0x0: {  	(pc) =	sbr.rel $0x88, $3  }
0x1: {  	(tag) =	ssettag $0x0;
	lr =	simm.s32 $0x1  }
0x2: {  	[smem:$0x3F7A] =	sst lr;
	_ =	strace $0xD0000000  }
0x3: {  	_ = 	snop  }
0x4: {  	_ = 	snop  }
0x5: {  	_ = 	snop  }
0x6: {  	_ = 	snop  }
0x7: {  	_ = 	snop  }
__scs_overlays_trampoline_lowered:
0x8: {  	[smem:$0x3F89] =	sst s0  }
0x9: {  	[smem:$0x3F8A] =	sst s1  }
0xa: {  	[smem:$0x3F8B] =	sst s2  }
0xb: {  	[smem:$0x3F8C] =	sst s3  }
0xc: {  	[smem:$0x3F8D] =	sst s4  }
0xd: {  	[smem:$0x3F8E] =	sst s5  }
0xe: {  	[smem:$0x3F8F] =	sst s6  }
0xf: {  	[smem:$0x3F90] =	sst s7  }
0x10: {  	[smem:$0x3F91] =	sst s8  }
0x11: {  	[smem:$0x3F92] =	sst s9;
	s0 =	simm.s32 @!p0 $0x0  }
0x12: {  	s1 =	sld [smem:$0x3F78];
	s0 =	simm.s32 @p0 $0x1  }
0x13: {  	[smem:$0x3F93] =	sst s0;
	s0 =	simm.s32 @!p1 $0x0  }
0x14: {  	s2 =	sld [smem:$0x3F77];
	s0 =	simm.s32 @p1 $0x1  }
0x15: {  	[smem:$0x3F94] =	sst s0;
	s0 =	simm.s32 @!p2 $0x0  }
0x16: {  	s3 =	sld [smem:$0x3FDB];
	s0 =	simm.s32 @p2 $0x1  }
0x17: {  	s4 =	simm.s32 $0x1BF5;
	[smem:$0x3F96] =	sst s0  }
0x18: {  	s0 =	sld [smem:$0x3F79];
	_ =	swait.ge [sflag:s4], $0x0  }
0x19: {  	s7 =	sld [smem:$0x3F7A]  }
0x1a: {  	s8 =	sadd.s32 $0xFFFFE003, lr  }
0x1b: {  	s9 =	sadd.s32 $0xFFFFFEF7, lr;
	s5 =	simm.s32 $0xFFFFFFFF;
	p2 =	slt.u32 s8, $0xFFFFF086  }
0x1c: {  	p1 =	slt.u32 s9, $0xF7A;
	s5 =	simm.s32 @!p2 $0x0  }
0x1d: {  	s5 =	simm.s32 @p1 $0x1;
	p0 =	seq.s32 s7, s2  }
0x1e: {  	s7 =	smul.u32 @!p0 $0xF7A, s2;
	p2 =	seq.s32 @!p0 s5, $0x0  }
0x1f: {  	s9 =	smul.u32 $0xF7A, s1;
	s8 =	simm.s32 @!p0 $0x1BF5;
	p2 =	por !p2, p0  }
0x20: {  	[sflag:s8] =	ssyncset.s32 @!p0 $0xFFFFF086;
	s6 =	sadd.s32 @!p0 s3, s7;
	s7 =	simm.s32 @!p0 $0x108  }
0x21: {  	s3 =	sadd.s32 s3, s9;
	s6 =	sadd.s32 @!p0 $0x88, s6;
	s7 =	simm.s32 @p2 $0x1082  }
0x22: {  	[simem:s7], [sflag:s8] =	dma.local @!p0 [hbm:s6], $0xF7A  }
0x23: {  	s9 =	sor.u32 $0xD0000000, s2;
	s6 =	simm.s32 $0x108;
	_ =	swait.ge @!p0 [sflag:s8], $0x0  }
0x24: {  	s3 =	sadd.s32 $0x88, s3;
	s6 =	simm.s32 @!p1 $0x1082;
	[sflag:s4] =	ssyncset.s32 $0xFFFFF086  }
0x25: {  	[simem:s6], [sflag:s4] =	dma.local [hbm:s3], $0xF7A  }
0x26: {  	[smem:$0x3F7A] =	sst s1;
	(tag) =	ssettag s2;
	_ =	strace s9  }
0x27: {  	s1 =	sld [smem:$0x3F8A]  }
0x28: {  	s2 =	sld [smem:$0x3F8B]  }
0x29: {  	s4 =	sld [smem:$0x3F8D]  }
0x2a: {  	p0 =	seq.s32 s5, $0x0;
	s5 =	sld [smem:$0x3F8E]  }
0x2b: {  	s6 =	sld [smem:$0x3F8F]  }
0x2c: {  	s7 =	sld [smem:$0x3F90]  }
0x2d: {  	s3 =	simm.s32 $0x108;
	s8 =	sld [smem:$0x3F91]  }
0x2e: {  	s3 =	simm.s32 @!p0 $0x1082;
	s9 =	sld [smem:$0x3F92]  }
0x2f: {  	lr =	sadd.s32 s0, s3;
	s0 =	sld [smem:$0x3F89]  }
0x30: {  	s3 =	sld [smem:$0x3F8C]  }
0x31: {  	[smem:$0x3F95] =	sst s10  }
0x32: {  	s10 =	sld [smem:$0x3F93];
	_ =	sdelay $0x3  }
0x33: {  	p0 =	seq.s32 s10, $0x1;
	s10 =	sld [smem:$0x3F95];
	_ =	sdelay $0x3  }
0x34: {  	[smem:$0x3F95] =	sst s10  }
0x35: {  	s10 =	sld [smem:$0x3F94];
	_ =	sdelay $0x3  }
0x36: {  	p1 =	seq.s32 s10, $0x1;
	s10 =	sld [smem:$0x3F95];
	_ =	sdelay $0x3  }
0x37: {  	[smem:$0x3F95] =	sst s10  }
0x38: {  	s10 =	sld [smem:$0x3F96]  }
0x39: {  	_ = 	snop;
	(pc) =	sbr.ind lr, $3  }
0x3a: {  	_ = 	snop  }
0x3b: {  	_ = 	snop  }
0x3c: {  	p2 =	seq.s32 s10, $0x1;
	s10 =	sld [smem:$0x3F95]  }
0x3d: {  	_ =	shalt  }
0x3e: {  	_ =	shalt  }
0x3f: {  	_ =	shalt  }
0x40: {  	_ =	shalt  }
0x41: {  	_ =	shalt  }
0x42: {  	_ =	shalt  }
0x43: {  	_ =	shalt  }
0x44: {  	_ =	shalt  }
0x45: {  	_ =	shalt  }
0x46: {  	_ =	shalt  }
0x47: {  	_ =	shalt  }
0x48: {  	_ =	shalt  }
0x49: {  	_ =	shalt  }
0x4a: {  	_ =	shalt  }
0x4b: {  	_ =	shalt  }
0x4c: {  	_ =	shalt  }
0x4d: {  	_ =	shalt  }
0x4e: {  	_ =	shalt  }
0x4f: {  	_ =	shalt  }
0x50: {  	_ =	shalt  }
0x51: {  	_ =	shalt  }
0x52: {  	_ =	shalt  }
0x53: {  	_ =	shalt  }
0x54: {  	_ =	shalt  }
0x55: {  	_ =	shalt  }
0x56: {  	_ =	shalt  }
0x57: {  	_ =	shalt  }
0x58: {  	_ =	shalt  }
0x59: {  	_ =	shalt  }
0x5a: {  	_ =	shalt  }
0x5b: {  	_ =	shalt  }
0x5c: {  	_ =	shalt  }
0x5d: {  	_ =	shalt  }
0x5e: {  	_ =	shalt  }
0x5f: {  	_ =	shalt  }
0x60: {  	_ =	shalt  }
0x61: {  	_ =	shalt  }
0x62: {  	_ =	shalt  }
0x63: {  	_ =	shalt  }
0x64: {  	_ =	shalt  }
0x65: {  	_ =	shalt  }
0x66: {  	_ =	shalt  }
0x67: {  	_ =	shalt  }
0x68: {  	_ =	shalt  }
0x69: {  	_ =	shalt  }
0x6a: {  	_ =	shalt  }
0x6b: {  	_ =	shalt  }
0x6c: {  	_ =	shalt  }
0x6d: {  	_ =	shalt  }
0x6e: {  	_ =	shalt  }
0x6f: {  	_ =	shalt  }
0x70: {  	_ =	shalt  }
0x71: {  	_ =	shalt  }
0x72: {  	_ =	shalt  }
0x73: {  	_ =	shalt  }
0x74: {  	_ =	shalt  }
0x75: {  	_ =	shalt  }
0x76: {  	_ =	shalt  }
0x77: {  	_ =	shalt  }
0x78: {  	_ =	shalt  }
0x79: {  	_ =	shalt  }
0x7a: {  	_ =	shalt  }
0x7b: {  	_ =	shalt  }
0x7c: {  	_ =	shalt  }
0x7d: {  	_ =	shalt  }
0x7e: {  	_ =	shalt  }
0x7f: {  	_ =	shalt  }
0x80: {  	_ =	shalt  }
0x81: {  	_ =	shalt  }
0x82: {  	_ =	shalt  }
0x83: {  	_ =	shalt  }
0x84: {  	_ =	shalt  }
0x85: {  	_ =	shalt  }
0x86: {  	_ =	shalt  }
0x87: {  	_ =	shalt  }
.Lfunc_end0:
.L_simem_size_0:
called_computation_lowered:
.L_overlay_start_0:
0x88: {  	s2 =	sld [smem:$0x3FD9]  }
0x89: {  	s3 =	sld [smem:$0x3FFE];
	_ =	sdelay $0x1  }
0x8a: {  	s1 =	srdreg.scid  }
0x8b: {  	s0 =	sand.u32 $0x1, s1  }
0x8c: {  	s17 =	sshll.u32 s0, $0xA;
	s2 =	sadd.s32 s3, s2  }
0x8d: {  	s2 =	sadd.s32 s2, s17  }
0x8e: {  	[smem:$0x3FA1] =	sst s2  }
0x8f: {  	_ = 	snop  }
0x90: {  	s2 =	sld [smem:$0x3FD0];
	(tm) =	ssettm $0x1  }
0x91: {  	s18 =	sld [smem:$0x3FFB];
	_ =	sdelay $0x3  }
0x92: {  	_ =	strace s18  }
0x93: {  	s3 =	sld [smem:$0x3FFC];
	_ =	sdelay $0x3  }
0x94: {  	_ =	strace s3  }
0x95: {  	s3 =	sld [smem:$0x3FFD];
	_ =	sdelay $0x3  }
0x96: {  	_ =	strace s3  }
0x97: {  	_ =	strace $0x8FFFFFFF  }
0x98: {  	s19 =	sld [smem:$0x3FDB];
	_ =	sdelay $0x1  }
0x99: {  	s4 =	simm.s32 $_scs_section_size  }
0x9a: {  	s5 =	simm.s32 $_size__tile_overlayer_lowered;
	s6 =	simm.s32 $_tile_overlayer_lowered  }
0x9b: {  	s22 =	simm.s32 $0x1BFF;
	s21 =	sshll.u32 s6, $0x1;
	s3 =	sadd.s32 s4, s19  }
0x9c: {  	s7 =	simm.s32 $0x0;
	s20 =	sshll.u32 s5, $0x1;
	s5 =	sadd.s32 s21, s3  }
0x9d: {  	[timem:s7], [sflag:s22] =	dma.local [hbm:s5], s20  }
0x9e: {  	_ =	swait.ge [sflag:s22], s20  }
0x9f: {  	s4 =	ssub.s32 $0x0, s20;
	[sflag:s22] =	ssyncset.done $0x0  }
0xa0: {  	[sflag:s22] =	ssyncadd.s32 s4;
	_ =	sdelay $0x1  }
0xa1: {  	s23 =	simm.s32 $0x1B8B  }
0xa2: {  	_ =	swait.ge [sflag:s23], $0x1  }
0xa3: {  	[sflag:s23] =	ssyncset.done $0x0  }
0xa4: {  	s25 =	simm.s32 $0x1B8E;
	s24 =	sld [smem:$0x3FFE];
	[sflag:s23] =	ssyncadd.s32 $0xFFFFFFFF  }
0xa5: {  	s26 =	simm.s32 $execute0_lowered;
	[smem:$0x3FD2] =	sst s25  }
0xa6: {  	s5 =	sshll.u32 s26, $0x1;
	_ =	strace $0x80000046;
	[dreg:$0x1] =	wrdreg $0xFFFFFFFF  }
0xa7: {  	s28 =	simm.s32 $_size_execute0_lowered;
	s3 =	sadd.s32 s3, s5;
	[dreg:$0x0] =	wrdreg $0x0  }
0xa8: {  	s5 =	sshll.u32 s28, $0x1;
	[dreg:$0x2] =	wrdreg s3  }
0xa9: {  	[dreg:$0x3] =	wrdreg s5  }
0xaa: {  	[dreg:$0x4] =	wrdreg $0xC0  }
0xab: {  	_ =	task [dreg:s7], $0x5FFFF  }
0xac: {  	[dreg:$0x1] =	wrdreg $0xFFFFFFFF  }
0xad: {  	[dreg:$0x0] =	wrdreg $0x60  }
0xae: {  	[dreg:$0x2] =	wrdreg s24  }
0xaf: {  	[dreg:$0x3] =	wrdreg s2  }
0xb0: {  	[dreg:$0x4] =	wrdreg $0xA9000  }
0xb1: {  	[dreg:$0x5] =	wrdreg $0x9  }
0xb2: {  	_ =	task.clear_ibuf [dreg:s7], $0x6FFFF;
	_ =	strace $0x90000046  }
0xb3: {  	s29 =	simm.s32 $0x9;
	_ =	strace $0x80000048  }
0xb4: {  	_ =	swait.ge [sflag:s29], $0x1  }
0xb5: {  	[sflag:s29] =	ssyncadd.s32 $0xFFFFFFFF  }
0xb6: {  	_ =	strace $0x90000048  }
0xb7: {  	_ =	sfence  }
0xb8: {  	s30 =	sld [smem:$0x0];
	_ =	sdelay $0x2  }
0xb9: {  	s31 =	sshll.u32 s1, $0xD;
	s1 =	sshrl.u32 s1, $0x2  }
0xba: {  	s3 =	sand.u32 $0x4000, s31;
	s1 =	sadd.s32 s1, s30  }
0xbb: {  	s0 =	sor.u32 s3, s0;
	s1 =	sshll.u32 s1, $0x11  }
0xbc: {  	s0 =	sor.u32 s1, s0  }
0xbd: {  	s0 =	sadd.s32 $0x8F2B, s0  }
0xbe: {  	[sflag:s0] =	ssyncadd.remote.s32 $0x1  }
0xbf: {  	_ =	sfence.sel $0xFFFF  }
0xc0: {  	[dreg:$0x0] =	wrdreg $0xFFFFFFFF;
	(pc) =	sbr.abs _section_cstart, $3  }
0xc1: {  	[dreg:$0x1] =	wrdreg $0xFFFFFFFF  }
0xc2: {  	_ =	task.clear_ibuf [dreg:s7], $0x2FFFF;
	_ =	strace $0x9FFFFFFF  }
0xc3: {  	(tm) =	ssettm $0x7FFFFFFF  }
tec
execute0_lowered:
.L_overlay_start_1:
0x0: {  	(tag) =	ssettag $0x1  }
0x1: {  	s8 =	rddreg [dreg:$0x0]  }
0x2: {  	s0 =	srdreg.scid;
	s2 =	rddreg [dreg:$0x1]  }
0x3: {  	s28 =	stileid.u32;
	s4 =	rddreg [dreg:$0x2]  }
0x4: {  	s5 =	simm.s32 $0x0;
	s17 =	simm.s32 $0x2900;
	s18 =	simm.s32 $0x2  }
0x5: {  	s20 =	simm.s32 $0x7D;
	s21 =	simm.s32 $0x80;
	s22 =	simm.s32 $0x1  }
0x6: {  	s23 =	simm.s32 $0x6900;
	s24 =	simm.s32 $0x2800;
	s25 =	simm.s32 $0x2880  }
0x7: {  	s26 =	simm.s32 $0x0;
	s7 =	sand.u32 $0x1, s0;
	s10 =	smul.u32 $0x14000, s28  }
0x8: {  	[smem:$0x7FF] =	sst s5;
	s12 =	smul.u32 $0x50000, s28;
	s6 =	sadd.s32 $0x4FCA00, s8  }
0x9: {  	s1 =	sshll.u32 s7, $0x4;
	s9 =	smul.u32 $0x140000, s7;
	_ =	strace $0x80000047  }
0xa: {  	s29 =	ssub.s32 $0x2, s7;
	s1 =	sor.u32 s28, s1;
	s30 =	sshrl.u32 s12, $0x2  }
0xb: {  	s31 =	sshrl.u32 s29, $0x1;
	s3 =	smul.u32 $0x2800, s1;
	s9 =	sadd.s32 s10, s9  }
0xc: {  	s7 =	sadd.s32 s30, s4;
	s16 =	ssub.s32 s29, s31;
	s9 =	sshrl.u32 s9, $0x3  }
0xd: {  	s10 =	sadd.s32 $0xC000, s7;
	s12 =	sadd.s32 $0x10000, s7;
	s16 =	smax.u32 s16, $0x1  }
0xe: {  	s11 =	sshrl.u32 s3, $0x3;
	s15 =	sadd.s32 s9, s8;
	s9 =	sadd.s32 $0x8000, s7  }
0xf: {  	s13 =	sadd.s32 s11, s8;
	s8 =	sadd.s32 $0x4000, s7;
	s11 =	sadd.s32 s2, s11  }
0x10: {  	v0 =	vimm.f32 $0.0e+00;
	s15 =	sadd.s32 $0x6C00, s15;
	s13 =	sadd.s32 $0x4F2A00, s13;
	s14 =	sadd.s32 $0x10, s11  }
.LBB2_1:
0x11: {  	s28 =	sand.u32 $0xFE00, s5  }
0x12: {  	s29 =	sand.u32 $0x70, s5;
	s30 =	sshrl.u32 s28, $0x2  }
0x13: {  	s28 =	simm.s32 $0x40;
	s30 =	sor.u32 s29, s30;
	s29 =	simm.s32 $0x0  }
.LBB2_2:
0x14: {  	p0 =	sne.s32 s28, $0xFFC0  }
0x15: {  	[tilespmem:s30+$0x2900] =	vst v0;
	s29 =	sadd.s32 $0x10, s29;
	s30 =	smov.u32 s28;
	s28 =	sadd.s32 $0x40, s28  }
.Ltmp0:
0x16: {  	(pc) =	sbr.rel @p0 .LBB2_2-.Ltmp0, $4  }
0x17: {  	_ = 	snop  }
0x18: {  	s30 =	sand.u32 $0xFE00, s30  }
0x19: {  	s31 =	sand.u32 $0x70, s29;
	s30 =	sshrl.u32 s30, $0x2  }
0x1a: {  	s30 =	sor.u32 s31, s30  }
0x1b: {  	[tilespmem:s30+$0x2900] =	vst v0  }
0x1c: {  	[spmem:s7] =	stream.linear.scatter [tilespmem:s17], [sflag:$0x2], $0x4000, $0x38;
	[tilespmem:$0x1E900] =	vst v63  }
0x1d: {  	_ =	swait.ge [sflag:s18], $0x4000  }
0x1e: {  	[sflag:s18] =	ssyncset.done $0x0  }
0x1f: {  	[sflag:s18] =	ssyncadd.s32 $0xFFFFC000  }
0x20: {  	[spmem:s8] =	stream.linear.scatter [tilespmem:s17], [sflag:$0x2], $0x4000, $0x38;
	[tilespmem:$0x1E900] =	vst v63  }
0x21: {  	_ =	swait.ge [sflag:s18], $0x4000  }
0x22: {  	[sflag:s18] =	ssyncset.done $0x0  }
0x23: {  	[sflag:s18] =	ssyncadd.s32 $0xFFFFC000  }
0x24: {  	[spmem:s9] =	stream.linear.scatter [tilespmem:s17], [sflag:$0x2], $0x4000, $0x38;
	[tilespmem:$0x1E900] =	vst v63  }
0x25: {  	_ =	swait.ge [sflag:s18], $0x4000  }
0x26: {  	[sflag:s18] =	ssyncset.done $0x0  }
0x27: {  	[sflag:s18] =	ssyncadd.s32 $0xFFFFC000  }
0x28: {  	[spmem:s10] =	stream.linear.scatter [tilespmem:s17], [sflag:$0x2], $0x4000, $0x38;
	[tilespmem:$0x1E900] =	vst v63  }
0x29: {  	_ =	swait.ge [sflag:s18], $0x4000  }
0x2a: {  	[sflag:s18] =	ssyncset.done $0x0  }
0x2b: {  	[sflag:s18] =	ssyncadd.s32 $0xFFFFC000  }
0x2c: {  	[spmem:s12] =	stream.linear.scatter [tilespmem:s17], [sflag:$0x2], $0x4000, $0x38;
	[tilespmem:$0x1E900] =	vst v63  }
0x2d: {  	_ =	swait.ge [sflag:s18], $0x4000  }
0x2e: {  	[sflag:s18] =	ssyncset.done $0x0  }
0x2f: {  	[sflag:s18] =	ssyncadd.s32 $0xFFFFC000  }
0x30: {  	s0 =	simm.s32 $0x100;
	[bflag:$0x0] =	sbarrier.arrive $0xFFFF  }
0x31: {  	[tilespmem:s0], [sflag:$0x2] =	stream.linear.gather [hbm4b:s13+s5], $0x2800, $0x38;
	[tilespmem:$0x1E900] =	vst v63  }
0x32: {  	_ =	swait.ge [sflag:s18], $0x2800  }
0x33: {  	[sflag:s18] =	ssyncset.done $0x0  }
0x34: {  	[sflag:s18] =	ssyncadd.s32 $0xFFFFD800  }
0x35: {  	[tilespmem:s5], [sflag:$0x2] =	stream.linear.gather [hbm4b:s11+s5], $0x80, $0x38;
	[tilespmem:$0x1E900] =	vst v63  }
0x36: {  	_ =	swait.ge [sflag:s18], $0x80  }
0x37: {  	[sflag:s18] =	ssyncset.done $0x0  }
0x38: {  	[sflag:s18] =	ssyncadd.s32 $0xFFFFFF80  }
0x39: {  	[tilespmem:s17], [sflag:$0x1] =	stream.indirect.gather [hbm4b:s6+s20], $0x80, s5, s20, $0xb8;
	[tilespmem:$0x1E900] =	vst v63  }
0x3a: {  	_ = 	snop  }
0x3b: {  	[tilespmem:s21], [sflag:$0x2] =	stream.linear.gather [hbm4b:s14+s5], $0x80, $0x38;
	[tilespmem:$0x1E900] =	vst v63  }
0x3c: {  	_ =	swait.ge [sflag:s18], $0x80  }
0x3d: {  	s28 =	simm.s32 $0x100;
	[sflag:s18] =	ssyncset.done $0x0  }
0x3e: {  	s29 =	sand.u32 $0x7C00, s28;
	[sflag:s18] =	ssyncadd.s32 $0xFFFFFF80  }
0x3f: {  	s28 =	sand.u32 $0x300, s28;
	s29 =	sadd.s32 s3, s29;
	_ =	swait.ge [sflag:s22], $0x3E80  }
0x40: {  	s28 =	sor.u32 s28, s29;
	[sflag:s22] =	ssyncset.done $0x0  }
0x41: {  	s28 =	sshrl.u32 s28, $0x3;
	[sflag:s22] =	ssyncadd.s32 $0xFFFFC180  }
0x42: {  	[tilespmem:s23], [sflag:$0x1] =	stream.indirect.gather [hbm4b:s6+s20], $0x80, s21, s20, $0xb8;
	[tilespmem:$0x1E900] =	vst v63  }
0x43: {  	s28 =	sadd.s32 s2, s28  }
0x44: {  	[tilespmem:s5], [sflag:$0x2] =	stream.linear.gather [hbm4b:s28+s5], $0x80, $0x38;
	[tilespmem:$0x1E900] =	vst v63  }
0x45: {  	_ =	swait.ge [sflag:s18], $0x80  }
0x46: {  	[sflag:s18] =	ssyncset.done $0x0  }
0x47: {  	s28 =	simm.s32 $0x100;
	[sflag:s18] =	ssyncadd.s32 $0xFFFFFF80  }
0x48: {  	[spmem:s4] =	stream.indirect.scatter.add.f32 [tilespmem:s17], [sflag:$0x2], $0x80, s28, s20, $0xb8;
	[tilespmem:$0x1E900] =	vst v63  }
0x49: {  	_ =	swait.ge [sflag:s18], $0x3E80  }
0x4a: {  	s28 =	simm.s32 $0x180;
	[sflag:s18] =	ssyncset.done $0x0  }
0x4b: {  	s29 =	sand.u32 $0x7C00, s28;
	[sflag:s18] =	ssyncadd.s32 $0xFFFFC180  }
0x4c: {  	s19 =	sand.u32 $0x380, s28;
	s29 =	sadd.s32 s3, s29;
	_ =	swait.ge [sflag:s22], $0x3E80  }
0x4d: {  	s29 =	sor.u32 s19, s29;
	[sflag:s22] =	ssyncset.done $0x0  }
0x4e: {  	s29 =	sshrl.u32 s29, $0x3;
	[sflag:s22] =	ssyncadd.s32 $0xFFFFC180  }
0x4f: {  	[tilespmem:s17], [sflag:$0x1] =	stream.indirect.gather [hbm4b:s6+s20], $0x80, s5, s20, $0xb8;
	[tilespmem:$0x1E900] =	vst v63  }
0x50: {  	s29 =	sadd.s32 s2, s29  }
0x51: {  	[tilespmem:s21], [sflag:$0x2] =	stream.linear.gather [hbm4b:s29+s5], $0x80, $0x38;
	[tilespmem:$0x1E900] =	vst v63  }
0x52: {  	_ =	swait.ge [sflag:s18], $0x80  }
0x53: {  	[sflag:s18] =	ssyncset.done $0x0  }
0x54: {  	s31 =	simm.s32 $0x380;
	[sflag:s18] =	ssyncadd.s32 $0xFFFFFF80  }
0x55: {  	[spmem:s4] =	stream.indirect.scatter.add.f32 [tilespmem:s23], [sflag:$0x2], $0x80, s28, s20, $0xb8;
	[tilespmem:$0x1E900] =	vst v63  }
0x56: {  	s29 =	simm.s32 $0x280;
	s28 =	simm.s32 $0x280;
	_ =	swait.ge [sflag:s18], $0x3E80  }
.LBB2_4:
0x57: {  	s1 =	sadd.s32 $0xFFFFFF80, s29  }
0x58: {  	[sflag:s18] =	ssyncset.done $0x0;
	s0 =	smov.u32 s31;
	s30 =	sadd.s32 $0x100, s31  }
0x59: {  	s19 =	sand.u32 $0x7C00, s1;
	s1 =	sand.u32 $0x300, s1;
	[sflag:s18] =	ssyncadd.s32 $0xFFFFC180  }
0x5a: {  	p0 =	sne.s32 s31, $0x2780;
	_ =	swait.ge [sflag:s22], $0x3E80;
	s19 =	sadd.s32 s3, s19  }
0x5b: {  	[sflag:s22] =	ssyncset.done $0x0;
	s1 =	sor.u32 s1, s19  }
0x5c: {  	[sflag:s22] =	ssyncadd.s32 $0xFFFFC180;
	s1 =	sshrl.u32 s1, $0x3  }
0x5d: {  	[tilespmem:s23], [sflag:$0x1] =	stream.indirect.gather [hbm4b:s6+s20], $0x80, s21, s20, $0xb8;
	[tilespmem:$0x1E900] =	vst v63  }
0x5e: {  	s1 =	sadd.s32 s2, s1  }
0x5f: {  	[tilespmem:s5], [sflag:$0x2] =	stream.linear.gather [hbm4b:s1+s5], $0x80, $0x38;
	[tilespmem:$0x1E900] =	vst v63  }
0x60: {  	_ =	swait.ge [sflag:s18], $0x80  }
0x61: {  	s1 =	sadd.s32 $0xFFFFFF80, s28;
	[sflag:s18] =	ssyncset.done $0x0  }
0x62: {  	[sflag:s18] =	ssyncadd.s32 $0xFFFFFF80  }
0x63: {  	[spmem:s4] =	stream.indirect.scatter.add.f32 [tilespmem:s17], [sflag:$0x2], $0x80, s1, s20, $0xb8;
	[tilespmem:$0x1E900] =	vst v63  }
0x64: {  	_ =	swait.ge [sflag:s18], $0x3E80  }
0x65: {  	[sflag:s18] =	ssyncset.done $0x0  }
0x66: {  	s1 =	sand.u32 $0x7C00, s29;
	[sflag:s18] =	ssyncadd.s32 $0xFFFFC180  }
0x67: {  	s19 =	sand.u32 $0x380, s29;
	s1 =	sadd.s32 s3, s1;
	_ =	swait.ge [sflag:s22], $0x3E80  }
0x68: {  	s29 =	smov.u32 s0;
	s1 =	sor.u32 s19, s1;
	[sflag:s22] =	ssyncset.done $0x0  }
0x69: {  	s0 =	sshrl.u32 s1, $0x3;
	[sflag:s22] =	ssyncadd.s32 $0xFFFFC180  }
0x6a: {  	[tilespmem:s17], [sflag:$0x1] =	stream.indirect.gather [hbm4b:s6+s20], $0x80, s5, s20, $0xb8;
	[tilespmem:$0x1E900] =	vst v63  }
0x6b: {  	s0 =	sadd.s32 s2, s0  }
0x6c: {  	[tilespmem:s21], [sflag:$0x2] =	stream.linear.gather [hbm4b:s0+s5], $0x80, $0x38;
	[tilespmem:$0x1E900] =	vst v63  }
.Ltmp1:
0x6d: {  	_ =	swait.ge [sflag:s18], $0x80;
	(pc) =	sbr.rel @p0 .LBB2_4-.Ltmp1, $4  }
0x6e: {  	[sflag:s18] =	ssyncset.done $0x0  }
0x6f: {  	[sflag:s18] =	ssyncadd.s32 $0xFFFFFF80  }
0x70: {  	[spmem:s4] =	stream.indirect.scatter.add.f32 [tilespmem:s23], [sflag:$0x2], $0x80, s28, s20, $0xb8;
	[tilespmem:$0x1E900] =	vst v63  }
0x71: {  	s31 =	smov.u32 s30;
	s28 =	sadd.s32 $0x100, s28;
	_ =	swait.ge [sflag:s18], $0x3E80  }
0x72: {  	s0 =	sadd.s32 $0xFFFFFF80, s29;
	[sflag:s18] =	ssyncset.done $0x0  }
0x73: {  	s1 =	sand.u32 $0x7C00, s0;
	[sflag:s18] =	ssyncadd.s32 $0xFFFFC180  }
0x74: {  	s0 =	sand.u32 $0x300, s0;
	_ =	swait.ge [sflag:s22], $0x3E80;
	s1 =	sadd.s32 s3, s1  }
0x75: {  	[sflag:s22] =	ssyncset.done $0x0;
	s0 =	sor.u32 s0, s1  }
0x76: {  	[sflag:s22] =	ssyncadd.s32 $0xFFFFC180;
	s0 =	sshrl.u32 s0, $0x3  }
0x77: {  	[tilespmem:s23], [sflag:$0x1] =	stream.indirect.gather [hbm4b:s6+s20], $0x80, s21, s20, $0xb8;
	[tilespmem:$0x1E900] =	vst v63  }
0x78: {  	s0 =	sadd.s32 s2, s0  }
0x79: {  	[tilespmem:s5], [sflag:$0x2] =	stream.linear.gather [hbm4b:s0+s5], $0x80, $0x38;
	[tilespmem:$0x1E900] =	vst v63  }
0x7a: {  	_ =	swait.ge [sflag:s18], $0x80  }
0x7b: {  	[sflag:s18] =	ssyncset.done $0x0  }
0x7c: {  	s1 =	sadd.s32 $0xFFFFFF80, s28;
	[sflag:s18] =	ssyncadd.s32 $0xFFFFFF80  }
0x7d: {  	[spmem:s4] =	stream.indirect.scatter.add.f32 [tilespmem:s17], [sflag:$0x2], $0x80, s1, s20, $0xb8;
	[tilespmem:$0x1E900] =	vst v63  }
0x7e: {  	_ =	swait.ge [sflag:s18], $0x3E80  }
0x7f: {  	[sflag:s18] =	ssyncset.done $0x0  }
0x80: {  	s19 =	sand.u32 $0x7C00, s29;
	[sflag:s18] =	ssyncadd.s32 $0xFFFFC180  }
0x81: {  	s29 =	sand.u32 $0x380, s29;
	s0 =	sadd.s32 s3, s19;
	_ =	swait.ge [sflag:s22], $0x3E80  }
0x82: {  	s0 =	sor.u32 s29, s0;
	[sflag:s22] =	ssyncset.done $0x0  }
0x83: {  	s0 =	sshrl.u32 s0, $0x3;
	[sflag:s22] =	ssyncadd.s32 $0xFFFFC180  }
0x84: {  	[tilespmem:s17], [sflag:$0x1] =	stream.indirect.gather [hbm4b:s6+s20], $0x80, s5, s20, $0xb8;
	[tilespmem:$0x1E900] =	vst v63  }
0x85: {  	s0 =	sadd.s32 s2, s0  }
0x86: {  	[tilespmem:s21], [sflag:$0x2] =	stream.linear.gather [hbm4b:s0+s5], $0x80, $0x38;
	[tilespmem:$0x1E900] =	vst v63  }
0x87: {  	_ =	swait.ge [sflag:s18], $0x80  }
0x88: {  	[sflag:s18] =	ssyncset.done $0x0  }
0x89: {  	[sflag:s18] =	ssyncadd.s32 $0xFFFFFF80  }
0x8a: {  	[spmem:s4] =	stream.indirect.scatter.add.f32 [tilespmem:s23], [sflag:$0x2], $0x80, s28, s20, $0xb8;
	[tilespmem:$0x1E900] =	vst v63  }
0x8b: {  	_ =	swait.ge [sflag:s18], $0x3E80  }
0x8c: {  	[sflag:s18] =	ssyncset.done $0x0  }
0x8d: {  	[sflag:s18] =	ssyncadd.s32 $0xFFFFC180  }
0x8e: {  	_ =	swait.ge [sflag:s22], $0x3E80  }
0x8f: {  	[sflag:s22] =	ssyncset.done $0x0  }
0x90: {  	[sflag:s22] =	ssyncadd.s32 $0xFFFFC180  }
0x91: {  	[tilespmem:s23], [sflag:$0x1] =	stream.indirect.gather [hbm4b:s6+s20], $0x80, s21, s20, $0xb8;
	[tilespmem:$0x1E900] =	vst v63  }
0x92: {  	_ = 	snop  }
0x93: {  	[spmem:s4] =	stream.indirect.scatter.add.f32 [tilespmem:s17], [sflag:$0x2], $0x80, s24, s20, $0xb8;
	[tilespmem:$0x1E900] =	vst v63  }
0x94: {  	_ =	swait.ge [sflag:s18], $0x3E80  }
0x95: {  	[sflag:s18] =	ssyncset.done $0x0  }
0x96: {  	[sflag:s18] =	ssyncadd.s32 $0xFFFFC180  }
0x97: {  	_ =	swait.ge [sflag:s22], $0x3E80  }
0x98: {  	[sflag:s22] =	ssyncset.done $0x0  }
0x99: {  	[sflag:s22] =	ssyncadd.s32 $0xFFFFC180  }
0x9a: {  	[spmem:s4] =	stream.indirect.scatter.add.f32 [tilespmem:s23], [sflag:$0x2], $0x80, s25, s20, $0xb8;
	[tilespmem:$0x1E900] =	vst v63  }
0x9b: {  	s30 =	stileid.u32;
	_ =	swait.ge [sflag:s18], $0x3E80  }
0x9c: {  	s31 =	sshrl.u32 s7, $0x3;
	s26 =	sadd.s32 $0x1, s26;
	[sflag:s18] =	ssyncset.done $0x0  }
0x9d: {  	p0 =	sne.s32 s26, s16;
	s0 =	sshll.u32 s30, $0x6;
	[sflag:s18] =	ssyncadd.s32 $0xFFFFC180  }
.Ltmp2:
0x9e: {  	s0 =	sor.u32 $0x1C02, s0;
	[bflag:$0x0] =	sbarrier.arrive $0xFFFF;
	(pc) =	sbr.rel @p0 .LBB2_1-.Ltmp2, $4  }
0x9f: {  	[hbm:s15], [sflag:s0] =	dma.local [spmem:s31], $0x2800  }
0xa0: {  	_ =	swait.ge [sflag:s18], $0x2800  }
0xa1: {  	[sflag:s18] =	ssyncset.done $0x0  }
0xa2: {  	[sflag:s18] =	ssyncadd.s32 $0xFFFFD800  }
0xa3: {  	_ =	sfence.sel $0x180000  }
0xa4: {  	[bflag:$0x0] =	sbarrier.arrive $0xFFFF  }
0xa5: {  	_ =	strace $0x90000047  }
0xa6: {  	s0 =	stileid.u32;
	[bflag:$0x2] =	sbarrier.arrive $0xFFFF  }
0xa7: {  	p0 =	sne.s32 s0, $0x0;
	s0 =	rddreg [dreg:$0x3]  }
0xa8: {  	s0 =	sadd.s32 @!p0 $0x100000, s0  }
0xa9: {  	[sflag:s0] =	ssyncadd.tile.s32 @!p0 $0x1;
	_ =	shalt  }
.Lfunc_end2:
_tile_overlayer_lowered:
.L_overlay_start_2:
0xaa: {  	(tag) =	ssettag $0x2  }
0xab: {  	s0 =	rddreg [dreg:$0x0];
	s2 =	stileid.u32  }
0xac: {  	s1 =	rddreg [dreg:$0x1];
	p0 =	sne.s32 s2, $0x0  }
0xad: {  	s3 =	rddreg [dreg:$0x2];
	[bflag:$0x3] =	sbarrier.arrive $0xFFFF;
	s2 =	simm.s32 @!p0 $0x1C02  }
0xae: {  	[timem:s3], [sflag:s2] =	dma.local @!p0 [hbm:s0], s1  }
0xaf: {  	s0 =	simm.s32 @!p0 $0x2  }
0xb0: {  	_ =	swait.ge @!p0 [sflag:s0], s1  }
0xb1: {  	s1 =	ssub.s32 @!p0 $0x0, s1;
	[sflag:s0] =	ssyncset.done @!p0 $0x0  }
0xb2: {  	[sflag:s0] =	ssyncadd.s32 @!p0 s1  }
0xb3: {  	[bflag:$0x3] =	sbarrier.arrive $0xFFFF  }
0xb4: {  	_ =	shalt  }

// kernel: kernel.13.cloned.1.call-start
scs
__scs_entry_jumppad:
0x0: {  	(pc) =	sbr.rel $0x88, $3  }
0x1: {  	(tag) =	ssettag $0x0;
	lr =	simm.s32 $0x1  }
0x2: {  	[smem:$0x3F7A] =	sst lr;
	_ =	strace $0xD0000000  }
0x3: {  	_ = 	snop  }
0x4: {  	_ = 	snop  }
0x5: {  	_ = 	snop  }
0x6: {  	_ = 	snop  }
0x7: {  	_ = 	snop  }
__scs_overlays_trampoline_lowered:
0x8: {  	[smem:$0x3F89] =	sst s0  }
0x9: {  	[smem:$0x3F8A] =	sst s1  }
0xa: {  	[smem:$0x3F8B] =	sst s2  }
0xb: {  	[smem:$0x3F8C] =	sst s3  }
0xc: {  	[smem:$0x3F8D] =	sst s4  }
0xd: {  	[smem:$0x3F8E] =	sst s5  }
0xe: {  	[smem:$0x3F8F] =	sst s6  }
0xf: {  	[smem:$0x3F90] =	sst s7  }
0x10: {  	[smem:$0x3F91] =	sst s8  }
0x11: {  	[smem:$0x3F92] =	sst s9;
	s0 =	simm.s32 @!p0 $0x0  }
0x12: {  	s1 =	sld [smem:$0x3F78];
	s0 =	simm.s32 @p0 $0x1  }
0x13: {  	[smem:$0x3F93] =	sst s0;
	s0 =	simm.s32 @!p1 $0x0  }
0x14: {  	s2 =	sld [smem:$0x3F77];
	s0 =	simm.s32 @p1 $0x1  }
0x15: {  	[smem:$0x3F94] =	sst s0;
	s0 =	simm.s32 @!p2 $0x0  }
0x16: {  	s3 =	sld [smem:$0x3FDB];
	s0 =	simm.s32 @p2 $0x1  }
0x17: {  	s4 =	simm.s32 $0x1BF5;
	[smem:$0x3F96] =	sst s0  }
0x18: {  	s0 =	sld [smem:$0x3F79];
	_ =	swait.ge [sflag:s4], $0x0  }
0x19: {  	s7 =	sld [smem:$0x3F7A]  }
0x1a: {  	s8 =	sadd.s32 $0xFFFFE003, lr  }
0x1b: {  	s9 =	sadd.s32 $0xFFFFFEF7, lr;
	s5 =	simm.s32 $0xFFFFFFFF;
	p2 =	slt.u32 s8, $0xFFFFF086  }
0x1c: {  	p1 =	slt.u32 s9, $0xF7A;
	s5 =	simm.s32 @!p2 $0x0  }
0x1d: {  	s5 =	simm.s32 @p1 $0x1;
	p0 =	seq.s32 s7, s2  }
0x1e: {  	s7 =	smul.u32 @!p0 $0xF7A, s2;
	p2 =	seq.s32 @!p0 s5, $0x0  }
0x1f: {  	s9 =	smul.u32 $0xF7A, s1;
	s8 =	simm.s32 @!p0 $0x1BF5;
	p2 =	por !p2, p0  }
0x20: {  	[sflag:s8] =	ssyncset.s32 @!p0 $0xFFFFF086;
	s6 =	sadd.s32 @!p0 s3, s7;
	s7 =	simm.s32 @!p0 $0x108  }
0x21: {  	s3 =	sadd.s32 s3, s9;
	s6 =	sadd.s32 @!p0 $0x88, s6;
	s7 =	simm.s32 @p2 $0x1082  }
0x22: {  	[simem:s7], [sflag:s8] =	dma.local @!p0 [hbm:s6], $0xF7A  }
0x23: {  	s9 =	sor.u32 $0xD0000000, s2;
	s6 =	simm.s32 $0x108;
	_ =	swait.ge @!p0 [sflag:s8], $0x0  }
0x24: {  	s3 =	sadd.s32 $0x88, s3;
	s6 =	simm.s32 @!p1 $0x1082;
	[sflag:s4] =	ssyncset.s32 $0xFFFFF086  }
0x25: {  	[simem:s6], [sflag:s4] =	dma.local [hbm:s3], $0xF7A  }
0x26: {  	[smem:$0x3F7A] =	sst s1;
	(tag) =	ssettag s2;
	_ =	strace s9  }
0x27: {  	s1 =	sld [smem:$0x3F8A]  }
0x28: {  	s2 =	sld [smem:$0x3F8B]  }
0x29: {  	s4 =	sld [smem:$0x3F8D]  }
0x2a: {  	p0 =	seq.s32 s5, $0x0;
	s5 =	sld [smem:$0x3F8E]  }
0x2b: {  	s6 =	sld [smem:$0x3F8F]  }
0x2c: {  	s7 =	sld [smem:$0x3F90]  }
0x2d: {  	s3 =	simm.s32 $0x108;
	s8 =	sld [smem:$0x3F91]  }
0x2e: {  	s3 =	simm.s32 @!p0 $0x1082;
	s9 =	sld [smem:$0x3F92]  }
0x2f: {  	lr =	sadd.s32 s0, s3;
	s0 =	sld [smem:$0x3F89]  }
0x30: {  	s3 =	sld [smem:$0x3F8C]  }
0x31: {  	[smem:$0x3F95] =	sst s10  }
0x32: {  	s10 =	sld [smem:$0x3F93];
	_ =	sdelay $0x3  }
0x33: {  	p0 =	seq.s32 s10, $0x1;
	s10 =	sld [smem:$0x3F95];
	_ =	sdelay $0x3  }
0x34: {  	[smem:$0x3F95] =	sst s10  }
0x35: {  	s10 =	sld [smem:$0x3F94];
	_ =	sdelay $0x3  }
0x36: {  	p1 =	seq.s32 s10, $0x1;
	s10 =	sld [smem:$0x3F95];
	_ =	sdelay $0x3  }
0x37: {  	[smem:$0x3F95] =	sst s10  }
0x38: {  	s10 =	sld [smem:$0x3F96]  }
0x39: {  	_ = 	snop;
	(pc) =	sbr.ind lr, $3  }
0x3a: {  	_ = 	snop  }
0x3b: {  	_ = 	snop  }
0x3c: {  	p2 =	seq.s32 s10, $0x1;
	s10 =	sld [smem:$0x3F95]  }
0x3d: {  	_ =	shalt  }
0x3e: {  	_ =	shalt  }
0x3f: {  	_ =	shalt  }
0x40: {  	_ =	shalt  }
0x41: {  	_ =	shalt  }
0x42: {  	_ =	shalt  }
0x43: {  	_ =	shalt  }
0x44: {  	_ =	shalt  }
0x45: {  	_ =	shalt  }
0x46: {  	_ =	shalt  }
0x47: {  	_ =	shalt  }
0x48: {  	_ =	shalt  }
0x49: {  	_ =	shalt  }
0x4a: {  	_ =	shalt  }
0x4b: {  	_ =	shalt  }
0x4c: {  	_ =	shalt  }
0x4d: {  	_ =	shalt  }
0x4e: {  	_ =	shalt  }
0x4f: {  	_ =	shalt  }
0x50: {  	_ =	shalt  }
0x51: {  	_ =	shalt  }
0x52: {  	_ =	shalt  }
0x53: {  	_ =	shalt  }
0x54: {  	_ =	shalt  }
0x55: {  	_ =	shalt  }
0x56: {  	_ =	shalt  }
0x57: {  	_ =	shalt  }
0x58: {  	_ =	shalt  }
0x59: {  	_ =	shalt  }
0x5a: {  	_ =	shalt  }
0x5b: {  	_ =	shalt  }
0x5c: {  	_ =	shalt  }
0x5d: {  	_ =	shalt  }
0x5e: {  	_ =	shalt  }
0x5f: {  	_ =	shalt  }
0x60: {  	_ =	shalt  }
0x61: {  	_ =	shalt  }
0x62: {  	_ =	shalt  }
0x63: {  	_ =	shalt  }
0x64: {  	_ =	shalt  }
0x65: {  	_ =	shalt  }
0x66: {  	_ =	shalt  }
0x67: {  	_ =	shalt  }
0x68: {  	_ =	shalt  }
0x69: {  	_ =	shalt  }
0x6a: {  	_ =	shalt  }
0x6b: {  	_ =	shalt  }
0x6c: {  	_ =	shalt  }
0x6d: {  	_ =	shalt  }
0x6e: {  	_ =	shalt  }
0x6f: {  	_ =	shalt  }
0x70: {  	_ =	shalt  }
0x71: {  	_ =	shalt  }
0x72: {  	_ =	shalt  }
0x73: {  	_ =	shalt  }
0x74: {  	_ =	shalt  }
0x75: {  	_ =	shalt  }
0x76: {  	_ =	shalt  }
0x77: {  	_ =	shalt  }
0x78: {  	_ =	shalt  }
0x79: {  	_ =	shalt  }
0x7a: {  	_ =	shalt  }
0x7b: {  	_ =	shalt  }
0x7c: {  	_ =	shalt  }
0x7d: {  	_ =	shalt  }
0x7e: {  	_ =	shalt  }
0x7f: {  	_ =	shalt  }
0x80: {  	_ =	shalt  }
0x81: {  	_ =	shalt  }
0x82: {  	_ =	shalt  }
0x83: {  	_ =	shalt  }
0x84: {  	_ =	shalt  }
0x85: {  	_ =	shalt  }
0x86: {  	_ =	shalt  }
0x87: {  	_ =	shalt  }
.Lfunc_end0:
.L_simem_size_0:
called_computation.1_lowered:
.L_overlay_start_0:
0x88: {  	s2 =	sld [smem:$0x3FD9]  }
0x89: {  	s3 =	sld [smem:$0x3FFE];
	_ =	sdelay $0x1  }
0x8a: {  	s1 =	srdreg.scid  }
0x8b: {  	s0 =	sand.u32 $0x1, s1  }
0x8c: {  	s17 =	sshll.u32 s0, $0xA;
	s2 =	sadd.s32 s3, s2  }
0x8d: {  	s2 =	sadd.s32 s2, s17  }
0x8e: {  	[smem:$0x3FA1] =	sst s2  }
0x8f: {  	_ = 	snop  }
0x90: {  	s2 =	sld [smem:$0x3FD0];
	(tm) =	ssettm $0x1  }
0x91: {  	s18 =	sld [smem:$0x3FFB];
	_ =	sdelay $0x3  }
0x92: {  	_ =	strace s18  }
0x93: {  	s3 =	sld [smem:$0x3FFC];
	_ =	sdelay $0x3  }
0x94: {  	_ =	strace s3  }
0x95: {  	s3 =	sld [smem:$0x3FFD];
	_ =	sdelay $0x3  }
0x96: {  	_ =	strace s3  }
0x97: {  	_ =	strace $0x8FFFFFFF  }
0x98: {  	s19 =	sld [smem:$0x3FDB];
	_ =	sdelay $0x1  }
0x99: {  	s4 =	simm.s32 $_scs_section_size  }
0x9a: {  	s5 =	simm.s32 $_size__tile_overlayer_lowered;
	s6 =	simm.s32 $_tile_overlayer_lowered  }
0x9b: {  	s22 =	simm.s32 $0x1BFF;
	s21 =	sshll.u32 s6, $0x1;
	s3 =	sadd.s32 s4, s19  }
0x9c: {  	s7 =	simm.s32 $0x0;
	s20 =	sshll.u32 s5, $0x1;
	s5 =	sadd.s32 s21, s3  }
0x9d: {  	[timem:s7], [sflag:s22] =	dma.local [hbm:s5], s20  }
0x9e: {  	_ =	swait.ge [sflag:s22], s20  }
0x9f: {  	s4 =	ssub.s32 $0x0, s20;
	[sflag:s22] =	ssyncset.done $0x0  }
0xa0: {  	[sflag:s22] =	ssyncadd.s32 s4;
	_ =	sdelay $0x1  }
0xa1: {  	s23 =	simm.s32 $0x1B8B  }
0xa2: {  	_ =	swait.ge [sflag:s23], $0x1  }
0xa3: {  	[sflag:s23] =	ssyncset.done $0x0  }
0xa4: {  	s25 =	simm.s32 $0x1B8E;
	s24 =	sld [smem:$0x3FFE];
	[sflag:s23] =	ssyncadd.s32 $0xFFFFFFFF  }
0xa5: {  	s26 =	simm.s32 $execute0_lowered;
	[smem:$0x3FD2] =	sst s25  }
0xa6: {  	s5 =	sshll.u32 s26, $0x1;
	_ =	strace $0x80000049;
	[dreg:$0x1] =	wrdreg $0xFFFFFFFF  }
0xa7: {  	s28 =	simm.s32 $_size_execute0_lowered;
	s3 =	sadd.s32 s3, s5;
	[dreg:$0x0] =	wrdreg $0x0  }
0xa8: {  	s5 =	sshll.u32 s28, $0x1;
	[dreg:$0x2] =	wrdreg s3  }
0xa9: {  	[dreg:$0x3] =	wrdreg s5  }
0xaa: {  	[dreg:$0x4] =	wrdreg $0xC0  }
0xab: {  	_ =	task [dreg:s7], $0x5FFFF  }
0xac: {  	[dreg:$0x1] =	wrdreg $0xFFFFFFFF  }
0xad: {  	[dreg:$0x0] =	wrdreg $0x60  }
0xae: {  	[dreg:$0x2] =	wrdreg s2  }
0xaf: {  	[dreg:$0x3] =	wrdreg s24  }
0xb0: {  	[dreg:$0x4] =	wrdreg $0xA9000  }
0xb1: {  	[dreg:$0x5] =	wrdreg $0x9  }
0xb2: {  	_ =	task.clear_ibuf [dreg:s7], $0x6FFFF;
	_ =	strace $0x90000049  }
0xb3: {  	s29 =	simm.s32 $0x9;
	_ =	strace $0x8000004B  }
0xb4: {  	_ =	swait.ge [sflag:s29], $0x1  }
0xb5: {  	[sflag:s29] =	ssyncadd.s32 $0xFFFFFFFF  }
0xb6: {  	_ =	strace $0x9000004B  }
0xb7: {  	_ =	sfence  }
0xb8: {  	s30 =	sld [smem:$0x0];
	_ =	sdelay $0x2  }
0xb9: {  	s31 =	sshll.u32 s1, $0xD;
	s1 =	sshrl.u32 s1, $0x2  }
0xba: {  	s3 =	sand.u32 $0x4000, s31;
	s1 =	sadd.s32 s1, s30  }
0xbb: {  	s0 =	sor.u32 s3, s0;
	s1 =	sshll.u32 s1, $0x11  }
0xbc: {  	s0 =	sor.u32 s1, s0  }
0xbd: {  	s0 =	sadd.s32 $0x8F2B, s0  }
0xbe: {  	[sflag:s0] =	ssyncadd.remote.s32 $0x1  }
0xbf: {  	_ =	sfence.sel $0xFFFF  }
0xc0: {  	[dreg:$0x0] =	wrdreg $0xFFFFFFFF;
	(pc) =	sbr.abs _section_cstart, $3  }
0xc1: {  	[dreg:$0x1] =	wrdreg $0xFFFFFFFF  }
0xc2: {  	_ =	task.clear_ibuf [dreg:s7], $0x2FFFF;
	_ =	strace $0x9FFFFFFF  }
0xc3: {  	(tm) =	ssettm $0x7FFFFFFF  }
tec
execute0_lowered:
.L_overlay_start_1:
0x0: {  	(tag) =	ssettag $0x1  }
0x1: {  	s2 =	rddreg [dreg:$0x0]  }
0x2: {  	s0 =	srdreg.scid;
	s8 =	rddreg [dreg:$0x1]  }
0x3: {  	s28 =	stileid.u32;
	s4 =	rddreg [dreg:$0x2]  }
0x4: {  	s5 =	simm.s32 $0x0;
	s17 =	simm.s32 $0x2900;
	s18 =	simm.s32 $0x2  }
0x5: {  	s20 =	simm.s32 $0x7D;
	s21 =	simm.s32 $0x80;
	s22 =	simm.s32 $0x1  }
0x6: {  	s23 =	simm.s32 $0x6900;
	s24 =	simm.s32 $0x2800;
	s25 =	simm.s32 $0x2880  }
0x7: {  	s26 =	simm.s32 $0x0;
	s7 =	sand.u32 $0x1, s0;
	s10 =	smul.u32 $0x14000, s28  }
0x8: {  	[smem:$0x7FF] =	sst s5;
	s12 =	smul.u32 $0x50000, s28;
	s6 =	sadd.s32 $0x56C00, s8  }
0x9: {  	s1 =	sshll.u32 s7, $0x4;
	s9 =	smul.u32 $0x140000, s7;
	_ =	strace $0x8000004A  }
0xa: {  	s29 =	ssub.s32 $0x2, s7;
	s1 =	sor.u32 s28, s1;
	s30 =	sshrl.u32 s12, $0x2  }
0xb: {  	s31 =	sshrl.u32 s29, $0x1;
	s3 =	smul.u32 $0x2800, s1;
	s9 =	sadd.s32 s10, s9  }
0xc: {  	s7 =	sadd.s32 s30, s4;
	s16 =	ssub.s32 s29, s31;
	s9 =	sshrl.u32 s9, $0x3  }
0xd: {  	s10 =	sadd.s32 $0xC000, s7;
	s12 =	sadd.s32 $0x10000, s7;
	s16 =	smax.u32 s16, $0x1  }
0xe: {  	s11 =	sshrl.u32 s3, $0x3;
	s15 =	sadd.s32 s9, s8;
	s9 =	sadd.s32 $0x8000, s7  }
0xf: {  	s13 =	sadd.s32 s11, s8;
	s8 =	sadd.s32 $0x4000, s7;
	s11 =	sadd.s32 s6, s11  }
0x10: {  	v0 =	vimm.f32 $0.0e+00;
	s15 =	sadd.s32 $0x6C00, s15;
	s13 =	sadd.s32 $0x4F2A00, s13;
	s14 =	sadd.s32 $0x10, s11  }
.LBB2_1:
0x11: {  	s28 =	sand.u32 $0xFE00, s5  }
0x12: {  	s29 =	sand.u32 $0x70, s5;
	s30 =	sshrl.u32 s28, $0x2  }
0x13: {  	s28 =	simm.s32 $0x40;
	s30 =	sor.u32 s29, s30;
	s29 =	simm.s32 $0x0  }
.LBB2_2:
0x14: {  	p0 =	sne.s32 s28, $0xFFC0  }
0x15: {  	[tilespmem:s30+$0x2900] =	vst v0;
	s29 =	sadd.s32 $0x10, s29;
	s30 =	smov.u32 s28;
	s28 =	sadd.s32 $0x40, s28  }
.Ltmp0:
0x16: {  	(pc) =	sbr.rel @p0 .LBB2_2-.Ltmp0, $4  }
0x17: {  	_ = 	snop  }
0x18: {  	s30 =	sand.u32 $0xFE00, s30  }
0x19: {  	s31 =	sand.u32 $0x70, s29;
	s30 =	sshrl.u32 s30, $0x2  }
0x1a: {  	s30 =	sor.u32 s31, s30  }
0x1b: {  	[tilespmem:s30+$0x2900] =	vst v0  }
0x1c: {  	[spmem:s7] =	stream.linear.scatter [tilespmem:s17], [sflag:$0x2], $0x4000, $0x38;
	[tilespmem:$0x1E900] =	vst v63  }
0x1d: {  	_ =	swait.ge [sflag:s18], $0x4000  }
0x1e: {  	[sflag:s18] =	ssyncset.done $0x0  }
0x1f: {  	[sflag:s18] =	ssyncadd.s32 $0xFFFFC000  }
0x20: {  	[spmem:s8] =	stream.linear.scatter [tilespmem:s17], [sflag:$0x2], $0x4000, $0x38;
	[tilespmem:$0x1E900] =	vst v63  }
0x21: {  	_ =	swait.ge [sflag:s18], $0x4000  }
0x22: {  	[sflag:s18] =	ssyncset.done $0x0  }
0x23: {  	[sflag:s18] =	ssyncadd.s32 $0xFFFFC000  }
0x24: {  	[spmem:s9] =	stream.linear.scatter [tilespmem:s17], [sflag:$0x2], $0x4000, $0x38;
	[tilespmem:$0x1E900] =	vst v63  }
0x25: {  	_ =	swait.ge [sflag:s18], $0x4000  }
0x26: {  	[sflag:s18] =	ssyncset.done $0x0  }
0x27: {  	[sflag:s18] =	ssyncadd.s32 $0xFFFFC000  }
0x28: {  	[spmem:s10] =	stream.linear.scatter [tilespmem:s17], [sflag:$0x2], $0x4000, $0x38;
	[tilespmem:$0x1E900] =	vst v63  }
0x29: {  	_ =	swait.ge [sflag:s18], $0x4000  }
0x2a: {  	[sflag:s18] =	ssyncset.done $0x0  }
0x2b: {  	[sflag:s18] =	ssyncadd.s32 $0xFFFFC000  }
0x2c: {  	[spmem:s12] =	stream.linear.scatter [tilespmem:s17], [sflag:$0x2], $0x4000, $0x38;
	[tilespmem:$0x1E900] =	vst v63  }
0x2d: {  	_ =	swait.ge [sflag:s18], $0x4000  }
0x2e: {  	[sflag:s18] =	ssyncset.done $0x0  }
0x2f: {  	[sflag:s18] =	ssyncadd.s32 $0xFFFFC000  }
0x30: {  	s0 =	simm.s32 $0x100;
	[bflag:$0x0] =	sbarrier.arrive $0xFFFF  }
0x31: {  	[tilespmem:s0], [sflag:$0x2] =	stream.linear.gather [hbm4b:s13+s5], $0x2800, $0x38;
	[tilespmem:$0x1E900] =	vst v63  }
0x32: {  	_ =	swait.ge [sflag:s18], $0x2800  }
0x33: {  	[sflag:s18] =	ssyncset.done $0x0  }
0x34: {  	[sflag:s18] =	ssyncadd.s32 $0xFFFFD800  }
0x35: {  	[tilespmem:s5], [sflag:$0x2] =	stream.linear.gather [hbm4b:s11+s5], $0x80, $0x38;
	[tilespmem:$0x1E900] =	vst v63  }
0x36: {  	_ =	swait.ge [sflag:s18], $0x80  }
0x37: {  	[sflag:s18] =	ssyncset.done $0x0  }
0x38: {  	[sflag:s18] =	ssyncadd.s32 $0xFFFFFF80  }
0x39: {  	[tilespmem:s17], [sflag:$0x1] =	stream.indirect.gather [hbm4b:s2+s20], $0x80, s5, s20, $0xb8;
	[tilespmem:$0x1E900] =	vst v63  }
0x3a: {  	_ = 	snop  }
0x3b: {  	[tilespmem:s21], [sflag:$0x2] =	stream.linear.gather [hbm4b:s14+s5], $0x80, $0x38;
	[tilespmem:$0x1E900] =	vst v63  }
0x3c: {  	_ =	swait.ge [sflag:s18], $0x80  }
0x3d: {  	s28 =	simm.s32 $0x100;
	[sflag:s18] =	ssyncset.done $0x0  }
0x3e: {  	s29 =	sand.u32 $0x7C00, s28;
	[sflag:s18] =	ssyncadd.s32 $0xFFFFFF80  }
0x3f: {  	s28 =	sand.u32 $0x300, s28;
	s29 =	sadd.s32 s3, s29;
	_ =	swait.ge [sflag:s22], $0x3E80  }
0x40: {  	s28 =	sor.u32 s28, s29;
	[sflag:s22] =	ssyncset.done $0x0  }
0x41: {  	s28 =	sshrl.u32 s28, $0x3;
	[sflag:s22] =	ssyncadd.s32 $0xFFFFC180  }
0x42: {  	[tilespmem:s23], [sflag:$0x1] =	stream.indirect.gather [hbm4b:s2+s20], $0x80, s21, s20, $0xb8;
	[tilespmem:$0x1E900] =	vst v63  }
0x43: {  	s28 =	sadd.s32 s6, s28  }
0x44: {  	[tilespmem:s5], [sflag:$0x2] =	stream.linear.gather [hbm4b:s28+s5], $0x80, $0x38;
	[tilespmem:$0x1E900] =	vst v63  }
0x45: {  	_ =	swait.ge [sflag:s18], $0x80  }
0x46: {  	[sflag:s18] =	ssyncset.done $0x0  }
0x47: {  	s28 =	simm.s32 $0x100;
	[sflag:s18] =	ssyncadd.s32 $0xFFFFFF80  }
0x48: {  	[spmem:s4] =	stream.indirect.scatter.add.f32 [tilespmem:s17], [sflag:$0x2], $0x80, s28, s20, $0xb8;
	[tilespmem:$0x1E900] =	vst v63  }
0x49: {  	_ =	swait.ge [sflag:s18], $0x3E80  }
0x4a: {  	s28 =	simm.s32 $0x180;
	[sflag:s18] =	ssyncset.done $0x0  }
0x4b: {  	s29 =	sand.u32 $0x7C00, s28;
	[sflag:s18] =	ssyncadd.s32 $0xFFFFC180  }
0x4c: {  	s19 =	sand.u32 $0x380, s28;
	s29 =	sadd.s32 s3, s29;
	_ =	swait.ge [sflag:s22], $0x3E80  }
0x4d: {  	s29 =	sor.u32 s19, s29;
	[sflag:s22] =	ssyncset.done $0x0  }
0x4e: {  	s29 =	sshrl.u32 s29, $0x3;
	[sflag:s22] =	ssyncadd.s32 $0xFFFFC180  }
0x4f: {  	[tilespmem:s17], [sflag:$0x1] =	stream.indirect.gather [hbm4b:s2+s20], $0x80, s5, s20, $0xb8;
	[tilespmem:$0x1E900] =	vst v63  }
0x50: {  	s29 =	sadd.s32 s6, s29  }
0x51: {  	[tilespmem:s21], [sflag:$0x2] =	stream.linear.gather [hbm4b:s29+s5], $0x80, $0x38;
	[tilespmem:$0x1E900] =	vst v63  }
0x52: {  	_ =	swait.ge [sflag:s18], $0x80  }
0x53: {  	[sflag:s18] =	ssyncset.done $0x0  }
0x54: {  	s31 =	simm.s32 $0x380;
	[sflag:s18] =	ssyncadd.s32 $0xFFFFFF80  }
0x55: {  	[spmem:s4] =	stream.indirect.scatter.add.f32 [tilespmem:s23], [sflag:$0x2], $0x80, s28, s20, $0xb8;
	[tilespmem:$0x1E900] =	vst v63  }
0x56: {  	s29 =	simm.s32 $0x280;
	s28 =	simm.s32 $0x280;
	_ =	swait.ge [sflag:s18], $0x3E80  }
.LBB2_4:
0x57: {  	s1 =	sadd.s32 $0xFFFFFF80, s29  }
0x58: {  	[sflag:s18] =	ssyncset.done $0x0;
	s0 =	smov.u32 s31;
	s30 =	sadd.s32 $0x100, s31  }
0x59: {  	s19 =	sand.u32 $0x7C00, s1;
	s1 =	sand.u32 $0x300, s1;
	[sflag:s18] =	ssyncadd.s32 $0xFFFFC180  }
0x5a: {  	p0 =	sne.s32 s31, $0x2780;
	_ =	swait.ge [sflag:s22], $0x3E80;
	s19 =	sadd.s32 s3, s19  }
0x5b: {  	[sflag:s22] =	ssyncset.done $0x0;
	s1 =	sor.u32 s1, s19  }
0x5c: {  	[sflag:s22] =	ssyncadd.s32 $0xFFFFC180;
	s1 =	sshrl.u32 s1, $0x3  }
0x5d: {  	[tilespmem:s23], [sflag:$0x1] =	stream.indirect.gather [hbm4b:s2+s20], $0x80, s21, s20, $0xb8;
	[tilespmem:$0x1E900] =	vst v63  }
0x5e: {  	s1 =	sadd.s32 s6, s1  }
0x5f: {  	[tilespmem:s5], [sflag:$0x2] =	stream.linear.gather [hbm4b:s1+s5], $0x80, $0x38;
	[tilespmem:$0x1E900] =	vst v63  }
0x60: {  	_ =	swait.ge [sflag:s18], $0x80  }
0x61: {  	s1 =	sadd.s32 $0xFFFFFF80, s28;
	[sflag:s18] =	ssyncset.done $0x0  }
0x62: {  	[sflag:s18] =	ssyncadd.s32 $0xFFFFFF80  }
0x63: {  	[spmem:s4] =	stream.indirect.scatter.add.f32 [tilespmem:s17], [sflag:$0x2], $0x80, s1, s20, $0xb8;
	[tilespmem:$0x1E900] =	vst v63  }
0x64: {  	_ =	swait.ge [sflag:s18], $0x3E80  }
0x65: {  	[sflag:s18] =	ssyncset.done $0x0  }
0x66: {  	s1 =	sand.u32 $0x7C00, s29;
	[sflag:s18] =	ssyncadd.s32 $0xFFFFC180  }
0x67: {  	s19 =	sand.u32 $0x380, s29;
	s1 =	sadd.s32 s3, s1;
	_ =	swait.ge [sflag:s22], $0x3E80  }
0x68: {  	s29 =	smov.u32 s0;
	s1 =	sor.u32 s19, s1;
	[sflag:s22] =	ssyncset.done $0x0  }
0x69: {  	s0 =	sshrl.u32 s1, $0x3;
	[sflag:s22] =	ssyncadd.s32 $0xFFFFC180  }
0x6a: {  	[tilespmem:s17], [sflag:$0x1] =	stream.indirect.gather [hbm4b:s2+s20], $0x80, s5, s20, $0xb8;
	[tilespmem:$0x1E900] =	vst v63  }
0x6b: {  	s0 =	sadd.s32 s6, s0  }
0x6c: {  	[tilespmem:s21], [sflag:$0x2] =	stream.linear.gather [hbm4b:s0+s5], $0x80, $0x38;
	[tilespmem:$0x1E900] =	vst v63  }
.Ltmp1:
0x6d: {  	_ =	swait.ge [sflag:s18], $0x80;
	(pc) =	sbr.rel @p0 .LBB2_4-.Ltmp1, $4  }
0x6e: {  	[sflag:s18] =	ssyncset.done $0x0  }
0x6f: {  	[sflag:s18] =	ssyncadd.s32 $0xFFFFFF80  }
0x70: {  	[spmem:s4] =	stream.indirect.scatter.add.f32 [tilespmem:s23], [sflag:$0x2], $0x80, s28, s20, $0xb8;
	[tilespmem:$0x1E900] =	vst v63  }
0x71: {  	s31 =	smov.u32 s30;
	s28 =	sadd.s32 $0x100, s28;
	_ =	swait.ge [sflag:s18], $0x3E80  }
0x72: {  	s0 =	sadd.s32 $0xFFFFFF80, s29;
	[sflag:s18] =	ssyncset.done $0x0  }
0x73: {  	s1 =	sand.u32 $0x7C00, s0;
	[sflag:s18] =	ssyncadd.s32 $0xFFFFC180  }
0x74: {  	s0 =	sand.u32 $0x300, s0;
	_ =	swait.ge [sflag:s22], $0x3E80;
	s1 =	sadd.s32 s3, s1  }
0x75: {  	[sflag:s22] =	ssyncset.done $0x0;
	s0 =	sor.u32 s0, s1  }
0x76: {  	[sflag:s22] =	ssyncadd.s32 $0xFFFFC180;
	s0 =	sshrl.u32 s0, $0x3  }
0x77: {  	[tilespmem:s23], [sflag:$0x1] =	stream.indirect.gather [hbm4b:s2+s20], $0x80, s21, s20, $0xb8;
	[tilespmem:$0x1E900] =	vst v63  }
0x78: {  	s0 =	sadd.s32 s6, s0  }
0x79: {  	[tilespmem:s5], [sflag:$0x2] =	stream.linear.gather [hbm4b:s0+s5], $0x80, $0x38;
	[tilespmem:$0x1E900] =	vst v63  }
0x7a: {  	_ =	swait.ge [sflag:s18], $0x80  }
0x7b: {  	[sflag:s18] =	ssyncset.done $0x0  }
0x7c: {  	s1 =	sadd.s32 $0xFFFFFF80, s28;
	[sflag:s18] =	ssyncadd.s32 $0xFFFFFF80  }
0x7d: {  	[spmem:s4] =	stream.indirect.scatter.add.f32 [tilespmem:s17], [sflag:$0x2], $0x80, s1, s20, $0xb8;
	[tilespmem:$0x1E900] =	vst v63  }
0x7e: {  	_ =	swait.ge [sflag:s18], $0x3E80  }
0x7f: {  	[sflag:s18] =	ssyncset.done $0x0  }
0x80: {  	s19 =	sand.u32 $0x7C00, s29;
	[sflag:s18] =	ssyncadd.s32 $0xFFFFC180  }
0x81: {  	s29 =	sand.u32 $0x380, s29;
	s0 =	sadd.s32 s3, s19;
	_ =	swait.ge [sflag:s22], $0x3E80  }
0x82: {  	s0 =	sor.u32 s29, s0;
	[sflag:s22] =	ssyncset.done $0x0  }
0x83: {  	s0 =	sshrl.u32 s0, $0x3;
	[sflag:s22] =	ssyncadd.s32 $0xFFFFC180  }
0x84: {  	[tilespmem:s17], [sflag:$0x1] =	stream.indirect.gather [hbm4b:s2+s20], $0x80, s5, s20, $0xb8;
	[tilespmem:$0x1E900] =	vst v63  }
0x85: {  	s0 =	sadd.s32 s6, s0  }
0x86: {  	[tilespmem:s21], [sflag:$0x2] =	stream.linear.gather [hbm4b:s0+s5], $0x80, $0x38;
	[tilespmem:$0x1E900] =	vst v63  }
0x87: {  	_ =	swait.ge [sflag:s18], $0x80  }
0x88: {  	[sflag:s18] =	ssyncset.done $0x0  }
0x89: {  	[sflag:s18] =	ssyncadd.s32 $0xFFFFFF80  }
0x8a: {  	[spmem:s4] =	stream.indirect.scatter.add.f32 [tilespmem:s23], [sflag:$0x2], $0x80, s28, s20, $0xb8;
	[tilespmem:$0x1E900] =	vst v63  }
0x8b: {  	_ =	swait.ge [sflag:s18], $0x3E80  }
0x8c: {  	[sflag:s18] =	ssyncset.done $0x0  }
0x8d: {  	[sflag:s18] =	ssyncadd.s32 $0xFFFFC180  }
0x8e: {  	_ =	swait.ge [sflag:s22], $0x3E80  }
0x8f: {  	[sflag:s22] =	ssyncset.done $0x0  }
0x90: {  	[sflag:s22] =	ssyncadd.s32 $0xFFFFC180  }
0x91: {  	[tilespmem:s23], [sflag:$0x1] =	stream.indirect.gather [hbm4b:s2+s20], $0x80, s21, s20, $0xb8;
	[tilespmem:$0x1E900] =	vst v63  }
0x92: {  	_ = 	snop  }
0x93: {  	[spmem:s4] =	stream.indirect.scatter.add.f32 [tilespmem:s17], [sflag:$0x2], $0x80, s24, s20, $0xb8;
	[tilespmem:$0x1E900] =	vst v63  }
0x94: {  	_ =	swait.ge [sflag:s18], $0x3E80  }
0x95: {  	[sflag:s18] =	ssyncset.done $0x0  }
0x96: {  	[sflag:s18] =	ssyncadd.s32 $0xFFFFC180  }
0x97: {  	_ =	swait.ge [sflag:s22], $0x3E80  }
0x98: {  	[sflag:s22] =	ssyncset.done $0x0  }
0x99: {  	[sflag:s22] =	ssyncadd.s32 $0xFFFFC180  }
0x9a: {  	[spmem:s4] =	stream.indirect.scatter.add.f32 [tilespmem:s23], [sflag:$0x2], $0x80, s25, s20, $0xb8;
	[tilespmem:$0x1E900] =	vst v63  }
0x9b: {  	s30 =	stileid.u32;
	_ =	swait.ge [sflag:s18], $0x3E80  }
0x9c: {  	s31 =	sshrl.u32 s7, $0x3;
	s26 =	sadd.s32 $0x1, s26;
	[sflag:s18] =	ssyncset.done $0x0  }
0x9d: {  	p0 =	sne.s32 s26, s16;
	s0 =	sshll.u32 s30, $0x6;
	[sflag:s18] =	ssyncadd.s32 $0xFFFFC180  }
.Ltmp2:
0x9e: {  	s0 =	sor.u32 $0x1C02, s0;
	[bflag:$0x0] =	sbarrier.arrive $0xFFFF;
	(pc) =	sbr.rel @p0 .LBB2_1-.Ltmp2, $4  }
0x9f: {  	[hbm:s15], [sflag:s0] =	dma.local [spmem:s31], $0x2800  }
0xa0: {  	_ =	swait.ge [sflag:s18], $0x2800  }
0xa1: {  	[sflag:s18] =	ssyncset.done $0x0  }
0xa2: {  	[sflag:s18] =	ssyncadd.s32 $0xFFFFD800  }
0xa3: {  	_ =	sfence.sel $0x180000  }
0xa4: {  	[bflag:$0x0] =	sbarrier.arrive $0xFFFF  }
0xa5: {  	_ =	strace $0x9000004A  }
0xa6: {  	s0 =	stileid.u32;
	[bflag:$0x2] =	sbarrier.arrive $0xFFFF  }
0xa7: {  	p0 =	sne.s32 s0, $0x0;
	s0 =	rddreg [dreg:$0x3]  }
0xa8: {  	s0 =	sadd.s32 @!p0 $0x100000, s0  }
0xa9: {  	[sflag:s0] =	ssyncadd.tile.s32 @!p0 $0x1;
	_ =	shalt  }
.Lfunc_end2:
_tile_overlayer_lowered:
.L_overlay_start_2:
0xaa: {  	(tag) =	ssettag $0x2  }
0xab: {  	s0 =	rddreg [dreg:$0x0];
	s2 =	stileid.u32  }
0xac: {  	s1 =	rddreg [dreg:$0x1];
	p0 =	sne.s32 s2, $0x0  }
0xad: {  	s3 =	rddreg [dreg:$0x2];
	[bflag:$0x3] =	sbarrier.arrive $0xFFFF;
	s2 =	simm.s32 @!p0 $0x1C02  }
0xae: {  	[timem:s3], [sflag:s2] =	dma.local @!p0 [hbm:s0], s1  }
0xaf: {  	s0 =	simm.s32 @!p0 $0x2  }
0xb0: {  	_ =	swait.ge @!p0 [sflag:s0], s1  }
0xb1: {  	s1 =	ssub.s32 @!p0 $0x0, s1;
	[sflag:s0] =	ssyncset.done @!p0 $0x0  }
0xb2: {  	[sflag:s0] =	ssyncadd.s32 @!p0 s1  }
0xb3: {  	[bflag:$0x3] =	sbarrier.arrive $0xFFFF  }
0xb4: {  	_ =	shalt  }

// kernel: kernel.16.cloned.1.call-start
scs
__scs_entry_jumppad:
0x0: {  	(pc) =	sbr.rel $0x88, $3  }
0x1: {  	(tag) =	ssettag $0x0;
	lr =	simm.s32 $0x1  }
0x2: {  	[smem:$0x3F7A] =	sst lr;
	_ =	strace $0xD0000000  }
0x3: {  	_ = 	snop  }
0x4: {  	_ = 	snop  }
0x5: {  	_ = 	snop  }
0x6: {  	_ = 	snop  }
0x7: {  	_ = 	snop  }
__scs_overlays_trampoline_lowered:
0x8: {  	[smem:$0x3F89] =	sst s0  }
0x9: {  	[smem:$0x3F8A] =	sst s1  }
0xa: {  	[smem:$0x3F8B] =	sst s2  }
0xb: {  	[smem:$0x3F8C] =	sst s3  }
0xc: {  	[smem:$0x3F8D] =	sst s4  }
0xd: {  	[smem:$0x3F8E] =	sst s5  }
0xe: {  	[smem:$0x3F8F] =	sst s6  }
0xf: {  	[smem:$0x3F90] =	sst s7  }
0x10: {  	[smem:$0x3F91] =	sst s8  }
0x11: {  	[smem:$0x3F92] =	sst s9;
	s0 =	simm.s32 @!p0 $0x0  }
0x12: {  	s1 =	sld [smem:$0x3F78];
	s0 =	simm.s32 @p0 $0x1  }
0x13: {  	[smem:$0x3F93] =	sst s0;
	s0 =	simm.s32 @!p1 $0x0  }
0x14: {  	s2 =	sld [smem:$0x3F77];
	s0 =	simm.s32 @p1 $0x1  }
0x15: {  	[smem:$0x3F94] =	sst s0;
	s0 =	simm.s32 @!p2 $0x0  }
0x16: {  	s3 =	sld [smem:$0x3FDB];
	s0 =	simm.s32 @p2 $0x1  }
0x17: {  	s4 =	simm.s32 $0x1BF5;
	[smem:$0x3F96] =	sst s0  }
0x18: {  	s0 =	sld [smem:$0x3F79];
	_ =	swait.ge [sflag:s4], $0x0  }
0x19: {  	s7 =	sld [smem:$0x3F7A]  }
0x1a: {  	s8 =	sadd.s32 $0xFFFFE003, lr  }
0x1b: {  	s9 =	sadd.s32 $0xFFFFFEF7, lr;
	s5 =	simm.s32 $0xFFFFFFFF;
	p2 =	slt.u32 s8, $0xFFFFF086  }
0x1c: {  	p1 =	slt.u32 s9, $0xF7A;
	s5 =	simm.s32 @!p2 $0x0  }
0x1d: {  	s5 =	simm.s32 @p1 $0x1;
	p0 =	seq.s32 s7, s2  }
0x1e: {  	s7 =	smul.u32 @!p0 $0xF7A, s2;
	p2 =	seq.s32 @!p0 s5, $0x0  }
0x1f: {  	s9 =	smul.u32 $0xF7A, s1;
	s8 =	simm.s32 @!p0 $0x1BF5;
	p2 =	por !p2, p0  }
0x20: {  	[sflag:s8] =	ssyncset.s32 @!p0 $0xFFFFF086;
	s6 =	sadd.s32 @!p0 s3, s7;
	s7 =	simm.s32 @!p0 $0x108  }
0x21: {  	s3 =	sadd.s32 s3, s9;
	s6 =	sadd.s32 @!p0 $0x88, s6;
	s7 =	simm.s32 @p2 $0x1082  }
0x22: {  	[simem:s7], [sflag:s8] =	dma.local @!p0 [hbm:s6], $0xF7A  }
0x23: {  	s9 =	sor.u32 $0xD0000000, s2;
	s6 =	simm.s32 $0x108;
	_ =	swait.ge @!p0 [sflag:s8], $0x0  }
0x24: {  	s3 =	sadd.s32 $0x88, s3;
	s6 =	simm.s32 @!p1 $0x1082;
	[sflag:s4] =	ssyncset.s32 $0xFFFFF086  }
0x25: {  	[simem:s6], [sflag:s4] =	dma.local [hbm:s3], $0xF7A  }
0x26: {  	[smem:$0x3F7A] =	sst s1;
	(tag) =	ssettag s2;
	_ =	strace s9  }
0x27: {  	s1 =	sld [smem:$0x3F8A]  }
0x28: {  	s2 =	sld [smem:$0x3F8B]  }
0x29: {  	s4 =	sld [smem:$0x3F8D]  }
0x2a: {  	p0 =	seq.s32 s5, $0x0;
	s5 =	sld [smem:$0x3F8E]  }
0x2b: {  	s6 =	sld [smem:$0x3F8F]  }
0x2c: {  	s7 =	sld [smem:$0x3F90]  }
0x2d: {  	s3 =	simm.s32 $0x108;
	s8 =	sld [smem:$0x3F91]  }
0x2e: {  	s3 =	simm.s32 @!p0 $0x1082;
	s9 =	sld [smem:$0x3F92]  }
0x2f: {  	lr =	sadd.s32 s0, s3;
	s0 =	sld [smem:$0x3F89]  }
0x30: {  	s3 =	sld [smem:$0x3F8C]  }
0x31: {  	[smem:$0x3F95] =	sst s10  }
0x32: {  	s10 =	sld [smem:$0x3F93];
	_ =	sdelay $0x3  }
0x33: {  	p0 =	seq.s32 s10, $0x1;
	s10 =	sld [smem:$0x3F95];
	_ =	sdelay $0x3  }
0x34: {  	[smem:$0x3F95] =	sst s10  }
0x35: {  	s10 =	sld [smem:$0x3F94];
	_ =	sdelay $0x3  }
0x36: {  	p1 =	seq.s32 s10, $0x1;
	s10 =	sld [smem:$0x3F95];
	_ =	sdelay $0x3  }
0x37: {  	[smem:$0x3F95] =	sst s10  }
0x38: {  	s10 =	sld [smem:$0x3F96]  }
0x39: {  	_ = 	snop;
	(pc) =	sbr.ind lr, $3  }
0x3a: {  	_ = 	snop  }
0x3b: {  	_ = 	snop  }
0x3c: {  	p2 =	seq.s32 s10, $0x1;
	s10 =	sld [smem:$0x3F95]  }
0x3d: {  	_ =	shalt  }
0x3e: {  	_ =	shalt  }
0x3f: {  	_ =	shalt  }
0x40: {  	_ =	shalt  }
0x41: {  	_ =	shalt  }
0x42: {  	_ =	shalt  }
0x43: {  	_ =	shalt  }
0x44: {  	_ =	shalt  }
0x45: {  	_ =	shalt  }
0x46: {  	_ =	shalt  }
0x47: {  	_ =	shalt  }
0x48: {  	_ =	shalt  }
0x49: {  	_ =	shalt  }
0x4a: {  	_ =	shalt  }
0x4b: {  	_ =	shalt  }
0x4c: {  	_ =	shalt  }
0x4d: {  	_ =	shalt  }
0x4e: {  	_ =	shalt  }
0x4f: {  	_ =	shalt  }
0x50: {  	_ =	shalt  }
0x51: {  	_ =	shalt  }
0x52: {  	_ =	shalt  }
0x53: {  	_ =	shalt  }
0x54: {  	_ =	shalt  }
0x55: {  	_ =	shalt  }
0x56: {  	_ =	shalt  }
0x57: {  	_ =	shalt  }
0x58: {  	_ =	shalt  }
0x59: {  	_ =	shalt  }
0x5a: {  	_ =	shalt  }
0x5b: {  	_ =	shalt  }
0x5c: {  	_ =	shalt  }
0x5d: {  	_ =	shalt  }
0x5e: {  	_ =	shalt  }
0x5f: {  	_ =	shalt  }
0x60: {  	_ =	shalt  }
0x61: {  	_ =	shalt  }
0x62: {  	_ =	shalt  }
0x63: {  	_ =	shalt  }
0x64: {  	_ =	shalt  }
0x65: {  	_ =	shalt  }
0x66: {  	_ =	shalt  }
0x67: {  	_ =	shalt  }
0x68: {  	_ =	shalt  }
0x69: {  	_ =	shalt  }
0x6a: {  	_ =	shalt  }
0x6b: {  	_ =	shalt  }
0x6c: {  	_ =	shalt  }
0x6d: {  	_ =	shalt  }
0x6e: {  	_ =	shalt  }
0x6f: {  	_ =	shalt  }
0x70: {  	_ =	shalt  }
0x71: {  	_ =	shalt  }
0x72: {  	_ =	shalt  }
0x73: {  	_ =	shalt  }
0x74: {  	_ =	shalt  }
0x75: {  	_ =	shalt  }
0x76: {  	_ =	shalt  }
0x77: {  	_ =	shalt  }
0x78: {  	_ =	shalt  }
0x79: {  	_ =	shalt  }
0x7a: {  	_ =	shalt  }
0x7b: {  	_ =	shalt  }
0x7c: {  	_ =	shalt  }
0x7d: {  	_ =	shalt  }
0x7e: {  	_ =	shalt  }
0x7f: {  	_ =	shalt  }
0x80: {  	_ =	shalt  }
0x81: {  	_ =	shalt  }
0x82: {  	_ =	shalt  }
0x83: {  	_ =	shalt  }
0x84: {  	_ =	shalt  }
0x85: {  	_ =	shalt  }
0x86: {  	_ =	shalt  }
0x87: {  	_ =	shalt  }
.Lfunc_end0:
.L_simem_size_0:
called_computation.2_lowered:
.L_overlay_start_0:
0x88: {  	s2 =	sld [smem:$0x3FD9]  }
0x89: {  	s3 =	sld [smem:$0x3FFE];
	_ =	sdelay $0x1  }
0x8a: {  	s1 =	srdreg.scid  }
0x8b: {  	s0 =	sand.u32 $0x1, s1  }
0x8c: {  	s17 =	sshll.u32 s0, $0xA;
	s2 =	sadd.s32 s3, s2  }
0x8d: {  	s2 =	sadd.s32 s2, s17  }
0x8e: {  	[smem:$0x3FA1] =	sst s2  }
0x8f: {  	_ = 	snop  }
0x90: {  	s2 =	sld [smem:$0x3FD0];
	(tm) =	ssettm $0x1  }
0x91: {  	s18 =	sld [smem:$0x3FFB];
	_ =	sdelay $0x3  }
0x92: {  	_ =	strace s18  }
0x93: {  	s3 =	sld [smem:$0x3FFC];
	_ =	sdelay $0x3  }
0x94: {  	_ =	strace s3  }
0x95: {  	s3 =	sld [smem:$0x3FFD];
	_ =	sdelay $0x3  }
0x96: {  	_ =	strace s3  }
0x97: {  	_ =	strace $0x8FFFFFFF  }
0x98: {  	s19 =	sld [smem:$0x3FDB];
	_ =	sdelay $0x1  }
0x99: {  	s4 =	simm.s32 $_scs_section_size  }
0x9a: {  	s5 =	simm.s32 $_size__tile_overlayer_lowered;
	s6 =	simm.s32 $_tile_overlayer_lowered  }
0x9b: {  	s22 =	simm.s32 $0x1BFF;
	s21 =	sshll.u32 s6, $0x1;
	s3 =	sadd.s32 s4, s19  }
0x9c: {  	s7 =	simm.s32 $0x0;
	s20 =	sshll.u32 s5, $0x1;
	s5 =	sadd.s32 s21, s3  }
0x9d: {  	[timem:s7], [sflag:s22] =	dma.local [hbm:s5], s20  }
0x9e: {  	_ =	swait.ge [sflag:s22], s20  }
0x9f: {  	s4 =	ssub.s32 $0x0, s20;
	[sflag:s22] =	ssyncset.done $0x0  }
0xa0: {  	[sflag:s22] =	ssyncadd.s32 s4;
	_ =	sdelay $0x1  }
0xa1: {  	s23 =	simm.s32 $0x1B8B  }
0xa2: {  	_ =	swait.ge [sflag:s23], $0x1  }
0xa3: {  	[sflag:s23] =	ssyncset.done $0x0  }
0xa4: {  	s25 =	simm.s32 $0x1B8E;
	s24 =	sld [smem:$0x3FFE];
	[sflag:s23] =	ssyncadd.s32 $0xFFFFFFFF  }
0xa5: {  	s26 =	simm.s32 $execute0_lowered;
	[smem:$0x3FD2] =	sst s25  }
0xa6: {  	s5 =	sshll.u32 s26, $0x1;
	_ =	strace $0x8000004C;
	[dreg:$0x1] =	wrdreg $0xFFFFFFFF  }
0xa7: {  	s28 =	simm.s32 $_size_execute0_lowered;
	s3 =	sadd.s32 s3, s5;
	[dreg:$0x0] =	wrdreg $0x0  }
0xa8: {  	s5 =	sshll.u32 s28, $0x1;
	[dreg:$0x2] =	wrdreg s3  }
0xa9: {  	[dreg:$0x3] =	wrdreg s5  }
0xaa: {  	[dreg:$0x4] =	wrdreg $0xC0  }
0xab: {  	_ =	task [dreg:s7], $0x5FFFF  }
0xac: {  	[dreg:$0x1] =	wrdreg $0xFFFFFFFF  }
0xad: {  	[dreg:$0x0] =	wrdreg $0x60  }
0xae: {  	[dreg:$0x2] =	wrdreg s2  }
0xaf: {  	[dreg:$0x3] =	wrdreg s24  }
0xb0: {  	[dreg:$0x4] =	wrdreg $0xA9000  }
0xb1: {  	[dreg:$0x5] =	wrdreg $0x9  }
0xb2: {  	_ =	task.clear_ibuf [dreg:s7], $0x6FFFF;
	_ =	strace $0x9000004C  }
0xb3: {  	s29 =	simm.s32 $0x9;
	_ =	strace $0x8000004E  }
0xb4: {  	_ =	swait.ge [sflag:s29], $0x1  }
0xb5: {  	[sflag:s29] =	ssyncadd.s32 $0xFFFFFFFF  }
0xb6: {  	_ =	strace $0x9000004E  }
0xb7: {  	_ =	sfence  }
0xb8: {  	s30 =	sld [smem:$0x0];
	_ =	sdelay $0x2  }
0xb9: {  	s31 =	sshll.u32 s1, $0xD;
	s1 =	sshrl.u32 s1, $0x2  }
0xba: {  	s3 =	sand.u32 $0x4000, s31;
	s1 =	sadd.s32 s1, s30  }
0xbb: {  	s0 =	sor.u32 s3, s0;
	s1 =	sshll.u32 s1, $0x11  }
0xbc: {  	s0 =	sor.u32 s1, s0  }
0xbd: {  	s0 =	sadd.s32 $0x8F2B, s0  }
0xbe: {  	[sflag:s0] =	ssyncadd.remote.s32 $0x1  }
0xbf: {  	_ =	sfence.sel $0xFFFF  }
0xc0: {  	[dreg:$0x0] =	wrdreg $0xFFFFFFFF;
	(pc) =	sbr.abs _section_cstart, $3  }
0xc1: {  	[dreg:$0x1] =	wrdreg $0xFFFFFFFF  }
0xc2: {  	_ =	task.clear_ibuf [dreg:s7], $0x2FFFF;
	_ =	strace $0x9FFFFFFF  }
0xc3: {  	(tm) =	ssettm $0x7FFFFFFF  }
tec
execute0_lowered:
.L_overlay_start_1:
0x0: {  	(tag) =	ssettag $0x1  }
0x1: {  	s2 =	rddreg [dreg:$0x0]  }
0x2: {  	s0 =	srdreg.scid;
	s8 =	rddreg [dreg:$0x1]  }
0x3: {  	s28 =	stileid.u32;
	s4 =	rddreg [dreg:$0x2]  }
0x4: {  	s5 =	simm.s32 $0x0;
	s17 =	simm.s32 $0x2900;
	s18 =	simm.s32 $0x2  }
0x5: {  	s20 =	simm.s32 $0x7D;
	s21 =	simm.s32 $0x80;
	s22 =	simm.s32 $0x1  }
0x6: {  	s23 =	simm.s32 $0x6900;
	s24 =	simm.s32 $0x2800;
	s25 =	simm.s32 $0x2880  }
0x7: {  	s26 =	simm.s32 $0x0;
	s7 =	sand.u32 $0x1, s0;
	s10 =	smul.u32 $0x14000, s28  }
0x8: {  	[smem:$0x7FF] =	sst s5;
	s12 =	smul.u32 $0x50000, s28;
	s6 =	sadd.s32 $0x56C00, s8  }
0x9: {  	s1 =	sshll.u32 s7, $0x4;
	s9 =	smul.u32 $0x140000, s7;
	_ =	strace $0x8000004D  }
0xa: {  	s29 =	ssub.s32 $0x2, s7;
	s1 =	sor.u32 s28, s1;
	s30 =	sshrl.u32 s12, $0x2  }
0xb: {  	s31 =	sshrl.u32 s29, $0x1;
	s3 =	smul.u32 $0x2800, s1;
	s9 =	sadd.s32 s10, s9  }
0xc: {  	s7 =	sadd.s32 s30, s4;
	s16 =	ssub.s32 s29, s31;
	s9 =	sshrl.u32 s9, $0x3  }
0xd: {  	s10 =	sadd.s32 $0xC000, s7;
	s12 =	sadd.s32 $0x10000, s7;
	s16 =	smax.u32 s16, $0x1  }
0xe: {  	s11 =	sshrl.u32 s3, $0x3;
	s15 =	sadd.s32 s9, s8;
	s9 =	sadd.s32 $0x8000, s7  }
0xf: {  	s13 =	sadd.s32 s11, s8;
	s8 =	sadd.s32 $0x4000, s7;
	s11 =	sadd.s32 s6, s11  }
0x10: {  	v0 =	vimm.f32 $0.0e+00;
	s15 =	sadd.s32 $0x6C00, s15;
	s13 =	sadd.s32 $0x4F2A00, s13;
	s14 =	sadd.s32 $0x10, s11  }
.LBB2_1:
0x11: {  	s28 =	sand.u32 $0xFE00, s5  }
0x12: {  	s29 =	sand.u32 $0x70, s5;
	s30 =	sshrl.u32 s28, $0x2  }
0x13: {  	s28 =	simm.s32 $0x40;
	s30 =	sor.u32 s29, s30;
	s29 =	simm.s32 $0x0  }
.LBB2_2:
0x14: {  	p0 =	sne.s32 s28, $0xFFC0  }
0x15: {  	[tilespmem:s30+$0x2900] =	vst v0;
	s29 =	sadd.s32 $0x10, s29;
	s30 =	smov.u32 s28;
	s28 =	sadd.s32 $0x40, s28  }
.Ltmp0:
0x16: {  	(pc) =	sbr.rel @p0 .LBB2_2-.Ltmp0, $4  }
0x17: {  	_ = 	snop  }
0x18: {  	s30 =	sand.u32 $0xFE00, s30  }
0x19: {  	s31 =	sand.u32 $0x70, s29;
	s30 =	sshrl.u32 s30, $0x2  }
0x1a: {  	s30 =	sor.u32 s31, s30  }
0x1b: {  	[tilespmem:s30+$0x2900] =	vst v0  }
0x1c: {  	[spmem:s7] =	stream.linear.scatter [tilespmem:s17], [sflag:$0x2], $0x4000, $0x38;
	[tilespmem:$0x1E900] =	vst v63  }
0x1d: {  	_ =	swait.ge [sflag:s18], $0x4000  }
0x1e: {  	[sflag:s18] =	ssyncset.done $0x0  }
0x1f: {  	[sflag:s18] =	ssyncadd.s32 $0xFFFFC000  }
0x20: {  	[spmem:s8] =	stream.linear.scatter [tilespmem:s17], [sflag:$0x2], $0x4000, $0x38;
	[tilespmem:$0x1E900] =	vst v63  }
0x21: {  	_ =	swait.ge [sflag:s18], $0x4000  }
0x22: {  	[sflag:s18] =	ssyncset.done $0x0  }
0x23: {  	[sflag:s18] =	ssyncadd.s32 $0xFFFFC000  }
0x24: {  	[spmem:s9] =	stream.linear.scatter [tilespmem:s17], [sflag:$0x2], $0x4000, $0x38;
	[tilespmem:$0x1E900] =	vst v63  }
0x25: {  	_ =	swait.ge [sflag:s18], $0x4000  }
0x26: {  	[sflag:s18] =	ssyncset.done $0x0  }
0x27: {  	[sflag:s18] =	ssyncadd.s32 $0xFFFFC000  }
0x28: {  	[spmem:s10] =	stream.linear.scatter [tilespmem:s17], [sflag:$0x2], $0x4000, $0x38;
	[tilespmem:$0x1E900] =	vst v63  }
0x29: {  	_ =	swait.ge [sflag:s18], $0x4000  }
0x2a: {  	[sflag:s18] =	ssyncset.done $0x0  }
0x2b: {  	[sflag:s18] =	ssyncadd.s32 $0xFFFFC000  }
0x2c: {  	[spmem:s12] =	stream.linear.scatter [tilespmem:s17], [sflag:$0x2], $0x4000, $0x38;
	[tilespmem:$0x1E900] =	vst v63  }
0x2d: {  	_ =	swait.ge [sflag:s18], $0x4000  }
0x2e: {  	[sflag:s18] =	ssyncset.done $0x0  }
0x2f: {  	[sflag:s18] =	ssyncadd.s32 $0xFFFFC000  }
0x30: {  	s0 =	simm.s32 $0x100;
	[bflag:$0x0] =	sbarrier.arrive $0xFFFF  }
0x31: {  	[tilespmem:s0], [sflag:$0x2] =	stream.linear.gather [hbm4b:s13+s5], $0x2800, $0x38;
	[tilespmem:$0x1E900] =	vst v63  }
0x32: {  	_ =	swait.ge [sflag:s18], $0x2800  }
0x33: {  	[sflag:s18] =	ssyncset.done $0x0  }
0x34: {  	[sflag:s18] =	ssyncadd.s32 $0xFFFFD800  }
0x35: {  	[tilespmem:s5], [sflag:$0x2] =	stream.linear.gather [hbm4b:s11+s5], $0x80, $0x38;
	[tilespmem:$0x1E900] =	vst v63  }
0x36: {  	_ =	swait.ge [sflag:s18], $0x80  }
0x37: {  	[sflag:s18] =	ssyncset.done $0x0  }
0x38: {  	[sflag:s18] =	ssyncadd.s32 $0xFFFFFF80  }
0x39: {  	[tilespmem:s17], [sflag:$0x1] =	stream.indirect.gather [hbm4b:s2+s20], $0x80, s5, s20, $0xb8;
	[tilespmem:$0x1E900] =	vst v63  }
0x3a: {  	_ = 	snop  }
0x3b: {  	[tilespmem:s21], [sflag:$0x2] =	stream.linear.gather [hbm4b:s14+s5], $0x80, $0x38;
	[tilespmem:$0x1E900] =	vst v63  }
0x3c: {  	_ =	swait.ge [sflag:s18], $0x80  }
0x3d: {  	s28 =	simm.s32 $0x100;
	[sflag:s18] =	ssyncset.done $0x0  }
0x3e: {  	s29 =	sand.u32 $0x7C00, s28;
	[sflag:s18] =	ssyncadd.s32 $0xFFFFFF80  }
0x3f: {  	s28 =	sand.u32 $0x300, s28;
	s29 =	sadd.s32 s3, s29;
	_ =	swait.ge [sflag:s22], $0x3E80  }
0x40: {  	s28 =	sor.u32 s28, s29;
	[sflag:s22] =	ssyncset.done $0x0  }
0x41: {  	s28 =	sshrl.u32 s28, $0x3;
	[sflag:s22] =	ssyncadd.s32 $0xFFFFC180  }
0x42: {  	[tilespmem:s23], [sflag:$0x1] =	stream.indirect.gather [hbm4b:s2+s20], $0x80, s21, s20, $0xb8;
	[tilespmem:$0x1E900] =	vst v63  }
0x43: {  	s28 =	sadd.s32 s6, s28  }
0x44: {  	[tilespmem:s5], [sflag:$0x2] =	stream.linear.gather [hbm4b:s28+s5], $0x80, $0x38;
	[tilespmem:$0x1E900] =	vst v63  }
0x45: {  	_ =	swait.ge [sflag:s18], $0x80  }
0x46: {  	[sflag:s18] =	ssyncset.done $0x0  }
0x47: {  	s28 =	simm.s32 $0x100;
	[sflag:s18] =	ssyncadd.s32 $0xFFFFFF80  }
0x48: {  	[spmem:s4] =	stream.indirect.scatter.add.f32 [tilespmem:s17], [sflag:$0x2], $0x80, s28, s20, $0xb8;
	[tilespmem:$0x1E900] =	vst v63  }
0x49: {  	_ =	swait.ge [sflag:s18], $0x3E80  }
0x4a: {  	s28 =	simm.s32 $0x180;
	[sflag:s18] =	ssyncset.done $0x0  }
0x4b: {  	s29 =	sand.u32 $0x7C00, s28;
	[sflag:s18] =	ssyncadd.s32 $0xFFFFC180  }
0x4c: {  	s19 =	sand.u32 $0x380, s28;
	s29 =	sadd.s32 s3, s29;
	_ =	swait.ge [sflag:s22], $0x3E80  }
0x4d: {  	s29 =	sor.u32 s19, s29;
	[sflag:s22] =	ssyncset.done $0x0  }
0x4e: {  	s29 =	sshrl.u32 s29, $0x3;
	[sflag:s22] =	ssyncadd.s32 $0xFFFFC180  }
0x4f: {  	[tilespmem:s17], [sflag:$0x1] =	stream.indirect.gather [hbm4b:s2+s20], $0x80, s5, s20, $0xb8;
	[tilespmem:$0x1E900] =	vst v63  }
0x50: {  	s29 =	sadd.s32 s6, s29  }
0x51: {  	[tilespmem:s21], [sflag:$0x2] =	stream.linear.gather [hbm4b:s29+s5], $0x80, $0x38;
	[tilespmem:$0x1E900] =	vst v63  }
0x52: {  	_ =	swait.ge [sflag:s18], $0x80  }
0x53: {  	[sflag:s18] =	ssyncset.done $0x0  }
0x54: {  	s31 =	simm.s32 $0x380;
	[sflag:s18] =	ssyncadd.s32 $0xFFFFFF80  }
0x55: {  	[spmem:s4] =	stream.indirect.scatter.add.f32 [tilespmem:s23], [sflag:$0x2], $0x80, s28, s20, $0xb8;
	[tilespmem:$0x1E900] =	vst v63  }
0x56: {  	s29 =	simm.s32 $0x280;
	s28 =	simm.s32 $0x280;
	_ =	swait.ge [sflag:s18], $0x3E80  }
.LBB2_4:
0x57: {  	s1 =	sadd.s32 $0xFFFFFF80, s29  }
0x58: {  	[sflag:s18] =	ssyncset.done $0x0;
	s0 =	smov.u32 s31;
	s30 =	sadd.s32 $0x100, s31  }
0x59: {  	s19 =	sand.u32 $0x7C00, s1;
	s1 =	sand.u32 $0x300, s1;
	[sflag:s18] =	ssyncadd.s32 $0xFFFFC180  }
0x5a: {  	p0 =	sne.s32 s31, $0x2780;
	_ =	swait.ge [sflag:s22], $0x3E80;
	s19 =	sadd.s32 s3, s19  }
0x5b: {  	[sflag:s22] =	ssyncset.done $0x0;
	s1 =	sor.u32 s1, s19  }
0x5c: {  	[sflag:s22] =	ssyncadd.s32 $0xFFFFC180;
	s1 =	sshrl.u32 s1, $0x3  }
0x5d: {  	[tilespmem:s23], [sflag:$0x1] =	stream.indirect.gather [hbm4b:s2+s20], $0x80, s21, s20, $0xb8;
	[tilespmem:$0x1E900] =	vst v63  }
0x5e: {  	s1 =	sadd.s32 s6, s1  }
0x5f: {  	[tilespmem:s5], [sflag:$0x2] =	stream.linear.gather [hbm4b:s1+s5], $0x80, $0x38;
	[tilespmem:$0x1E900] =	vst v63  }
0x60: {  	_ =	swait.ge [sflag:s18], $0x80  }
0x61: {  	s1 =	sadd.s32 $0xFFFFFF80, s28;
	[sflag:s18] =	ssyncset.done $0x0  }
0x62: {  	[sflag:s18] =	ssyncadd.s32 $0xFFFFFF80  }
0x63: {  	[spmem:s4] =	stream.indirect.scatter.add.f32 [tilespmem:s17], [sflag:$0x2], $0x80, s1, s20, $0xb8;
	[tilespmem:$0x1E900] =	vst v63  }
0x64: {  	_ =	swait.ge [sflag:s18], $0x3E80  }
0x65: {  	[sflag:s18] =	ssyncset.done $0x0  }
0x66: {  	s1 =	sand.u32 $0x7C00, s29;
	[sflag:s18] =	ssyncadd.s32 $0xFFFFC180  }
0x67: {  	s19 =	sand.u32 $0x380, s29;
	s1 =	sadd.s32 s3, s1;
	_ =	swait.ge [sflag:s22], $0x3E80  }
0x68: {  	s29 =	smov.u32 s0;
	s1 =	sor.u32 s19, s1;
	[sflag:s22] =	ssyncset.done $0x0  }
0x69: {  	s0 =	sshrl.u32 s1, $0x3;
	[sflag:s22] =	ssyncadd.s32 $0xFFFFC180  }
0x6a: {  	[tilespmem:s17], [sflag:$0x1] =	stream.indirect.gather [hbm4b:s2+s20], $0x80, s5, s20, $0xb8;
	[tilespmem:$0x1E900] =	vst v63  }
0x6b: {  	s0 =	sadd.s32 s6, s0  }
0x6c: {  	[tilespmem:s21], [sflag:$0x2] =	stream.linear.gather [hbm4b:s0+s5], $0x80, $0x38;
	[tilespmem:$0x1E900] =	vst v63  }
.Ltmp1:
0x6d: {  	_ =	swait.ge [sflag:s18], $0x80;
	(pc) =	sbr.rel @p0 .LBB2_4-.Ltmp1, $4  }
0x6e: {  	[sflag:s18] =	ssyncset.done $0x0  }
0x6f: {  	[sflag:s18] =	ssyncadd.s32 $0xFFFFFF80  }
0x70: {  	[spmem:s4] =	stream.indirect.scatter.add.f32 [tilespmem:s23], [sflag:$0x2], $0x80, s28, s20, $0xb8;
	[tilespmem:$0x1E900] =	vst v63  }
0x71: {  	s31 =	smov.u32 s30;
	s28 =	sadd.s32 $0x100, s28;
	_ =	swait.ge [sflag:s18], $0x3E80  }
0x72: {  	s0 =	sadd.s32 $0xFFFFFF80, s29;
	[sflag:s18] =	ssyncset.done $0x0  }
0x73: {  	s1 =	sand.u32 $0x7C00, s0;
	[sflag:s18] =	ssyncadd.s32 $0xFFFFC180  }
0x74: {  	s0 =	sand.u32 $0x300, s0;
	_ =	swait.ge [sflag:s22], $0x3E80;
	s1 =	sadd.s32 s3, s1  }
0x75: {  	[sflag:s22] =	ssyncset.done $0x0;
	s0 =	sor.u32 s0, s1  }
0x76: {  	[sflag:s22] =	ssyncadd.s32 $0xFFFFC180;
	s0 =	sshrl.u32 s0, $0x3  }
0x77: {  	[tilespmem:s23], [sflag:$0x1] =	stream.indirect.gather [hbm4b:s2+s20], $0x80, s21, s20, $0xb8;
	[tilespmem:$0x1E900] =	vst v63  }
0x78: {  	s0 =	sadd.s32 s6, s0  }
0x79: {  	[tilespmem:s5], [sflag:$0x2] =	stream.linear.gather [hbm4b:s0+s5], $0x80, $0x38;
	[tilespmem:$0x1E900] =	vst v63  }
0x7a: {  	_ =	swait.ge [sflag:s18], $0x80  }
0x7b: {  	[sflag:s18] =	ssyncset.done $0x0  }
0x7c: {  	s1 =	sadd.s32 $0xFFFFFF80, s28;
	[sflag:s18] =	ssyncadd.s32 $0xFFFFFF80  }
0x7d: {  	[spmem:s4] =	stream.indirect.scatter.add.f32 [tilespmem:s17], [sflag:$0x2], $0x80, s1, s20, $0xb8;
	[tilespmem:$0x1E900] =	vst v63  }
0x7e: {  	_ =	swait.ge [sflag:s18], $0x3E80  }
0x7f: {  	[sflag:s18] =	ssyncset.done $0x0  }
0x80: {  	s19 =	sand.u32 $0x7C00, s29;
	[sflag:s18] =	ssyncadd.s32 $0xFFFFC180  }
0x81: {  	s29 =	sand.u32 $0x380, s29;
	s0 =	sadd.s32 s3, s19;
	_ =	swait.ge [sflag:s22], $0x3E80  }
0x82: {  	s0 =	sor.u32 s29, s0;
	[sflag:s22] =	ssyncset.done $0x0  }
0x83: {  	s0 =	sshrl.u32 s0, $0x3;
	[sflag:s22] =	ssyncadd.s32 $0xFFFFC180  }
0x84: {  	[tilespmem:s17], [sflag:$0x1] =	stream.indirect.gather [hbm4b:s2+s20], $0x80, s5, s20, $0xb8;
	[tilespmem:$0x1E900] =	vst v63  }
0x85: {  	s0 =	sadd.s32 s6, s0  }
0x86: {  	[tilespmem:s21], [sflag:$0x2] =	stream.linear.gather [hbm4b:s0+s5], $0x80, $0x38;
	[tilespmem:$0x1E900] =	vst v63  }
0x87: {  	_ =	swait.ge [sflag:s18], $0x80  }
0x88: {  	[sflag:s18] =	ssyncset.done $0x0  }
0x89: {  	[sflag:s18] =	ssyncadd.s32 $0xFFFFFF80  }
0x8a: {  	[spmem:s4] =	stream.indirect.scatter.add.f32 [tilespmem:s23], [sflag:$0x2], $0x80, s28, s20, $0xb8;
	[tilespmem:$0x1E900] =	vst v63  }
0x8b: {  	_ =	swait.ge [sflag:s18], $0x3E80  }
0x8c: {  	[sflag:s18] =	ssyncset.done $0x0  }
0x8d: {  	[sflag:s18] =	ssyncadd.s32 $0xFFFFC180  }
0x8e: {  	_ =	swait.ge [sflag:s22], $0x3E80  }
0x8f: {  	[sflag:s22] =	ssyncset.done $0x0  }
0x90: {  	[sflag:s22] =	ssyncadd.s32 $0xFFFFC180  }
0x91: {  	[tilespmem:s23], [sflag:$0x1] =	stream.indirect.gather [hbm4b:s2+s20], $0x80, s21, s20, $0xb8;
	[tilespmem:$0x1E900] =	vst v63  }
0x92: {  	_ = 	snop  }
0x93: {  	[spmem:s4] =	stream.indirect.scatter.add.f32 [tilespmem:s17], [sflag:$0x2], $0x80, s24, s20, $0xb8;
	[tilespmem:$0x1E900] =	vst v63  }
0x94: {  	_ =	swait.ge [sflag:s18], $0x3E80  }
0x95: {  	[sflag:s18] =	ssyncset.done $0x0  }
0x96: {  	[sflag:s18] =	ssyncadd.s32 $0xFFFFC180  }
0x97: {  	_ =	swait.ge [sflag:s22], $0x3E80  }
0x98: {  	[sflag:s22] =	ssyncset.done $0x0  }
0x99: {  	[sflag:s22] =	ssyncadd.s32 $0xFFFFC180  }
0x9a: {  	[spmem:s4] =	stream.indirect.scatter.add.f32 [tilespmem:s23], [sflag:$0x2], $0x80, s25, s20, $0xb8;
	[tilespmem:$0x1E900] =	vst v63  }
0x9b: {  	s30 =	stileid.u32;
	_ =	swait.ge [sflag:s18], $0x3E80  }
0x9c: {  	s31 =	sshrl.u32 s7, $0x3;
	s26 =	sadd.s32 $0x1, s26;
	[sflag:s18] =	ssyncset.done $0x0  }
0x9d: {  	p0 =	sne.s32 s26, s16;
	s0 =	sshll.u32 s30, $0x6;
	[sflag:s18] =	ssyncadd.s32 $0xFFFFC180  }
.Ltmp2:
0x9e: {  	s0 =	sor.u32 $0x1C02, s0;
	[bflag:$0x0] =	sbarrier.arrive $0xFFFF;
	(pc) =	sbr.rel @p0 .LBB2_1-.Ltmp2, $4  }
0x9f: {  	[hbm:s15], [sflag:s0] =	dma.local [spmem:s31], $0x2800  }
0xa0: {  	_ =	swait.ge [sflag:s18], $0x2800  }
0xa1: {  	[sflag:s18] =	ssyncset.done $0x0  }
0xa2: {  	[sflag:s18] =	ssyncadd.s32 $0xFFFFD800  }
0xa3: {  	_ =	sfence.sel $0x180000  }
0xa4: {  	[bflag:$0x0] =	sbarrier.arrive $0xFFFF  }
0xa5: {  	_ =	strace $0x9000004D  }
0xa6: {  	s0 =	stileid.u32;
	[bflag:$0x2] =	sbarrier.arrive $0xFFFF  }
0xa7: {  	p0 =	sne.s32 s0, $0x0;
	s0 =	rddreg [dreg:$0x3]  }
0xa8: {  	s0 =	sadd.s32 @!p0 $0x100000, s0  }
0xa9: {  	[sflag:s0] =	ssyncadd.tile.s32 @!p0 $0x1;
	_ =	shalt  }
.Lfunc_end2:
_tile_overlayer_lowered:
.L_overlay_start_2:
0xaa: {  	(tag) =	ssettag $0x2  }
0xab: {  	s0 =	rddreg [dreg:$0x0];
	s2 =	stileid.u32  }
0xac: {  	s1 =	rddreg [dreg:$0x1];
	p0 =	sne.s32 s2, $0x0  }
0xad: {  	s3 =	rddreg [dreg:$0x2];
	[bflag:$0x3] =	sbarrier.arrive $0xFFFF;
	s2 =	simm.s32 @!p0 $0x1C02  }
0xae: {  	[timem:s3], [sflag:s2] =	dma.local @!p0 [hbm:s0], s1  }
0xaf: {  	s0 =	simm.s32 @!p0 $0x2  }
0xb0: {  	_ =	swait.ge @!p0 [sflag:s0], s1  }
0xb1: {  	s1 =	ssub.s32 @!p0 $0x0, s1;
	[sflag:s0] =	ssyncset.done @!p0 $0x0  }
0xb2: {  	[sflag:s0] =	ssyncadd.s32 @!p0 s1  }
0xb3: {  	[bflag:$0x3] =	sbarrier.arrive $0xFFFF  }
0xb4: {  	_ =	shalt  }

// kernel: kernel.19.cloned.1.call-start
scs
__scs_entry_jumppad:
0x0: {  	(pc) =	sbr.rel $0x88, $3  }
0x1: {  	(tag) =	ssettag $0x0;
	lr =	simm.s32 $0x1  }
0x2: {  	[smem:$0x3F7A] =	sst lr;
	_ =	strace $0xD0000000  }
0x3: {  	_ = 	snop  }
0x4: {  	_ = 	snop  }
0x5: {  	_ = 	snop  }
0x6: {  	_ = 	snop  }
0x7: {  	_ = 	snop  }
__scs_overlays_trampoline_lowered:
0x8: {  	[smem:$0x3F89] =	sst s0  }
0x9: {  	[smem:$0x3F8A] =	sst s1  }
0xa: {  	[smem:$0x3F8B] =	sst s2  }
0xb: {  	[smem:$0x3F8C] =	sst s3  }
0xc: {  	[smem:$0x3F8D] =	sst s4  }
0xd: {  	[smem:$0x3F8E] =	sst s5  }
0xe: {  	[smem:$0x3F8F] =	sst s6  }
0xf: {  	[smem:$0x3F90] =	sst s7  }
0x10: {  	[smem:$0x3F91] =	sst s8  }
0x11: {  	[smem:$0x3F92] =	sst s9;
	s0 =	simm.s32 @!p0 $0x0  }
0x12: {  	s1 =	sld [smem:$0x3F78];
	s0 =	simm.s32 @p0 $0x1  }
0x13: {  	[smem:$0x3F93] =	sst s0;
	s0 =	simm.s32 @!p1 $0x0  }
0x14: {  	s2 =	sld [smem:$0x3F77];
	s0 =	simm.s32 @p1 $0x1  }
0x15: {  	[smem:$0x3F94] =	sst s0;
	s0 =	simm.s32 @!p2 $0x0  }
0x16: {  	s3 =	sld [smem:$0x3FDB];
	s0 =	simm.s32 @p2 $0x1  }
0x17: {  	s4 =	simm.s32 $0x1BF5;
	[smem:$0x3F96] =	sst s0  }
0x18: {  	s0 =	sld [smem:$0x3F79];
	_ =	swait.ge [sflag:s4], $0x0  }
0x19: {  	s7 =	sld [smem:$0x3F7A]  }
0x1a: {  	s8 =	sadd.s32 $0xFFFFE003, lr  }
0x1b: {  	s9 =	sadd.s32 $0xFFFFFEF7, lr;
	s5 =	simm.s32 $0xFFFFFFFF;
	p2 =	slt.u32 s8, $0xFFFFF086  }
0x1c: {  	p1 =	slt.u32 s9, $0xF7A;
	s5 =	simm.s32 @!p2 $0x0  }
0x1d: {  	s5 =	simm.s32 @p1 $0x1;
	p0 =	seq.s32 s7, s2  }
0x1e: {  	s7 =	smul.u32 @!p0 $0xF7A, s2;
	p2 =	seq.s32 @!p0 s5, $0x0  }
0x1f: {  	s9 =	smul.u32 $0xF7A, s1;
	s8 =	simm.s32 @!p0 $0x1BF5;
	p2 =	por !p2, p0  }
0x20: {  	[sflag:s8] =	ssyncset.s32 @!p0 $0xFFFFF086;
	s6 =	sadd.s32 @!p0 s3, s7;
	s7 =	simm.s32 @!p0 $0x108  }
0x21: {  	s3 =	sadd.s32 s3, s9;
	s6 =	sadd.s32 @!p0 $0x88, s6;
	s7 =	simm.s32 @p2 $0x1082  }
0x22: {  	[simem:s7], [sflag:s8] =	dma.local @!p0 [hbm:s6], $0xF7A  }
0x23: {  	s9 =	sor.u32 $0xD0000000, s2;
	s6 =	simm.s32 $0x108;
	_ =	swait.ge @!p0 [sflag:s8], $0x0  }
0x24: {  	s3 =	sadd.s32 $0x88, s3;
	s6 =	simm.s32 @!p1 $0x1082;
	[sflag:s4] =	ssyncset.s32 $0xFFFFF086  }
0x25: {  	[simem:s6], [sflag:s4] =	dma.local [hbm:s3], $0xF7A  }
0x26: {  	[smem:$0x3F7A] =	sst s1;
	(tag) =	ssettag s2;
	_ =	strace s9  }
0x27: {  	s1 =	sld [smem:$0x3F8A]  }
0x28: {  	s2 =	sld [smem:$0x3F8B]  }
0x29: {  	s4 =	sld [smem:$0x3F8D]  }
0x2a: {  	p0 =	seq.s32 s5, $0x0;
	s5 =	sld [smem:$0x3F8E]  }
0x2b: {  	s6 =	sld [smem:$0x3F8F]  }
0x2c: {  	s7 =	sld [smem:$0x3F90]  }
0x2d: {  	s3 =	simm.s32 $0x108;
	s8 =	sld [smem:$0x3F91]  }
0x2e: {  	s3 =	simm.s32 @!p0 $0x1082;
	s9 =	sld [smem:$0x3F92]  }
0x2f: {  	lr =	sadd.s32 s0, s3;
	s0 =	sld [smem:$0x3F89]  }
0x30: {  	s3 =	sld [smem:$0x3F8C]  }
0x31: {  	[smem:$0x3F95] =	sst s10  }
0x32: {  	s10 =	sld [smem:$0x3F93];
	_ =	sdelay $0x3  }
0x33: {  	p0 =	seq.s32 s10, $0x1;
	s10 =	sld [smem:$0x3F95];
	_ =	sdelay $0x3  }
0x34: {  	[smem:$0x3F95] =	sst s10  }
0x35: {  	s10 =	sld [smem:$0x3F94];
	_ =	sdelay $0x3  }
0x36: {  	p1 =	seq.s32 s10, $0x1;
	s10 =	sld [smem:$0x3F95];
	_ =	sdelay $0x3  }
0x37: {  	[smem:$0x3F95] =	sst s10  }
0x38: {  	s10 =	sld [smem:$0x3F96]  }
0x39: {  	_ = 	snop;
	(pc) =	sbr.ind lr, $3  }
0x3a: {  	_ = 	snop  }
0x3b: {  	_ = 	snop  }
0x3c: {  	p2 =	seq.s32 s10, $0x1;
	s10 =	sld [smem:$0x3F95]  }
0x3d: {  	_ =	shalt  }
0x3e: {  	_ =	shalt  }
0x3f: {  	_ =	shalt  }
0x40: {  	_ =	shalt  }
0x41: {  	_ =	shalt  }
0x42: {  	_ =	shalt  }
0x43: {  	_ =	shalt  }
0x44: {  	_ =	shalt  }
0x45: {  	_ =	shalt  }
0x46: {  	_ =	shalt  }
0x47: {  	_ =	shalt  }
0x48: {  	_ =	shalt  }
0x49: {  	_ =	shalt  }
0x4a: {  	_ =	shalt  }
0x4b: {  	_ =	shalt  }
0x4c: {  	_ =	shalt  }
0x4d: {  	_ =	shalt  }
0x4e: {  	_ =	shalt  }
0x4f: {  	_ =	shalt  }
0x50: {  	_ =	shalt  }
0x51: {  	_ =	shalt  }
0x52: {  	_ =	shalt  }
0x53: {  	_ =	shalt  }
0x54: {  	_ =	shalt  }
0x55: {  	_ =	shalt  }
0x56: {  	_ =	shalt  }
0x57: {  	_ =	shalt  }
0x58: {  	_ =	shalt  }
0x59: {  	_ =	shalt  }
0x5a: {  	_ =	shalt  }
0x5b: {  	_ =	shalt  }
0x5c: {  	_ =	shalt  }
0x5d: {  	_ =	shalt  }
0x5e: {  	_ =	shalt  }
0x5f: {  	_ =	shalt  }
0x60: {  	_ =	shalt  }
0x61: {  	_ =	shalt  }
0x62: {  	_ =	shalt  }
0x63: {  	_ =	shalt  }
0x64: {  	_ =	shalt  }
0x65: {  	_ =	shalt  }
0x66: {  	_ =	shalt  }
0x67: {  	_ =	shalt  }
0x68: {  	_ =	shalt  }
0x69: {  	_ =	shalt  }
0x6a: {  	_ =	shalt  }
0x6b: {  	_ =	shalt  }
0x6c: {  	_ =	shalt  }
0x6d: {  	_ =	shalt  }
0x6e: {  	_ =	shalt  }
0x6f: {  	_ =	shalt  }
0x70: {  	_ =	shalt  }
0x71: {  	_ =	shalt  }
0x72: {  	_ =	shalt  }
0x73: {  	_ =	shalt  }
0x74: {  	_ =	shalt  }
0x75: {  	_ =	shalt  }
0x76: {  	_ =	shalt  }
0x77: {  	_ =	shalt  }
0x78: {  	_ =	shalt  }
0x79: {  	_ =	shalt  }
0x7a: {  	_ =	shalt  }
0x7b: {  	_ =	shalt  }
0x7c: {  	_ =	shalt  }
0x7d: {  	_ =	shalt  }
0x7e: {  	_ =	shalt  }
0x7f: {  	_ =	shalt  }
0x80: {  	_ =	shalt  }
0x81: {  	_ =	shalt  }
0x82: {  	_ =	shalt  }
0x83: {  	_ =	shalt  }
0x84: {  	_ =	shalt  }
0x85: {  	_ =	shalt  }
0x86: {  	_ =	shalt  }
0x87: {  	_ =	shalt  }
.Lfunc_end0:
.L_simem_size_0:
called_computation.3_lowered:
.L_overlay_start_0:
0x88: {  	s2 =	sld [smem:$0x3FD9]  }
0x89: {  	s3 =	sld [smem:$0x3FFE];
	_ =	sdelay $0x1  }
0x8a: {  	s1 =	srdreg.scid  }
0x8b: {  	s0 =	sand.u32 $0x1, s1  }
0x8c: {  	s17 =	sshll.u32 s0, $0xA;
	s2 =	sadd.s32 s3, s2  }
0x8d: {  	s2 =	sadd.s32 s2, s17  }
0x8e: {  	[smem:$0x3FA1] =	sst s2  }
0x8f: {  	_ = 	snop  }
0x90: {  	s2 =	sld [smem:$0x3FD0];
	(tm) =	ssettm $0x1  }
0x91: {  	s18 =	sld [smem:$0x3FFB];
	_ =	sdelay $0x3  }
0x92: {  	_ =	strace s18  }
0x93: {  	s3 =	sld [smem:$0x3FFC];
	_ =	sdelay $0x3  }
0x94: {  	_ =	strace s3  }
0x95: {  	s3 =	sld [smem:$0x3FFD];
	_ =	sdelay $0x3  }
0x96: {  	_ =	strace s3  }
0x97: {  	_ =	strace $0x8FFFFFFF  }
0x98: {  	s19 =	sld [smem:$0x3FDB];
	_ =	sdelay $0x1  }
0x99: {  	s4 =	simm.s32 $_scs_section_size  }
0x9a: {  	s5 =	simm.s32 $_size__tile_overlayer_lowered;
	s6 =	simm.s32 $_tile_overlayer_lowered  }
0x9b: {  	s22 =	simm.s32 $0x1BFF;
	s21 =	sshll.u32 s6, $0x1;
	s3 =	sadd.s32 s4, s19  }
0x9c: {  	s7 =	simm.s32 $0x0;
	s20 =	sshll.u32 s5, $0x1;
	s5 =	sadd.s32 s21, s3  }
0x9d: {  	[timem:s7], [sflag:s22] =	dma.local [hbm:s5], s20  }
0x9e: {  	_ =	swait.ge [sflag:s22], s20  }
0x9f: {  	s4 =	ssub.s32 $0x0, s20;
	[sflag:s22] =	ssyncset.done $0x0  }
0xa0: {  	[sflag:s22] =	ssyncadd.s32 s4;
	_ =	sdelay $0x1  }
0xa1: {  	s23 =	simm.s32 $0x1B8B  }
0xa2: {  	_ =	swait.ge [sflag:s23], $0x1  }
0xa3: {  	[sflag:s23] =	ssyncset.done $0x0  }
0xa4: {  	s25 =	simm.s32 $0x1B8E;
	s24 =	sld [smem:$0x3FFE];
	[sflag:s23] =	ssyncadd.s32 $0xFFFFFFFF  }
0xa5: {  	s26 =	simm.s32 $execute0_lowered;
	[smem:$0x3FD2] =	sst s25  }
0xa6: {  	s5 =	sshll.u32 s26, $0x1;
	_ =	strace $0x8000004F;
	[dreg:$0x1] =	wrdreg $0xFFFFFFFF  }
0xa7: {  	s28 =	simm.s32 $_size_execute0_lowered;
	s3 =	sadd.s32 s3, s5;
	[dreg:$0x0] =	wrdreg $0x0  }
0xa8: {  	s5 =	sshll.u32 s28, $0x1;
	[dreg:$0x2] =	wrdreg s3  }
0xa9: {  	[dreg:$0x3] =	wrdreg s5  }
0xaa: {  	[dreg:$0x4] =	wrdreg $0xC0  }
0xab: {  	_ =	task [dreg:s7], $0x5FFFF  }
0xac: {  	[dreg:$0x1] =	wrdreg $0xFFFFFFFF  }
0xad: {  	[dreg:$0x0] =	wrdreg $0x60  }
0xae: {  	[dreg:$0x2] =	wrdreg s2  }
0xaf: {  	[dreg:$0x3] =	wrdreg s24  }
0xb0: {  	[dreg:$0x4] =	wrdreg $0xA9000  }
0xb1: {  	[dreg:$0x5] =	wrdreg $0x9  }
0xb2: {  	_ =	task.clear_ibuf [dreg:s7], $0x6FFFF;
	_ =	strace $0x9000004F  }
0xb3: {  	s29 =	simm.s32 $0x9;
	_ =	strace $0x80000051  }
0xb4: {  	_ =	swait.ge [sflag:s29], $0x1  }
0xb5: {  	[sflag:s29] =	ssyncadd.s32 $0xFFFFFFFF  }
0xb6: {  	_ =	strace $0x90000051  }
0xb7: {  	_ =	sfence  }
0xb8: {  	s30 =	sld [smem:$0x0];
	_ =	sdelay $0x2  }
0xb9: {  	s31 =	sshll.u32 s1, $0xD;
	s1 =	sshrl.u32 s1, $0x2  }
0xba: {  	s3 =	sand.u32 $0x4000, s31;
	s1 =	sadd.s32 s1, s30  }
0xbb: {  	s0 =	sor.u32 s3, s0;
	s1 =	sshll.u32 s1, $0x11  }
0xbc: {  	s0 =	sor.u32 s1, s0  }
0xbd: {  	s0 =	sadd.s32 $0x8F2B, s0  }
0xbe: {  	[sflag:s0] =	ssyncadd.remote.s32 $0x1  }
0xbf: {  	_ =	sfence.sel $0xFFFF  }
0xc0: {  	[dreg:$0x0] =	wrdreg $0xFFFFFFFF;
	(pc) =	sbr.abs _section_cstart, $3  }
0xc1: {  	[dreg:$0x1] =	wrdreg $0xFFFFFFFF  }
0xc2: {  	_ =	task.clear_ibuf [dreg:s7], $0x2FFFF;
	_ =	strace $0x9FFFFFFF  }
0xc3: {  	(tm) =	ssettm $0x7FFFFFFF  }
tec
execute0_lowered:
.L_overlay_start_1:
0x0: {  	(tag) =	ssettag $0x1  }
0x1: {  	s2 =	rddreg [dreg:$0x0]  }
0x2: {  	s0 =	srdreg.scid;
	s8 =	rddreg [dreg:$0x1]  }
0x3: {  	s28 =	stileid.u32;
	s4 =	rddreg [dreg:$0x2]  }
0x4: {  	s5 =	simm.s32 $0x0;
	s17 =	simm.s32 $0x2900;
	s18 =	simm.s32 $0x2  }
0x5: {  	s20 =	simm.s32 $0x7D;
	s21 =	simm.s32 $0x80;
	s22 =	simm.s32 $0x1  }
0x6: {  	s23 =	simm.s32 $0x6900;
	s24 =	simm.s32 $0x2800;
	s25 =	simm.s32 $0x2880  }
0x7: {  	s26 =	simm.s32 $0x0;
	s7 =	sand.u32 $0x1, s0;
	s10 =	smul.u32 $0x14000, s28  }
0x8: {  	[smem:$0x7FF] =	sst s5;
	s12 =	smul.u32 $0x50000, s28;
	s6 =	sadd.s32 $0x56C00, s8  }
0x9: {  	s1 =	sshll.u32 s7, $0x4;
	s9 =	smul.u32 $0x140000, s7;
	_ =	strace $0x80000050  }
0xa: {  	s29 =	ssub.s32 $0x2, s7;
	s1 =	sor.u32 s28, s1;
	s30 =	sshrl.u32 s12, $0x2  }
0xb: {  	s31 =	sshrl.u32 s29, $0x1;
	s3 =	smul.u32 $0x2800, s1;
	s9 =	sadd.s32 s10, s9  }
0xc: {  	s7 =	sadd.s32 s30, s4;
	s16 =	ssub.s32 s29, s31;
	s9 =	sshrl.u32 s9, $0x3  }
0xd: {  	s10 =	sadd.s32 $0xC000, s7;
	s12 =	sadd.s32 $0x10000, s7;
	s16 =	smax.u32 s16, $0x1  }
0xe: {  	s11 =	sshrl.u32 s3, $0x3;
	s15 =	sadd.s32 s9, s8;
	s9 =	sadd.s32 $0x8000, s7  }
0xf: {  	s13 =	sadd.s32 s11, s8;
	s8 =	sadd.s32 $0x4000, s7;
	s11 =	sadd.s32 s6, s11  }
0x10: {  	v0 =	vimm.f32 $0.0e+00;
	s15 =	sadd.s32 $0x6C00, s15;
	s13 =	sadd.s32 $0x4F2A00, s13;
	s14 =	sadd.s32 $0x10, s11  }
.LBB2_1:
0x11: {  	s28 =	sand.u32 $0xFE00, s5  }
0x12: {  	s29 =	sand.u32 $0x70, s5;
	s30 =	sshrl.u32 s28, $0x2  }
0x13: {  	s28 =	simm.s32 $0x40;
	s30 =	sor.u32 s29, s30;
	s29 =	simm.s32 $0x0  }
.LBB2_2:
0x14: {  	p0 =	sne.s32 s28, $0xFFC0  }
0x15: {  	[tilespmem:s30+$0x2900] =	vst v0;
	s29 =	sadd.s32 $0x10, s29;
	s30 =	smov.u32 s28;
	s28 =	sadd.s32 $0x40, s28  }
.Ltmp0:
0x16: {  	(pc) =	sbr.rel @p0 .LBB2_2-.Ltmp0, $4  }
0x17: {  	_ = 	snop  }
0x18: {  	s30 =	sand.u32 $0xFE00, s30  }
0x19: {  	s31 =	sand.u32 $0x70, s29;
	s30 =	sshrl.u32 s30, $0x2  }
0x1a: {  	s30 =	sor.u32 s31, s30  }
0x1b: {  	[tilespmem:s30+$0x2900] =	vst v0  }
0x1c: {  	[spmem:s7] =	stream.linear.scatter [tilespmem:s17], [sflag:$0x2], $0x4000, $0x38;
	[tilespmem:$0x1E900] =	vst v63  }
0x1d: {  	_ =	swait.ge [sflag:s18], $0x4000  }
0x1e: {  	[sflag:s18] =	ssyncset.done $0x0  }
0x1f: {  	[sflag:s18] =	ssyncadd.s32 $0xFFFFC000  }
0x20: {  	[spmem:s8] =	stream.linear.scatter [tilespmem:s17], [sflag:$0x2], $0x4000, $0x38;
	[tilespmem:$0x1E900] =	vst v63  }
0x21: {  	_ =	swait.ge [sflag:s18], $0x4000  }
0x22: {  	[sflag:s18] =	ssyncset.done $0x0  }
0x23: {  	[sflag:s18] =	ssyncadd.s32 $0xFFFFC000  }
0x24: {  	[spmem:s9] =	stream.linear.scatter [tilespmem:s17], [sflag:$0x2], $0x4000, $0x38;
	[tilespmem:$0x1E900] =	vst v63  }
0x25: {  	_ =	swait.ge [sflag:s18], $0x4000  }
0x26: {  	[sflag:s18] =	ssyncset.done $0x0  }
0x27: {  	[sflag:s18] =	ssyncadd.s32 $0xFFFFC000  }
0x28: {  	[spmem:s10] =	stream.linear.scatter [tilespmem:s17], [sflag:$0x2], $0x4000, $0x38;
	[tilespmem:$0x1E900] =	vst v63  }
0x29: {  	_ =	swait.ge [sflag:s18], $0x4000  }
0x2a: {  	[sflag:s18] =	ssyncset.done $0x0  }
0x2b: {  	[sflag:s18] =	ssyncadd.s32 $0xFFFFC000  }
0x2c: {  	[spmem:s12] =	stream.linear.scatter [tilespmem:s17], [sflag:$0x2], $0x4000, $0x38;
	[tilespmem:$0x1E900] =	vst v63  }
0x2d: {  	_ =	swait.ge [sflag:s18], $0x4000  }
0x2e: {  	[sflag:s18] =	ssyncset.done $0x0  }
0x2f: {  	[sflag:s18] =	ssyncadd.s32 $0xFFFFC000  }
0x30: {  	s0 =	simm.s32 $0x100;
	[bflag:$0x0] =	sbarrier.arrive $0xFFFF  }
0x31: {  	[tilespmem:s0], [sflag:$0x2] =	stream.linear.gather [hbm4b:s13+s5], $0x2800, $0x38;
	[tilespmem:$0x1E900] =	vst v63  }
0x32: {  	_ =	swait.ge [sflag:s18], $0x2800  }
0x33: {  	[sflag:s18] =	ssyncset.done $0x0  }
0x34: {  	[sflag:s18] =	ssyncadd.s32 $0xFFFFD800  }
0x35: {  	[tilespmem:s5], [sflag:$0x2] =	stream.linear.gather [hbm4b:s11+s5], $0x80, $0x38;
	[tilespmem:$0x1E900] =	vst v63  }
0x36: {  	_ =	swait.ge [sflag:s18], $0x80  }
0x37: {  	[sflag:s18] =	ssyncset.done $0x0  }
0x38: {  	[sflag:s18] =	ssyncadd.s32 $0xFFFFFF80  }
0x39: {  	[tilespmem:s17], [sflag:$0x1] =	stream.indirect.gather [hbm4b:s2+s20], $0x80, s5, s20, $0xb8;
	[tilespmem:$0x1E900] =	vst v63  }
0x3a: {  	_ = 	snop  }
0x3b: {  	[tilespmem:s21], [sflag:$0x2] =	stream.linear.gather [hbm4b:s14+s5], $0x80, $0x38;
	[tilespmem:$0x1E900] =	vst v63  }
0x3c: {  	_ =	swait.ge [sflag:s18], $0x80  }
0x3d: {  	s28 =	simm.s32 $0x100;
	[sflag:s18] =	ssyncset.done $0x0  }
0x3e: {  	s29 =	sand.u32 $0x7C00, s28;
	[sflag:s18] =	ssyncadd.s32 $0xFFFFFF80  }
0x3f: {  	s28 =	sand.u32 $0x300, s28;
	s29 =	sadd.s32 s3, s29;
	_ =	swait.ge [sflag:s22], $0x3E80  }
0x40: {  	s28 =	sor.u32 s28, s29;
	[sflag:s22] =	ssyncset.done $0x0  }
0x41: {  	s28 =	sshrl.u32 s28, $0x3;
	[sflag:s22] =	ssyncadd.s32 $0xFFFFC180  }
0x42: {  	[tilespmem:s23], [sflag:$0x1] =	stream.indirect.gather [hbm4b:s2+s20], $0x80, s21, s20, $0xb8;
	[tilespmem:$0x1E900] =	vst v63  }
0x43: {  	s28 =	sadd.s32 s6, s28  }
0x44: {  	[tilespmem:s5], [sflag:$0x2] =	stream.linear.gather [hbm4b:s28+s5], $0x80, $0x38;
	[tilespmem:$0x1E900] =	vst v63  }
0x45: {  	_ =	swait.ge [sflag:s18], $0x80  }
0x46: {  	[sflag:s18] =	ssyncset.done $0x0  }
0x47: {  	s28 =	simm.s32 $0x100;
	[sflag:s18] =	ssyncadd.s32 $0xFFFFFF80  }
0x48: {  	[spmem:s4] =	stream.indirect.scatter.add.f32 [tilespmem:s17], [sflag:$0x2], $0x80, s28, s20, $0xb8;
	[tilespmem:$0x1E900] =	vst v63  }
0x49: {  	_ =	swait.ge [sflag:s18], $0x3E80  }
0x4a: {  	s28 =	simm.s32 $0x180;
	[sflag:s18] =	ssyncset.done $0x0  }
0x4b: {  	s29 =	sand.u32 $0x7C00, s28;
	[sflag:s18] =	ssyncadd.s32 $0xFFFFC180  }
0x4c: {  	s19 =	sand.u32 $0x380, s28;
	s29 =	sadd.s32 s3, s29;
	_ =	swait.ge [sflag:s22], $0x3E80  }
0x4d: {  	s29 =	sor.u32 s19, s29;
	[sflag:s22] =	ssyncset.done $0x0  }
0x4e: {  	s29 =	sshrl.u32 s29, $0x3;
	[sflag:s22] =	ssyncadd.s32 $0xFFFFC180  }
0x4f: {  	[tilespmem:s17], [sflag:$0x1] =	stream.indirect.gather [hbm4b:s2+s20], $0x80, s5, s20, $0xb8;
	[tilespmem:$0x1E900] =	vst v63  }
0x50: {  	s29 =	sadd.s32 s6, s29  }
0x51: {  	[tilespmem:s21], [sflag:$0x2] =	stream.linear.gather [hbm4b:s29+s5], $0x80, $0x38;
	[tilespmem:$0x1E900] =	vst v63  }
0x52: {  	_ =	swait.ge [sflag:s18], $0x80  }
0x53: {  	[sflag:s18] =	ssyncset.done $0x0  }
0x54: {  	s31 =	simm.s32 $0x380;
	[sflag:s18] =	ssyncadd.s32 $0xFFFFFF80  }
0x55: {  	[spmem:s4] =	stream.indirect.scatter.add.f32 [tilespmem:s23], [sflag:$0x2], $0x80, s28, s20, $0xb8;
	[tilespmem:$0x1E900] =	vst v63  }
0x56: {  	s29 =	simm.s32 $0x280;
	s28 =	simm.s32 $0x280;
	_ =	swait.ge [sflag:s18], $0x3E80  }
.LBB2_4:
0x57: {  	s1 =	sadd.s32 $0xFFFFFF80, s29  }
0x58: {  	[sflag:s18] =	ssyncset.done $0x0;
	s0 =	smov.u32 s31;
	s30 =	sadd.s32 $0x100, s31  }
0x59: {  	s19 =	sand.u32 $0x7C00, s1;
	s1 =	sand.u32 $0x300, s1;
	[sflag:s18] =	ssyncadd.s32 $0xFFFFC180  }
0x5a: {  	p0 =	sne.s32 s31, $0x2780;
	_ =	swait.ge [sflag:s22], $0x3E80;
	s19 =	sadd.s32 s3, s19  }
0x5b: {  	[sflag:s22] =	ssyncset.done $0x0;
	s1 =	sor.u32 s1, s19  }
0x5c: {  	[sflag:s22] =	ssyncadd.s32 $0xFFFFC180;
	s1 =	sshrl.u32 s1, $0x3  }
0x5d: {  	[tilespmem:s23], [sflag:$0x1] =	stream.indirect.gather [hbm4b:s2+s20], $0x80, s21, s20, $0xb8;
	[tilespmem:$0x1E900] =	vst v63  }
0x5e: {  	s1 =	sadd.s32 s6, s1  }
0x5f: {  	[tilespmem:s5], [sflag:$0x2] =	stream.linear.gather [hbm4b:s1+s5], $0x80, $0x38;
	[tilespmem:$0x1E900] =	vst v63  }
0x60: {  	_ =	swait.ge [sflag:s18], $0x80  }
0x61: {  	s1 =	sadd.s32 $0xFFFFFF80, s28;
	[sflag:s18] =	ssyncset.done $0x0  }
0x62: {  	[sflag:s18] =	ssyncadd.s32 $0xFFFFFF80  }
0x63: {  	[spmem:s4] =	stream.indirect.scatter.add.f32 [tilespmem:s17], [sflag:$0x2], $0x80, s1, s20, $0xb8;
	[tilespmem:$0x1E900] =	vst v63  }
0x64: {  	_ =	swait.ge [sflag:s18], $0x3E80  }
0x65: {  	[sflag:s18] =	ssyncset.done $0x0  }
0x66: {  	s1 =	sand.u32 $0x7C00, s29;
	[sflag:s18] =	ssyncadd.s32 $0xFFFFC180  }
0x67: {  	s19 =	sand.u32 $0x380, s29;
	s1 =	sadd.s32 s3, s1;
	_ =	swait.ge [sflag:s22], $0x3E80  }
0x68: {  	s29 =	smov.u32 s0;
	s1 =	sor.u32 s19, s1;
	[sflag:s22] =	ssyncset.done $0x0  }
0x69: {  	s0 =	sshrl.u32 s1, $0x3;
	[sflag:s22] =	ssyncadd.s32 $0xFFFFC180  }
0x6a: {  	[tilespmem:s17], [sflag:$0x1] =	stream.indirect.gather [hbm4b:s2+s20], $0x80, s5, s20, $0xb8;
	[tilespmem:$0x1E900] =	vst v63  }
0x6b: {  	s0 =	sadd.s32 s6, s0  }
0x6c: {  	[tilespmem:s21], [sflag:$0x2] =	stream.linear.gather [hbm4b:s0+s5], $0x80, $0x38;
	[tilespmem:$0x1E900] =	vst v63  }
.Ltmp1:
0x6d: {  	_ =	swait.ge [sflag:s18], $0x80;
	(pc) =	sbr.rel @p0 .LBB2_4-.Ltmp1, $4  }
0x6e: {  	[sflag:s18] =	ssyncset.done $0x0  }
0x6f: {  	[sflag:s18] =	ssyncadd.s32 $0xFFFFFF80  }
0x70: {  	[spmem:s4] =	stream.indirect.scatter.add.f32 [tilespmem:s23], [sflag:$0x2], $0x80, s28, s20, $0xb8;
	[tilespmem:$0x1E900] =	vst v63  }
0x71: {  	s31 =	smov.u32 s30;
	s28 =	sadd.s32 $0x100, s28;
	_ =	swait.ge [sflag:s18], $0x3E80  }
0x72: {  	s0 =	sadd.s32 $0xFFFFFF80, s29;
	[sflag:s18] =	ssyncset.done $0x0  }
0x73: {  	s1 =	sand.u32 $0x7C00, s0;
	[sflag:s18] =	ssyncadd.s32 $0xFFFFC180  }
0x74: {  	s0 =	sand.u32 $0x300, s0;
	_ =	swait.ge [sflag:s22], $0x3E80;
	s1 =	sadd.s32 s3, s1  }
0x75: {  	[sflag:s22] =	ssyncset.done $0x0;
	s0 =	sor.u32 s0, s1  }
0x76: {  	[sflag:s22] =	ssyncadd.s32 $0xFFFFC180;
	s0 =	sshrl.u32 s0, $0x3  }
0x77: {  	[tilespmem:s23], [sflag:$0x1] =	stream.indirect.gather [hbm4b:s2+s20], $0x80, s21, s20, $0xb8;
	[tilespmem:$0x1E900] =	vst v63  }
0x78: {  	s0 =	sadd.s32 s6, s0  }
0x79: {  	[tilespmem:s5], [sflag:$0x2] =	stream.linear.gather [hbm4b:s0+s5], $0x80, $0x38;
	[tilespmem:$0x1E900] =	vst v63  }
0x7a: {  	_ =	swait.ge [sflag:s18], $0x80  }
0x7b: {  	[sflag:s18] =	ssyncset.done $0x0  }
0x7c: {  	s1 =	sadd.s32 $0xFFFFFF80, s28;
	[sflag:s18] =	ssyncadd.s32 $0xFFFFFF80  }
0x7d: {  	[spmem:s4] =	stream.indirect.scatter.add.f32 [tilespmem:s17], [sflag:$0x2], $0x80, s1, s20, $0xb8;
	[tilespmem:$0x1E900] =	vst v63  }
0x7e: {  	_ =	swait.ge [sflag:s18], $0x3E80  }
0x7f: {  	[sflag:s18] =	ssyncset.done $0x0  }
0x80: {  	s19 =	sand.u32 $0x7C00, s29;
	[sflag:s18] =	ssyncadd.s32 $0xFFFFC180  }
0x81: {  	s29 =	sand.u32 $0x380, s29;
	s0 =	sadd.s32 s3, s19;
	_ =	swait.ge [sflag:s22], $0x3E80  }
0x82: {  	s0 =	sor.u32 s29, s0;
	[sflag:s22] =	ssyncset.done $0x0  }
0x83: {  	s0 =	sshrl.u32 s0, $0x3;
	[sflag:s22] =	ssyncadd.s32 $0xFFFFC180  }
0x84: {  	[tilespmem:s17], [sflag:$0x1] =	stream.indirect.gather [hbm4b:s2+s20], $0x80, s5, s20, $0xb8;
	[tilespmem:$0x1E900] =	vst v63  }
0x85: {  	s0 =	sadd.s32 s6, s0  }
0x86: {  	[tilespmem:s21], [sflag:$0x2] =	stream.linear.gather [hbm4b:s0+s5], $0x80, $0x38;
	[tilespmem:$0x1E900] =	vst v63  }
0x87: {  	_ =	swait.ge [sflag:s18], $0x80  }
0x88: {  	[sflag:s18] =	ssyncset.done $0x0  }
0x89: {  	[sflag:s18] =	ssyncadd.s32 $0xFFFFFF80  }
0x8a: {  	[spmem:s4] =	stream.indirect.scatter.add.f32 [tilespmem:s23], [sflag:$0x2], $0x80, s28, s20, $0xb8;
	[tilespmem:$0x1E900] =	vst v63  }
0x8b: {  	_ =	swait.ge [sflag:s18], $0x3E80  }
0x8c: {  	[sflag:s18] =	ssyncset.done $0x0  }
0x8d: {  	[sflag:s18] =	ssyncadd.s32 $0xFFFFC180  }
0x8e: {  	_ =	swait.ge [sflag:s22], $0x3E80  }
0x8f: {  	[sflag:s22] =	ssyncset.done $0x0  }
0x90: {  	[sflag:s22] =	ssyncadd.s32 $0xFFFFC180  }
0x91: {  	[tilespmem:s23], [sflag:$0x1] =	stream.indirect.gather [hbm4b:s2+s20], $0x80, s21, s20, $0xb8;
	[tilespmem:$0x1E900] =	vst v63  }
0x92: {  	_ = 	snop  }
0x93: {  	[spmem:s4] =	stream.indirect.scatter.add.f32 [tilespmem:s17], [sflag:$0x2], $0x80, s24, s20, $0xb8;
	[tilespmem:$0x1E900] =	vst v63  }
0x94: {  	_ =	swait.ge [sflag:s18], $0x3E80  }
0x95: {  	[sflag:s18] =	ssyncset.done $0x0  }
0x96: {  	[sflag:s18] =	ssyncadd.s32 $0xFFFFC180  }
0x97: {  	_ =	swait.ge [sflag:s22], $0x3E80  }
0x98: {  	[sflag:s22] =	ssyncset.done $0x0  }
0x99: {  	[sflag:s22] =	ssyncadd.s32 $0xFFFFC180  }
0x9a: {  	[spmem:s4] =	stream.indirect.scatter.add.f32 [tilespmem:s23], [sflag:$0x2], $0x80, s25, s20, $0xb8;
	[tilespmem:$0x1E900] =	vst v63  }
0x9b: {  	s30 =	stileid.u32;
	_ =	swait.ge [sflag:s18], $0x3E80  }
0x9c: {  	s31 =	sshrl.u32 s7, $0x3;
	s26 =	sadd.s32 $0x1, s26;
	[sflag:s18] =	ssyncset.done $0x0  }
0x9d: {  	p0 =	sne.s32 s26, s16;
	s0 =	sshll.u32 s30, $0x6;
	[sflag:s18] =	ssyncadd.s32 $0xFFFFC180  }
.Ltmp2:
0x9e: {  	s0 =	sor.u32 $0x1C02, s0;
	[bflag:$0x0] =	sbarrier.arrive $0xFFFF;
	(pc) =	sbr.rel @p0 .LBB2_1-.Ltmp2, $4  }
0x9f: {  	[hbm:s15], [sflag:s0] =	dma.local [spmem:s31], $0x2800  }
0xa0: {  	_ =	swait.ge [sflag:s18], $0x2800  }
0xa1: {  	[sflag:s18] =	ssyncset.done $0x0  }
0xa2: {  	[sflag:s18] =	ssyncadd.s32 $0xFFFFD800  }
0xa3: {  	_ =	sfence.sel $0x180000  }
0xa4: {  	[bflag:$0x0] =	sbarrier.arrive $0xFFFF  }
0xa5: {  	_ =	strace $0x90000050  }
0xa6: {  	s0 =	stileid.u32;
	[bflag:$0x2] =	sbarrier.arrive $0xFFFF  }
0xa7: {  	p0 =	sne.s32 s0, $0x0;
	s0 =	rddreg [dreg:$0x3]  }
0xa8: {  	s0 =	sadd.s32 @!p0 $0x100000, s0  }
0xa9: {  	[sflag:s0] =	ssyncadd.tile.s32 @!p0 $0x1;
	_ =	shalt  }
.Lfunc_end2:
_tile_overlayer_lowered:
.L_overlay_start_2:
0xaa: {  	(tag) =	ssettag $0x2  }
0xab: {  	s0 =	rddreg [dreg:$0x0];
	s2 =	stileid.u32  }
0xac: {  	s1 =	rddreg [dreg:$0x1];
	p0 =	sne.s32 s2, $0x0  }
0xad: {  	s3 =	rddreg [dreg:$0x2];
	[bflag:$0x3] =	sbarrier.arrive $0xFFFF;
	s2 =	simm.s32 @!p0 $0x1C02  }
0xae: {  	[timem:s3], [sflag:s2] =	dma.local @!p0 [hbm:s0], s1  }
0xaf: {  	s0 =	simm.s32 @!p0 $0x2  }
0xb0: {  	_ =	swait.ge @!p0 [sflag:s0], s1  }
0xb1: {  	s1 =	ssub.s32 @!p0 $0x0, s1;
	[sflag:s0] =	ssyncset.done @!p0 $0x0  }
0xb2: {  	[sflag:s0] =	ssyncadd.s32 @!p0 s1  }
0xb3: {  	[bflag:$0x3] =	sbarrier.arrive $0xFFFF  }
0xb4: {  	_ =	shalt  }

</sc_bundles>
